<compile_context>
chip_gen: v7x
topology: tpu7x:2x2x1
jax: 0.10.2.dev20260603
libtpu: 0.0.44.dev20260713+nightly
codegen_flags: <defaults>
</compile_context>

<pallas_src>
import functools
import jax
import jax.numpy as jnp
from jax import lax
from jax.experimental import pallas as pl
from jax.experimental.pallas import tpu as pltpu
from jax.experimental.pallas import tpu_sc as plsc

N = 10000
NPAD = 10240
F = 128
C = 64
NE = 320000
CHUNK = 128
NCHUNK = 80
HALF = NCHUNK // 2
EPT = NCHUNK * CHUNK
NE_PAD = EPT * 32
ROWS_PT = NPAD // 16
BM = 1024


def _make_prop(D):
    mesh = plsc.VectorSubcoreMesh(core_axis_name="c", subcore_axis_name="s")

    @functools.partial(
        pl.kernel,
        out_type=jax.ShapeDtypeStruct((2, NPAD, D), jnp.float32),
        mesh=mesh,
        compiler_params=pltpu.CompilerParams(use_tc_tiling_on_sc=False),
        scratch_types=[
            pltpu.VMEM((HALF, CHUNK), jnp.int32),
            pltpu.VMEM((HALF, CHUNK), jnp.int32),
            pltpu.VMEM((CHUNK, D), jnp.float32),
            pltpu.VMEM((CHUNK, D), jnp.float32),
            pltpu.VMEM_SHARED((NPAD, D), jnp.float32),
            pltpu.SemaphoreType.DMA,
            pltpu.SemaphoreType.DMA,
        ],
    )
    def prop(h_hbm, ei_hbm, z_hbm, out_hbm, src_v, dst_v, rows_a,
             rows_b, agg_sh, sem_a, sem_b):
        c = lax.axis_index("c")
        s = lax.axis_index("s")
        wid = c * 16 + s
        pltpu.sync_copy(z_hbm, rows_a)
        for j in range(ROWS_PT // CHUNK):
            pltpu.sync_copy(
                rows_a, agg_sh.at[pl.ds(s * ROWS_PT + j * CHUNK, CHUNK)])
        plsc.subcore_barrier()

        for hf in range(2):
            pltpu.sync_copy(ei_hbm.at[0].at[wid].at[hf], src_v)
            pltpu.sync_copy(ei_hbm.at[1].at[wid].at[hf], dst_v)
            pltpu.async_copy(h_hbm.at[src_v.at[0]], rows_a, sem_a)

            def body(k, carry):
                j = 2 * k
                pltpu.async_copy(h_hbm.at[src_v.at[j + 1]], rows_b, sem_b)
                pltpu.make_async_copy(
                    h_hbm.at[src_v.at[j]], rows_a, sem_a).wait()
                pltpu.sync_copy(rows_a, agg_sh.at[dst_v.at[j]], add=True)
                pltpu.async_copy(h_hbm.at[src_v.at[j + 2]], rows_a, sem_a)
                pltpu.make_async_copy(
                    h_hbm.at[src_v.at[j + 1]], rows_b, sem_b).wait()
                pltpu.sync_copy(rows_b, agg_sh.at[dst_v.at[j + 1]], add=True)
                return carry

            lax.fori_loop(0, (HALF - 2) // 2, body, 0)
            pltpu.async_copy(h_hbm.at[src_v.at[HALF - 1]], rows_b, sem_b)
            pltpu.make_async_copy(
                h_hbm.at[src_v.at[HALF - 2]], rows_a, sem_a).wait()
            pltpu.sync_copy(rows_a, agg_sh.at[dst_v.at[HALF - 2]], add=True)
            pltpu.make_async_copy(
                h_hbm.at[src_v.at[HALF - 1]], rows_b, sem_b).wait()
            pltpu.sync_copy(rows_b, agg_sh.at[dst_v.at[HALF - 1]], add=True)
        plsc.subcore_barrier()
        for j in range(ROWS_PT // CHUNK):
            off = s * ROWS_PT + j * CHUNK
            pltpu.sync_copy(agg_sh.at[pl.ds(off, CHUNK)], rows_a)
            pltpu.sync_copy(rows_a, out_hbm.at[c].at[pl.ds(off, CHUNK)])

    return prop


def _make_deg():
    D = 8
    mesh = plsc.VectorSubcoreMesh(core_axis_name="c", subcore_axis_name="s")

    @functools.partial(
        pl.kernel,
        out_type=jax.ShapeDtypeStruct((2, NPAD, D), jnp.float32),
        mesh=mesh,
        compiler_params=pltpu.CompilerParams(use_tc_tiling_on_sc=False),
        scratch_types=[
            pltpu.VMEM((HALF, CHUNK), jnp.int32),
            pltpu.VMEM((CHUNK, D), jnp.float32),
            pltpu.VMEM((CHUNK, D), jnp.float32),
            pltpu.VMEM_SHARED((NPAD, D), jnp.float32),
        ],
    )
    def deg(ei_hbm, z_hbm, ones_hbm, out_hbm, dst_v, zrows_v, ones_v, deg_sh):
        c = lax.axis_index("c")
        s = lax.axis_index("s")
        wid = c * 16 + s
        pltpu.sync_copy(z_hbm, zrows_v)
        pltpu.sync_copy(ones_hbm, ones_v)
        for j in range(ROWS_PT // CHUNK):
            pltpu.sync_copy(
                zrows_v, deg_sh.at[pl.ds(s * ROWS_PT + j * CHUNK, CHUNK)])
        plsc.subcore_barrier()

        def body(j, carry):
            pltpu.sync_copy(ones_v, deg_sh.at[dst_v.at[j]], add=True)
            return carry

        for hf in range(2):
            pltpu.sync_copy(ei_hbm.at[1].at[wid].at[hf], dst_v)
            lax.fori_loop(0, HALF, body, 0)
        plsc.subcore_barrier()
        for j in range(ROWS_PT // CHUNK):
            off = s * ROWS_PT + j * CHUNK
            pltpu.sync_copy(deg_sh.at[pl.ds(off, CHUNK)], zrows_v)
            pltpu.sync_copy(zrows_v, out_hbm.at[c].at[pl.ds(off, CHUNK)])

    return deg


_prop128 = _make_prop(F)
_prop64 = _make_prop(C)
_deg = _make_deg()


def _dis_of(degb):
    return lax.rsqrt(degb[0, :, :1] + degb[1, :, :1] + 1.0)


def _tc1_body(x_ref, deg_ref, w1_ref, o_ref):
    dis = _dis_of(deg_ref[...])
    h = jnp.dot(x_ref[...], w1_ref[...], preferred_element_type=jnp.float32)
    o_ref[...] = h * dis


def _tc2_body(agg_ref, hs_ref, deg_ref, b1_ref, w2_ref, o_ref):
    dis = _dis_of(deg_ref[...])
    a = agg_ref[0] + agg_ref[1] + hs_ref[...]
    o = a * dis + b1_ref[...]
    o = jnp.maximum(o, 0.0)
    h2 = jnp.dot(o, w2_ref[...], preferred_element_type=jnp.float32)
    o_ref[...] = h2 * dis


def _tc3_body(agg_ref, hs_ref, deg_ref, b2_ref, o_ref):
    dis = _dis_of(deg_ref[...])
    a = agg_ref[0] + agg_ref[1] + hs_ref[...]
    o = a * dis + b2_ref[...]
    m = jnp.max(o, axis=1, keepdims=True)
    z = o - m
    lse = jnp.log(jnp.sum(jnp.exp(z), axis=1, keepdims=True))
    o_ref[...] = z - lse


_GRID = NPAD // BM


def _row_spec(d):
    return pl.BlockSpec((BM, d), lambda i: (i, 0))


def _p2_spec(d):
    return pl.BlockSpec((2, BM, d), lambda i: (0, i, 0))


def _full_spec(r, c_):
    return pl.BlockSpec((r, c_), lambda i: (0, 0))


_tc1 = pl.pallas_call(
    _tc1_body,
    grid=(_GRID,),
    in_specs=[_row_spec(F), _p2_spec(8), _full_spec(F, F)],
    out_specs=_row_spec(F),
    out_shape=jax.ShapeDtypeStruct((NPAD, F), jnp.float32),
)

_tc2 = pl.pallas_call(
    _tc2_body,
    grid=(_GRID,),
    in_specs=[_p2_spec(F), _row_spec(F), _p2_spec(8), _full_spec(1, F),
              _full_spec(F, C)],
    out_specs=_row_spec(C),
    out_shape=jax.ShapeDtypeStruct((NPAD, C), jnp.float32),
)

_tc3 = pl.pallas_call(
    _tc3_body,
    grid=(_GRID,),
    in_specs=[_p2_spec(C), _row_spec(C), _p2_spec(8), _full_spec(1, C)],
    out_specs=_row_spec(C),
    out_shape=jax.ShapeDtypeStruct((NPAD, C), jnp.float32),
)


@jax.jit
def kernel(x, edge_index, W1, b1, W2, b2):
    ppt = EPT - NE // 32
    t_ids = jnp.arange(32, dtype=jnp.int32)[None, :, None]
    k_ids = jnp.arange(ppt, dtype=jnp.int32)[None, None, :]
    pad_src = (t_ids * 320 + k_ids * 13) % NPAD
    pad_dst = N + (k_ids + t_ids * 15) % ppt
    pads = jnp.concatenate([pad_src, pad_dst], axis=0)
    ei5 = jnp.concatenate(
        [edge_index.astype(jnp.int32).reshape(2, 32, NE // 32), pads],
        axis=2).reshape(2, 32, 2, HALF, CHUNK)
    xp = jnp.pad(x, ((0, NPAD - N), (0, 0)))
    z128 = jnp.zeros((CHUNK, F), jnp.float32)
    z64 = jnp.zeros((CHUNK, C), jnp.float32)
    z8 = jnp.zeros((CHUNK, 8), jnp.float32)
    ones8 = jnp.ones((CHUNK, 8), jnp.float32)

    degp = _deg(ei5, z8, ones8)
    h1s = _tc1(xp, degp, W1)
    agg1 = _prop128(h1s, ei5, z128)
    h2s = _tc2(agg1, h1s, degp, b1.reshape(1, F), W2)
    agg2 = _prop64(h2s, ei5, z64)
    out = _tc3(agg2, h2s, degp, b2.reshape(1, C))
    return out[:N]

# --- scband reference (transcript-rebuilt; emitter-appended) ---
"""Pipeline reference for scband-gcn-40982577938953 (READ-ONLY COPY).

The authoritative reference and input builder live on the scoring server;
editing this copy changes nothing except your own understanding.
"""

import jax, jax.numpy as jnp
import numpy as np

N_NODES = 10000
NFEAT = 128
NHID = 128
NCLASS = 64
N_EDGES = 320000


def setup_inputs(seed: int = 0) -> dict:
    key = jax.random.key(seed)
    k_x, k_ei, k_w1, k_b1, k_w2, k_b2 = jax.random.split(key, 6)
    x = jax.random.normal(k_x, (N_NODES, NFEAT), dtype=jnp.float32)
    edge_index = jax.random.randint(k_ei, (2, N_EDGES), 0, N_NODES, dtype=jnp.int64)
    W1 = jax.random.normal(k_w1, (NFEAT, NHID), dtype=jnp.float32) * (1.0 / np.sqrt(NFEAT))
    b1 = jnp.zeros((NHID,), dtype=jnp.float32)
    W2 = jax.random.normal(k_w2, (NHID, NCLASS), dtype=jnp.float32) * (1.0 / np.sqrt(NHID))
    b2 = jnp.zeros((NCLASS,), dtype=jnp.float32)
    return {"x": x, "edge_index": edge_index, "W1": W1, "b1": b1, "W2": W2, "b2": b2}


def _gcn_conv(x, src, dst, W, b, num_nodes):
    # symmetric normalization with self-loops: D^{-1/2} (A+I) D^{-1/2} X W + b
    h = x @ W
    deg = jnp.zeros((num_nodes,), dtype=h.dtype).at[dst].add(1.0)
    deg_inv_sqrt = jnp.where(deg > 0, 1.0 / jnp.sqrt(deg), 0.0)
    norm = deg_inv_sqrt[src] * deg_inv_sqrt[dst]
    msg = h[src] * norm[:, None]
    out = jnp.zeros((num_nodes, h.shape[1]), dtype=h.dtype).at[dst].add(msg)
    return out + b


def reference(x, edge_index, W1, b1, W2, b2):
    num_nodes = x.shape[0]
    loops = jnp.arange(num_nodes, dtype=edge_index.dtype)
    src = jnp.concatenate([edge_index[0], loops])
    dst = jnp.concatenate([edge_index[1], loops])
    h = _gcn_conv(x, src, dst, W1, b1, num_nodes)
    h = jax.nn.relu(h)
    # dropout is identity in eval mode
    h = _gcn_conv(h, src, dst, W2, b2, num_nodes)
    return jax.nn.log_softmax(h, axis=1)

if __name__ == "__main__":
    import jax
    _d = setup_inputs()
    print(jax.jit(kernel)(*tuple(_d.values())))

</pallas_src>

<mosaic_0001>
#map = affine_map<(d0, d1) -> (0, 0)>
#map1 = affine_map<(d0, d1) -> (0, 0, 0, 0, 0)>
#map2 = affine_map<(d0, d1) -> (0, 0, 0)>
module attributes {stable_mosaic.version = 14 : i64} {
  func.func @prop(%arg0: i32, %arg1: i32, %arg2: memref<10240x64xf32, #tpu.memory_space<hbm>>, %arg3: memref<2x32x2x40x128xi32, #tpu.memory_space<hbm>>, %arg4: memref<128x64xf32, #tpu.memory_space<hbm>>, %arg5: memref<2x10240x64xf32, #tpu.memory_space<hbm>>, %arg6: memref<40x128xi32, #tpu.memory_space<vmem>>, %arg7: memref<40x128xi32, #tpu.memory_space<vmem>>, %arg8: memref<128x64xf32, #tpu.memory_space<vmem>>, %arg9: memref<128x64xf32, #tpu.memory_space<vmem>>, %arg10: memref<10240x64xf32, #tpu.memory_space<vmem_shared>>, %arg11: memref<!tpu.dma_semaphore, #tpu.memory_space<semaphore_mem>>, %arg12: memref<!tpu.dma_semaphore, #tpu.memory_space<semaphore_mem>>) attributes {dimension_semantics = [#tpu.dimension_semantics<core_parallel>, #tpu.dimension_semantics<subcore_parallel>], iteration_bounds = array<i64: 2, 16>, scalar_prefetch = 0 : i64, scratch_operands = 7 : i64, tpu.core_type = #tpu.core_type<sc_vector_subcore>, window_params = [{transform_indices = #map}, {transform_indices = #map1}, {transform_indices = #map}, {transform_indices = #map2}]} {
    %mul3A = arith.constant 16 : i32
    %mul3A_0 = arith.muli %arg0, %mul3A : i32
    %add3A = arith.addi %mul3A_0, %arg1 : i32
    "tpu.region"() ({
      %run_scoped3A_118 = tpu.sem_alloc : memref<!tpu.dma_semaphore, #tpu.memory_space<semaphore_mem>>
      tpu.enqueue_dma source(%arg4 : memref<128x64xf32, #tpu.memory_space<hbm>>) target(%arg8 : memref<128x64xf32, #tpu.memory_space<vmem>>) target_semaphore(%run_scoped3A_118 : memref<!tpu.dma_semaphore, #tpu.memory_space<semaphore_mem>>)
      tpu.wait_dma2 semaphore(%run_scoped3A_118 : memref<!tpu.dma_semaphore, #tpu.memory_space<semaphore_mem>>) src(%arg4 : memref<128x64xf32, #tpu.memory_space<hbm>>) dst(%arg8 : memref<128x64xf32, #tpu.memory_space<vmem>>)
      tpu.yield
    }) : () -> ()
    %mul3A_1 = arith.constant 640 : i32
    %mul3A_2 = arith.muli %arg1, %mul3A_1 : i32
    %add3A_3 = arith.constant 0 : i32
    %add3A_4 = arith.addi %mul3A_2, %add3A_3 : i32
    "tpu.region"() ({
      %run_scoped3A_118 = tpu.sem_alloc : memref<!tpu.dma_semaphore, #tpu.memory_space<semaphore_mem>>
      %dma_start3A_119 = arith.constant 0 : i32
      %dma_start3A_120 = tpu.memref_slice %arg10[%add3A_4, %dma_start3A_119] : memref<10240x64xf32, #tpu.memory_space<vmem_shared>> -> memref<128x64xf32, #tpu.memory_space<vmem_shared>>
      %dma_start3A_121 = arith.constant 0 : i32
      %dma_start3A_122 = tpu.memref_slice %arg10[%add3A_4, %dma_start3A_121] : memref<10240x64xf32, #tpu.memory_space<vmem_shared>> -> memref<128x64xf32, #tpu.memory_space<vmem_shared>>
      tpu.enqueue_dma source(%arg8 : memref<128x64xf32, #tpu.memory_space<vmem>>) target(%dma_start3A_122 : memref<128x64xf32, #tpu.memory_space<vmem_shared>>) target_semaphore(%run_scoped3A_118 : memref<!tpu.dma_semaphore, #tpu.memory_space<semaphore_mem>>)
      %dma_wait3A_123 = arith.constant 0 : i32
      %dma_wait3A_124 = tpu.memref_slice %arg10[%add3A_4, %dma_wait3A_123] : memref<10240x64xf32, #tpu.memory_space<vmem_shared>> -> memref<128x64xf32, #tpu.memory_space<vmem_shared>>
      %dma_wait3A_125 = arith.constant 0 : i32
      %dma_wait3A_126 = tpu.memref_slice %arg10[%add3A_4, %dma_wait3A_125] : memref<10240x64xf32, #tpu.memory_space<vmem_shared>> -> memref<128x64xf32, #tpu.memory_space<vmem_shared>>
      tpu.wait_dma2 semaphore(%run_scoped3A_118 : memref<!tpu.dma_semaphore, #tpu.memory_space<semaphore_mem>>) src(%arg8 : memref<128x64xf32, #tpu.memory_space<vmem>>) dst(%dma_wait3A_126 : memref<128x64xf32, #tpu.memory_space<vmem_shared>>)
      tpu.yield
    }) : () -> ()
    %mul3A_5 = arith.constant 640 : i32
    %mul3A_6 = arith.muli %arg1, %mul3A_5 : i32
    %add3A_7 = arith.constant 128 : i32
    %add3A_8 = arith.addi %mul3A_6, %add3A_7 : i32
    "tpu.region"() ({
      %run_scoped3A_118 = tpu.sem_alloc : memref<!tpu.dma_semaphore, #tpu.memory_space<semaphore_mem>>
      %dma_start3A_119 = arith.constant 0 : i32
      %dma_start3A_120 = tpu.memref_slice %arg10[%add3A_8, %dma_start3A_119] : memref<10240x64xf32, #tpu.memory_space<vmem_shared>> -> memref<128x64xf32, #tpu.memory_space<vmem_shared>>
      %dma_start3A_121 = arith.constant 0 : i32
      %dma_start3A_122 = tpu.memref_slice %arg10[%add3A_8, %dma_start3A_121] : memref<10240x64xf32, #tpu.memory_space<vmem_shared>> -> memref<128x64xf32, #tpu.memory_space<vmem_shared>>
      tpu.enqueue_dma source(%arg8 : memref<128x64xf32, #tpu.memory_space<vmem>>) target(%dma_start3A_122 : memref<128x64xf32, #tpu.memory_space<vmem_shared>>) target_semaphore(%run_scoped3A_118 : memref<!tpu.dma_semaphore, #tpu.memory_space<semaphore_mem>>)
      %dma_wait3A_123 = arith.constant 0 : i32
      %dma_wait3A_124 = tpu.memref_slice %arg10[%add3A_8, %dma_wait3A_123] : memref<10240x64xf32, #tpu.memory_space<vmem_shared>> -> memref<128x64xf32, #tpu.memory_space<vmem_shared>>
      %dma_wait3A_125 = arith.constant 0 : i32
      %dma_wait3A_126 = tpu.memref_slice %arg10[%add3A_8, %dma_wait3A_125] : memref<10240x64xf32, #tpu.memory_space<vmem_shared>> -> memref<128x64xf32, #tpu.memory_space<vmem_shared>>
      tpu.wait_dma2 semaphore(%run_scoped3A_118 : memref<!tpu.dma_semaphore, #tpu.memory_space<semaphore_mem>>) src(%arg8 : memref<128x64xf32, #tpu.memory_space<vmem>>) dst(%dma_wait3A_126 : memref<128x64xf32, #tpu.memory_space<vmem_shared>>)
      tpu.yield
    }) : () -> ()
    %mul3A_9 = arith.constant 640 : i32
    %mul3A_10 = arith.muli %arg1, %mul3A_9 : i32
    %add3A_11 = arith.constant 256 : i32
    %add3A_12 = arith.addi %mul3A_10, %add3A_11 : i32
    "tpu.region"() ({
      %run_scoped3A_118 = tpu.sem_alloc : memref<!tpu.dma_semaphore, #tpu.memory_space<semaphore_mem>>
      %dma_start3A_119 = arith.constant 0 : i32
      %dma_start3A_120 = tpu.memref_slice %arg10[%add3A_12, %dma_start3A_119] : memref<10240x64xf32, #tpu.memory_space<vmem_shared>> -> memref<128x64xf32, #tpu.memory_space<vmem_shared>>
      %dma_start3A_121 = arith.constant 0 : i32
      %dma_start3A_122 = tpu.memref_slice %arg10[%add3A_12, %dma_start3A_121] : memref<10240x64xf32, #tpu.memory_space<vmem_shared>> -> memref<128x64xf32, #tpu.memory_space<vmem_shared>>
      tpu.enqueue_dma source(%arg8 : memref<128x64xf32, #tpu.memory_space<vmem>>) target(%dma_start3A_122 : memref<128x64xf32, #tpu.memory_space<vmem_shared>>) target_semaphore(%run_scoped3A_118 : memref<!tpu.dma_semaphore, #tpu.memory_space<semaphore_mem>>)
      %dma_wait3A_123 = arith.constant 0 : i32
      %dma_wait3A_124 = tpu.memref_slice %arg10[%add3A_12, %dma_wait3A_123] : memref<10240x64xf32, #tpu.memory_space<vmem_shared>> -> memref<128x64xf32, #tpu.memory_space<vmem_shared>>
      %dma_wait3A_125 = arith.constant 0 : i32
      %dma_wait3A_126 = tpu.memref_slice %arg10[%add3A_12, %dma_wait3A_125] : memref<10240x64xf32, #tpu.memory_space<vmem_shared>> -> memref<128x64xf32, #tpu.memory_space<vmem_shared>>
      tpu.wait_dma2 semaphore(%run_scoped3A_118 : memref<!tpu.dma_semaphore, #tpu.memory_space<semaphore_mem>>) src(%arg8 : memref<128x64xf32, #tpu.memory_space<vmem>>) dst(%dma_wait3A_126 : memref<128x64xf32, #tpu.memory_space<vmem_shared>>)
      tpu.yield
    }) : () -> ()
    %mul3A_13 = arith.constant 640 : i32
    %mul3A_14 = arith.muli %arg1, %mul3A_13 : i32
    %add3A_15 = arith.constant 384 : i32
    %add3A_16 = arith.addi %mul3A_14, %add3A_15 : i32
    "tpu.region"() ({
      %run_scoped3A_118 = tpu.sem_alloc : memref<!tpu.dma_semaphore, #tpu.memory_space<semaphore_mem>>
      %dma_start3A_119 = arith.constant 0 : i32
      %dma_start3A_120 = tpu.memref_slice %arg10[%add3A_16, %dma_start3A_119] : memref<10240x64xf32, #tpu.memory_space<vmem_shared>> -> memref<128x64xf32, #tpu.memory_space<vmem_shared>>
      %dma_start3A_121 = arith.constant 0 : i32
      %dma_start3A_122 = tpu.memref_slice %arg10[%add3A_16, %dma_start3A_121] : memref<10240x64xf32, #tpu.memory_space<vmem_shared>> -> memref<128x64xf32, #tpu.memory_space<vmem_shared>>
      tpu.enqueue_dma source(%arg8 : memref<128x64xf32, #tpu.memory_space<vmem>>) target(%dma_start3A_122 : memref<128x64xf32, #tpu.memory_space<vmem_shared>>) target_semaphore(%run_scoped3A_118 : memref<!tpu.dma_semaphore, #tpu.memory_space<semaphore_mem>>)
      %dma_wait3A_123 = arith.constant 0 : i32
      %dma_wait3A_124 = tpu.memref_slice %arg10[%add3A_16, %dma_wait3A_123] : memref<10240x64xf32, #tpu.memory_space<vmem_shared>> -> memref<128x64xf32, #tpu.memory_space<vmem_shared>>
      %dma_wait3A_125 = arith.constant 0 : i32
      %dma_wait3A_126 = tpu.memref_slice %arg10[%add3A_16, %dma_wait3A_125] : memref<10240x64xf32, #tpu.memory_space<vmem_shared>> -> memref<128x64xf32, #tpu.memory_space<vmem_shared>>
      tpu.wait_dma2 semaphore(%run_scoped3A_118 : memref<!tpu.dma_semaphore, #tpu.memory_space<semaphore_mem>>) src(%arg8 : memref<128x64xf32, #tpu.memory_space<vmem>>) dst(%dma_wait3A_126 : memref<128x64xf32, #tpu.memory_space<vmem_shared>>)
      tpu.yield
    }) : () -> ()
    %mul3A_17 = arith.constant 640 : i32
    %mul3A_18 = arith.muli %arg1, %mul3A_17 : i32
    %add3A_19 = arith.constant 512 : i32
    %add3A_20 = arith.addi %mul3A_18, %add3A_19 : i32
    "tpu.region"() ({
      %run_scoped3A_118 = tpu.sem_alloc : memref<!tpu.dma_semaphore, #tpu.memory_space<semaphore_mem>>
      %dma_start3A_119 = arith.constant 0 : i32
      %dma_start3A_120 = tpu.memref_slice %arg10[%add3A_20, %dma_start3A_119] : memref<10240x64xf32, #tpu.memory_space<vmem_shared>> -> memref<128x64xf32, #tpu.memory_space<vmem_shared>>
      %dma_start3A_121 = arith.constant 0 : i32
      %dma_start3A_122 = tpu.memref_slice %arg10[%add3A_20, %dma_start3A_121] : memref<10240x64xf32, #tpu.memory_space<vmem_shared>> -> memref<128x64xf32, #tpu.memory_space<vmem_shared>>
      tpu.enqueue_dma source(%arg8 : memref<128x64xf32, #tpu.memory_space<vmem>>) target(%dma_start3A_122 : memref<128x64xf32, #tpu.memory_space<vmem_shared>>) target_semaphore(%run_scoped3A_118 : memref<!tpu.dma_semaphore, #tpu.memory_space<semaphore_mem>>)
      %dma_wait3A_123 = arith.constant 0 : i32
      %dma_wait3A_124 = tpu.memref_slice %arg10[%add3A_20, %dma_wait3A_123] : memref<10240x64xf32, #tpu.memory_space<vmem_shared>> -> memref<128x64xf32, #tpu.memory_space<vmem_shared>>
      %dma_wait3A_125 = arith.constant 0 : i32
      %dma_wait3A_126 = tpu.memref_slice %arg10[%add3A_20, %dma_wait3A_125] : memref<10240x64xf32, #tpu.memory_space<vmem_shared>> -> memref<128x64xf32, #tpu.memory_space<vmem_shared>>
      tpu.wait_dma2 semaphore(%run_scoped3A_118 : memref<!tpu.dma_semaphore, #tpu.memory_space<semaphore_mem>>) src(%arg8 : memref<128x64xf32, #tpu.memory_space<vmem>>) dst(%dma_wait3A_126 : memref<128x64xf32, #tpu.memory_space<vmem_shared>>)
      tpu.yield
    }) : () -> ()
    %barrier3A = arith.constant 0 : index
    tpu.barrier barrier_id(%barrier3A)
    %run_scoped3A = arith.constant 0 : i32
    %run_scoped3A_21 = arith.constant 0 : i32
    "tpu.region"() ({
      %run_scoped3A_118 = tpu.sem_alloc : memref<!tpu.dma_semaphore, #tpu.memory_space<semaphore_mem>>
      %dma_start3A_119 = arith.constant 0 : i32
      %dma_start3A_120 = arith.constant 0 : i32
      %dma_start3A_121 = arith.constant 0 : i32
      %dma_start3A_122 = arith.constant 0 : i32
      %dma_start3A_123 = tpu.memref_slice %arg3[%run_scoped3A, %dma_start3A_119, %dma_start3A_120, %dma_start3A_121, %dma_start3A_122] : memref<2x32x2x40x128xi32, #tpu.memory_space<hbm>> -> memref<1x32x2x40x128xi32, #tpu.memory_space<hbm>>
      %dma_start3A_124 = tpu.memref_squeeze %dma_start3A_123 : memref<1x32x2x40x128xi32, #tpu.memory_space<hbm>> -> memref<32x2x40x128xi32, #tpu.memory_space<hbm>>
      %dma_start3A_125 = arith.constant 0 : i32
      %dma_start3A_126 = arith.constant 0 : i32
      %dma_start3A_127 = arith.constant 0 : i32
      %dma_start3A_128 = tpu.memref_slice %dma_start3A_124[%add3A, %dma_start3A_125, %dma_start3A_126, %dma_start3A_127] : memref<32x2x40x128xi32, #tpu.memory_space<hbm>> -> memref<1x2x40x128xi32, #tpu.memory_space<hbm>>
      %dma_start3A_129 = tpu.memref_squeeze %dma_start3A_128 : memref<1x2x40x128xi32, #tpu.memory_space<hbm>> -> memref<2x40x128xi32, #tpu.memory_space<hbm>>
      %dma_start3A_130 = arith.constant 0 : i32
      %dma_start3A_131 = arith.constant 0 : i32
      %dma_start3A_132 = tpu.memref_slice %dma_start3A_129[%run_scoped3A_21, %dma_start3A_130, %dma_start3A_131] : memref<2x40x128xi32, #tpu.memory_space<hbm>> -> memref<1x40x128xi32, #tpu.memory_space<hbm>>
      %dma_start3A_133 = tpu.memref_squeeze %dma_start3A_132 : memref<1x40x128xi32, #tpu.memory_space<hbm>> -> memref<40x128xi32, #tpu.memory_space<hbm>>
      %dma_start3A_134 = arith.constant 0 : i32
      %dma_start3A_135 = arith.constant 0 : i32
      %dma_start3A_136 = arith.constant 0 : i32
      %dma_start3A_137 = arith.constant 0 : i32
      %dma_start3A_138 = tpu.memref_slice %arg3[%run_scoped3A, %dma_start3A_134, %dma_start3A_135, %dma_start3A_136, %dma_start3A_137] : memref<2x32x2x40x128xi32, #tpu.memory_space<hbm>> -> memref<1x32x2x40x128xi32, #tpu.memory_space<hbm>>
      %dma_start3A_139 = tpu.memref_squeeze %dma_start3A_138 : memref<1x32x2x40x128xi32, #tpu.memory_space<hbm>> -> memref<32x2x40x128xi32, #tpu.memory_space<hbm>>
      %dma_start3A_140 = arith.constant 0 : i32
      %dma_start3A_141 = arith.constant 0 : i32
      %dma_start3A_142 = arith.constant 0 : i32
      %dma_start3A_143 = tpu.memref_slice %dma_start3A_139[%add3A, %dma_start3A_140, %dma_start3A_141, %dma_start3A_142] : memref<32x2x40x128xi32, #tpu.memory_space<hbm>> -> memref<1x2x40x128xi32, #tpu.memory_space<hbm>>
      %dma_start3A_144 = tpu.memref_squeeze %dma_start3A_143 : memref<1x2x40x128xi32, #tpu.memory_space<hbm>> -> memref<2x40x128xi32, #tpu.memory_space<hbm>>
      %dma_start3A_145 = arith.constant 0 : i32
      %dma_start3A_146 = arith.constant 0 : i32
      %dma_start3A_147 = tpu.memref_slice %dma_start3A_144[%run_scoped3A_21, %dma_start3A_145, %dma_start3A_146] : memref<2x40x128xi32, #tpu.memory_space<hbm>> -> memref<1x40x128xi32, #tpu.memory_space<hbm>>
      %dma_start3A_148 = tpu.memref_squeeze %dma_start3A_147 : memref<1x40x128xi32, #tpu.memory_space<hbm>> -> memref<40x128xi32, #tpu.memory_space<hbm>>
      tpu.enqueue_dma source(%dma_start3A_148 : memref<40x128xi32, #tpu.memory_space<hbm>>) target(%arg6 : memref<40x128xi32, #tpu.memory_space<vmem>>) target_semaphore(%run_scoped3A_118 : memref<!tpu.dma_semaphore, #tpu.memory_space<semaphore_mem>>)
      %dma_wait3A_149 = arith.constant 0 : i32
      %dma_wait3A_150 = arith.constant 0 : i32
      %dma_wait3A_151 = arith.constant 0 : i32
      %dma_wait3A_152 = arith.constant 0 : i32
      %dma_wait3A_153 = tpu.memref_slice %arg3[%run_scoped3A, %dma_wait3A_149, %dma_wait3A_150, %dma_wait3A_151, %dma_wait3A_152] : memref<2x32x2x40x128xi32, #tpu.memory_space<hbm>> -> memref<1x32x2x40x128xi32, #tpu.memory_space<hbm>>
      %dma_wait3A_154 = tpu.memref_squeeze %dma_wait3A_153 : memref<1x32x2x40x128xi32, #tpu.memory_space<hbm>> -> memref<32x2x40x128xi32, #tpu.memory_space<hbm>>
      %dma_wait3A_155 = arith.constant 0 : i32
      %dma_wait3A_156 = arith.constant 0 : i32
      %dma_wait3A_157 = arith.constant 0 : i32
      %dma_wait3A_158 = tpu.memref_slice %dma_wait3A_154[%add3A, %dma_wait3A_155, %dma_wait3A_156, %dma_wait3A_157] : memref<32x2x40x128xi32, #tpu.memory_space<hbm>> -> memref<1x2x40x128xi32, #tpu.memory_space<hbm>>
      %dma_wait3A_159 = tpu.memref_squeeze %dma_wait3A_158 : memref<1x2x40x128xi32, #tpu.memory_space<hbm>> -> memref<2x40x128xi32, #tpu.memory_space<hbm>>
      %dma_wait3A_160 = arith.constant 0 : i32
      %dma_wait3A_161 = arith.constant 0 : i32
      %dma_wait3A_162 = tpu.memref_slice %dma_wait3A_159[%run_scoped3A_21, %dma_wait3A_160, %dma_wait3A_161] : memref<2x40x128xi32, #tpu.memory_space<hbm>> -> memref<1x40x128xi32, #tpu.memory_space<hbm>>
      %dma_wait3A_163 = tpu.memref_squeeze %dma_wait3A_162 : memref<1x40x128xi32, #tpu.memory_space<hbm>> -> memref<40x128xi32, #tpu.memory_space<hbm>>
      %dma_wait3A_164 = arith.constant 0 : i32
      %dma_wait3A_165 = arith.constant 0 : i32
      %dma_wait3A_166 = arith.constant 0 : i32
      %dma_wait3A_167 = arith.constant 0 : i32
      %dma_wait3A_168 = tpu.memref_slice %arg3[%run_scoped3A, %dma_wait3A_164, %dma_wait3A_165, %dma_wait3A_166, %dma_wait3A_167] : memref<2x32x2x40x128xi32, #tpu.memory_space<hbm>> -> memref<1x32x2x40x128xi32, #tpu.memory_space<hbm>>
      %dma_wait3A_169 = tpu.memref_squeeze %dma_wait3A_168 : memref<1x32x2x40x128xi32, #tpu.memory_space<hbm>> -> memref<32x2x40x128xi32, #tpu.memory_space<hbm>>
      %dma_wait3A_170 = arith.constant 0 : i32
      %dma_wait3A_171 = arith.constant 0 : i32
      %dma_wait3A_172 = arith.constant 0 : i32
      %dma_wait3A_173 = tpu.memref_slice %dma_wait3A_169[%add3A, %dma_wait3A_170, %dma_wait3A_171, %dma_wait3A_172] : memref<32x2x40x128xi32, #tpu.memory_space<hbm>> -> memref<1x2x40x128xi32, #tpu.memory_space<hbm>>
      %dma_wait3A_174 = tpu.memref_squeeze %dma_wait3A_173 : memref<1x2x40x128xi32, #tpu.memory_space<hbm>> -> memref<2x40x128xi32, #tpu.memory_space<hbm>>
      %dma_wait3A_175 = arith.constant 0 : i32
      %dma_wait3A_176 = arith.constant 0 : i32
      %dma_wait3A_177 = tpu.memref_slice %dma_wait3A_174[%run_scoped3A_21, %dma_wait3A_175, %dma_wait3A_176] : memref<2x40x128xi32, #tpu.memory_space<hbm>> -> memref<1x40x128xi32, #tpu.memory_space<hbm>>
      %dma_wait3A_178 = tpu.memref_squeeze %dma_wait3A_177 : memref<1x40x128xi32, #tpu.memory_space<hbm>> -> memref<40x128xi32, #tpu.memory_space<hbm>>
      tpu.wait_dma2 semaphore(%run_scoped3A_118 : memref<!tpu.dma_semaphore, #tpu.memory_space<semaphore_mem>>) src(%dma_wait3A_178 : memref<40x128xi32, #tpu.memory_space<hbm>>) dst(%arg6 : memref<40x128xi32, #tpu.memory_space<vmem>>)
      tpu.yield
    }) : () -> ()
    %run_scoped3A_22 = arith.constant 1 : i32
    %run_scoped3A_23 = arith.constant 0 : i32
    "tpu.region"() ({
      %run_scoped3A_118 = tpu.sem_alloc : memref<!tpu.dma_semaphore, #tpu.memory_space<semaphore_mem>>
      %dma_start3A_119 = arith.constant 0 : i32
      %dma_start3A_120 = arith.constant 0 : i32
      %dma_start3A_121 = arith.constant 0 : i32
      %dma_start3A_122 = arith.constant 0 : i32
      %dma_start3A_123 = tpu.memref_slice %arg3[%run_scoped3A_22, %dma_start3A_119, %dma_start3A_120, %dma_start3A_121, %dma_start3A_122] : memref<2x32x2x40x128xi32, #tpu.memory_space<hbm>> -> memref<1x32x2x40x128xi32, #tpu.memory_space<hbm>>
      %dma_start3A_124 = tpu.memref_squeeze %dma_start3A_123 : memref<1x32x2x40x128xi32, #tpu.memory_space<hbm>> -> memref<32x2x40x128xi32, #tpu.memory_space<hbm>>
      %dma_start3A_125 = arith.constant 0 : i32
      %dma_start3A_126 = arith.constant 0 : i32
      %dma_start3A_127 = arith.constant 0 : i32
      %dma_start3A_128 = tpu.memref_slice %dma_start3A_124[%add3A, %dma_start3A_125, %dma_start3A_126, %dma_start3A_127] : memref<32x2x40x128xi32, #tpu.memory_space<hbm>> -> memref<1x2x40x128xi32, #tpu.memory_space<hbm>>
      %dma_start3A_129 = tpu.memref_squeeze %dma_start3A_128 : memref<1x2x40x128xi32, #tpu.memory_space<hbm>> -> memref<2x40x128xi32, #tpu.memory_space<hbm>>
      %dma_start3A_130 = arith.constant 0 : i32
      %dma_start3A_131 = arith.constant 0 : i32
      %dma_start3A_132 = tpu.memref_slice %dma_start3A_129[%run_scoped3A_23, %dma_start3A_130, %dma_start3A_131] : memref<2x40x128xi32, #tpu.memory_space<hbm>> -> memref<1x40x128xi32, #tpu.memory_space<hbm>>
      %dma_start3A_133 = tpu.memref_squeeze %dma_start3A_132 : memref<1x40x128xi32, #tpu.memory_space<hbm>> -> memref<40x128xi32, #tpu.memory_space<hbm>>
      %dma_start3A_134 = arith.constant 0 : i32
      %dma_start3A_135 = arith.constant 0 : i32
      %dma_start3A_136 = arith.constant 0 : i32
      %dma_start3A_137 = arith.constant 0 : i32
      %dma_start3A_138 = tpu.memref_slice %arg3[%run_scoped3A_22, %dma_start3A_134, %dma_start3A_135, %dma_start3A_136, %dma_start3A_137] : memref<2x32x2x40x128xi32, #tpu.memory_space<hbm>> -> memref<1x32x2x40x128xi32, #tpu.memory_space<hbm>>
      %dma_start3A_139 = tpu.memref_squeeze %dma_start3A_138 : memref<1x32x2x40x128xi32, #tpu.memory_space<hbm>> -> memref<32x2x40x128xi32, #tpu.memory_space<hbm>>
      %dma_start3A_140 = arith.constant 0 : i32
      %dma_start3A_141 = arith.constant 0 : i32
      %dma_start3A_142 = arith.constant 0 : i32
      %dma_start3A_143 = tpu.memref_slice %dma_start3A_139[%add3A, %dma_start3A_140, %dma_start3A_141, %dma_start3A_142] : memref<32x2x40x128xi32, #tpu.memory_space<hbm>> -> memref<1x2x40x128xi32, #tpu.memory_space<hbm>>
      %dma_start3A_144 = tpu.memref_squeeze %dma_start3A_143 : memref<1x2x40x128xi32, #tpu.memory_space<hbm>> -> memref<2x40x128xi32, #tpu.memory_space<hbm>>
      %dma_start3A_145 = arith.constant 0 : i32
      %dma_start3A_146 = arith.constant 0 : i32
      %dma_start3A_147 = tpu.memref_slice %dma_start3A_144[%run_scoped3A_23, %dma_start3A_145, %dma_start3A_146] : memref<2x40x128xi32, #tpu.memory_space<hbm>> -> memref<1x40x128xi32, #tpu.memory_space<hbm>>
      %dma_start3A_148 = tpu.memref_squeeze %dma_start3A_147 : memref<1x40x128xi32, #tpu.memory_space<hbm>> -> memref<40x128xi32, #tpu.memory_space<hbm>>
      tpu.enqueue_dma source(%dma_start3A_148 : memref<40x128xi32, #tpu.memory_space<hbm>>) target(%arg7 : memref<40x128xi32, #tpu.memory_space<vmem>>) target_semaphore(%run_scoped3A_118 : memref<!tpu.dma_semaphore, #tpu.memory_space<semaphore_mem>>)
      %dma_wait3A_149 = arith.constant 0 : i32
      %dma_wait3A_150 = arith.constant 0 : i32
      %dma_wait3A_151 = arith.constant 0 : i32
      %dma_wait3A_152 = arith.constant 0 : i32
      %dma_wait3A_153 = tpu.memref_slice %arg3[%run_scoped3A_22, %dma_wait3A_149, %dma_wait3A_150, %dma_wait3A_151, %dma_wait3A_152] : memref<2x32x2x40x128xi32, #tpu.memory_space<hbm>> -> memref<1x32x2x40x128xi32, #tpu.memory_space<hbm>>
      %dma_wait3A_154 = tpu.memref_squeeze %dma_wait3A_153 : memref<1x32x2x40x128xi32, #tpu.memory_space<hbm>> -> memref<32x2x40x128xi32, #tpu.memory_space<hbm>>
      %dma_wait3A_155 = arith.constant 0 : i32
      %dma_wait3A_156 = arith.constant 0 : i32
      %dma_wait3A_157 = arith.constant 0 : i32
      %dma_wait3A_158 = tpu.memref_slice %dma_wait3A_154[%add3A, %dma_wait3A_155, %dma_wait3A_156, %dma_wait3A_157] : memref<32x2x40x128xi32, #tpu.memory_space<hbm>> -> memref<1x2x40x128xi32, #tpu.memory_space<hbm>>
      %dma_wait3A_159 = tpu.memref_squeeze %dma_wait3A_158 : memref<1x2x40x128xi32, #tpu.memory_space<hbm>> -> memref<2x40x128xi32, #tpu.memory_space<hbm>>
      %dma_wait3A_160 = arith.constant 0 : i32
      %dma_wait3A_161 = arith.constant 0 : i32
      %dma_wait3A_162 = tpu.memref_slice %dma_wait3A_159[%run_scoped3A_23, %dma_wait3A_160, %dma_wait3A_161] : memref<2x40x128xi32, #tpu.memory_space<hbm>> -> memref<1x40x128xi32, #tpu.memory_space<hbm>>
      %dma_wait3A_163 = tpu.memref_squeeze %dma_wait3A_162 : memref<1x40x128xi32, #tpu.memory_space<hbm>> -> memref<40x128xi32, #tpu.memory_space<hbm>>
      %dma_wait3A_164 = arith.constant 0 : i32
      %dma_wait3A_165 = arith.constant 0 : i32
      %dma_wait3A_166 = arith.constant 0 : i32
      %dma_wait3A_167 = arith.constant 0 : i32
      %dma_wait3A_168 = tpu.memref_slice %arg3[%run_scoped3A_22, %dma_wait3A_164, %dma_wait3A_165, %dma_wait3A_166, %dma_wait3A_167] : memref<2x32x2x40x128xi32, #tpu.memory_space<hbm>> -> memref<1x32x2x40x128xi32, #tpu.memory_space<hbm>>
      %dma_wait3A_169 = tpu.memref_squeeze %dma_wait3A_168 : memref<1x32x2x40x128xi32, #tpu.memory_space<hbm>> -> memref<32x2x40x128xi32, #tpu.memory_space<hbm>>
      %dma_wait3A_170 = arith.constant 0 : i32
      %dma_wait3A_171 = arith.constant 0 : i32
      %dma_wait3A_172 = arith.constant 0 : i32
      %dma_wait3A_173 = tpu.memref_slice %dma_wait3A_169[%add3A, %dma_wait3A_170, %dma_wait3A_171, %dma_wait3A_172] : memref<32x2x40x128xi32, #tpu.memory_space<hbm>> -> memref<1x2x40x128xi32, #tpu.memory_space<hbm>>
      %dma_wait3A_174 = tpu.memref_squeeze %dma_wait3A_173 : memref<1x2x40x128xi32, #tpu.memory_space<hbm>> -> memref<2x40x128xi32, #tpu.memory_space<hbm>>
      %dma_wait3A_175 = arith.constant 0 : i32
      %dma_wait3A_176 = arith.constant 0 : i32
      %dma_wait3A_177 = tpu.memref_slice %dma_wait3A_174[%run_scoped3A_23, %dma_wait3A_175, %dma_wait3A_176] : memref<2x40x128xi32, #tpu.memory_space<hbm>> -> memref<1x40x128xi32, #tpu.memory_space<hbm>>
      %dma_wait3A_178 = tpu.memref_squeeze %dma_wait3A_177 : memref<1x40x128xi32, #tpu.memory_space<hbm>> -> memref<40x128xi32, #tpu.memory_space<hbm>>
      tpu.wait_dma2 semaphore(%run_scoped3A_118 : memref<!tpu.dma_semaphore, #tpu.memory_space<semaphore_mem>>) src(%dma_wait3A_178 : memref<40x128xi32, #tpu.memory_space<hbm>>) dst(%arg7 : memref<40x128xi32, #tpu.memory_space<vmem>>)
      tpu.yield
    }) : () -> ()
    %dma_start3A = arith.constant 0 : i32
    %dma_start3A_24 = arith.constant 0 : i32
    %dma_start3A_25 = tpu.memref_slice %arg6[%dma_start3A, %dma_start3A_24] : memref<40x128xi32, #tpu.memory_space<vmem>> -> memref<1x128xi32, #tpu.memory_space<vmem>>
    %dma_start3A_26 = tpu.memref_squeeze %dma_start3A_25 : memref<1x128xi32, #tpu.memory_space<vmem>> -> memref<128xi32, #tpu.memory_space<vmem>>
    %dma_start3A_27 = arith.constant 0 : i32
    %dma_start3A_28 = arith.constant 0 : i32
    %dma_start3A_29 = tpu.memref_slice %arg2[%dma_start3A_27, %dma_start3A_28] : memref<10240x64xf32, #tpu.memory_space<hbm>> -> memref<10240x64xf32, #tpu.memory_space<hbm>>
    tpu.enqueue_indirect_dma source(%dma_start3A_29 : memref<10240x64xf32, #tpu.memory_space<hbm>>) target(%arg8 : memref<128x64xf32, #tpu.memory_space<vmem>>) offsets(%dma_start3A_26 : memref<128xi32, #tpu.memory_space<vmem>>) semaphore(%arg11 : memref<!tpu.dma_semaphore, #tpu.memory_space<semaphore_mem>>)
    %scan3A = arith.constant 0 : i32
    %scan3A_30 = arith.constant 0 : i32
    %scan3A_31 = arith.constant 19 : i32
    %scan3A_32 = arith.addi %scan3A_30, %scan3A_31 : i32
    %scan3A_33 = arith.constant 1 : i32
    scf.for %scan3A_118 = %scan3A_30 to %scan3A_32 step %scan3A_33  : i32 {
      %mul3A_119 = arith.constant 2 : i32
      %mul3A_120 = arith.muli %mul3A_119, %scan3A_118 : i32
      %add3A_121 = arith.constant 1 : i32
      %add3A_122 = arith.addi %mul3A_120, %add3A_121 : i32
      %dma_start3A_123 = arith.constant 0 : i32
      %dma_start3A_124 = tpu.memref_slice %arg6[%add3A_122, %dma_start3A_123] : memref<40x128xi32, #tpu.memory_space<vmem>> -> memref<1x128xi32, #tpu.memory_space<vmem>>
      %dma_start3A_125 = tpu.memref_squeeze %dma_start3A_124 : memref<1x128xi32, #tpu.memory_space<vmem>> -> memref<128xi32, #tpu.memory_space<vmem>>
      %dma_start3A_126 = arith.constant 0 : i32
      %dma_start3A_127 = arith.constant 0 : i32
      %dma_start3A_128 = tpu.memref_slice %arg2[%dma_start3A_126, %dma_start3A_127] : memref<10240x64xf32, #tpu.memory_space<hbm>> -> memref<10240x64xf32, #tpu.memory_space<hbm>>
      tpu.enqueue_indirect_dma source(%dma_start3A_128 : memref<10240x64xf32, #tpu.memory_space<hbm>>) target(%arg9 : memref<128x64xf32, #tpu.memory_space<vmem>>) offsets(%dma_start3A_125 : memref<128xi32, #tpu.memory_space<vmem>>) semaphore(%arg12 : memref<!tpu.dma_semaphore, #tpu.memory_space<semaphore_mem>>)
      %dma_wait3A_129 = arith.constant 0 : i32
      %dma_wait3A_130 = tpu.memref_slice %arg6[%mul3A_120, %dma_wait3A_129] : memref<40x128xi32, #tpu.memory_space<vmem>> -> memref<1x128xi32, #tpu.memory_space<vmem>>
      %dma_wait3A_131 = tpu.memref_squeeze %dma_wait3A_130 : memref<1x128xi32, #tpu.memory_space<vmem>> -> memref<128xi32, #tpu.memory_space<vmem>>
      %dma_wait3A_132 = arith.constant 0 : i32
      %dma_wait3A_133 = arith.constant 0 : i32
      %dma_wait3A_134 = tpu.memref_slice %arg2[%dma_wait3A_132, %dma_wait3A_133] : memref<10240x64xf32, #tpu.memory_space<hbm>> -> memref<10240x64xf32, #tpu.memory_space<hbm>>
      tpu.wait_indirect_dma semaphore(%arg11 : memref<!tpu.dma_semaphore, #tpu.memory_space<semaphore_mem>>) src(%dma_wait3A_134 : memref<10240x64xf32, #tpu.memory_space<hbm>>) dst(%arg8 : memref<128x64xf32, #tpu.memory_space<vmem>>)
      "tpu.region"() ({
        %run_scoped3A_153 = tpu.sem_alloc : memref<!tpu.dma_semaphore, #tpu.memory_space<semaphore_mem>>
        %dma_start3A_154 = arith.constant 0 : i32
        %dma_start3A_155 = tpu.memref_slice %arg7[%mul3A_120, %dma_start3A_154] : memref<40x128xi32, #tpu.memory_space<vmem>> -> memref<1x128xi32, #tpu.memory_space<vmem>>
        %dma_start3A_156 = tpu.memref_squeeze %dma_start3A_155 : memref<1x128xi32, #tpu.memory_space<vmem>> -> memref<128xi32, #tpu.memory_space<vmem>>
        %dma_start3A_157 = arith.constant 0 : i32
        %dma_start3A_158 = arith.constant 0 : i32
        %dma_start3A_159 = tpu.memref_slice %arg10[%dma_start3A_157, %dma_start3A_158] : memref<10240x64xf32, #tpu.memory_space<vmem_shared>> -> memref<10240x64xf32, #tpu.memory_space<vmem_shared>>
        tpu.enqueue_indirect_dma source(%arg8 : memref<128x64xf32, #tpu.memory_space<vmem>>) target(%dma_start3A_159 : memref<10240x64xf32, #tpu.memory_space<vmem_shared>>) offsets(%dma_start3A_156 : memref<128xi32, #tpu.memory_space<vmem>>) semaphore(%run_scoped3A_153 : memref<!tpu.dma_semaphore, #tpu.memory_space<semaphore_mem>>) {add = true}
        %dma_wait3A_160 = arith.constant 0 : i32
        %dma_wait3A_161 = tpu.memref_slice %arg7[%mul3A_120, %dma_wait3A_160] : memref<40x128xi32, #tpu.memory_space<vmem>> -> memref<1x128xi32, #tpu.memory_space<vmem>>
        %dma_wait3A_162 = tpu.memref_squeeze %dma_wait3A_161 : memref<1x128xi32, #tpu.memory_space<vmem>> -> memref<128xi32, #tpu.memory_space<vmem>>
        %dma_wait3A_163 = arith.constant 0 : i32
        %dma_wait3A_164 = arith.constant 0 : i32
        %dma_wait3A_165 = tpu.memref_slice %arg10[%dma_wait3A_163, %dma_wait3A_164] : memref<10240x64xf32, #tpu.memory_space<vmem_shared>> -> memref<10240x64xf32, #tpu.memory_space<vmem_shared>>
        tpu.wait_indirect_dma semaphore(%run_scoped3A_153 : memref<!tpu.dma_semaphore, #tpu.memory_space<semaphore_mem>>) src(%arg8 : memref<128x64xf32, #tpu.memory_space<vmem>>) dst(%dma_wait3A_165 : memref<10240x64xf32, #tpu.memory_space<vmem_shared>>)
        tpu.yield
      }) : () -> ()
      %add3A_135 = arith.constant 2 : i32
      %add3A_136 = arith.addi %mul3A_120, %add3A_135 : i32
      %dma_start3A_137 = arith.constant 0 : i32
      %dma_start3A_138 = tpu.memref_slice %arg6[%add3A_136, %dma_start3A_137] : memref<40x128xi32, #tpu.memory_space<vmem>> -> memref<1x128xi32, #tpu.memory_space<vmem>>
      %dma_start3A_139 = tpu.memref_squeeze %dma_start3A_138 : memref<1x128xi32, #tpu.memory_space<vmem>> -> memref<128xi32, #tpu.memory_space<vmem>>
      %dma_start3A_140 = arith.constant 0 : i32
      %dma_start3A_141 = arith.constant 0 : i32
      %dma_start3A_142 = tpu.memref_slice %arg2[%dma_start3A_140, %dma_start3A_141] : memref<10240x64xf32, #tpu.memory_space<hbm>> -> memref<10240x64xf32, #tpu.memory_space<hbm>>
      tpu.enqueue_indirect_dma source(%dma_start3A_142 : memref<10240x64xf32, #tpu.memory_space<hbm>>) target(%arg8 : memref<128x64xf32, #tpu.memory_space<vmem>>) offsets(%dma_start3A_139 : memref<128xi32, #tpu.memory_space<vmem>>) semaphore(%arg11 : memref<!tpu.dma_semaphore, #tpu.memory_space<semaphore_mem>>)
      %add3A_143 = arith.constant 1 : i32
      %add3A_144 = arith.addi %mul3A_120, %add3A_143 : i32
      %dma_wait3A_145 = arith.constant 0 : i32
      %dma_wait3A_146 = tpu.memref_slice %arg6[%add3A_144, %dma_wait3A_145] : memref<40x128xi32, #tpu.memory_space<vmem>> -> memref<1x128xi32, #tpu.memory_space<vmem>>
      %dma_wait3A_147 = tpu.memref_squeeze %dma_wait3A_146 : memref<1x128xi32, #tpu.memory_space<vmem>> -> memref<128xi32, #tpu.memory_space<vmem>>
      %dma_wait3A_148 = arith.constant 0 : i32
      %dma_wait3A_149 = arith.constant 0 : i32
      %dma_wait3A_150 = tpu.memref_slice %arg2[%dma_wait3A_148, %dma_wait3A_149] : memref<10240x64xf32, #tpu.memory_space<hbm>> -> memref<10240x64xf32, #tpu.memory_space<hbm>>
      tpu.wait_indirect_dma semaphore(%arg12 : memref<!tpu.dma_semaphore, #tpu.memory_space<semaphore_mem>>) src(%dma_wait3A_150 : memref<10240x64xf32, #tpu.memory_space<hbm>>) dst(%arg9 : memref<128x64xf32, #tpu.memory_space<vmem>>)
      %add3A_151 = arith.constant 1 : i32
      %add3A_152 = arith.addi %mul3A_120, %add3A_151 : i32
      "tpu.region"() ({
        %run_scoped3A_153 = tpu.sem_alloc : memref<!tpu.dma_semaphore, #tpu.memory_space<semaphore_mem>>
        %dma_start3A_154 = arith.constant 0 : i32
        %dma_start3A_155 = tpu.memref_slice %arg7[%add3A_152, %dma_start3A_154] : memref<40x128xi32, #tpu.memory_space<vmem>> -> memref<1x128xi32, #tpu.memory_space<vmem>>
        %dma_start3A_156 = tpu.memref_squeeze %dma_start3A_155 : memref<1x128xi32, #tpu.memory_space<vmem>> -> memref<128xi32, #tpu.memory_space<vmem>>
        %dma_start3A_157 = arith.constant 0 : i32
        %dma_start3A_158 = arith.constant 0 : i32
        %dma_start3A_159 = tpu.memref_slice %arg10[%dma_start3A_157, %dma_start3A_158] : memref<10240x64xf32, #tpu.memory_space<vmem_shared>> -> memref<10240x64xf32, #tpu.memory_space<vmem_shared>>
        tpu.enqueue_indirect_dma source(%arg9 : memref<128x64xf32, #tpu.memory_space<vmem>>) target(%dma_start3A_159 : memref<10240x64xf32, #tpu.memory_space<vmem_shared>>) offsets(%dma_start3A_156 : memref<128xi32, #tpu.memory_space<vmem>>) semaphore(%run_scoped3A_153 : memref<!tpu.dma_semaphore, #tpu.memory_space<semaphore_mem>>) {add = true}
        %dma_wait3A_160 = arith.constant 0 : i32
        %dma_wait3A_161 = tpu.memref_slice %arg7[%add3A_152, %dma_wait3A_160] : memref<40x128xi32, #tpu.memory_space<vmem>> -> memref<1x128xi32, #tpu.memory_space<vmem>>
        %dma_wait3A_162 = tpu.memref_squeeze %dma_wait3A_161 : memref<1x128xi32, #tpu.memory_space<vmem>> -> memref<128xi32, #tpu.memory_space<vmem>>
        %dma_wait3A_163 = arith.constant 0 : i32
        %dma_wait3A_164 = arith.constant 0 : i32
        %dma_wait3A_165 = tpu.memref_slice %arg10[%dma_wait3A_163, %dma_wait3A_164] : memref<10240x64xf32, #tpu.memory_space<vmem_shared>> -> memref<10240x64xf32, #tpu.memory_space<vmem_shared>>
        tpu.wait_indirect_dma semaphore(%run_scoped3A_153 : memref<!tpu.dma_semaphore, #tpu.memory_space<semaphore_mem>>) src(%arg9 : memref<128x64xf32, #tpu.memory_space<vmem>>) dst(%dma_wait3A_165 : memref<10240x64xf32, #tpu.memory_space<vmem_shared>>)
        tpu.yield
      }) : () -> ()
    }
    %scan3A_34 = arith.constant 19 : i32
    %dma_start3A_35 = arith.constant 39 : i32
    %dma_start3A_36 = arith.constant 0 : i32
    %dma_start3A_37 = tpu.memref_slice %arg6[%dma_start3A_35, %dma_start3A_36] : memref<40x128xi32, #tpu.memory_space<vmem>> -> memref<1x128xi32, #tpu.memory_space<vmem>>
    %dma_start3A_38 = tpu.memref_squeeze %dma_start3A_37 : memref<1x128xi32, #tpu.memory_space<vmem>> -> memref<128xi32, #tpu.memory_space<vmem>>
    %dma_start3A_39 = arith.constant 0 : i32
    %dma_start3A_40 = arith.constant 0 : i32
    %dma_start3A_41 = tpu.memref_slice %arg2[%dma_start3A_39, %dma_start3A_40] : memref<10240x64xf32, #tpu.memory_space<hbm>> -> memref<10240x64xf32, #tpu.memory_space<hbm>>
    tpu.enqueue_indirect_dma source(%dma_start3A_41 : memref<10240x64xf32, #tpu.memory_space<hbm>>) target(%arg9 : memref<128x64xf32, #tpu.memory_space<vmem>>) offsets(%dma_start3A_38 : memref<128xi32, #tpu.memory_space<vmem>>) semaphore(%arg12 : memref<!tpu.dma_semaphore, #tpu.memory_space<semaphore_mem>>)
    %dma_wait3A = arith.constant 38 : i32
    %dma_wait3A_42 = arith.constant 0 : i32
    %dma_wait3A_43 = tpu.memref_slice %arg6[%dma_wait3A, %dma_wait3A_42] : memref<40x128xi32, #tpu.memory_space<vmem>> -> memref<1x128xi32, #tpu.memory_space<vmem>>
    %dma_wait3A_44 = tpu.memref_squeeze %dma_wait3A_43 : memref<1x128xi32, #tpu.memory_space<vmem>> -> memref<128xi32, #tpu.memory_space<vmem>>
    %dma_wait3A_45 = arith.constant 0 : i32
    %dma_wait3A_46 = arith.constant 0 : i32
    %dma_wait3A_47 = tpu.memref_slice %arg2[%dma_wait3A_45, %dma_wait3A_46] : memref<10240x64xf32, #tpu.memory_space<hbm>> -> memref<10240x64xf32, #tpu.memory_space<hbm>>
    tpu.wait_indirect_dma semaphore(%arg11 : memref<!tpu.dma_semaphore, #tpu.memory_space<semaphore_mem>>) src(%dma_wait3A_47 : memref<10240x64xf32, #tpu.memory_space<hbm>>) dst(%arg8 : memref<128x64xf32, #tpu.memory_space<vmem>>)
    %run_scoped3A_48 = arith.constant 38 : i32
    "tpu.region"() ({
      %run_scoped3A_118 = tpu.sem_alloc : memref<!tpu.dma_semaphore, #tpu.memory_space<semaphore_mem>>
      %dma_start3A_119 = arith.constant 0 : i32
      %dma_start3A_120 = tpu.memref_slice %arg7[%run_scoped3A_48, %dma_start3A_119] : memref<40x128xi32, #tpu.memory_space<vmem>> -> memref<1x128xi32, #tpu.memory_space<vmem>>
      %dma_start3A_121 = tpu.memref_squeeze %dma_start3A_120 : memref<1x128xi32, #tpu.memory_space<vmem>> -> memref<128xi32, #tpu.memory_space<vmem>>
      %dma_start3A_122 = arith.constant 0 : i32
      %dma_start3A_123 = arith.constant 0 : i32
      %dma_start3A_124 = tpu.memref_slice %arg10[%dma_start3A_122, %dma_start3A_123] : memref<10240x64xf32, #tpu.memory_space<vmem_shared>> -> memref<10240x64xf32, #tpu.memory_space<vmem_shared>>
      tpu.enqueue_indirect_dma source(%arg8 : memref<128x64xf32, #tpu.memory_space<vmem>>) target(%dma_start3A_124 : memref<10240x64xf32, #tpu.memory_space<vmem_shared>>) offsets(%dma_start3A_121 : memref<128xi32, #tpu.memory_space<vmem>>) semaphore(%run_scoped3A_118 : memref<!tpu.dma_semaphore, #tpu.memory_space<semaphore_mem>>) {add = true}
      %dma_wait3A_125 = arith.constant 0 : i32
      %dma_wait3A_126 = tpu.memref_slice %arg7[%run_scoped3A_48, %dma_wait3A_125] : memref<40x128xi32, #tpu.memory_space<vmem>> -> memref<1x128xi32, #tpu.memory_space<vmem>>
      %dma_wait3A_127 = tpu.memref_squeeze %dma_wait3A_126 : memref<1x128xi32, #tpu.memory_space<vmem>> -> memref<128xi32, #tpu.memory_space<vmem>>
      %dma_wait3A_128 = arith.constant 0 : i32
      %dma_wait3A_129 = arith.constant 0 : i32
      %dma_wait3A_130 = tpu.memref_slice %arg10[%dma_wait3A_128, %dma_wait3A_129] : memref<10240x64xf32, #tpu.memory_space<vmem_shared>> -> memref<10240x64xf32, #tpu.memory_space<vmem_shared>>
      tpu.wait_indirect_dma semaphore(%run_scoped3A_118 : memref<!tpu.dma_semaphore, #tpu.memory_space<semaphore_mem>>) src(%arg8 : memref<128x64xf32, #tpu.memory_space<vmem>>) dst(%dma_wait3A_130 : memref<10240x64xf32, #tpu.memory_space<vmem_shared>>)
      tpu.yield
    }) : () -> ()
    %dma_wait3A_49 = arith.constant 39 : i32
    %dma_wait3A_50 = arith.constant 0 : i32
    %dma_wait3A_51 = tpu.memref_slice %arg6[%dma_wait3A_49, %dma_wait3A_50] : memref<40x128xi32, #tpu.memory_space<vmem>> -> memref<1x128xi32, #tpu.memory_space<vmem>>
    %dma_wait3A_52 = tpu.memref_squeeze %dma_wait3A_51 : memref<1x128xi32, #tpu.memory_space<vmem>> -> memref<128xi32, #tpu.memory_space<vmem>>
    %dma_wait3A_53 = arith.constant 0 : i32
    %dma_wait3A_54 = arith.constant 0 : i32
    %dma_wait3A_55 = tpu.memref_slice %arg2[%dma_wait3A_53, %dma_wait3A_54] : memref<10240x64xf32, #tpu.memory_space<hbm>> -> memref<10240x64xf32, #tpu.memory_space<hbm>>
    tpu.wait_indirect_dma semaphore(%arg12 : memref<!tpu.dma_semaphore, #tpu.memory_space<semaphore_mem>>) src(%dma_wait3A_55 : memref<10240x64xf32, #tpu.memory_space<hbm>>) dst(%arg9 : memref<128x64xf32, #tpu.memory_space<vmem>>)
    %run_scoped3A_56 = arith.constant 39 : i32
    "tpu.region"() ({
      %run_scoped3A_118 = tpu.sem_alloc : memref<!tpu.dma_semaphore, #tpu.memory_space<semaphore_mem>>
      %dma_start3A_119 = arith.constant 0 : i32
      %dma_start3A_120 = tpu.memref_slice %arg7[%run_scoped3A_56, %dma_start3A_119] : memref<40x128xi32, #tpu.memory_space<vmem>> -> memref<1x128xi32, #tpu.memory_space<vmem>>
      %dma_start3A_121 = tpu.memref_squeeze %dma_start3A_120 : memref<1x128xi32, #tpu.memory_space<vmem>> -> memref<128xi32, #tpu.memory_space<vmem>>
      %dma_start3A_122 = arith.constant 0 : i32
      %dma_start3A_123 = arith.constant 0 : i32
      %dma_start3A_124 = tpu.memref_slice %arg10[%dma_start3A_122, %dma_start3A_123] : memref<10240x64xf32, #tpu.memory_space<vmem_shared>> -> memref<10240x64xf32, #tpu.memory_space<vmem_shared>>
      tpu.enqueue_indirect_dma source(%arg9 : memref<128x64xf32, #tpu.memory_space<vmem>>) target(%dma_start3A_124 : memref<10240x64xf32, #tpu.memory_space<vmem_shared>>) offsets(%dma_start3A_121 : memref<128xi32, #tpu.memory_space<vmem>>) semaphore(%run_scoped3A_118 : memref<!tpu.dma_semaphore, #tpu.memory_space<semaphore_mem>>) {add = true}
      %dma_wait3A_125 = arith.constant 0 : i32
      %dma_wait3A_126 = tpu.memref_slice %arg7[%run_scoped3A_56, %dma_wait3A_125] : memref<40x128xi32, #tpu.memory_space<vmem>> -> memref<1x128xi32, #tpu.memory_space<vmem>>
      %dma_wait3A_127 = tpu.memref_squeeze %dma_wait3A_126 : memref<1x128xi32, #tpu.memory_space<vmem>> -> memref<128xi32, #tpu.memory_space<vmem>>
      %dma_wait3A_128 = arith.constant 0 : i32
      %dma_wait3A_129 = arith.constant 0 : i32
      %dma_wait3A_130 = tpu.memref_slice %arg10[%dma_wait3A_128, %dma_wait3A_129] : memref<10240x64xf32, #tpu.memory_space<vmem_shared>> -> memref<10240x64xf32, #tpu.memory_space<vmem_shared>>
      tpu.wait_indirect_dma semaphore(%run_scoped3A_118 : memref<!tpu.dma_semaphore, #tpu.memory_space<semaphore_mem>>) src(%arg9 : memref<128x64xf32, #tpu.memory_space<vmem>>) dst(%dma_wait3A_130 : memref<10240x64xf32, #tpu.memory_space<vmem_shared>>)
      tpu.yield
    }) : () -> ()
    %run_scoped3A_57 = arith.constant 0 : i32
    %run_scoped3A_58 = arith.constant 1 : i32
    "tpu.region"() ({
      %run_scoped3A_118 = tpu.sem_alloc : memref<!tpu.dma_semaphore, #tpu.memory_space<semaphore_mem>>
      %dma_start3A_119 = arith.constant 0 : i32
      %dma_start3A_120 = arith.constant 0 : i32
      %dma_start3A_121 = arith.constant 0 : i32
      %dma_start3A_122 = arith.constant 0 : i32
      %dma_start3A_123 = tpu.memref_slice %arg3[%run_scoped3A_57, %dma_start3A_119, %dma_start3A_120, %dma_start3A_121, %dma_start3A_122] : memref<2x32x2x40x128xi32, #tpu.memory_space<hbm>> -> memref<1x32x2x40x128xi32, #tpu.memory_space<hbm>>
      %dma_start3A_124 = tpu.memref_squeeze %dma_start3A_123 : memref<1x32x2x40x128xi32, #tpu.memory_space<hbm>> -> memref<32x2x40x128xi32, #tpu.memory_space<hbm>>
      %dma_start3A_125 = arith.constant 0 : i32
      %dma_start3A_126 = arith.constant 0 : i32
      %dma_start3A_127 = arith.constant 0 : i32
      %dma_start3A_128 = tpu.memref_slice %dma_start3A_124[%add3A, %dma_start3A_125, %dma_start3A_126, %dma_start3A_127] : memref<32x2x40x128xi32, #tpu.memory_space<hbm>> -> memref<1x2x40x128xi32, #tpu.memory_space<hbm>>
      %dma_start3A_129 = tpu.memref_squeeze %dma_start3A_128 : memref<1x2x40x128xi32, #tpu.memory_space<hbm>> -> memref<2x40x128xi32, #tpu.memory_space<hbm>>
      %dma_start3A_130 = arith.constant 0 : i32
      %dma_start3A_131 = arith.constant 0 : i32
      %dma_start3A_132 = tpu.memref_slice %dma_start3A_129[%run_scoped3A_58, %dma_start3A_130, %dma_start3A_131] : memref<2x40x128xi32, #tpu.memory_space<hbm>> -> memref<1x40x128xi32, #tpu.memory_space<hbm>>
      %dma_start3A_133 = tpu.memref_squeeze %dma_start3A_132 : memref<1x40x128xi32, #tpu.memory_space<hbm>> -> memref<40x128xi32, #tpu.memory_space<hbm>>
      %dma_start3A_134 = arith.constant 0 : i32
      %dma_start3A_135 = arith.constant 0 : i32
      %dma_start3A_136 = arith.constant 0 : i32
      %dma_start3A_137 = arith.constant 0 : i32
      %dma_start3A_138 = tpu.memref_slice %arg3[%run_scoped3A_57, %dma_start3A_134, %dma_start3A_135, %dma_start3A_136, %dma_start3A_137] : memref<2x32x2x40x128xi32, #tpu.memory_space<hbm>> -> memref<1x32x2x40x128xi32, #tpu.memory_space<hbm>>
      %dma_start3A_139 = tpu.memref_squeeze %dma_start3A_138 : memref<1x32x2x40x128xi32, #tpu.memory_space<hbm>> -> memref<32x2x40x128xi32, #tpu.memory_space<hbm>>
      %dma_start3A_140 = arith.constant 0 : i32
      %dma_start3A_141 = arith.constant 0 : i32
      %dma_start3A_142 = arith.constant 0 : i32
      %dma_start3A_143 = tpu.memref_slice %dma_start3A_139[%add3A, %dma_start3A_140, %dma_start3A_141, %dma_start3A_142] : memref<32x2x40x128xi32, #tpu.memory_space<hbm>> -> memref<1x2x40x128xi32, #tpu.memory_space<hbm>>
      %dma_start3A_144 = tpu.memref_squeeze %dma_start3A_143 : memref<1x2x40x128xi32, #tpu.memory_space<hbm>> -> memref<2x40x128xi32, #tpu.memory_space<hbm>>
      %dma_start3A_145 = arith.constant 0 : i32
      %dma_start3A_146 = arith.constant 0 : i32
      %dma_start3A_147 = tpu.memref_slice %dma_start3A_144[%run_scoped3A_58, %dma_start3A_145, %dma_start3A_146] : memref<2x40x128xi32, #tpu.memory_space<hbm>> -> memref<1x40x128xi32, #tpu.memory_space<hbm>>
      %dma_start3A_148 = tpu.memref_squeeze %dma_start3A_147 : memref<1x40x128xi32, #tpu.memory_space<hbm>> -> memref<40x128xi32, #tpu.memory_space<hbm>>
      tpu.enqueue_dma source(%dma_start3A_148 : memref<40x128xi32, #tpu.memory_space<hbm>>) target(%arg6 : memref<40x128xi32, #tpu.memory_space<vmem>>) target_semaphore(%run_scoped3A_118 : memref<!tpu.dma_semaphore, #tpu.memory_space<semaphore_mem>>)
      %dma_wait3A_149 = arith.constant 0 : i32
      %dma_wait3A_150 = arith.constant 0 : i32
      %dma_wait3A_151 = arith.constant 0 : i32
      %dma_wait3A_152 = arith.constant 0 : i32
      %dma_wait3A_153 = tpu.memref_slice %arg3[%run_scoped3A_57, %dma_wait3A_149, %dma_wait3A_150, %dma_wait3A_151, %dma_wait3A_152] : memref<2x32x2x40x128xi32, #tpu.memory_space<hbm>> -> memref<1x32x2x40x128xi32, #tpu.memory_space<hbm>>
      %dma_wait3A_154 = tpu.memref_squeeze %dma_wait3A_153 : memref<1x32x2x40x128xi32, #tpu.memory_space<hbm>> -> memref<32x2x40x128xi32, #tpu.memory_space<hbm>>
      %dma_wait3A_155 = arith.constant 0 : i32
      %dma_wait3A_156 = arith.constant 0 : i32
      %dma_wait3A_157 = arith.constant 0 : i32
      %dma_wait3A_158 = tpu.memref_slice %dma_wait3A_154[%add3A, %dma_wait3A_155, %dma_wait3A_156, %dma_wait3A_157] : memref<32x2x40x128xi32, #tpu.memory_space<hbm>> -> memref<1x2x40x128xi32, #tpu.memory_space<hbm>>
      %dma_wait3A_159 = tpu.memref_squeeze %dma_wait3A_158 : memref<1x2x40x128xi32, #tpu.memory_space<hbm>> -> memref<2x40x128xi32, #tpu.memory_space<hbm>>
      %dma_wait3A_160 = arith.constant 0 : i32
      %dma_wait3A_161 = arith.constant 0 : i32
      %dma_wait3A_162 = tpu.memref_slice %dma_wait3A_159[%run_scoped3A_58, %dma_wait3A_160, %dma_wait3A_161] : memref<2x40x128xi32, #tpu.memory_space<hbm>> -> memref<1x40x128xi32, #tpu.memory_space<hbm>>
      %dma_wait3A_163 = tpu.memref_squeeze %dma_wait3A_162 : memref<1x40x128xi32, #tpu.memory_space<hbm>> -> memref<40x128xi32, #tpu.memory_space<hbm>>
      %dma_wait3A_164 = arith.constant 0 : i32
      %dma_wait3A_165 = arith.constant 0 : i32
      %dma_wait3A_166 = arith.constant 0 : i32
      %dma_wait3A_167 = arith.constant 0 : i32
      %dma_wait3A_168 = tpu.memref_slice %arg3[%run_scoped3A_57, %dma_wait3A_164, %dma_wait3A_165, %dma_wait3A_166, %dma_wait3A_167] : memref<2x32x2x40x128xi32, #tpu.memory_space<hbm>> -> memref<1x32x2x40x128xi32, #tpu.memory_space<hbm>>
      %dma_wait3A_169 = tpu.memref_squeeze %dma_wait3A_168 : memref<1x32x2x40x128xi32, #tpu.memory_space<hbm>> -> memref<32x2x40x128xi32, #tpu.memory_space<hbm>>
      %dma_wait3A_170 = arith.constant 0 : i32
      %dma_wait3A_171 = arith.constant 0 : i32
      %dma_wait3A_172 = arith.constant 0 : i32
      %dma_wait3A_173 = tpu.memref_slice %dma_wait3A_169[%add3A, %dma_wait3A_170, %dma_wait3A_171, %dma_wait3A_172] : memref<32x2x40x128xi32, #tpu.memory_space<hbm>> -> memref<1x2x40x128xi32, #tpu.memory_space<hbm>>
      %dma_wait3A_174 = tpu.memref_squeeze %dma_wait3A_173 : memref<1x2x40x128xi32, #tpu.memory_space<hbm>> -> memref<2x40x128xi32, #tpu.memory_space<hbm>>
      %dma_wait3A_175 = arith.constant 0 : i32
      %dma_wait3A_176 = arith.constant 0 : i32
      %dma_wait3A_177 = tpu.memref_slice %dma_wait3A_174[%run_scoped3A_58, %dma_wait3A_175, %dma_wait3A_176] : memref<2x40x128xi32, #tpu.memory_space<hbm>> -> memref<1x40x128xi32, #tpu.memory_space<hbm>>
      %dma_wait3A_178 = tpu.memref_squeeze %dma_wait3A_177 : memref<1x40x128xi32, #tpu.memory_space<hbm>> -> memref<40x128xi32, #tpu.memory_space<hbm>>
      tpu.wait_dma2 semaphore(%run_scoped3A_118 : memref<!tpu.dma_semaphore, #tpu.memory_space<semaphore_mem>>) src(%dma_wait3A_178 : memref<40x128xi32, #tpu.memory_space<hbm>>) dst(%arg6 : memref<40x128xi32, #tpu.memory_space<vmem>>)
      tpu.yield
    }) : () -> ()
    %run_scoped3A_59 = arith.constant 1 : i32
    %run_scoped3A_60 = arith.constant 1 : i32
    "tpu.region"() ({
      %run_scoped3A_118 = tpu.sem_alloc : memref<!tpu.dma_semaphore, #tpu.memory_space<semaphore_mem>>
      %dma_start3A_119 = arith.constant 0 : i32
      %dma_start3A_120 = arith.constant 0 : i32
      %dma_start3A_121 = arith.constant 0 : i32
      %dma_start3A_122 = arith.constant 0 : i32
      %dma_start3A_123 = tpu.memref_slice %arg3[%run_scoped3A_59, %dma_start3A_119, %dma_start3A_120, %dma_start3A_121, %dma_start3A_122] : memref<2x32x2x40x128xi32, #tpu.memory_space<hbm>> -> memref<1x32x2x40x128xi32, #tpu.memory_space<hbm>>
      %dma_start3A_124 = tpu.memref_squeeze %dma_start3A_123 : memref<1x32x2x40x128xi32, #tpu.memory_space<hbm>> -> memref<32x2x40x128xi32, #tpu.memory_space<hbm>>
      %dma_start3A_125 = arith.constant 0 : i32
      %dma_start3A_126 = arith.constant 0 : i32
      %dma_start3A_127 = arith.constant 0 : i32
      %dma_start3A_128 = tpu.memref_slice %dma_start3A_124[%add3A, %dma_start3A_125, %dma_start3A_126, %dma_start3A_127] : memref<32x2x40x128xi32, #tpu.memory_space<hbm>> -> memref<1x2x40x128xi32, #tpu.memory_space<hbm>>
      %dma_start3A_129 = tpu.memref_squeeze %dma_start3A_128 : memref<1x2x40x128xi32, #tpu.memory_space<hbm>> -> memref<2x40x128xi32, #tpu.memory_space<hbm>>
      %dma_start3A_130 = arith.constant 0 : i32
      %dma_start3A_131 = arith.constant 0 : i32
      %dma_start3A_132 = tpu.memref_slice %dma_start3A_129[%run_scoped3A_60, %dma_start3A_130, %dma_start3A_131] : memref<2x40x128xi32, #tpu.memory_space<hbm>> -> memref<1x40x128xi32, #tpu.memory_space<hbm>>
      %dma_start3A_133 = tpu.memref_squeeze %dma_start3A_132 : memref<1x40x128xi32, #tpu.memory_space<hbm>> -> memref<40x128xi32, #tpu.memory_space<hbm>>
      %dma_start3A_134 = arith.constant 0 : i32
      %dma_start3A_135 = arith.constant 0 : i32
      %dma_start3A_136 = arith.constant 0 : i32
      %dma_start3A_137 = arith.constant 0 : i32
      %dma_start3A_138 = tpu.memref_slice %arg3[%run_scoped3A_59, %dma_start3A_134, %dma_start3A_135, %dma_start3A_136, %dma_start3A_137] : memref<2x32x2x40x128xi32, #tpu.memory_space<hbm>> -> memref<1x32x2x40x128xi32, #tpu.memory_space<hbm>>
      %dma_start3A_139 = tpu.memref_squeeze %dma_start3A_138 : memref<1x32x2x40x128xi32, #tpu.memory_space<hbm>> -> memref<32x2x40x128xi32, #tpu.memory_space<hbm>>
      %dma_start3A_140 = arith.constant 0 : i32
      %dma_start3A_141 = arith.constant 0 : i32
      %dma_start3A_142 = arith.constant 0 : i32
      %dma_start3A_143 = tpu.memref_slice %dma_start3A_139[%add3A, %dma_start3A_140, %dma_start3A_141, %dma_start3A_142] : memref<32x2x40x128xi32, #tpu.memory_space<hbm>> -> memref<1x2x40x128xi32, #tpu.memory_space<hbm>>
      %dma_start3A_144 = tpu.memref_squeeze %dma_start3A_143 : memref<1x2x40x128xi32, #tpu.memory_space<hbm>> -> memref<2x40x128xi32, #tpu.memory_space<hbm>>
      %dma_start3A_145 = arith.constant 0 : i32
      %dma_start3A_146 = arith.constant 0 : i32
      %dma_start3A_147 = tpu.memref_slice %dma_start3A_144[%run_scoped3A_60, %dma_start3A_145, %dma_start3A_146] : memref<2x40x128xi32, #tpu.memory_space<hbm>> -> memref<1x40x128xi32, #tpu.memory_space<hbm>>
      %dma_start3A_148 = tpu.memref_squeeze %dma_start3A_147 : memref<1x40x128xi32, #tpu.memory_space<hbm>> -> memref<40x128xi32, #tpu.memory_space<hbm>>
      tpu.enqueue_dma source(%dma_start3A_148 : memref<40x128xi32, #tpu.memory_space<hbm>>) target(%arg7 : memref<40x128xi32, #tpu.memory_space<vmem>>) target_semaphore(%run_scoped3A_118 : memref<!tpu.dma_semaphore, #tpu.memory_space<semaphore_mem>>)
      %dma_wait3A_149 = arith.constant 0 : i32
      %dma_wait3A_150 = arith.constant 0 : i32
      %dma_wait3A_151 = arith.constant 0 : i32
      %dma_wait3A_152 = arith.constant 0 : i32
      %dma_wait3A_153 = tpu.memref_slice %arg3[%run_scoped3A_59, %dma_wait3A_149, %dma_wait3A_150, %dma_wait3A_151, %dma_wait3A_152] : memref<2x32x2x40x128xi32, #tpu.memory_space<hbm>> -> memref<1x32x2x40x128xi32, #tpu.memory_space<hbm>>
      %dma_wait3A_154 = tpu.memref_squeeze %dma_wait3A_153 : memref<1x32x2x40x128xi32, #tpu.memory_space<hbm>> -> memref<32x2x40x128xi32, #tpu.memory_space<hbm>>
      %dma_wait3A_155 = arith.constant 0 : i32
      %dma_wait3A_156 = arith.constant 0 : i32
      %dma_wait3A_157 = arith.constant 0 : i32
      %dma_wait3A_158 = tpu.memref_slice %dma_wait3A_154[%add3A, %dma_wait3A_155, %dma_wait3A_156, %dma_wait3A_157] : memref<32x2x40x128xi32, #tpu.memory_space<hbm>> -> memref<1x2x40x128xi32, #tpu.memory_space<hbm>>
      %dma_wait3A_159 = tpu.memref_squeeze %dma_wait3A_158 : memref<1x2x40x128xi32, #tpu.memory_space<hbm>> -> memref<2x40x128xi32, #tpu.memory_space<hbm>>
      %dma_wait3A_160 = arith.constant 0 : i32
      %dma_wait3A_161 = arith.constant 0 : i32
      %dma_wait3A_162 = tpu.memref_slice %dma_wait3A_159[%run_scoped3A_60, %dma_wait3A_160, %dma_wait3A_161] : memref<2x40x128xi32, #tpu.memory_space<hbm>> -> memref<1x40x128xi32, #tpu.memory_space<hbm>>
      %dma_wait3A_163 = tpu.memref_squeeze %dma_wait3A_162 : memref<1x40x128xi32, #tpu.memory_space<hbm>> -> memref<40x128xi32, #tpu.memory_space<hbm>>
      %dma_wait3A_164 = arith.constant 0 : i32
      %dma_wait3A_165 = arith.constant 0 : i32
      %dma_wait3A_166 = arith.constant 0 : i32
      %dma_wait3A_167 = arith.constant 0 : i32
      %dma_wait3A_168 = tpu.memref_slice %arg3[%run_scoped3A_59, %dma_wait3A_164, %dma_wait3A_165, %dma_wait3A_166, %dma_wait3A_167] : memref<2x32x2x40x128xi32, #tpu.memory_space<hbm>> -> memref<1x32x2x40x128xi32, #tpu.memory_space<hbm>>
      %dma_wait3A_169 = tpu.memref_squeeze %dma_wait3A_168 : memref<1x32x2x40x128xi32, #tpu.memory_space<hbm>> -> memref<32x2x40x128xi32, #tpu.memory_space<hbm>>
      %dma_wait3A_170 = arith.constant 0 : i32
      %dma_wait3A_171 = arith.constant 0 : i32
      %dma_wait3A_172 = arith.constant 0 : i32
      %dma_wait3A_173 = tpu.memref_slice %dma_wait3A_169[%add3A, %dma_wait3A_170, %dma_wait3A_171, %dma_wait3A_172] : memref<32x2x40x128xi32, #tpu.memory_space<hbm>> -> memref<1x2x40x128xi32, #tpu.memory_space<hbm>>
      %dma_wait3A_174 = tpu.memref_squeeze %dma_wait3A_173 : memref<1x2x40x128xi32, #tpu.memory_space<hbm>> -> memref<2x40x128xi32, #tpu.memory_space<hbm>>
      %dma_wait3A_175 = arith.constant 0 : i32
      %dma_wait3A_176 = arith.constant 0 : i32
      %dma_wait3A_177 = tpu.memref_slice %dma_wait3A_174[%run_scoped3A_60, %dma_wait3A_175, %dma_wait3A_176] : memref<2x40x128xi32, #tpu.memory_space<hbm>> -> memref<1x40x128xi32, #tpu.memory_space<hbm>>
      %dma_wait3A_178 = tpu.memref_squeeze %dma_wait3A_177 : memref<1x40x128xi32, #tpu.memory_space<hbm>> -> memref<40x128xi32, #tpu.memory_space<hbm>>
      tpu.wait_dma2 semaphore(%run_scoped3A_118 : memref<!tpu.dma_semaphore, #tpu.memory_space<semaphore_mem>>) src(%dma_wait3A_178 : memref<40x128xi32, #tpu.memory_space<hbm>>) dst(%arg7 : memref<40x128xi32, #tpu.memory_space<vmem>>)
      tpu.yield
    }) : () -> ()
    %dma_start3A_61 = arith.constant 0 : i32
    %dma_start3A_62 = arith.constant 0 : i32
    %dma_start3A_63 = tpu.memref_slice %arg6[%dma_start3A_61, %dma_start3A_62] : memref<40x128xi32, #tpu.memory_space<vmem>> -> memref<1x128xi32, #tpu.memory_space<vmem>>
    %dma_start3A_64 = tpu.memref_squeeze %dma_start3A_63 : memref<1x128xi32, #tpu.memory_space<vmem>> -> memref<128xi32, #tpu.memory_space<vmem>>
    %dma_start3A_65 = arith.constant 0 : i32
    %dma_start3A_66 = arith.constant 0 : i32
    %dma_start3A_67 = tpu.memref_slice %arg2[%dma_start3A_65, %dma_start3A_66] : memref<10240x64xf32, #tpu.memory_space<hbm>> -> memref<10240x64xf32, #tpu.memory_space<hbm>>
    tpu.enqueue_indirect_dma source(%dma_start3A_67 : memref<10240x64xf32, #tpu.memory_space<hbm>>) target(%arg8 : memref<128x64xf32, #tpu.memory_space<vmem>>) offsets(%dma_start3A_64 : memref<128xi32, #tpu.memory_space<vmem>>) semaphore(%arg11 : memref<!tpu.dma_semaphore, #tpu.memory_space<semaphore_mem>>)
    %scan3A_68 = arith.constant 0 : i32
    %scan3A_69 = arith.constant 0 : i32
    %scan3A_70 = arith.constant 19 : i32
    %scan3A_71 = arith.addi %scan3A_69, %scan3A_70 : i32
    %scan3A_72 = arith.constant 1 : i32
    scf.for %scan3A_118 = %scan3A_69 to %scan3A_71 step %scan3A_72  : i32 {
      %mul3A_119 = arith.constant 2 : i32
      %mul3A_120 = arith.muli %mul3A_119, %scan3A_118 : i32
      %add3A_121 = arith.constant 1 : i32
      %add3A_122 = arith.addi %mul3A_120, %add3A_121 : i32
      %dma_start3A_123 = arith.constant 0 : i32
      %dma_start3A_124 = tpu.memref_slice %arg6[%add3A_122, %dma_start3A_123] : memref<40x128xi32, #tpu.memory_space<vmem>> -> memref<1x128xi32, #tpu.memory_space<vmem>>
      %dma_start3A_125 = tpu.memref_squeeze %dma_start3A_124 : memref<1x128xi32, #tpu.memory_space<vmem>> -> memref<128xi32, #tpu.memory_space<vmem>>
      %dma_start3A_126 = arith.constant 0 : i32
      %dma_start3A_127 = arith.constant 0 : i32
      %dma_start3A_128 = tpu.memref_slice %arg2[%dma_start3A_126, %dma_start3A_127] : memref<10240x64xf32, #tpu.memory_space<hbm>> -> memref<10240x64xf32, #tpu.memory_space<hbm>>
      tpu.enqueue_indirect_dma source(%dma_start3A_128 : memref<10240x64xf32, #tpu.memory_space<hbm>>) target(%arg9 : memref<128x64xf32, #tpu.memory_space<vmem>>) offsets(%dma_start3A_125 : memref<128xi32, #tpu.memory_space<vmem>>) semaphore(%arg12 : memref<!tpu.dma_semaphore, #tpu.memory_space<semaphore_mem>>)
      %dma_wait3A_129 = arith.constant 0 : i32
      %dma_wait3A_130 = tpu.memref_slice %arg6[%mul3A_120, %dma_wait3A_129] : memref<40x128xi32, #tpu.memory_space<vmem>> -> memref<1x128xi32, #tpu.memory_space<vmem>>
      %dma_wait3A_131 = tpu.memref_squeeze %dma_wait3A_130 : memref<1x128xi32, #tpu.memory_space<vmem>> -> memref<128xi32, #tpu.memory_space<vmem>>
      %dma_wait3A_132 = arith.constant 0 : i32
      %dma_wait3A_133 = arith.constant 0 : i32
      %dma_wait3A_134 = tpu.memref_slice %arg2[%dma_wait3A_132, %dma_wait3A_133] : memref<10240x64xf32, #tpu.memory_space<hbm>> -> memref<10240x64xf32, #tpu.memory_space<hbm>>
      tpu.wait_indirect_dma semaphore(%arg11 : memref<!tpu.dma_semaphore, #tpu.memory_space<semaphore_mem>>) src(%dma_wait3A_134 : memref<10240x64xf32, #tpu.memory_space<hbm>>) dst(%arg8 : memref<128x64xf32, #tpu.memory_space<vmem>>)
      "tpu.region"() ({
        %run_scoped3A_153 = tpu.sem_alloc : memref<!tpu.dma_semaphore, #tpu.memory_space<semaphore_mem>>
        %dma_start3A_154 = arith.constant 0 : i32
        %dma_start3A_155 = tpu.memref_slice %arg7[%mul3A_120, %dma_start3A_154] : memref<40x128xi32, #tpu.memory_space<vmem>> -> memref<1x128xi32, #tpu.memory_space<vmem>>
        %dma_start3A_156 = tpu.memref_squeeze %dma_start3A_155 : memref<1x128xi32, #tpu.memory_space<vmem>> -> memref<128xi32, #tpu.memory_space<vmem>>
        %dma_start3A_157 = arith.constant 0 : i32
        %dma_start3A_158 = arith.constant 0 : i32
        %dma_start3A_159 = tpu.memref_slice %arg10[%dma_start3A_157, %dma_start3A_158] : memref<10240x64xf32, #tpu.memory_space<vmem_shared>> -> memref<10240x64xf32, #tpu.memory_space<vmem_shared>>
        tpu.enqueue_indirect_dma source(%arg8 : memref<128x64xf32, #tpu.memory_space<vmem>>) target(%dma_start3A_159 : memref<10240x64xf32, #tpu.memory_space<vmem_shared>>) offsets(%dma_start3A_156 : memref<128xi32, #tpu.memory_space<vmem>>) semaphore(%run_scoped3A_153 : memref<!tpu.dma_semaphore, #tpu.memory_space<semaphore_mem>>) {add = true}
        %dma_wait3A_160 = arith.constant 0 : i32
        %dma_wait3A_161 = tpu.memref_slice %arg7[%mul3A_120, %dma_wait3A_160] : memref<40x128xi32, #tpu.memory_space<vmem>> -> memref<1x128xi32, #tpu.memory_space<vmem>>
        %dma_wait3A_162 = tpu.memref_squeeze %dma_wait3A_161 : memref<1x128xi32, #tpu.memory_space<vmem>> -> memref<128xi32, #tpu.memory_space<vmem>>
        %dma_wait3A_163 = arith.constant 0 : i32
        %dma_wait3A_164 = arith.constant 0 : i32
        %dma_wait3A_165 = tpu.memref_slice %arg10[%dma_wait3A_163, %dma_wait3A_164] : memref<10240x64xf32, #tpu.memory_space<vmem_shared>> -> memref<10240x64xf32, #tpu.memory_space<vmem_shared>>
        tpu.wait_indirect_dma semaphore(%run_scoped3A_153 : memref<!tpu.dma_semaphore, #tpu.memory_space<semaphore_mem>>) src(%arg8 : memref<128x64xf32, #tpu.memory_space<vmem>>) dst(%dma_wait3A_165 : memref<10240x64xf32, #tpu.memory_space<vmem_shared>>)
        tpu.yield
      }) : () -> ()
      %add3A_135 = arith.constant 2 : i32
      %add3A_136 = arith.addi %mul3A_120, %add3A_135 : i32
      %dma_start3A_137 = arith.constant 0 : i32
      %dma_start3A_138 = tpu.memref_slice %arg6[%add3A_136, %dma_start3A_137] : memref<40x128xi32, #tpu.memory_space<vmem>> -> memref<1x128xi32, #tpu.memory_space<vmem>>
      %dma_start3A_139 = tpu.memref_squeeze %dma_start3A_138 : memref<1x128xi32, #tpu.memory_space<vmem>> -> memref<128xi32, #tpu.memory_space<vmem>>
      %dma_start3A_140 = arith.constant 0 : i32
      %dma_start3A_141 = arith.constant 0 : i32
      %dma_start3A_142 = tpu.memref_slice %arg2[%dma_start3A_140, %dma_start3A_141] : memref<10240x64xf32, #tpu.memory_space<hbm>> -> memref<10240x64xf32, #tpu.memory_space<hbm>>
      tpu.enqueue_indirect_dma source(%dma_start3A_142 : memref<10240x64xf32, #tpu.memory_space<hbm>>) target(%arg8 : memref<128x64xf32, #tpu.memory_space<vmem>>) offsets(%dma_start3A_139 : memref<128xi32, #tpu.memory_space<vmem>>) semaphore(%arg11 : memref<!tpu.dma_semaphore, #tpu.memory_space<semaphore_mem>>)
      %add3A_143 = arith.constant 1 : i32
      %add3A_144 = arith.addi %mul3A_120, %add3A_143 : i32
      %dma_wait3A_145 = arith.constant 0 : i32
      %dma_wait3A_146 = tpu.memref_slice %arg6[%add3A_144, %dma_wait3A_145] : memref<40x128xi32, #tpu.memory_space<vmem>> -> memref<1x128xi32, #tpu.memory_space<vmem>>
      %dma_wait3A_147 = tpu.memref_squeeze %dma_wait3A_146 : memref<1x128xi32, #tpu.memory_space<vmem>> -> memref<128xi32, #tpu.memory_space<vmem>>
      %dma_wait3A_148 = arith.constant 0 : i32
      %dma_wait3A_149 = arith.constant 0 : i32
      %dma_wait3A_150 = tpu.memref_slice %arg2[%dma_wait3A_148, %dma_wait3A_149] : memref<10240x64xf32, #tpu.memory_space<hbm>> -> memref<10240x64xf32, #tpu.memory_space<hbm>>
      tpu.wait_indirect_dma semaphore(%arg12 : memref<!tpu.dma_semaphore, #tpu.memory_space<semaphore_mem>>) src(%dma_wait3A_150 : memref<10240x64xf32, #tpu.memory_space<hbm>>) dst(%arg9 : memref<128x64xf32, #tpu.memory_space<vmem>>)
      %add3A_151 = arith.constant 1 : i32
      %add3A_152 = arith.addi %mul3A_120, %add3A_151 : i32
      "tpu.region"() ({
        %run_scoped3A_153 = tpu.sem_alloc : memref<!tpu.dma_semaphore, #tpu.memory_space<semaphore_mem>>
        %dma_start3A_154 = arith.constant 0 : i32
        %dma_start3A_155 = tpu.memref_slice %arg7[%add3A_152, %dma_start3A_154] : memref<40x128xi32, #tpu.memory_space<vmem>> -> memref<1x128xi32, #tpu.memory_space<vmem>>
        %dma_start3A_156 = tpu.memref_squeeze %dma_start3A_155 : memref<1x128xi32, #tpu.memory_space<vmem>> -> memref<128xi32, #tpu.memory_space<vmem>>
        %dma_start3A_157 = arith.constant 0 : i32
        %dma_start3A_158 = arith.constant 0 : i32
        %dma_start3A_159 = tpu.memref_slice %arg10[%dma_start3A_157, %dma_start3A_158] : memref<10240x64xf32, #tpu.memory_space<vmem_shared>> -> memref<10240x64xf32, #tpu.memory_space<vmem_shared>>
        tpu.enqueue_indirect_dma source(%arg9 : memref<128x64xf32, #tpu.memory_space<vmem>>) target(%dma_start3A_159 : memref<10240x64xf32, #tpu.memory_space<vmem_shared>>) offsets(%dma_start3A_156 : memref<128xi32, #tpu.memory_space<vmem>>) semaphore(%run_scoped3A_153 : memref<!tpu.dma_semaphore, #tpu.memory_space<semaphore_mem>>) {add = true}
        %dma_wait3A_160 = arith.constant 0 : i32
        %dma_wait3A_161 = tpu.memref_slice %arg7[%add3A_152, %dma_wait3A_160] : memref<40x128xi32, #tpu.memory_space<vmem>> -> memref<1x128xi32, #tpu.memory_space<vmem>>
        %dma_wait3A_162 = tpu.memref_squeeze %dma_wait3A_161 : memref<1x128xi32, #tpu.memory_space<vmem>> -> memref<128xi32, #tpu.memory_space<vmem>>
        %dma_wait3A_163 = arith.constant 0 : i32
        %dma_wait3A_164 = arith.constant 0 : i32
        %dma_wait3A_165 = tpu.memref_slice %arg10[%dma_wait3A_163, %dma_wait3A_164] : memref<10240x64xf32, #tpu.memory_space<vmem_shared>> -> memref<10240x64xf32, #tpu.memory_space<vmem_shared>>
        tpu.wait_indirect_dma semaphore(%run_scoped3A_153 : memref<!tpu.dma_semaphore, #tpu.memory_space<semaphore_mem>>) src(%arg9 : memref<128x64xf32, #tpu.memory_space<vmem>>) dst(%dma_wait3A_165 : memref<10240x64xf32, #tpu.memory_space<vmem_shared>>)
        tpu.yield
      }) : () -> ()
    }
    %scan3A_73 = arith.constant 19 : i32
    %dma_start3A_74 = arith.constant 39 : i32
    %dma_start3A_75 = arith.constant 0 : i32
    %dma_start3A_76 = tpu.memref_slice %arg6[%dma_start3A_74, %dma_start3A_75] : memref<40x128xi32, #tpu.memory_space<vmem>> -> memref<1x128xi32, #tpu.memory_space<vmem>>
    %dma_start3A_77 = tpu.memref_squeeze %dma_start3A_76 : memref<1x128xi32, #tpu.memory_space<vmem>> -> memref<128xi32, #tpu.memory_space<vmem>>
    %dma_start3A_78 = arith.constant 0 : i32
    %dma_start3A_79 = arith.constant 0 : i32
    %dma_start3A_80 = tpu.memref_slice %arg2[%dma_start3A_78, %dma_start3A_79] : memref<10240x64xf32, #tpu.memory_space<hbm>> -> memref<10240x64xf32, #tpu.memory_space<hbm>>
    tpu.enqueue_indirect_dma source(%dma_start3A_80 : memref<10240x64xf32, #tpu.memory_space<hbm>>) target(%arg9 : memref<128x64xf32, #tpu.memory_space<vmem>>) offsets(%dma_start3A_77 : memref<128xi32, #tpu.memory_space<vmem>>) semaphore(%arg12 : memref<!tpu.dma_semaphore, #tpu.memory_space<semaphore_mem>>)
    %dma_wait3A_81 = arith.constant 38 : i32
    %dma_wait3A_82 = arith.constant 0 : i32
    %dma_wait3A_83 = tpu.memref_slice %arg6[%dma_wait3A_81, %dma_wait3A_82] : memref<40x128xi32, #tpu.memory_space<vmem>> -> memref<1x128xi32, #tpu.memory_space<vmem>>
    %dma_wait3A_84 = tpu.memref_squeeze %dma_wait3A_83 : memref<1x128xi32, #tpu.memory_space<vmem>> -> memref<128xi32, #tpu.memory_space<vmem>>
    %dma_wait3A_85 = arith.constant 0 : i32
    %dma_wait3A_86 = arith.constant 0 : i32
    %dma_wait3A_87 = tpu.memref_slice %arg2[%dma_wait3A_85, %dma_wait3A_86] : memref<10240x64xf32, #tpu.memory_space<hbm>> -> memref<10240x64xf32, #tpu.memory_space<hbm>>
    tpu.wait_indirect_dma semaphore(%arg11 : memref<!tpu.dma_semaphore, #tpu.memory_space<semaphore_mem>>) src(%dma_wait3A_87 : memref<10240x64xf32, #tpu.memory_space<hbm>>) dst(%arg8 : memref<128x64xf32, #tpu.memory_space<vmem>>)
    %run_scoped3A_88 = arith.constant 38 : i32
    "tpu.region"() ({
      %run_scoped3A_118 = tpu.sem_alloc : memref<!tpu.dma_semaphore, #tpu.memory_space<semaphore_mem>>
      %dma_start3A_119 = arith.constant 0 : i32
      %dma_start3A_120 = tpu.memref_slice %arg7[%run_scoped3A_88, %dma_start3A_119] : memref<40x128xi32, #tpu.memory_space<vmem>> -> memref<1x128xi32, #tpu.memory_space<vmem>>
      %dma_start3A_121 = tpu.memref_squeeze %dma_start3A_120 : memref<1x128xi32, #tpu.memory_space<vmem>> -> memref<128xi32, #tpu.memory_space<vmem>>
      %dma_start3A_122 = arith.constant 0 : i32
      %dma_start3A_123 = arith.constant 0 : i32
      %dma_start3A_124 = tpu.memref_slice %arg10[%dma_start3A_122, %dma_start3A_123] : memref<10240x64xf32, #tpu.memory_space<vmem_shared>> -> memref<10240x64xf32, #tpu.memory_space<vmem_shared>>
      tpu.enqueue_indirect_dma source(%arg8 : memref<128x64xf32, #tpu.memory_space<vmem>>) target(%dma_start3A_124 : memref<10240x64xf32, #tpu.memory_space<vmem_shared>>) offsets(%dma_start3A_121 : memref<128xi32, #tpu.memory_space<vmem>>) semaphore(%run_scoped3A_118 : memref<!tpu.dma_semaphore, #tpu.memory_space<semaphore_mem>>) {add = true}
      %dma_wait3A_125 = arith.constant 0 : i32
      %dma_wait3A_126 = tpu.memref_slice %arg7[%run_scoped3A_88, %dma_wait3A_125] : memref<40x128xi32, #tpu.memory_space<vmem>> -> memref<1x128xi32, #tpu.memory_space<vmem>>
      %dma_wait3A_127 = tpu.memref_squeeze %dma_wait3A_126 : memref<1x128xi32, #tpu.memory_space<vmem>> -> memref<128xi32, #tpu.memory_space<vmem>>
      %dma_wait3A_128 = arith.constant 0 : i32
      %dma_wait3A_129 = arith.constant 0 : i32
      %dma_wait3A_130 = tpu.memref_slice %arg10[%dma_wait3A_128, %dma_wait3A_129] : memref<10240x64xf32, #tpu.memory_space<vmem_shared>> -> memref<10240x64xf32, #tpu.memory_space<vmem_shared>>
      tpu.wait_indirect_dma semaphore(%run_scoped3A_118 : memref<!tpu.dma_semaphore, #tpu.memory_space<semaphore_mem>>) src(%arg8 : memref<128x64xf32, #tpu.memory_space<vmem>>) dst(%dma_wait3A_130 : memref<10240x64xf32, #tpu.memory_space<vmem_shared>>)
      tpu.yield
    }) : () -> ()
    %dma_wait3A_89 = arith.constant 39 : i32
    %dma_wait3A_90 = arith.constant 0 : i32
    %dma_wait3A_91 = tpu.memref_slice %arg6[%dma_wait3A_89, %dma_wait3A_90] : memref<40x128xi32, #tpu.memory_space<vmem>> -> memref<1x128xi32, #tpu.memory_space<vmem>>
    %dma_wait3A_92 = tpu.memref_squeeze %dma_wait3A_91 : memref<1x128xi32, #tpu.memory_space<vmem>> -> memref<128xi32, #tpu.memory_space<vmem>>
    %dma_wait3A_93 = arith.constant 0 : i32
    %dma_wait3A_94 = arith.constant 0 : i32
    %dma_wait3A_95 = tpu.memref_slice %arg2[%dma_wait3A_93, %dma_wait3A_94] : memref<10240x64xf32, #tpu.memory_space<hbm>> -> memref<10240x64xf32, #tpu.memory_space<hbm>>
    tpu.wait_indirect_dma semaphore(%arg12 : memref<!tpu.dma_semaphore, #tpu.memory_space<semaphore_mem>>) src(%dma_wait3A_95 : memref<10240x64xf32, #tpu.memory_space<hbm>>) dst(%arg9 : memref<128x64xf32, #tpu.memory_space<vmem>>)
    %run_scoped3A_96 = arith.constant 39 : i32
    "tpu.region"() ({
      %run_scoped3A_118 = tpu.sem_alloc : memref<!tpu.dma_semaphore, #tpu.memory_space<semaphore_mem>>
      %dma_start3A_119 = arith.constant 0 : i32
      %dma_start3A_120 = tpu.memref_slice %arg7[%run_scoped3A_96, %dma_start3A_119] : memref<40x128xi32, #tpu.memory_space<vmem>> -> memref<1x128xi32, #tpu.memory_space<vmem>>
      %dma_start3A_121 = tpu.memref_squeeze %dma_start3A_120 : memref<1x128xi32, #tpu.memory_space<vmem>> -> memref<128xi32, #tpu.memory_space<vmem>>
      %dma_start3A_122 = arith.constant 0 : i32
      %dma_start3A_123 = arith.constant 0 : i32
      %dma_start3A_124 = tpu.memref_slice %arg10[%dma_start3A_122, %dma_start3A_123] : memref<10240x64xf32, #tpu.memory_space<vmem_shared>> -> memref<10240x64xf32, #tpu.memory_space<vmem_shared>>
      tpu.enqueue_indirect_dma source(%arg9 : memref<128x64xf32, #tpu.memory_space<vmem>>) target(%dma_start3A_124 : memref<10240x64xf32, #tpu.memory_space<vmem_shared>>) offsets(%dma_start3A_121 : memref<128xi32, #tpu.memory_space<vmem>>) semaphore(%run_scoped3A_118 : memref<!tpu.dma_semaphore, #tpu.memory_space<semaphore_mem>>) {add = true}
      %dma_wait3A_125 = arith.constant 0 : i32
      %dma_wait3A_126 = tpu.memref_slice %arg7[%run_scoped3A_96, %dma_wait3A_125] : memref<40x128xi32, #tpu.memory_space<vmem>> -> memref<1x128xi32, #tpu.memory_space<vmem>>
      %dma_wait3A_127 = tpu.memref_squeeze %dma_wait3A_126 : memref<1x128xi32, #tpu.memory_space<vmem>> -> memref<128xi32, #tpu.memory_space<vmem>>
      %dma_wait3A_128 = arith.constant 0 : i32
      %dma_wait3A_129 = arith.constant 0 : i32
      %dma_wait3A_130 = tpu.memref_slice %arg10[%dma_wait3A_128, %dma_wait3A_129] : memref<10240x64xf32, #tpu.memory_space<vmem_shared>> -> memref<10240x64xf32, #tpu.memory_space<vmem_shared>>
      tpu.wait_indirect_dma semaphore(%run_scoped3A_118 : memref<!tpu.dma_semaphore, #tpu.memory_space<semaphore_mem>>) src(%arg9 : memref<128x64xf32, #tpu.memory_space<vmem>>) dst(%dma_wait3A_130 : memref<10240x64xf32, #tpu.memory_space<vmem_shared>>)
      tpu.yield
    }) : () -> ()
    %barrier3A_97 = arith.constant 0 : index
    tpu.barrier barrier_id(%barrier3A_97)
    %mul3A_98 = arith.constant 640 : i32
    %mul3A_99 = arith.muli %arg1, %mul3A_98 : i32
    %add3A_100 = arith.constant 0 : i32
    %add3A_101 = arith.addi %mul3A_99, %add3A_100 : i32
    "tpu.region"() ({
      %run_scoped3A_118 = tpu.sem_alloc : memref<!tpu.dma_semaphore, #tpu.memory_space<semaphore_mem>>
      %dma_start3A_119 = arith.constant 0 : i32
      %dma_start3A_120 = tpu.memref_slice %arg10[%add3A_101, %dma_start3A_119] : memref<10240x64xf32, #tpu.memory_space<vmem_shared>> -> memref<128x64xf32, #tpu.memory_space<vmem_shared>>
      %dma_start3A_121 = arith.constant 0 : i32
      %dma_start3A_122 = tpu.memref_slice %arg10[%add3A_101, %dma_start3A_121] : memref<10240x64xf32, #tpu.memory_space<vmem_shared>> -> memref<128x64xf32, #tpu.memory_space<vmem_shared>>
      tpu.enqueue_dma source(%dma_start3A_122 : memref<128x64xf32, #tpu.memory_space<vmem_shared>>) target(%arg8 : memref<128x64xf32, #tpu.memory_space<vmem>>) target_semaphore(%run_scoped3A_118 : memref<!tpu.dma_semaphore, #tpu.memory_space<semaphore_mem>>)
      %dma_wait3A_123 = arith.constant 0 : i32
      %dma_wait3A_124 = tpu.memref_slice %arg10[%add3A_101, %dma_wait3A_123] : memref<10240x64xf32, #tpu.memory_space<vmem_shared>> -> memref<128x64xf32, #tpu.memory_space<vmem_shared>>
      %dma_wait3A_125 = arith.constant 0 : i32
      %dma_wait3A_126 = tpu.memref_slice %arg10[%add3A_101, %dma_wait3A_125] : memref<10240x64xf32, #tpu.memory_space<vmem_shared>> -> memref<128x64xf32, #tpu.memory_space<vmem_shared>>
      tpu.wait_dma2 semaphore(%run_scoped3A_118 : memref<!tpu.dma_semaphore, #tpu.memory_space<semaphore_mem>>) src(%dma_wait3A_126 : memref<128x64xf32, #tpu.memory_space<vmem_shared>>) dst(%arg8 : memref<128x64xf32, #tpu.memory_space<vmem>>)
      tpu.yield
    }) : () -> ()
    "tpu.region"() ({
      %run_scoped3A_118 = tpu.sem_alloc : memref<!tpu.dma_semaphore, #tpu.memory_space<semaphore_mem>>
      %dma_start3A_119 = arith.constant 0 : i32
      %dma_start3A_120 = arith.constant 0 : i32
      %dma_start3A_121 = tpu.memref_slice %arg5[%arg0, %dma_start3A_119, %dma_start3A_120] : memref<2x10240x64xf32, #tpu.memory_space<hbm>> -> memref<1x10240x64xf32, #tpu.memory_space<hbm>>
      %dma_start3A_122 = tpu.memref_squeeze %dma_start3A_121 : memref<1x10240x64xf32, #tpu.memory_space<hbm>> -> memref<10240x64xf32, #tpu.memory_space<hbm>>
      %dma_start3A_123 = arith.constant 0 : i32
      %dma_start3A_124 = tpu.memref_slice %dma_start3A_122[%add3A_101, %dma_start3A_123] : memref<10240x64xf32, #tpu.memory_space<hbm>> -> memref<128x64xf32, #tpu.memory_space<hbm>>
      %dma_start3A_125 = arith.constant 0 : i32
      %dma_start3A_126 = arith.constant 0 : i32
      %dma_start3A_127 = tpu.memref_slice %arg5[%arg0, %dma_start3A_125, %dma_start3A_126] : memref<2x10240x64xf32, #tpu.memory_space<hbm>> -> memref<1x10240x64xf32, #tpu.memory_space<hbm>>
      %dma_start3A_128 = tpu.memref_squeeze %dma_start3A_127 : memref<1x10240x64xf32, #tpu.memory_space<hbm>> -> memref<10240x64xf32, #tpu.memory_space<hbm>>
      %dma_start3A_129 = arith.constant 0 : i32
      %dma_start3A_130 = tpu.memref_slice %dma_start3A_128[%add3A_101, %dma_start3A_129] : memref<10240x64xf32, #tpu.memory_space<hbm>> -> memref<128x64xf32, #tpu.memory_space<hbm>>
      tpu.enqueue_dma source(%arg8 : memref<128x64xf32, #tpu.memory_space<vmem>>) target(%dma_start3A_130 : memref<128x64xf32, #tpu.memory_space<hbm>>) target_semaphore(%run_scoped3A_118 : memref<!tpu.dma_semaphore, #tpu.memory_space<semaphore_mem>>)
      %dma_wait3A_131 = arith.constant 0 : i32
      %dma_wait3A_132 = arith.constant 0 : i32
      %dma_wait3A_133 = tpu.memref_slice %arg5[%arg0, %dma_wait3A_131, %dma_wait3A_132] : memref<2x10240x64xf32, #tpu.memory_space<hbm>> -> memref<1x10240x64xf32, #tpu.memory_space<hbm>>
      %dma_wait3A_134 = tpu.memref_squeeze %dma_wait3A_133 : memref<1x10240x64xf32, #tpu.memory_space<hbm>> -> memref<10240x64xf32, #tpu.memory_space<hbm>>
      %dma_wait3A_135 = arith.constant 0 : i32
      %dma_wait3A_136 = tpu.memref_slice %dma_wait3A_134[%add3A_101, %dma_wait3A_135] : memref<10240x64xf32, #tpu.memory_space<hbm>> -> memref<128x64xf32, #tpu.memory_space<hbm>>
      %dma_wait3A_137 = arith.constant 0 : i32
      %dma_wait3A_138 = arith.constant 0 : i32
      %dma_wait3A_139 = tpu.memref_slice %arg5[%arg0, %dma_wait3A_137, %dma_wait3A_138] : memref<2x10240x64xf32, #tpu.memory_space<hbm>> -> memref<1x10240x64xf32, #tpu.memory_space<hbm>>
      %dma_wait3A_140 = tpu.memref_squeeze %dma_wait3A_139 : memref<1x10240x64xf32, #tpu.memory_space<hbm>> -> memref<10240x64xf32, #tpu.memory_space<hbm>>
      %dma_wait3A_141 = arith.constant 0 : i32
      %dma_wait3A_142 = tpu.memref_slice %dma_wait3A_140[%add3A_101, %dma_wait3A_141] : memref<10240x64xf32, #tpu.memory_space<hbm>> -> memref<128x64xf32, #tpu.memory_space<hbm>>
      tpu.wait_dma2 semaphore(%run_scoped3A_118 : memref<!tpu.dma_semaphore, #tpu.memory_space<semaphore_mem>>) src(%arg8 : memref<128x64xf32, #tpu.memory_space<vmem>>) dst(%dma_wait3A_142 : memref<128x64xf32, #tpu.memory_space<hbm>>)
      tpu.yield
    }) : () -> ()
    %mul3A_102 = arith.constant 640 : i32
    %mul3A_103 = arith.muli %arg1, %mul3A_102 : i32
    %add3A_104 = arith.constant 128 : i32
    %add3A_105 = arith.addi %mul3A_103, %add3A_104 : i32
    "tpu.region"() ({
      %run_scoped3A_118 = tpu.sem_alloc : memref<!tpu.dma_semaphore, #tpu.memory_space<semaphore_mem>>
      %dma_start3A_119 = arith.constant 0 : i32
      %dma_start3A_120 = tpu.memref_slice %arg10[%add3A_105, %dma_start3A_119] : memref<10240x64xf32, #tpu.memory_space<vmem_shared>> -> memref<128x64xf32, #tpu.memory_space<vmem_shared>>
      %dma_start3A_121 = arith.constant 0 : i32
      %dma_start3A_122 = tpu.memref_slice %arg10[%add3A_105, %dma_start3A_121] : memref<10240x64xf32, #tpu.memory_space<vmem_shared>> -> memref<128x64xf32, #tpu.memory_space<vmem_shared>>
      tpu.enqueue_dma source(%dma_start3A_122 : memref<128x64xf32, #tpu.memory_space<vmem_shared>>) target(%arg8 : memref<128x64xf32, #tpu.memory_space<vmem>>) target_semaphore(%run_scoped3A_118 : memref<!tpu.dma_semaphore, #tpu.memory_space<semaphore_mem>>)
      %dma_wait3A_123 = arith.constant 0 : i32
      %dma_wait3A_124 = tpu.memref_slice %arg10[%add3A_105, %dma_wait3A_123] : memref<10240x64xf32, #tpu.memory_space<vmem_shared>> -> memref<128x64xf32, #tpu.memory_space<vmem_shared>>
      %dma_wait3A_125 = arith.constant 0 : i32
      %dma_wait3A_126 = tpu.memref_slice %arg10[%add3A_105, %dma_wait3A_125] : memref<10240x64xf32, #tpu.memory_space<vmem_shared>> -> memref<128x64xf32, #tpu.memory_space<vmem_shared>>
      tpu.wait_dma2 semaphore(%run_scoped3A_118 : memref<!tpu.dma_semaphore, #tpu.memory_space<semaphore_mem>>) src(%dma_wait3A_126 : memref<128x64xf32, #tpu.memory_space<vmem_shared>>) dst(%arg8 : memref<128x64xf32, #tpu.memory_space<vmem>>)
      tpu.yield
    }) : () -> ()
    "tpu.region"() ({
      %run_scoped3A_118 = tpu.sem_alloc : memref<!tpu.dma_semaphore, #tpu.memory_space<semaphore_mem>>
      %dma_start3A_119 = arith.constant 0 : i32
      %dma_start3A_120 = arith.constant 0 : i32
      %dma_start3A_121 = tpu.memref_slice %arg5[%arg0, %dma_start3A_119, %dma_start3A_120] : memref<2x10240x64xf32, #tpu.memory_space<hbm>> -> memref<1x10240x64xf32, #tpu.memory_space<hbm>>
      %dma_start3A_122 = tpu.memref_squeeze %dma_start3A_121 : memref<1x10240x64xf32, #tpu.memory_space<hbm>> -> memref<10240x64xf32, #tpu.memory_space<hbm>>
      %dma_start3A_123 = arith.constant 0 : i32
      %dma_start3A_124 = tpu.memref_slice %dma_start3A_122[%add3A_105, %dma_start3A_123] : memref<10240x64xf32, #tpu.memory_space<hbm>> -> memref<128x64xf32, #tpu.memory_space<hbm>>
      %dma_start3A_125 = arith.constant 0 : i32
      %dma_start3A_126 = arith.constant 0 : i32
      %dma_start3A_127 = tpu.memref_slice %arg5[%arg0, %dma_start3A_125, %dma_start3A_126] : memref<2x10240x64xf32, #tpu.memory_space<hbm>> -> memref<1x10240x64xf32, #tpu.memory_space<hbm>>
      %dma_start3A_128 = tpu.memref_squeeze %dma_start3A_127 : memref<1x10240x64xf32, #tpu.memory_space<hbm>> -> memref<10240x64xf32, #tpu.memory_space<hbm>>
      %dma_start3A_129 = arith.constant 0 : i32
      %dma_start3A_130 = tpu.memref_slice %dma_start3A_128[%add3A_105, %dma_start3A_129] : memref<10240x64xf32, #tpu.memory_space<hbm>> -> memref<128x64xf32, #tpu.memory_space<hbm>>
      tpu.enqueue_dma source(%arg8 : memref<128x64xf32, #tpu.memory_space<vmem>>) target(%dma_start3A_130 : memref<128x64xf32, #tpu.memory_space<hbm>>) target_semaphore(%run_scoped3A_118 : memref<!tpu.dma_semaphore, #tpu.memory_space<semaphore_mem>>)
      %dma_wait3A_131 = arith.constant 0 : i32
      %dma_wait3A_132 = arith.constant 0 : i32
      %dma_wait3A_133 = tpu.memref_slice %arg5[%arg0, %dma_wait3A_131, %dma_wait3A_132] : memref<2x10240x64xf32, #tpu.memory_space<hbm>> -> memref<1x10240x64xf32, #tpu.memory_space<hbm>>
      %dma_wait3A_134 = tpu.memref_squeeze %dma_wait3A_133 : memref<1x10240x64xf32, #tpu.memory_space<hbm>> -> memref<10240x64xf32, #tpu.memory_space<hbm>>
      %dma_wait3A_135 = arith.constant 0 : i32
      %dma_wait3A_136 = tpu.memref_slice %dma_wait3A_134[%add3A_105, %dma_wait3A_135] : memref<10240x64xf32, #tpu.memory_space<hbm>> -> memref<128x64xf32, #tpu.memory_space<hbm>>
      %dma_wait3A_137 = arith.constant 0 : i32
      %dma_wait3A_138 = arith.constant 0 : i32
      %dma_wait3A_139 = tpu.memref_slice %arg5[%arg0, %dma_wait3A_137, %dma_wait3A_138] : memref<2x10240x64xf32, #tpu.memory_space<hbm>> -> memref<1x10240x64xf32, #tpu.memory_space<hbm>>
      %dma_wait3A_140 = tpu.memref_squeeze %dma_wait3A_139 : memref<1x10240x64xf32, #tpu.memory_space<hbm>> -> memref<10240x64xf32, #tpu.memory_space<hbm>>
      %dma_wait3A_141 = arith.constant 0 : i32
      %dma_wait3A_142 = tpu.memref_slice %dma_wait3A_140[%add3A_105, %dma_wait3A_141] : memref<10240x64xf32, #tpu.memory_space<hbm>> -> memref<128x64xf32, #tpu.memory_space<hbm>>
      tpu.wait_dma2 semaphore(%run_scoped3A_118 : memref<!tpu.dma_semaphore, #tpu.memory_space<semaphore_mem>>) src(%arg8 : memref<128x64xf32, #tpu.memory_space<vmem>>) dst(%dma_wait3A_142 : memref<128x64xf32, #tpu.memory_space<hbm>>)
      tpu.yield
    }) : () -> ()
    %mul3A_106 = arith.constant 640 : i32
    %mul3A_107 = arith.muli %arg1, %mul3A_106 : i32
    %add3A_108 = arith.constant 256 : i32
    %add3A_109 = arith.addi %mul3A_107, %add3A_108 : i32
    "tpu.region"() ({
      %run_scoped3A_118 = tpu.sem_alloc : memref<!tpu.dma_semaphore, #tpu.memory_space<semaphore_mem>>
      %dma_start3A_119 = arith.constant 0 : i32
      %dma_start3A_120 = tpu.memref_slice %arg10[%add3A_109, %dma_start3A_119] : memref<10240x64xf32, #tpu.memory_space<vmem_shared>> -> memref<128x64xf32, #tpu.memory_space<vmem_shared>>
      %dma_start3A_121 = arith.constant 0 : i32
      %dma_start3A_122 = tpu.memref_slice %arg10[%add3A_109, %dma_start3A_121] : memref<10240x64xf32, #tpu.memory_space<vmem_shared>> -> memref<128x64xf32, #tpu.memory_space<vmem_shared>>
      tpu.enqueue_dma source(%dma_start3A_122 : memref<128x64xf32, #tpu.memory_space<vmem_shared>>) target(%arg8 : memref<128x64xf32, #tpu.memory_space<vmem>>) target_semaphore(%run_scoped3A_118 : memref<!tpu.dma_semaphore, #tpu.memory_space<semaphore_mem>>)
      %dma_wait3A_123 = arith.constant 0 : i32
      %dma_wait3A_124 = tpu.memref_slice %arg10[%add3A_109, %dma_wait3A_123] : memref<10240x64xf32, #tpu.memory_space<vmem_shared>> -> memref<128x64xf32, #tpu.memory_space<vmem_shared>>
      %dma_wait3A_125 = arith.constant 0 : i32
      %dma_wait3A_126 = tpu.memref_slice %arg10[%add3A_109, %dma_wait3A_125] : memref<10240x64xf32, #tpu.memory_space<vmem_shared>> -> memref<128x64xf32, #tpu.memory_space<vmem_shared>>
      tpu.wait_dma2 semaphore(%run_scoped3A_118 : memref<!tpu.dma_semaphore, #tpu.memory_space<semaphore_mem>>) src(%dma_wait3A_126 : memref<128x64xf32, #tpu.memory_space<vmem_shared>>) dst(%arg8 : memref<128x64xf32, #tpu.memory_space<vmem>>)
      tpu.yield
    }) : () -> ()
    "tpu.region"() ({
      %run_scoped3A_118 = tpu.sem_alloc : memref<!tpu.dma_semaphore, #tpu.memory_space<semaphore_mem>>
      %dma_start3A_119 = arith.constant 0 : i32
      %dma_start3A_120 = arith.constant 0 : i32
      %dma_start3A_121 = tpu.memref_slice %arg5[%arg0, %dma_start3A_119, %dma_start3A_120] : memref<2x10240x64xf32, #tpu.memory_space<hbm>> -> memref<1x10240x64xf32, #tpu.memory_space<hbm>>
      %dma_start3A_122 = tpu.memref_squeeze %dma_start3A_121 : memref<1x10240x64xf32, #tpu.memory_space<hbm>> -> memref<10240x64xf32, #tpu.memory_space<hbm>>
      %dma_start3A_123 = arith.constant 0 : i32
      %dma_start3A_124 = tpu.memref_slice %dma_start3A_122[%add3A_109, %dma_start3A_123] : memref<10240x64xf32, #tpu.memory_space<hbm>> -> memref<128x64xf32, #tpu.memory_space<hbm>>
      %dma_start3A_125 = arith.constant 0 : i32
      %dma_start3A_126 = arith.constant 0 : i32
      %dma_start3A_127 = tpu.memref_slice %arg5[%arg0, %dma_start3A_125, %dma_start3A_126] : memref<2x10240x64xf32, #tpu.memory_space<hbm>> -> memref<1x10240x64xf32, #tpu.memory_space<hbm>>
      %dma_start3A_128 = tpu.memref_squeeze %dma_start3A_127 : memref<1x10240x64xf32, #tpu.memory_space<hbm>> -> memref<10240x64xf32, #tpu.memory_space<hbm>>
      %dma_start3A_129 = arith.constant 0 : i32
      %dma_start3A_130 = tpu.memref_slice %dma_start3A_128[%add3A_109, %dma_start3A_129] : memref<10240x64xf32, #tpu.memory_space<hbm>> -> memref<128x64xf32, #tpu.memory_space<hbm>>
      tpu.enqueue_dma source(%arg8 : memref<128x64xf32, #tpu.memory_space<vmem>>) target(%dma_start3A_130 : memref<128x64xf32, #tpu.memory_space<hbm>>) target_semaphore(%run_scoped3A_118 : memref<!tpu.dma_semaphore, #tpu.memory_space<semaphore_mem>>)
      %dma_wait3A_131 = arith.constant 0 : i32
      %dma_wait3A_132 = arith.constant 0 : i32
      %dma_wait3A_133 = tpu.memref_slice %arg5[%arg0, %dma_wait3A_131, %dma_wait3A_132] : memref<2x10240x64xf32, #tpu.memory_space<hbm>> -> memref<1x10240x64xf32, #tpu.memory_space<hbm>>
      %dma_wait3A_134 = tpu.memref_squeeze %dma_wait3A_133 : memref<1x10240x64xf32, #tpu.memory_space<hbm>> -> memref<10240x64xf32, #tpu.memory_space<hbm>>
      %dma_wait3A_135 = arith.constant 0 : i32
      %dma_wait3A_136 = tpu.memref_slice %dma_wait3A_134[%add3A_109, %dma_wait3A_135] : memref<10240x64xf32, #tpu.memory_space<hbm>> -> memref<128x64xf32, #tpu.memory_space<hbm>>
      %dma_wait3A_137 = arith.constant 0 : i32
      %dma_wait3A_138 = arith.constant 0 : i32
      %dma_wait3A_139 = tpu.memref_slice %arg5[%arg0, %dma_wait3A_137, %dma_wait3A_138] : memref<2x10240x64xf32, #tpu.memory_space<hbm>> -> memref<1x10240x64xf32, #tpu.memory_space<hbm>>
      %dma_wait3A_140 = tpu.memref_squeeze %dma_wait3A_139 : memref<1x10240x64xf32, #tpu.memory_space<hbm>> -> memref<10240x64xf32, #tpu.memory_space<hbm>>
      %dma_wait3A_141 = arith.constant 0 : i32
      %dma_wait3A_142 = tpu.memref_slice %dma_wait3A_140[%add3A_109, %dma_wait3A_141] : memref<10240x64xf32, #tpu.memory_space<hbm>> -> memref<128x64xf32, #tpu.memory_space<hbm>>
      tpu.wait_dma2 semaphore(%run_scoped3A_118 : memref<!tpu.dma_semaphore, #tpu.memory_space<semaphore_mem>>) src(%arg8 : memref<128x64xf32, #tpu.memory_space<vmem>>) dst(%dma_wait3A_142 : memref<128x64xf32, #tpu.memory_space<hbm>>)
      tpu.yield
    }) : () -> ()
    %mul3A_110 = arith.constant 640 : i32
    %mul3A_111 = arith.muli %arg1, %mul3A_110 : i32
    %add3A_112 = arith.constant 384 : i32
    %add3A_113 = arith.addi %mul3A_111, %add3A_112 : i32
    "tpu.region"() ({
      %run_scoped3A_118 = tpu.sem_alloc : memref<!tpu.dma_semaphore, #tpu.memory_space<semaphore_mem>>
      %dma_start3A_119 = arith.constant 0 : i32
      %dma_start3A_120 = tpu.memref_slice %arg10[%add3A_113, %dma_start3A_119] : memref<10240x64xf32, #tpu.memory_space<vmem_shared>> -> memref<128x64xf32, #tpu.memory_space<vmem_shared>>
      %dma_start3A_121 = arith.constant 0 : i32
      %dma_start3A_122 = tpu.memref_slice %arg10[%add3A_113, %dma_start3A_121] : memref<10240x64xf32, #tpu.memory_space<vmem_shared>> -> memref<128x64xf32, #tpu.memory_space<vmem_shared>>
      tpu.enqueue_dma source(%dma_start3A_122 : memref<128x64xf32, #tpu.memory_space<vmem_shared>>) target(%arg8 : memref<128x64xf32, #tpu.memory_space<vmem>>) target_semaphore(%run_scoped3A_118 : memref<!tpu.dma_semaphore, #tpu.memory_space<semaphore_mem>>)
      %dma_wait3A_123 = arith.constant 0 : i32
      %dma_wait3A_124 = tpu.memref_slice %arg10[%add3A_113, %dma_wait3A_123] : memref<10240x64xf32, #tpu.memory_space<vmem_shared>> -> memref<128x64xf32, #tpu.memory_space<vmem_shared>>
      %dma_wait3A_125 = arith.constant 0 : i32
      %dma_wait3A_126 = tpu.memref_slice %arg10[%add3A_113, %dma_wait3A_125] : memref<10240x64xf32, #tpu.memory_space<vmem_shared>> -> memref<128x64xf32, #tpu.memory_space<vmem_shared>>
      tpu.wait_dma2 semaphore(%run_scoped3A_118 : memref<!tpu.dma_semaphore, #tpu.memory_space<semaphore_mem>>) src(%dma_wait3A_126 : memref<128x64xf32, #tpu.memory_space<vmem_shared>>) dst(%arg8 : memref<128x64xf32, #tpu.memory_space<vmem>>)
      tpu.yield
    }) : () -> ()
    "tpu.region"() ({
      %run_scoped3A_118 = tpu.sem_alloc : memref<!tpu.dma_semaphore, #tpu.memory_space<semaphore_mem>>
      %dma_start3A_119 = arith.constant 0 : i32
      %dma_start3A_120 = arith.constant 0 : i32
      %dma_start3A_121 = tpu.memref_slice %arg5[%arg0, %dma_start3A_119, %dma_start3A_120] : memref<2x10240x64xf32, #tpu.memory_space<hbm>> -> memref<1x10240x64xf32, #tpu.memory_space<hbm>>
      %dma_start3A_122 = tpu.memref_squeeze %dma_start3A_121 : memref<1x10240x64xf32, #tpu.memory_space<hbm>> -> memref<10240x64xf32, #tpu.memory_space<hbm>>
      %dma_start3A_123 = arith.constant 0 : i32
      %dma_start3A_124 = tpu.memref_slice %dma_start3A_122[%add3A_113, %dma_start3A_123] : memref<10240x64xf32, #tpu.memory_space<hbm>> -> memref<128x64xf32, #tpu.memory_space<hbm>>
      %dma_start3A_125 = arith.constant 0 : i32
      %dma_start3A_126 = arith.constant 0 : i32
      %dma_start3A_127 = tpu.memref_slice %arg5[%arg0, %dma_start3A_125, %dma_start3A_126] : memref<2x10240x64xf32, #tpu.memory_space<hbm>> -> memref<1x10240x64xf32, #tpu.memory_space<hbm>>
      %dma_start3A_128 = tpu.memref_squeeze %dma_start3A_127 : memref<1x10240x64xf32, #tpu.memory_space<hbm>> -> memref<10240x64xf32, #tpu.memory_space<hbm>>
      %dma_start3A_129 = arith.constant 0 : i32
      %dma_start3A_130 = tpu.memref_slice %dma_start3A_128[%add3A_113, %dma_start3A_129] : memref<10240x64xf32, #tpu.memory_space<hbm>> -> memref<128x64xf32, #tpu.memory_space<hbm>>
      tpu.enqueue_dma source(%arg8 : memref<128x64xf32, #tpu.memory_space<vmem>>) target(%dma_start3A_130 : memref<128x64xf32, #tpu.memory_space<hbm>>) target_semaphore(%run_scoped3A_118 : memref<!tpu.dma_semaphore, #tpu.memory_space<semaphore_mem>>)
      %dma_wait3A_131 = arith.constant 0 : i32
      %dma_wait3A_132 = arith.constant 0 : i32
      %dma_wait3A_133 = tpu.memref_slice %arg5[%arg0, %dma_wait3A_131, %dma_wait3A_132] : memref<2x10240x64xf32, #tpu.memory_space<hbm>> -> memref<1x10240x64xf32, #tpu.memory_space<hbm>>
      %dma_wait3A_134 = tpu.memref_squeeze %dma_wait3A_133 : memref<1x10240x64xf32, #tpu.memory_space<hbm>> -> memref<10240x64xf32, #tpu.memory_space<hbm>>
      %dma_wait3A_135 = arith.constant 0 : i32
      %dma_wait3A_136 = tpu.memref_slice %dma_wait3A_134[%add3A_113, %dma_wait3A_135] : memref<10240x64xf32, #tpu.memory_space<hbm>> -> memref<128x64xf32, #tpu.memory_space<hbm>>
      %dma_wait3A_137 = arith.constant 0 : i32
      %dma_wait3A_138 = arith.constant 0 : i32
      %dma_wait3A_139 = tpu.memref_slice %arg5[%arg0, %dma_wait3A_137, %dma_wait3A_138] : memref<2x10240x64xf32, #tpu.memory_space<hbm>> -> memref<1x10240x64xf32, #tpu.memory_space<hbm>>
      %dma_wait3A_140 = tpu.memref_squeeze %dma_wait3A_139 : memref<1x10240x64xf32, #tpu.memory_space<hbm>> -> memref<10240x64xf32, #tpu.memory_space<hbm>>
      %dma_wait3A_141 = arith.constant 0 : i32
      %dma_wait3A_142 = tpu.memref_slice %dma_wait3A_140[%add3A_113, %dma_wait3A_141] : memref<10240x64xf32, #tpu.memory_space<hbm>> -> memref<128x64xf32, #tpu.memory_space<hbm>>
      tpu.wait_dma2 semaphore(%run_scoped3A_118 : memref<!tpu.dma_semaphore, #tpu.memory_space<semaphore_mem>>) src(%arg8 : memref<128x64xf32, #tpu.memory_space<vmem>>) dst(%dma_wait3A_142 : memref<128x64xf32, #tpu.memory_space<hbm>>)
      tpu.yield
    }) : () -> ()
    %mul3A_114 = arith.constant 640 : i32
    %mul3A_115 = arith.muli %arg1, %mul3A_114 : i32
    %add3A_116 = arith.constant 512 : i32
    %add3A_117 = arith.addi %mul3A_115, %add3A_116 : i32
    "tpu.region"() ({
      %run_scoped3A_118 = tpu.sem_alloc : memref<!tpu.dma_semaphore, #tpu.memory_space<semaphore_mem>>
      %dma_start3A_119 = arith.constant 0 : i32
      %dma_start3A_120 = tpu.memref_slice %arg10[%add3A_117, %dma_start3A_119] : memref<10240x64xf32, #tpu.memory_space<vmem_shared>> -> memref<128x64xf32, #tpu.memory_space<vmem_shared>>
      %dma_start3A_121 = arith.constant 0 : i32
      %dma_start3A_122 = tpu.memref_slice %arg10[%add3A_117, %dma_start3A_121] : memref<10240x64xf32, #tpu.memory_space<vmem_shared>> -> memref<128x64xf32, #tpu.memory_space<vmem_shared>>
      tpu.enqueue_dma source(%dma_start3A_122 : memref<128x64xf32, #tpu.memory_space<vmem_shared>>) target(%arg8 : memref<128x64xf32, #tpu.memory_space<vmem>>) target_semaphore(%run_scoped3A_118 : memref<!tpu.dma_semaphore, #tpu.memory_space<semaphore_mem>>)
      %dma_wait3A_123 = arith.constant 0 : i32
      %dma_wait3A_124 = tpu.memref_slice %arg10[%add3A_117, %dma_wait3A_123] : memref<10240x64xf32, #tpu.memory_space<vmem_shared>> -> memref<128x64xf32, #tpu.memory_space<vmem_shared>>
      %dma_wait3A_125 = arith.constant 0 : i32
      %dma_wait3A_126 = tpu.memref_slice %arg10[%add3A_117, %dma_wait3A_125] : memref<10240x64xf32, #tpu.memory_space<vmem_shared>> -> memref<128x64xf32, #tpu.memory_space<vmem_shared>>
      tpu.wait_dma2 semaphore(%run_scoped3A_118 : memref<!tpu.dma_semaphore, #tpu.memory_space<semaphore_mem>>) src(%dma_wait3A_126 : memref<128x64xf32, #tpu.memory_space<vmem_shared>>) dst(%arg8 : memref<128x64xf32, #tpu.memory_space<vmem>>)
      tpu.yield
    }) : () -> ()
    "tpu.region"() ({
      %run_scoped3A_118 = tpu.sem_alloc : memref<!tpu.dma_semaphore, #tpu.memory_space<semaphore_mem>>
      %dma_start3A_119 = arith.constant 0 : i32
      %dma_start3A_120 = arith.constant 0 : i32
      %dma_start3A_121 = tpu.memref_slice %arg5[%arg0, %dma_start3A_119, %dma_start3A_120] : memref<2x10240x64xf32, #tpu.memory_space<hbm>> -> memref<1x10240x64xf32, #tpu.memory_space<hbm>>
      %dma_start3A_122 = tpu.memref_squeeze %dma_start3A_121 : memref<1x10240x64xf32, #tpu.memory_space<hbm>> -> memref<10240x64xf32, #tpu.memory_space<hbm>>
      %dma_start3A_123 = arith.constant 0 : i32
      %dma_start3A_124 = tpu.memref_slice %dma_start3A_122[%add3A_117, %dma_start3A_123] : memref<10240x64xf32, #tpu.memory_space<hbm>> -> memref<128x64xf32, #tpu.memory_space<hbm>>
      %dma_start3A_125 = arith.constant 0 : i32
      %dma_start3A_126 = arith.constant 0 : i32
      %dma_start3A_127 = tpu.memref_slice %arg5[%arg0, %dma_start3A_125, %dma_start3A_126] : memref<2x10240x64xf32, #tpu.memory_space<hbm>> -> memref<1x10240x64xf32, #tpu.memory_space<hbm>>
      %dma_start3A_128 = tpu.memref_squeeze %dma_start3A_127 : memref<1x10240x64xf32, #tpu.memory_space<hbm>> -> memref<10240x64xf32, #tpu.memory_space<hbm>>
      %dma_start3A_129 = arith.constant 0 : i32
      %dma_start3A_130 = tpu.memref_slice %dma_start3A_128[%add3A_117, %dma_start3A_129] : memref<10240x64xf32, #tpu.memory_space<hbm>> -> memref<128x64xf32, #tpu.memory_space<hbm>>
      tpu.enqueue_dma source(%arg8 : memref<128x64xf32, #tpu.memory_space<vmem>>) target(%dma_start3A_130 : memref<128x64xf32, #tpu.memory_space<hbm>>) target_semaphore(%run_scoped3A_118 : memref<!tpu.dma_semaphore, #tpu.memory_space<semaphore_mem>>)
      %dma_wait3A_131 = arith.constant 0 : i32
      %dma_wait3A_132 = arith.constant 0 : i32
      %dma_wait3A_133 = tpu.memref_slice %arg5[%arg0, %dma_wait3A_131, %dma_wait3A_132] : memref<2x10240x64xf32, #tpu.memory_space<hbm>> -> memref<1x10240x64xf32, #tpu.memory_space<hbm>>
      %dma_wait3A_134 = tpu.memref_squeeze %dma_wait3A_133 : memref<1x10240x64xf32, #tpu.memory_space<hbm>> -> memref<10240x64xf32, #tpu.memory_space<hbm>>
      %dma_wait3A_135 = arith.constant 0 : i32
      %dma_wait3A_136 = tpu.memref_slice %dma_wait3A_134[%add3A_117, %dma_wait3A_135] : memref<10240x64xf32, #tpu.memory_space<hbm>> -> memref<128x64xf32, #tpu.memory_space<hbm>>
      %dma_wait3A_137 = arith.constant 0 : i32
      %dma_wait3A_138 = arith.constant 0 : i32
      %dma_wait3A_139 = tpu.memref_slice %arg5[%arg0, %dma_wait3A_137, %dma_wait3A_138] : memref<2x10240x64xf32, #tpu.memory_space<hbm>> -> memref<1x10240x64xf32, #tpu.memory_space<hbm>>
      %dma_wait3A_140 = tpu.memref_squeeze %dma_wait3A_139 : memref<1x10240x64xf32, #tpu.memory_space<hbm>> -> memref<10240x64xf32, #tpu.memory_space<hbm>>
      %dma_wait3A_141 = arith.constant 0 : i32
      %dma_wait3A_142 = tpu.memref_slice %dma_wait3A_140[%add3A_117, %dma_wait3A_141] : memref<10240x64xf32, #tpu.memory_space<hbm>> -> memref<128x64xf32, #tpu.memory_space<hbm>>
      tpu.wait_dma2 semaphore(%run_scoped3A_118 : memref<!tpu.dma_semaphore, #tpu.memory_space<semaphore_mem>>) src(%arg8 : memref<128x64xf32, #tpu.memory_space<vmem>>) dst(%dma_wait3A_142 : memref<128x64xf32, #tpu.memory_space<hbm>>)
      tpu.yield
    }) : () -> ()
    return
  }
}

#map = affine_map<(d0, d1) -> (0, 0, 0, 0, 0)>
#map1 = affine_map<(d0, d1) -> (0, 0)>
#map2 = affine_map<(d0, d1) -> (0, 0, 0)>
module attributes {stable_mosaic.version = 14 : i64} {
  func.func @deg(%arg0: i32, %arg1: i32, %arg2: memref<2x32x2x40x128xi32, #tpu.memory_space<hbm>>, %arg3: memref<128x8xf32, #tpu.memory_space<hbm>>, %arg4: memref<128x8xf32, #tpu.memory_space<hbm>>, %arg5: memref<2x10240x8xf32, #tpu.memory_space<hbm>>, %arg6: memref<40x128xi32, #tpu.memory_space<vmem>>, %arg7: memref<128x8xf32, #tpu.memory_space<vmem>>, %arg8: memref<128x8xf32, #tpu.memory_space<vmem>>, %arg9: memref<10240x8xf32, #tpu.memory_space<vmem_shared>>) attributes {dimension_semantics = [#tpu.dimension_semantics<core_parallel>, #tpu.dimension_semantics<subcore_parallel>], iteration_bounds = array<i64: 2, 16>, scalar_prefetch = 0 : i64, scratch_operands = 4 : i64, tpu.core_type = #tpu.core_type<sc_vector_subcore>, window_params = [{transform_indices = #map}, {transform_indices = #map1}, {transform_indices = #map1}, {transform_indices = #map2}]} {
    %mul3A = arith.constant 16 : i32
    %mul3A_0 = arith.muli %arg0, %mul3A : i32
    %add3A = arith.addi %mul3A_0, %arg1 : i32
    "tpu.region"() ({
      %run_scoped3A_56 = tpu.sem_alloc : memref<!tpu.dma_semaphore, #tpu.memory_space<semaphore_mem>>
      tpu.enqueue_dma source(%arg3 : memref<128x8xf32, #tpu.memory_space<hbm>>) target(%arg7 : memref<128x8xf32, #tpu.memory_space<vmem>>) target_semaphore(%run_scoped3A_56 : memref<!tpu.dma_semaphore, #tpu.memory_space<semaphore_mem>>)
      tpu.wait_dma2 semaphore(%run_scoped3A_56 : memref<!tpu.dma_semaphore, #tpu.memory_space<semaphore_mem>>) src(%arg3 : memref<128x8xf32, #tpu.memory_space<hbm>>) dst(%arg7 : memref<128x8xf32, #tpu.memory_space<vmem>>)
      tpu.yield
    }) : () -> ()
    "tpu.region"() ({
      %run_scoped3A_56 = tpu.sem_alloc : memref<!tpu.dma_semaphore, #tpu.memory_space<semaphore_mem>>
      tpu.enqueue_dma source(%arg4 : memref<128x8xf32, #tpu.memory_space<hbm>>) target(%arg8 : memref<128x8xf32, #tpu.memory_space<vmem>>) target_semaphore(%run_scoped3A_56 : memref<!tpu.dma_semaphore, #tpu.memory_space<semaphore_mem>>)
      tpu.wait_dma2 semaphore(%run_scoped3A_56 : memref<!tpu.dma_semaphore, #tpu.memory_space<semaphore_mem>>) src(%arg4 : memref<128x8xf32, #tpu.memory_space<hbm>>) dst(%arg8 : memref<128x8xf32, #tpu.memory_space<vmem>>)
      tpu.yield
    }) : () -> ()
    %mul3A_1 = arith.constant 640 : i32
    %mul3A_2 = arith.muli %arg1, %mul3A_1 : i32
    %add3A_3 = arith.constant 0 : i32
    %add3A_4 = arith.addi %mul3A_2, %add3A_3 : i32
    "tpu.region"() ({
      %run_scoped3A_56 = tpu.sem_alloc : memref<!tpu.dma_semaphore, #tpu.memory_space<semaphore_mem>>
      %dma_start3A = arith.constant 0 : i32
      %dma_start3A_57 = tpu.memref_slice %arg9[%add3A_4, %dma_start3A] : memref<10240x8xf32, #tpu.memory_space<vmem_shared>> -> memref<128x8xf32, #tpu.memory_space<vmem_shared>>
      %dma_start3A_58 = arith.constant 0 : i32
      %dma_start3A_59 = tpu.memref_slice %arg9[%add3A_4, %dma_start3A_58] : memref<10240x8xf32, #tpu.memory_space<vmem_shared>> -> memref<128x8xf32, #tpu.memory_space<vmem_shared>>
      tpu.enqueue_dma source(%arg7 : memref<128x8xf32, #tpu.memory_space<vmem>>) target(%dma_start3A_59 : memref<128x8xf32, #tpu.memory_space<vmem_shared>>) target_semaphore(%run_scoped3A_56 : memref<!tpu.dma_semaphore, #tpu.memory_space<semaphore_mem>>)
      %dma_wait3A = arith.constant 0 : i32
      %dma_wait3A_60 = tpu.memref_slice %arg9[%add3A_4, %dma_wait3A] : memref<10240x8xf32, #tpu.memory_space<vmem_shared>> -> memref<128x8xf32, #tpu.memory_space<vmem_shared>>
      %dma_wait3A_61 = arith.constant 0 : i32
      %dma_wait3A_62 = tpu.memref_slice %arg9[%add3A_4, %dma_wait3A_61] : memref<10240x8xf32, #tpu.memory_space<vmem_shared>> -> memref<128x8xf32, #tpu.memory_space<vmem_shared>>
      tpu.wait_dma2 semaphore(%run_scoped3A_56 : memref<!tpu.dma_semaphore, #tpu.memory_space<semaphore_mem>>) src(%arg7 : memref<128x8xf32, #tpu.memory_space<vmem>>) dst(%dma_wait3A_62 : memref<128x8xf32, #tpu.memory_space<vmem_shared>>)
      tpu.yield
    }) : () -> ()
    %mul3A_5 = arith.constant 640 : i32
    %mul3A_6 = arith.muli %arg1, %mul3A_5 : i32
    %add3A_7 = arith.constant 128 : i32
    %add3A_8 = arith.addi %mul3A_6, %add3A_7 : i32
    "tpu.region"() ({
      %run_scoped3A_56 = tpu.sem_alloc : memref<!tpu.dma_semaphore, #tpu.memory_space<semaphore_mem>>
      %dma_start3A = arith.constant 0 : i32
      %dma_start3A_57 = tpu.memref_slice %arg9[%add3A_8, %dma_start3A] : memref<10240x8xf32, #tpu.memory_space<vmem_shared>> -> memref<128x8xf32, #tpu.memory_space<vmem_shared>>
      %dma_start3A_58 = arith.constant 0 : i32
      %dma_start3A_59 = tpu.memref_slice %arg9[%add3A_8, %dma_start3A_58] : memref<10240x8xf32, #tpu.memory_space<vmem_shared>> -> memref<128x8xf32, #tpu.memory_space<vmem_shared>>
      tpu.enqueue_dma source(%arg7 : memref<128x8xf32, #tpu.memory_space<vmem>>) target(%dma_start3A_59 : memref<128x8xf32, #tpu.memory_space<vmem_shared>>) target_semaphore(%run_scoped3A_56 : memref<!tpu.dma_semaphore, #tpu.memory_space<semaphore_mem>>)
      %dma_wait3A = arith.constant 0 : i32
      %dma_wait3A_60 = tpu.memref_slice %arg9[%add3A_8, %dma_wait3A] : memref<10240x8xf32, #tpu.memory_space<vmem_shared>> -> memref<128x8xf32, #tpu.memory_space<vmem_shared>>
      %dma_wait3A_61 = arith.constant 0 : i32
      %dma_wait3A_62 = tpu.memref_slice %arg9[%add3A_8, %dma_wait3A_61] : memref<10240x8xf32, #tpu.memory_space<vmem_shared>> -> memref<128x8xf32, #tpu.memory_space<vmem_shared>>
      tpu.wait_dma2 semaphore(%run_scoped3A_56 : memref<!tpu.dma_semaphore, #tpu.memory_space<semaphore_mem>>) src(%arg7 : memref<128x8xf32, #tpu.memory_space<vmem>>) dst(%dma_wait3A_62 : memref<128x8xf32, #tpu.memory_space<vmem_shared>>)
      tpu.yield
    }) : () -> ()
    %mul3A_9 = arith.constant 640 : i32
    %mul3A_10 = arith.muli %arg1, %mul3A_9 : i32
    %add3A_11 = arith.constant 256 : i32
    %add3A_12 = arith.addi %mul3A_10, %add3A_11 : i32
    "tpu.region"() ({
      %run_scoped3A_56 = tpu.sem_alloc : memref<!tpu.dma_semaphore, #tpu.memory_space<semaphore_mem>>
      %dma_start3A = arith.constant 0 : i32
      %dma_start3A_57 = tpu.memref_slice %arg9[%add3A_12, %dma_start3A] : memref<10240x8xf32, #tpu.memory_space<vmem_shared>> -> memref<128x8xf32, #tpu.memory_space<vmem_shared>>
      %dma_start3A_58 = arith.constant 0 : i32
      %dma_start3A_59 = tpu.memref_slice %arg9[%add3A_12, %dma_start3A_58] : memref<10240x8xf32, #tpu.memory_space<vmem_shared>> -> memref<128x8xf32, #tpu.memory_space<vmem_shared>>
      tpu.enqueue_dma source(%arg7 : memref<128x8xf32, #tpu.memory_space<vmem>>) target(%dma_start3A_59 : memref<128x8xf32, #tpu.memory_space<vmem_shared>>) target_semaphore(%run_scoped3A_56 : memref<!tpu.dma_semaphore, #tpu.memory_space<semaphore_mem>>)
      %dma_wait3A = arith.constant 0 : i32
      %dma_wait3A_60 = tpu.memref_slice %arg9[%add3A_12, %dma_wait3A] : memref<10240x8xf32, #tpu.memory_space<vmem_shared>> -> memref<128x8xf32, #tpu.memory_space<vmem_shared>>
      %dma_wait3A_61 = arith.constant 0 : i32
      %dma_wait3A_62 = tpu.memref_slice %arg9[%add3A_12, %dma_wait3A_61] : memref<10240x8xf32, #tpu.memory_space<vmem_shared>> -> memref<128x8xf32, #tpu.memory_space<vmem_shared>>
      tpu.wait_dma2 semaphore(%run_scoped3A_56 : memref<!tpu.dma_semaphore, #tpu.memory_space<semaphore_mem>>) src(%arg7 : memref<128x8xf32, #tpu.memory_space<vmem>>) dst(%dma_wait3A_62 : memref<128x8xf32, #tpu.memory_space<vmem_shared>>)
      tpu.yield
    }) : () -> ()
    %mul3A_13 = arith.constant 640 : i32
    %mul3A_14 = arith.muli %arg1, %mul3A_13 : i32
    %add3A_15 = arith.constant 384 : i32
    %add3A_16 = arith.addi %mul3A_14, %add3A_15 : i32
    "tpu.region"() ({
      %run_scoped3A_56 = tpu.sem_alloc : memref<!tpu.dma_semaphore, #tpu.memory_space<semaphore_mem>>
      %dma_start3A = arith.constant 0 : i32
      %dma_start3A_57 = tpu.memref_slice %arg9[%add3A_16, %dma_start3A] : memref<10240x8xf32, #tpu.memory_space<vmem_shared>> -> memref<128x8xf32, #tpu.memory_space<vmem_shared>>
      %dma_start3A_58 = arith.constant 0 : i32
      %dma_start3A_59 = tpu.memref_slice %arg9[%add3A_16, %dma_start3A_58] : memref<10240x8xf32, #tpu.memory_space<vmem_shared>> -> memref<128x8xf32, #tpu.memory_space<vmem_shared>>
      tpu.enqueue_dma source(%arg7 : memref<128x8xf32, #tpu.memory_space<vmem>>) target(%dma_start3A_59 : memref<128x8xf32, #tpu.memory_space<vmem_shared>>) target_semaphore(%run_scoped3A_56 : memref<!tpu.dma_semaphore, #tpu.memory_space<semaphore_mem>>)
      %dma_wait3A = arith.constant 0 : i32
      %dma_wait3A_60 = tpu.memref_slice %arg9[%add3A_16, %dma_wait3A] : memref<10240x8xf32, #tpu.memory_space<vmem_shared>> -> memref<128x8xf32, #tpu.memory_space<vmem_shared>>
      %dma_wait3A_61 = arith.constant 0 : i32
      %dma_wait3A_62 = tpu.memref_slice %arg9[%add3A_16, %dma_wait3A_61] : memref<10240x8xf32, #tpu.memory_space<vmem_shared>> -> memref<128x8xf32, #tpu.memory_space<vmem_shared>>
      tpu.wait_dma2 semaphore(%run_scoped3A_56 : memref<!tpu.dma_semaphore, #tpu.memory_space<semaphore_mem>>) src(%arg7 : memref<128x8xf32, #tpu.memory_space<vmem>>) dst(%dma_wait3A_62 : memref<128x8xf32, #tpu.memory_space<vmem_shared>>)
      tpu.yield
    }) : () -> ()
    %mul3A_17 = arith.constant 640 : i32
    %mul3A_18 = arith.muli %arg1, %mul3A_17 : i32
    %add3A_19 = arith.constant 512 : i32
    %add3A_20 = arith.addi %mul3A_18, %add3A_19 : i32
    "tpu.region"() ({
      %run_scoped3A_56 = tpu.sem_alloc : memref<!tpu.dma_semaphore, #tpu.memory_space<semaphore_mem>>
      %dma_start3A = arith.constant 0 : i32
      %dma_start3A_57 = tpu.memref_slice %arg9[%add3A_20, %dma_start3A] : memref<10240x8xf32, #tpu.memory_space<vmem_shared>> -> memref<128x8xf32, #tpu.memory_space<vmem_shared>>
      %dma_start3A_58 = arith.constant 0 : i32
      %dma_start3A_59 = tpu.memref_slice %arg9[%add3A_20, %dma_start3A_58] : memref<10240x8xf32, #tpu.memory_space<vmem_shared>> -> memref<128x8xf32, #tpu.memory_space<vmem_shared>>
      tpu.enqueue_dma source(%arg7 : memref<128x8xf32, #tpu.memory_space<vmem>>) target(%dma_start3A_59 : memref<128x8xf32, #tpu.memory_space<vmem_shared>>) target_semaphore(%run_scoped3A_56 : memref<!tpu.dma_semaphore, #tpu.memory_space<semaphore_mem>>)
      %dma_wait3A = arith.constant 0 : i32
      %dma_wait3A_60 = tpu.memref_slice %arg9[%add3A_20, %dma_wait3A] : memref<10240x8xf32, #tpu.memory_space<vmem_shared>> -> memref<128x8xf32, #tpu.memory_space<vmem_shared>>
      %dma_wait3A_61 = arith.constant 0 : i32
      %dma_wait3A_62 = tpu.memref_slice %arg9[%add3A_20, %dma_wait3A_61] : memref<10240x8xf32, #tpu.memory_space<vmem_shared>> -> memref<128x8xf32, #tpu.memory_space<vmem_shared>>
      tpu.wait_dma2 semaphore(%run_scoped3A_56 : memref<!tpu.dma_semaphore, #tpu.memory_space<semaphore_mem>>) src(%arg7 : memref<128x8xf32, #tpu.memory_space<vmem>>) dst(%dma_wait3A_62 : memref<128x8xf32, #tpu.memory_space<vmem_shared>>)
      tpu.yield
    }) : () -> ()
    %barrier3A = arith.constant 0 : index
    tpu.barrier barrier_id(%barrier3A)
    %run_scoped3A = arith.constant 1 : i32
    %run_scoped3A_21 = arith.constant 0 : i32
    "tpu.region"() ({
      %run_scoped3A_56 = tpu.sem_alloc : memref<!tpu.dma_semaphore, #tpu.memory_space<semaphore_mem>>
      %dma_start3A = arith.constant 0 : i32
      %dma_start3A_57 = arith.constant 0 : i32
      %dma_start3A_58 = arith.constant 0 : i32
      %dma_start3A_59 = arith.constant 0 : i32
      %dma_start3A_60 = tpu.memref_slice %arg2[%run_scoped3A, %dma_start3A, %dma_start3A_57, %dma_start3A_58, %dma_start3A_59] : memref<2x32x2x40x128xi32, #tpu.memory_space<hbm>> -> memref<1x32x2x40x128xi32, #tpu.memory_space<hbm>>
      %dma_start3A_61 = tpu.memref_squeeze %dma_start3A_60 : memref<1x32x2x40x128xi32, #tpu.memory_space<hbm>> -> memref<32x2x40x128xi32, #tpu.memory_space<hbm>>
      %dma_start3A_62 = arith.constant 0 : i32
      %dma_start3A_63 = arith.constant 0 : i32
      %dma_start3A_64 = arith.constant 0 : i32
      %dma_start3A_65 = tpu.memref_slice %dma_start3A_61[%add3A, %dma_start3A_62, %dma_start3A_63, %dma_start3A_64] : memref<32x2x40x128xi32, #tpu.memory_space<hbm>> -> memref<1x2x40x128xi32, #tpu.memory_space<hbm>>
      %dma_start3A_66 = tpu.memref_squeeze %dma_start3A_65 : memref<1x2x40x128xi32, #tpu.memory_space<hbm>> -> memref<2x40x128xi32, #tpu.memory_space<hbm>>
      %dma_start3A_67 = arith.constant 0 : i32
      %dma_start3A_68 = arith.constant 0 : i32
      %dma_start3A_69 = tpu.memref_slice %dma_start3A_66[%run_scoped3A_21, %dma_start3A_67, %dma_start3A_68] : memref<2x40x128xi32, #tpu.memory_space<hbm>> -> memref<1x40x128xi32, #tpu.memory_space<hbm>>
      %dma_start3A_70 = tpu.memref_squeeze %dma_start3A_69 : memref<1x40x128xi32, #tpu.memory_space<hbm>> -> memref<40x128xi32, #tpu.memory_space<hbm>>
      %dma_start3A_71 = arith.constant 0 : i32
      %dma_start3A_72 = arith.constant 0 : i32
      %dma_start3A_73 = arith.constant 0 : i32
      %dma_start3A_74 = arith.constant 0 : i32
      %dma_start3A_75 = tpu.memref_slice %arg2[%run_scoped3A, %dma_start3A_71, %dma_start3A_72, %dma_start3A_73, %dma_start3A_74] : memref<2x32x2x40x128xi32, #tpu.memory_space<hbm>> -> memref<1x32x2x40x128xi32, #tpu.memory_space<hbm>>
      %dma_start3A_76 = tpu.memref_squeeze %dma_start3A_75 : memref<1x32x2x40x128xi32, #tpu.memory_space<hbm>> -> memref<32x2x40x128xi32, #tpu.memory_space<hbm>>
      %dma_start3A_77 = arith.constant 0 : i32
      %dma_start3A_78 = arith.constant 0 : i32
      %dma_start3A_79 = arith.constant 0 : i32
      %dma_start3A_80 = tpu.memref_slice %dma_start3A_76[%add3A, %dma_start3A_77, %dma_start3A_78, %dma_start3A_79] : memref<32x2x40x128xi32, #tpu.memory_space<hbm>> -> memref<1x2x40x128xi32, #tpu.memory_space<hbm>>
      %dma_start3A_81 = tpu.memref_squeeze %dma_start3A_80 : memref<1x2x40x128xi32, #tpu.memory_space<hbm>> -> memref<2x40x128xi32, #tpu.memory_space<hbm>>
      %dma_start3A_82 = arith.constant 0 : i32
      %dma_start3A_83 = arith.constant 0 : i32
      %dma_start3A_84 = tpu.memref_slice %dma_start3A_81[%run_scoped3A_21, %dma_start3A_82, %dma_start3A_83] : memref<2x40x128xi32, #tpu.memory_space<hbm>> -> memref<1x40x128xi32, #tpu.memory_space<hbm>>
      %dma_start3A_85 = tpu.memref_squeeze %dma_start3A_84 : memref<1x40x128xi32, #tpu.memory_space<hbm>> -> memref<40x128xi32, #tpu.memory_space<hbm>>
      tpu.enqueue_dma source(%dma_start3A_85 : memref<40x128xi32, #tpu.memory_space<hbm>>) target(%arg6 : memref<40x128xi32, #tpu.memory_space<vmem>>) target_semaphore(%run_scoped3A_56 : memref<!tpu.dma_semaphore, #tpu.memory_space<semaphore_mem>>)
      %dma_wait3A = arith.constant 0 : i32
      %dma_wait3A_86 = arith.constant 0 : i32
      %dma_wait3A_87 = arith.constant 0 : i32
      %dma_wait3A_88 = arith.constant 0 : i32
      %dma_wait3A_89 = tpu.memref_slice %arg2[%run_scoped3A, %dma_wait3A, %dma_wait3A_86, %dma_wait3A_87, %dma_wait3A_88] : memref<2x32x2x40x128xi32, #tpu.memory_space<hbm>> -> memref<1x32x2x40x128xi32, #tpu.memory_space<hbm>>
      %dma_wait3A_90 = tpu.memref_squeeze %dma_wait3A_89 : memref<1x32x2x40x128xi32, #tpu.memory_space<hbm>> -> memref<32x2x40x128xi32, #tpu.memory_space<hbm>>
      %dma_wait3A_91 = arith.constant 0 : i32
      %dma_wait3A_92 = arith.constant 0 : i32
      %dma_wait3A_93 = arith.constant 0 : i32
      %dma_wait3A_94 = tpu.memref_slice %dma_wait3A_90[%add3A, %dma_wait3A_91, %dma_wait3A_92, %dma_wait3A_93] : memref<32x2x40x128xi32, #tpu.memory_space<hbm>> -> memref<1x2x40x128xi32, #tpu.memory_space<hbm>>
      %dma_wait3A_95 = tpu.memref_squeeze %dma_wait3A_94 : memref<1x2x40x128xi32, #tpu.memory_space<hbm>> -> memref<2x40x128xi32, #tpu.memory_space<hbm>>
      %dma_wait3A_96 = arith.constant 0 : i32
      %dma_wait3A_97 = arith.constant 0 : i32
      %dma_wait3A_98 = tpu.memref_slice %dma_wait3A_95[%run_scoped3A_21, %dma_wait3A_96, %dma_wait3A_97] : memref<2x40x128xi32, #tpu.memory_space<hbm>> -> memref<1x40x128xi32, #tpu.memory_space<hbm>>
      %dma_wait3A_99 = tpu.memref_squeeze %dma_wait3A_98 : memref<1x40x128xi32, #tpu.memory_space<hbm>> -> memref<40x128xi32, #tpu.memory_space<hbm>>
      %dma_wait3A_100 = arith.constant 0 : i32
      %dma_wait3A_101 = arith.constant 0 : i32
      %dma_wait3A_102 = arith.constant 0 : i32
      %dma_wait3A_103 = arith.constant 0 : i32
      %dma_wait3A_104 = tpu.memref_slice %arg2[%run_scoped3A, %dma_wait3A_100, %dma_wait3A_101, %dma_wait3A_102, %dma_wait3A_103] : memref<2x32x2x40x128xi32, #tpu.memory_space<hbm>> -> memref<1x32x2x40x128xi32, #tpu.memory_space<hbm>>
      %dma_wait3A_105 = tpu.memref_squeeze %dma_wait3A_104 : memref<1x32x2x40x128xi32, #tpu.memory_space<hbm>> -> memref<32x2x40x128xi32, #tpu.memory_space<hbm>>
      %dma_wait3A_106 = arith.constant 0 : i32
      %dma_wait3A_107 = arith.constant 0 : i32
      %dma_wait3A_108 = arith.constant 0 : i32
      %dma_wait3A_109 = tpu.memref_slice %dma_wait3A_105[%add3A, %dma_wait3A_106, %dma_wait3A_107, %dma_wait3A_108] : memref<32x2x40x128xi32, #tpu.memory_space<hbm>> -> memref<1x2x40x128xi32, #tpu.memory_space<hbm>>
      %dma_wait3A_110 = tpu.memref_squeeze %dma_wait3A_109 : memref<1x2x40x128xi32, #tpu.memory_space<hbm>> -> memref<2x40x128xi32, #tpu.memory_space<hbm>>
      %dma_wait3A_111 = arith.constant 0 : i32
      %dma_wait3A_112 = arith.constant 0 : i32
      %dma_wait3A_113 = tpu.memref_slice %dma_wait3A_110[%run_scoped3A_21, %dma_wait3A_111, %dma_wait3A_112] : memref<2x40x128xi32, #tpu.memory_space<hbm>> -> memref<1x40x128xi32, #tpu.memory_space<hbm>>
      %dma_wait3A_114 = tpu.memref_squeeze %dma_wait3A_113 : memref<1x40x128xi32, #tpu.memory_space<hbm>> -> memref<40x128xi32, #tpu.memory_space<hbm>>
      tpu.wait_dma2 semaphore(%run_scoped3A_56 : memref<!tpu.dma_semaphore, #tpu.memory_space<semaphore_mem>>) src(%dma_wait3A_114 : memref<40x128xi32, #tpu.memory_space<hbm>>) dst(%arg6 : memref<40x128xi32, #tpu.memory_space<vmem>>)
      tpu.yield
    }) : () -> ()
    %scan3A = arith.constant 0 : i32
    %scan3A_22 = arith.constant 0 : i32
    %scan3A_23 = arith.constant 40 : i32
    %scan3A_24 = arith.addi %scan3A_22, %scan3A_23 : i32
    %scan3A_25 = arith.constant 1 : i32
    scf.for %scan3A_56 = %scan3A_22 to %scan3A_24 step %scan3A_25  : i32 {
      "tpu.region"() ({
        %run_scoped3A_57 = tpu.sem_alloc : memref<!tpu.dma_semaphore, #tpu.memory_space<semaphore_mem>>
        %dma_start3A = arith.constant 0 : i32
        %dma_start3A_58 = tpu.memref_slice %arg6[%scan3A_56, %dma_start3A] : memref<40x128xi32, #tpu.memory_space<vmem>> -> memref<1x128xi32, #tpu.memory_space<vmem>>
        %dma_start3A_59 = tpu.memref_squeeze %dma_start3A_58 : memref<1x128xi32, #tpu.memory_space<vmem>> -> memref<128xi32, #tpu.memory_space<vmem>>
        %dma_start3A_60 = arith.constant 0 : i32
        %dma_start3A_61 = arith.constant 0 : i32
        %dma_start3A_62 = tpu.memref_slice %arg9[%dma_start3A_60, %dma_start3A_61] : memref<10240x8xf32, #tpu.memory_space<vmem_shared>> -> memref<10240x8xf32, #tpu.memory_space<vmem_shared>>
        tpu.enqueue_indirect_dma source(%arg8 : memref<128x8xf32, #tpu.memory_space<vmem>>) target(%dma_start3A_62 : memref<10240x8xf32, #tpu.memory_space<vmem_shared>>) offsets(%dma_start3A_59 : memref<128xi32, #tpu.memory_space<vmem>>) semaphore(%run_scoped3A_57 : memref<!tpu.dma_semaphore, #tpu.memory_space<semaphore_mem>>) {add = true}
        %dma_wait3A = arith.constant 0 : i32
        %dma_wait3A_63 = tpu.memref_slice %arg6[%scan3A_56, %dma_wait3A] : memref<40x128xi32, #tpu.memory_space<vmem>> -> memref<1x128xi32, #tpu.memory_space<vmem>>
        %dma_wait3A_64 = tpu.memref_squeeze %dma_wait3A_63 : memref<1x128xi32, #tpu.memory_space<vmem>> -> memref<128xi32, #tpu.memory_space<vmem>>
        %dma_wait3A_65 = arith.constant 0 : i32
        %dma_wait3A_66 = arith.constant 0 : i32
        %dma_wait3A_67 = tpu.memref_slice %arg9[%dma_wait3A_65, %dma_wait3A_66] : memref<10240x8xf32, #tpu.memory_space<vmem_shared>> -> memref<10240x8xf32, #tpu.memory_space<vmem_shared>>
        tpu.wait_indirect_dma semaphore(%run_scoped3A_57 : memref<!tpu.dma_semaphore, #tpu.memory_space<semaphore_mem>>) src(%arg8 : memref<128x8xf32, #tpu.memory_space<vmem>>) dst(%dma_wait3A_67 : memref<10240x8xf32, #tpu.memory_space<vmem_shared>>)
        tpu.yield
      }) : () -> ()
    }
    %scan3A_26 = arith.constant 40 : i32
    %run_scoped3A_27 = arith.constant 1 : i32
    %run_scoped3A_28 = arith.constant 1 : i32
    "tpu.region"() ({
      %run_scoped3A_56 = tpu.sem_alloc : memref<!tpu.dma_semaphore, #tpu.memory_space<semaphore_mem>>
      %dma_start3A = arith.constant 0 : i32
      %dma_start3A_57 = arith.constant 0 : i32
      %dma_start3A_58 = arith.constant 0 : i32
      %dma_start3A_59 = arith.constant 0 : i32
      %dma_start3A_60 = tpu.memref_slice %arg2[%run_scoped3A_27, %dma_start3A, %dma_start3A_57, %dma_start3A_58, %dma_start3A_59] : memref<2x32x2x40x128xi32, #tpu.memory_space<hbm>> -> memref<1x32x2x40x128xi32, #tpu.memory_space<hbm>>
      %dma_start3A_61 = tpu.memref_squeeze %dma_start3A_60 : memref<1x32x2x40x128xi32, #tpu.memory_space<hbm>> -> memref<32x2x40x128xi32, #tpu.memory_space<hbm>>
      %dma_start3A_62 = arith.constant 0 : i32
      %dma_start3A_63 = arith.constant 0 : i32
      %dma_start3A_64 = arith.constant 0 : i32
      %dma_start3A_65 = tpu.memref_slice %dma_start3A_61[%add3A, %dma_start3A_62, %dma_start3A_63, %dma_start3A_64] : memref<32x2x40x128xi32, #tpu.memory_space<hbm>> -> memref<1x2x40x128xi32, #tpu.memory_space<hbm>>
      %dma_start3A_66 = tpu.memref_squeeze %dma_start3A_65 : memref<1x2x40x128xi32, #tpu.memory_space<hbm>> -> memref<2x40x128xi32, #tpu.memory_space<hbm>>
      %dma_start3A_67 = arith.constant 0 : i32
      %dma_start3A_68 = arith.constant 0 : i32
      %dma_start3A_69 = tpu.memref_slice %dma_start3A_66[%run_scoped3A_28, %dma_start3A_67, %dma_start3A_68] : memref<2x40x128xi32, #tpu.memory_space<hbm>> -> memref<1x40x128xi32, #tpu.memory_space<hbm>>
      %dma_start3A_70 = tpu.memref_squeeze %dma_start3A_69 : memref<1x40x128xi32, #tpu.memory_space<hbm>> -> memref<40x128xi32, #tpu.memory_space<hbm>>
      %dma_start3A_71 = arith.constant 0 : i32
      %dma_start3A_72 = arith.constant 0 : i32
      %dma_start3A_73 = arith.constant 0 : i32
      %dma_start3A_74 = arith.constant 0 : i32
      %dma_start3A_75 = tpu.memref_slice %arg2[%run_scoped3A_27, %dma_start3A_71, %dma_start3A_72, %dma_start3A_73, %dma_start3A_74] : memref<2x32x2x40x128xi32, #tpu.memory_space<hbm>> -> memref<1x32x2x40x128xi32, #tpu.memory_space<hbm>>
      %dma_start3A_76 = tpu.memref_squeeze %dma_start3A_75 : memref<1x32x2x40x128xi32, #tpu.memory_space<hbm>> -> memref<32x2x40x128xi32, #tpu.memory_space<hbm>>
      %dma_start3A_77 = arith.constant 0 : i32
      %dma_start3A_78 = arith.constant 0 : i32
      %dma_start3A_79 = arith.constant 0 : i32
      %dma_start3A_80 = tpu.memref_slice %dma_start3A_76[%add3A, %dma_start3A_77, %dma_start3A_78, %dma_start3A_79] : memref<32x2x40x128xi32, #tpu.memory_space<hbm>> -> memref<1x2x40x128xi32, #tpu.memory_space<hbm>>
      %dma_start3A_81 = tpu.memref_squeeze %dma_start3A_80 : memref<1x2x40x128xi32, #tpu.memory_space<hbm>> -> memref<2x40x128xi32, #tpu.memory_space<hbm>>
      %dma_start3A_82 = arith.constant 0 : i32
      %dma_start3A_83 = arith.constant 0 : i32
      %dma_start3A_84 = tpu.memref_slice %dma_start3A_81[%run_scoped3A_28, %dma_start3A_82, %dma_start3A_83] : memref<2x40x128xi32, #tpu.memory_space<hbm>> -> memref<1x40x128xi32, #tpu.memory_space<hbm>>
      %dma_start3A_85 = tpu.memref_squeeze %dma_start3A_84 : memref<1x40x128xi32, #tpu.memory_space<hbm>> -> memref<40x128xi32, #tpu.memory_space<hbm>>
      tpu.enqueue_dma source(%dma_start3A_85 : memref<40x128xi32, #tpu.memory_space<hbm>>) target(%arg6 : memref<40x128xi32, #tpu.memory_space<vmem>>) target_semaphore(%run_scoped3A_56 : memref<!tpu.dma_semaphore, #tpu.memory_space<semaphore_mem>>)
      %dma_wait3A = arith.constant 0 : i32
      %dma_wait3A_86 = arith.constant 0 : i32
      %dma_wait3A_87 = arith.constant 0 : i32
      %dma_wait3A_88 = arith.constant 0 : i32
      %dma_wait3A_89 = tpu.memref_slice %arg2[%run_scoped3A_27, %dma_wait3A, %dma_wait3A_86, %dma_wait3A_87, %dma_wait3A_88] : memref<2x32x2x40x128xi32, #tpu.memory_space<hbm>> -> memref<1x32x2x40x128xi32, #tpu.memory_space<hbm>>
      %dma_wait3A_90 = tpu.memref_squeeze %dma_wait3A_89 : memref<1x32x2x40x128xi32, #tpu.memory_space<hbm>> -> memref<32x2x40x128xi32, #tpu.memory_space<hbm>>
      %dma_wait3A_91 = arith.constant 0 : i32
      %dma_wait3A_92 = arith.constant 0 : i32
      %dma_wait3A_93 = arith.constant 0 : i32
      %dma_wait3A_94 = tpu.memref_slice %dma_wait3A_90[%add3A, %dma_wait3A_91, %dma_wait3A_92, %dma_wait3A_93] : memref<32x2x40x128xi32, #tpu.memory_space<hbm>> -> memref<1x2x40x128xi32, #tpu.memory_space<hbm>>
      %dma_wait3A_95 = tpu.memref_squeeze %dma_wait3A_94 : memref<1x2x40x128xi32, #tpu.memory_space<hbm>> -> memref<2x40x128xi32, #tpu.memory_space<hbm>>
      %dma_wait3A_96 = arith.constant 0 : i32
      %dma_wait3A_97 = arith.constant 0 : i32
      %dma_wait3A_98 = tpu.memref_slice %dma_wait3A_95[%run_scoped3A_28, %dma_wait3A_96, %dma_wait3A_97] : memref<2x40x128xi32, #tpu.memory_space<hbm>> -> memref<1x40x128xi32, #tpu.memory_space<hbm>>
      %dma_wait3A_99 = tpu.memref_squeeze %dma_wait3A_98 : memref<1x40x128xi32, #tpu.memory_space<hbm>> -> memref<40x128xi32, #tpu.memory_space<hbm>>
      %dma_wait3A_100 = arith.constant 0 : i32
      %dma_wait3A_101 = arith.constant 0 : i32
      %dma_wait3A_102 = arith.constant 0 : i32
      %dma_wait3A_103 = arith.constant 0 : i32
      %dma_wait3A_104 = tpu.memref_slice %arg2[%run_scoped3A_27, %dma_wait3A_100, %dma_wait3A_101, %dma_wait3A_102, %dma_wait3A_103] : memref<2x32x2x40x128xi32, #tpu.memory_space<hbm>> -> memref<1x32x2x40x128xi32, #tpu.memory_space<hbm>>
      %dma_wait3A_105 = tpu.memref_squeeze %dma_wait3A_104 : memref<1x32x2x40x128xi32, #tpu.memory_space<hbm>> -> memref<32x2x40x128xi32, #tpu.memory_space<hbm>>
      %dma_wait3A_106 = arith.constant 0 : i32
      %dma_wait3A_107 = arith.constant 0 : i32
      %dma_wait3A_108 = arith.constant 0 : i32
      %dma_wait3A_109 = tpu.memref_slice %dma_wait3A_105[%add3A, %dma_wait3A_106, %dma_wait3A_107, %dma_wait3A_108] : memref<32x2x40x128xi32, #tpu.memory_space<hbm>> -> memref<1x2x40x128xi32, #tpu.memory_space<hbm>>
      %dma_wait3A_110 = tpu.memref_squeeze %dma_wait3A_109 : memref<1x2x40x128xi32, #tpu.memory_space<hbm>> -> memref<2x40x128xi32, #tpu.memory_space<hbm>>
      %dma_wait3A_111 = arith.constant 0 : i32
      %dma_wait3A_112 = arith.constant 0 : i32
      %dma_wait3A_113 = tpu.memref_slice %dma_wait3A_110[%run_scoped3A_28, %dma_wait3A_111, %dma_wait3A_112] : memref<2x40x128xi32, #tpu.memory_space<hbm>> -> memref<1x40x128xi32, #tpu.memory_space<hbm>>
      %dma_wait3A_114 = tpu.memref_squeeze %dma_wait3A_113 : memref<1x40x128xi32, #tpu.memory_space<hbm>> -> memref<40x128xi32, #tpu.memory_space<hbm>>
      tpu.wait_dma2 semaphore(%run_scoped3A_56 : memref<!tpu.dma_semaphore, #tpu.memory_space<semaphore_mem>>) src(%dma_wait3A_114 : memref<40x128xi32, #tpu.memory_space<hbm>>) dst(%arg6 : memref<40x128xi32, #tpu.memory_space<vmem>>)
      tpu.yield
    }) : () -> ()
    %scan3A_29 = arith.constant 0 : i32
    %scan3A_30 = arith.constant 0 : i32
    %scan3A_31 = arith.constant 40 : i32
    %scan3A_32 = arith.addi %scan3A_30, %scan3A_31 : i32
    %scan3A_33 = arith.constant 1 : i32
    scf.for %scan3A_56 = %scan3A_30 to %scan3A_32 step %scan3A_33  : i32 {
      "tpu.region"() ({
        %run_scoped3A_57 = tpu.sem_alloc : memref<!tpu.dma_semaphore, #tpu.memory_space<semaphore_mem>>
        %dma_start3A = arith.constant 0 : i32
        %dma_start3A_58 = tpu.memref_slice %arg6[%scan3A_56, %dma_start3A] : memref<40x128xi32, #tpu.memory_space<vmem>> -> memref<1x128xi32, #tpu.memory_space<vmem>>
        %dma_start3A_59 = tpu.memref_squeeze %dma_start3A_58 : memref<1x128xi32, #tpu.memory_space<vmem>> -> memref<128xi32, #tpu.memory_space<vmem>>
        %dma_start3A_60 = arith.constant 0 : i32
        %dma_start3A_61 = arith.constant 0 : i32
        %dma_start3A_62 = tpu.memref_slice %arg9[%dma_start3A_60, %dma_start3A_61] : memref<10240x8xf32, #tpu.memory_space<vmem_shared>> -> memref<10240x8xf32, #tpu.memory_space<vmem_shared>>
        tpu.enqueue_indirect_dma source(%arg8 : memref<128x8xf32, #tpu.memory_space<vmem>>) target(%dma_start3A_62 : memref<10240x8xf32, #tpu.memory_space<vmem_shared>>) offsets(%dma_start3A_59 : memref<128xi32, #tpu.memory_space<vmem>>) semaphore(%run_scoped3A_57 : memref<!tpu.dma_semaphore, #tpu.memory_space<semaphore_mem>>) {add = true}
        %dma_wait3A = arith.constant 0 : i32
        %dma_wait3A_63 = tpu.memref_slice %arg6[%scan3A_56, %dma_wait3A] : memref<40x128xi32, #tpu.memory_space<vmem>> -> memref<1x128xi32, #tpu.memory_space<vmem>>
        %dma_wait3A_64 = tpu.memref_squeeze %dma_wait3A_63 : memref<1x128xi32, #tpu.memory_space<vmem>> -> memref<128xi32, #tpu.memory_space<vmem>>
        %dma_wait3A_65 = arith.constant 0 : i32
        %dma_wait3A_66 = arith.constant 0 : i32
        %dma_wait3A_67 = tpu.memref_slice %arg9[%dma_wait3A_65, %dma_wait3A_66] : memref<10240x8xf32, #tpu.memory_space<vmem_shared>> -> memref<10240x8xf32, #tpu.memory_space<vmem_shared>>
        tpu.wait_indirect_dma semaphore(%run_scoped3A_57 : memref<!tpu.dma_semaphore, #tpu.memory_space<semaphore_mem>>) src(%arg8 : memref<128x8xf32, #tpu.memory_space<vmem>>) dst(%dma_wait3A_67 : memref<10240x8xf32, #tpu.memory_space<vmem_shared>>)
        tpu.yield
      }) : () -> ()
    }
    %scan3A_34 = arith.constant 40 : i32
    %barrier3A_35 = arith.constant 0 : index
    tpu.barrier barrier_id(%barrier3A_35)
    %mul3A_36 = arith.constant 640 : i32
    %mul3A_37 = arith.muli %arg1, %mul3A_36 : i32
    %add3A_38 = arith.constant 0 : i32
    %add3A_39 = arith.addi %mul3A_37, %add3A_38 : i32
    "tpu.region"() ({
      %run_scoped3A_56 = tpu.sem_alloc : memref<!tpu.dma_semaphore, #tpu.memory_space<semaphore_mem>>
      %dma_start3A = arith.constant 0 : i32
      %dma_start3A_57 = tpu.memref_slice %arg9[%add3A_39, %dma_start3A] : memref<10240x8xf32, #tpu.memory_space<vmem_shared>> -> memref<128x8xf32, #tpu.memory_space<vmem_shared>>
      %dma_start3A_58 = arith.constant 0 : i32
      %dma_start3A_59 = tpu.memref_slice %arg9[%add3A_39, %dma_start3A_58] : memref<10240x8xf32, #tpu.memory_space<vmem_shared>> -> memref<128x8xf32, #tpu.memory_space<vmem_shared>>
      tpu.enqueue_dma source(%dma_start3A_59 : memref<128x8xf32, #tpu.memory_space<vmem_shared>>) target(%arg7 : memref<128x8xf32, #tpu.memory_space<vmem>>) target_semaphore(%run_scoped3A_56 : memref<!tpu.dma_semaphore, #tpu.memory_space<semaphore_mem>>)
      %dma_wait3A = arith.constant 0 : i32
      %dma_wait3A_60 = tpu.memref_slice %arg9[%add3A_39, %dma_wait3A] : memref<10240x8xf32, #tpu.memory_space<vmem_shared>> -> memref<128x8xf32, #tpu.memory_space<vmem_shared>>
      %dma_wait3A_61 = arith.constant 0 : i32
      %dma_wait3A_62 = tpu.memref_slice %arg9[%add3A_39, %dma_wait3A_61] : memref<10240x8xf32, #tpu.memory_space<vmem_shared>> -> memref<128x8xf32, #tpu.memory_space<vmem_shared>>
      tpu.wait_dma2 semaphore(%run_scoped3A_56 : memref<!tpu.dma_semaphore, #tpu.memory_space<semaphore_mem>>) src(%dma_wait3A_62 : memref<128x8xf32, #tpu.memory_space<vmem_shared>>) dst(%arg7 : memref<128x8xf32, #tpu.memory_space<vmem>>)
      tpu.yield
    }) : () -> ()
    "tpu.region"() ({
      %run_scoped3A_56 = tpu.sem_alloc : memref<!tpu.dma_semaphore, #tpu.memory_space<semaphore_mem>>
      %dma_start3A = arith.constant 0 : i32
      %dma_start3A_57 = arith.constant 0 : i32
      %dma_start3A_58 = tpu.memref_slice %arg5[%arg0, %dma_start3A, %dma_start3A_57] : memref<2x10240x8xf32, #tpu.memory_space<hbm>> -> memref<1x10240x8xf32, #tpu.memory_space<hbm>>
      %dma_start3A_59 = tpu.memref_squeeze %dma_start3A_58 : memref<1x10240x8xf32, #tpu.memory_space<hbm>> -> memref<10240x8xf32, #tpu.memory_space<hbm>>
      %dma_start3A_60 = arith.constant 0 : i32
      %dma_start3A_61 = tpu.memref_slice %dma_start3A_59[%add3A_39, %dma_start3A_60] : memref<10240x8xf32, #tpu.memory_space<hbm>> -> memref<128x8xf32, #tpu.memory_space<hbm>>
      %dma_start3A_62 = arith.constant 0 : i32
      %dma_start3A_63 = arith.constant 0 : i32
      %dma_start3A_64 = tpu.memref_slice %arg5[%arg0, %dma_start3A_62, %dma_start3A_63] : memref<2x10240x8xf32, #tpu.memory_space<hbm>> -> memref<1x10240x8xf32, #tpu.memory_space<hbm>>
      %dma_start3A_65 = tpu.memref_squeeze %dma_start3A_64 : memref<1x10240x8xf32, #tpu.memory_space<hbm>> -> memref<10240x8xf32, #tpu.memory_space<hbm>>
      %dma_start3A_66 = arith.constant 0 : i32
      %dma_start3A_67 = tpu.memref_slice %dma_start3A_65[%add3A_39, %dma_start3A_66] : memref<10240x8xf32, #tpu.memory_space<hbm>> -> memref<128x8xf32, #tpu.memory_space<hbm>>
      tpu.enqueue_dma source(%arg7 : memref<128x8xf32, #tpu.memory_space<vmem>>) target(%dma_start3A_67 : memref<128x8xf32, #tpu.memory_space<hbm>>) target_semaphore(%run_scoped3A_56 : memref<!tpu.dma_semaphore, #tpu.memory_space<semaphore_mem>>)
      %dma_wait3A = arith.constant 0 : i32
      %dma_wait3A_68 = arith.constant 0 : i32
      %dma_wait3A_69 = tpu.memref_slice %arg5[%arg0, %dma_wait3A, %dma_wait3A_68] : memref<2x10240x8xf32, #tpu.memory_space<hbm>> -> memref<1x10240x8xf32, #tpu.memory_space<hbm>>
      %dma_wait3A_70 = tpu.memref_squeeze %dma_wait3A_69 : memref<1x10240x8xf32, #tpu.memory_space<hbm>> -> memref<10240x8xf32, #tpu.memory_space<hbm>>
      %dma_wait3A_71 = arith.constant 0 : i32
      %dma_wait3A_72 = tpu.memref_slice %dma_wait3A_70[%add3A_39, %dma_wait3A_71] : memref<10240x8xf32, #tpu.memory_space<hbm>> -> memref<128x8xf32, #tpu.memory_space<hbm>>
      %dma_wait3A_73 = arith.constant 0 : i32
      %dma_wait3A_74 = arith.constant 0 : i32
      %dma_wait3A_75 = tpu.memref_slice %arg5[%arg0, %dma_wait3A_73, %dma_wait3A_74] : memref<2x10240x8xf32, #tpu.memory_space<hbm>> -> memref<1x10240x8xf32, #tpu.memory_space<hbm>>
      %dma_wait3A_76 = tpu.memref_squeeze %dma_wait3A_75 : memref<1x10240x8xf32, #tpu.memory_space<hbm>> -> memref<10240x8xf32, #tpu.memory_space<hbm>>
      %dma_wait3A_77 = arith.constant 0 : i32
      %dma_wait3A_78 = tpu.memref_slice %dma_wait3A_76[%add3A_39, %dma_wait3A_77] : memref<10240x8xf32, #tpu.memory_space<hbm>> -> memref<128x8xf32, #tpu.memory_space<hbm>>
      tpu.wait_dma2 semaphore(%run_scoped3A_56 : memref<!tpu.dma_semaphore, #tpu.memory_space<semaphore_mem>>) src(%arg7 : memref<128x8xf32, #tpu.memory_space<vmem>>) dst(%dma_wait3A_78 : memref<128x8xf32, #tpu.memory_space<hbm>>)
      tpu.yield
    }) : () -> ()
    %mul3A_40 = arith.constant 640 : i32
    %mul3A_41 = arith.muli %arg1, %mul3A_40 : i32
    %add3A_42 = arith.constant 128 : i32
    %add3A_43 = arith.addi %mul3A_41, %add3A_42 : i32
    "tpu.region"() ({
      %run_scoped3A_56 = tpu.sem_alloc : memref<!tpu.dma_semaphore, #tpu.memory_space<semaphore_mem>>
      %dma_start3A = arith.constant 0 : i32
      %dma_start3A_57 = tpu.memref_slice %arg9[%add3A_43, %dma_start3A] : memref<10240x8xf32, #tpu.memory_space<vmem_shared>> -> memref<128x8xf32, #tpu.memory_space<vmem_shared>>
      %dma_start3A_58 = arith.constant 0 : i32
      %dma_start3A_59 = tpu.memref_slice %arg9[%add3A_43, %dma_start3A_58] : memref<10240x8xf32, #tpu.memory_space<vmem_shared>> -> memref<128x8xf32, #tpu.memory_space<vmem_shared>>
      tpu.enqueue_dma source(%dma_start3A_59 : memref<128x8xf32, #tpu.memory_space<vmem_shared>>) target(%arg7 : memref<128x8xf32, #tpu.memory_space<vmem>>) target_semaphore(%run_scoped3A_56 : memref<!tpu.dma_semaphore, #tpu.memory_space<semaphore_mem>>)
      %dma_wait3A = arith.constant 0 : i32
      %dma_wait3A_60 = tpu.memref_slice %arg9[%add3A_43, %dma_wait3A] : memref<10240x8xf32, #tpu.memory_space<vmem_shared>> -> memref<128x8xf32, #tpu.memory_space<vmem_shared>>
      %dma_wait3A_61 = arith.constant 0 : i32
      %dma_wait3A_62 = tpu.memref_slice %arg9[%add3A_43, %dma_wait3A_61] : memref<10240x8xf32, #tpu.memory_space<vmem_shared>> -> memref<128x8xf32, #tpu.memory_space<vmem_shared>>
      tpu.wait_dma2 semaphore(%run_scoped3A_56 : memref<!tpu.dma_semaphore, #tpu.memory_space<semaphore_mem>>) src(%dma_wait3A_62 : memref<128x8xf32, #tpu.memory_space<vmem_shared>>) dst(%arg7 : memref<128x8xf32, #tpu.memory_space<vmem>>)
      tpu.yield
    }) : () -> ()
    "tpu.region"() ({
      %run_scoped3A_56 = tpu.sem_alloc : memref<!tpu.dma_semaphore, #tpu.memory_space<semaphore_mem>>
      %dma_start3A = arith.constant 0 : i32
      %dma_start3A_57 = arith.constant 0 : i32
      %dma_start3A_58 = tpu.memref_slice %arg5[%arg0, %dma_start3A, %dma_start3A_57] : memref<2x10240x8xf32, #tpu.memory_space<hbm>> -> memref<1x10240x8xf32, #tpu.memory_space<hbm>>
      %dma_start3A_59 = tpu.memref_squeeze %dma_start3A_58 : memref<1x10240x8xf32, #tpu.memory_space<hbm>> -> memref<10240x8xf32, #tpu.memory_space<hbm>>
      %dma_start3A_60 = arith.constant 0 : i32
      %dma_start3A_61 = tpu.memref_slice %dma_start3A_59[%add3A_43, %dma_start3A_60] : memref<10240x8xf32, #tpu.memory_space<hbm>> -> memref<128x8xf32, #tpu.memory_space<hbm>>
      %dma_start3A_62 = arith.constant 0 : i32
      %dma_start3A_63 = arith.constant 0 : i32
      %dma_start3A_64 = tpu.memref_slice %arg5[%arg0, %dma_start3A_62, %dma_start3A_63] : memref<2x10240x8xf32, #tpu.memory_space<hbm>> -> memref<1x10240x8xf32, #tpu.memory_space<hbm>>
      %dma_start3A_65 = tpu.memref_squeeze %dma_start3A_64 : memref<1x10240x8xf32, #tpu.memory_space<hbm>> -> memref<10240x8xf32, #tpu.memory_space<hbm>>
      %dma_start3A_66 = arith.constant 0 : i32
      %dma_start3A_67 = tpu.memref_slice %dma_start3A_65[%add3A_43, %dma_start3A_66] : memref<10240x8xf32, #tpu.memory_space<hbm>> -> memref<128x8xf32, #tpu.memory_space<hbm>>
      tpu.enqueue_dma source(%arg7 : memref<128x8xf32, #tpu.memory_space<vmem>>) target(%dma_start3A_67 : memref<128x8xf32, #tpu.memory_space<hbm>>) target_semaphore(%run_scoped3A_56 : memref<!tpu.dma_semaphore, #tpu.memory_space<semaphore_mem>>)
      %dma_wait3A = arith.constant 0 : i32
      %dma_wait3A_68 = arith.constant 0 : i32
      %dma_wait3A_69 = tpu.memref_slice %arg5[%arg0, %dma_wait3A, %dma_wait3A_68] : memref<2x10240x8xf32, #tpu.memory_space<hbm>> -> memref<1x10240x8xf32, #tpu.memory_space<hbm>>
      %dma_wait3A_70 = tpu.memref_squeeze %dma_wait3A_69 : memref<1x10240x8xf32, #tpu.memory_space<hbm>> -> memref<10240x8xf32, #tpu.memory_space<hbm>>
      %dma_wait3A_71 = arith.constant 0 : i32
      %dma_wait3A_72 = tpu.memref_slice %dma_wait3A_70[%add3A_43, %dma_wait3A_71] : memref<10240x8xf32, #tpu.memory_space<hbm>> -> memref<128x8xf32, #tpu.memory_space<hbm>>
      %dma_wait3A_73 = arith.constant 0 : i32
      %dma_wait3A_74 = arith.constant 0 : i32
      %dma_wait3A_75 = tpu.memref_slice %arg5[%arg0, %dma_wait3A_73, %dma_wait3A_74] : memref<2x10240x8xf32, #tpu.memory_space<hbm>> -> memref<1x10240x8xf32, #tpu.memory_space<hbm>>
      %dma_wait3A_76 = tpu.memref_squeeze %dma_wait3A_75 : memref<1x10240x8xf32, #tpu.memory_space<hbm>> -> memref<10240x8xf32, #tpu.memory_space<hbm>>
      %dma_wait3A_77 = arith.constant 0 : i32
      %dma_wait3A_78 = tpu.memref_slice %dma_wait3A_76[%add3A_43, %dma_wait3A_77] : memref<10240x8xf32, #tpu.memory_space<hbm>> -> memref<128x8xf32, #tpu.memory_space<hbm>>
      tpu.wait_dma2 semaphore(%run_scoped3A_56 : memref<!tpu.dma_semaphore, #tpu.memory_space<semaphore_mem>>) src(%arg7 : memref<128x8xf32, #tpu.memory_space<vmem>>) dst(%dma_wait3A_78 : memref<128x8xf32, #tpu.memory_space<hbm>>)
      tpu.yield
    }) : () -> ()
    %mul3A_44 = arith.constant 640 : i32
    %mul3A_45 = arith.muli %arg1, %mul3A_44 : i32
    %add3A_46 = arith.constant 256 : i32
    %add3A_47 = arith.addi %mul3A_45, %add3A_46 : i32
    "tpu.region"() ({
      %run_scoped3A_56 = tpu.sem_alloc : memref<!tpu.dma_semaphore, #tpu.memory_space<semaphore_mem>>
      %dma_start3A = arith.constant 0 : i32
      %dma_start3A_57 = tpu.memref_slice %arg9[%add3A_47, %dma_start3A] : memref<10240x8xf32, #tpu.memory_space<vmem_shared>> -> memref<128x8xf32, #tpu.memory_space<vmem_shared>>
      %dma_start3A_58 = arith.constant 0 : i32
      %dma_start3A_59 = tpu.memref_slice %arg9[%add3A_47, %dma_start3A_58] : memref<10240x8xf32, #tpu.memory_space<vmem_shared>> -> memref<128x8xf32, #tpu.memory_space<vmem_shared>>
      tpu.enqueue_dma source(%dma_start3A_59 : memref<128x8xf32, #tpu.memory_space<vmem_shared>>) target(%arg7 : memref<128x8xf32, #tpu.memory_space<vmem>>) target_semaphore(%run_scoped3A_56 : memref<!tpu.dma_semaphore, #tpu.memory_space<semaphore_mem>>)
      %dma_wait3A = arith.constant 0 : i32
      %dma_wait3A_60 = tpu.memref_slice %arg9[%add3A_47, %dma_wait3A] : memref<10240x8xf32, #tpu.memory_space<vmem_shared>> -> memref<128x8xf32, #tpu.memory_space<vmem_shared>>
      %dma_wait3A_61 = arith.constant 0 : i32
      %dma_wait3A_62 = tpu.memref_slice %arg9[%add3A_47, %dma_wait3A_61] : memref<10240x8xf32, #tpu.memory_space<vmem_shared>> -> memref<128x8xf32, #tpu.memory_space<vmem_shared>>
      tpu.wait_dma2 semaphore(%run_scoped3A_56 : memref<!tpu.dma_semaphore, #tpu.memory_space<semaphore_mem>>) src(%dma_wait3A_62 : memref<128x8xf32, #tpu.memory_space<vmem_shared>>) dst(%arg7 : memref<128x8xf32, #tpu.memory_space<vmem>>)
      tpu.yield
    }) : () -> ()
    "tpu.region"() ({
      %run_scoped3A_56 = tpu.sem_alloc : memref<!tpu.dma_semaphore, #tpu.memory_space<semaphore_mem>>
      %dma_start3A = arith.constant 0 : i32
      %dma_start3A_57 = arith.constant 0 : i32
      %dma_start3A_58 = tpu.memref_slice %arg5[%arg0, %dma_start3A, %dma_start3A_57] : memref<2x10240x8xf32, #tpu.memory_space<hbm>> -> memref<1x10240x8xf32, #tpu.memory_space<hbm>>
      %dma_start3A_59 = tpu.memref_squeeze %dma_start3A_58 : memref<1x10240x8xf32, #tpu.memory_space<hbm>> -> memref<10240x8xf32, #tpu.memory_space<hbm>>
      %dma_start3A_60 = arith.constant 0 : i32
      %dma_start3A_61 = tpu.memref_slice %dma_start3A_59[%add3A_47, %dma_start3A_60] : memref<10240x8xf32, #tpu.memory_space<hbm>> -> memref<128x8xf32, #tpu.memory_space<hbm>>
      %dma_start3A_62 = arith.constant 0 : i32
      %dma_start3A_63 = arith.constant 0 : i32
      %dma_start3A_64 = tpu.memref_slice %arg5[%arg0, %dma_start3A_62, %dma_start3A_63] : memref<2x10240x8xf32, #tpu.memory_space<hbm>> -> memref<1x10240x8xf32, #tpu.memory_space<hbm>>
      %dma_start3A_65 = tpu.memref_squeeze %dma_start3A_64 : memref<1x10240x8xf32, #tpu.memory_space<hbm>> -> memref<10240x8xf32, #tpu.memory_space<hbm>>
      %dma_start3A_66 = arith.constant 0 : i32
      %dma_start3A_67 = tpu.memref_slice %dma_start3A_65[%add3A_47, %dma_start3A_66] : memref<10240x8xf32, #tpu.memory_space<hbm>> -> memref<128x8xf32, #tpu.memory_space<hbm>>
      tpu.enqueue_dma source(%arg7 : memref<128x8xf32, #tpu.memory_space<vmem>>) target(%dma_start3A_67 : memref<128x8xf32, #tpu.memory_space<hbm>>) target_semaphore(%run_scoped3A_56 : memref<!tpu.dma_semaphore, #tpu.memory_space<semaphore_mem>>)
      %dma_wait3A = arith.constant 0 : i32
      %dma_wait3A_68 = arith.constant 0 : i32
      %dma_wait3A_69 = tpu.memref_slice %arg5[%arg0, %dma_wait3A, %dma_wait3A_68] : memref<2x10240x8xf32, #tpu.memory_space<hbm>> -> memref<1x10240x8xf32, #tpu.memory_space<hbm>>
      %dma_wait3A_70 = tpu.memref_squeeze %dma_wait3A_69 : memref<1x10240x8xf32, #tpu.memory_space<hbm>> -> memref<10240x8xf32, #tpu.memory_space<hbm>>
      %dma_wait3A_71 = arith.constant 0 : i32
      %dma_wait3A_72 = tpu.memref_slice %dma_wait3A_70[%add3A_47, %dma_wait3A_71] : memref<10240x8xf32, #tpu.memory_space<hbm>> -> memref<128x8xf32, #tpu.memory_space<hbm>>
      %dma_wait3A_73 = arith.constant 0 : i32
      %dma_wait3A_74 = arith.constant 0 : i32
      %dma_wait3A_75 = tpu.memref_slice %arg5[%arg0, %dma_wait3A_73, %dma_wait3A_74] : memref<2x10240x8xf32, #tpu.memory_space<hbm>> -> memref<1x10240x8xf32, #tpu.memory_space<hbm>>
      %dma_wait3A_76 = tpu.memref_squeeze %dma_wait3A_75 : memref<1x10240x8xf32, #tpu.memory_space<hbm>> -> memref<10240x8xf32, #tpu.memory_space<hbm>>
      %dma_wait3A_77 = arith.constant 0 : i32
      %dma_wait3A_78 = tpu.memref_slice %dma_wait3A_76[%add3A_47, %dma_wait3A_77] : memref<10240x8xf32, #tpu.memory_space<hbm>> -> memref<128x8xf32, #tpu.memory_space<hbm>>
      tpu.wait_dma2 semaphore(%run_scoped3A_56 : memref<!tpu.dma_semaphore, #tpu.memory_space<semaphore_mem>>) src(%arg7 : memref<128x8xf32, #tpu.memory_space<vmem>>) dst(%dma_wait3A_78 : memref<128x8xf32, #tpu.memory_space<hbm>>)
      tpu.yield
    }) : () -> ()
    %mul3A_48 = arith.constant 640 : i32
    %mul3A_49 = arith.muli %arg1, %mul3A_48 : i32
    %add3A_50 = arith.constant 384 : i32
    %add3A_51 = arith.addi %mul3A_49, %add3A_50 : i32
    "tpu.region"() ({
      %run_scoped3A_56 = tpu.sem_alloc : memref<!tpu.dma_semaphore, #tpu.memory_space<semaphore_mem>>
      %dma_start3A = arith.constant 0 : i32
      %dma_start3A_57 = tpu.memref_slice %arg9[%add3A_51, %dma_start3A] : memref<10240x8xf32, #tpu.memory_space<vmem_shared>> -> memref<128x8xf32, #tpu.memory_space<vmem_shared>>
      %dma_start3A_58 = arith.constant 0 : i32
      %dma_start3A_59 = tpu.memref_slice %arg9[%add3A_51, %dma_start3A_58] : memref<10240x8xf32, #tpu.memory_space<vmem_shared>> -> memref<128x8xf32, #tpu.memory_space<vmem_shared>>
      tpu.enqueue_dma source(%dma_start3A_59 : memref<128x8xf32, #tpu.memory_space<vmem_shared>>) target(%arg7 : memref<128x8xf32, #tpu.memory_space<vmem>>) target_semaphore(%run_scoped3A_56 : memref<!tpu.dma_semaphore, #tpu.memory_space<semaphore_mem>>)
      %dma_wait3A = arith.constant 0 : i32
      %dma_wait3A_60 = tpu.memref_slice %arg9[%add3A_51, %dma_wait3A] : memref<10240x8xf32, #tpu.memory_space<vmem_shared>> -> memref<128x8xf32, #tpu.memory_space<vmem_shared>>
      %dma_wait3A_61 = arith.constant 0 : i32
      %dma_wait3A_62 = tpu.memref_slice %arg9[%add3A_51, %dma_wait3A_61] : memref<10240x8xf32, #tpu.memory_space<vmem_shared>> -> memref<128x8xf32, #tpu.memory_space<vmem_shared>>
      tpu.wait_dma2 semaphore(%run_scoped3A_56 : memref<!tpu.dma_semaphore, #tpu.memory_space<semaphore_mem>>) src(%dma_wait3A_62 : memref<128x8xf32, #tpu.memory_space<vmem_shared>>) dst(%arg7 : memref<128x8xf32, #tpu.memory_space<vmem>>)
      tpu.yield
    }) : () -> ()
    "tpu.region"() ({
      %run_scoped3A_56 = tpu.sem_alloc : memref<!tpu.dma_semaphore, #tpu.memory_space<semaphore_mem>>
      %dma_start3A = arith.constant 0 : i32
      %dma_start3A_57 = arith.constant 0 : i32
      %dma_start3A_58 = tpu.memref_slice %arg5[%arg0, %dma_start3A, %dma_start3A_57] : memref<2x10240x8xf32, #tpu.memory_space<hbm>> -> memref<1x10240x8xf32, #tpu.memory_space<hbm>>
      %dma_start3A_59 = tpu.memref_squeeze %dma_start3A_58 : memref<1x10240x8xf32, #tpu.memory_space<hbm>> -> memref<10240x8xf32, #tpu.memory_space<hbm>>
      %dma_start3A_60 = arith.constant 0 : i32
      %dma_start3A_61 = tpu.memref_slice %dma_start3A_59[%add3A_51, %dma_start3A_60] : memref<10240x8xf32, #tpu.memory_space<hbm>> -> memref<128x8xf32, #tpu.memory_space<hbm>>
      %dma_start3A_62 = arith.constant 0 : i32
      %dma_start3A_63 = arith.constant 0 : i32
      %dma_start3A_64 = tpu.memref_slice %arg5[%arg0, %dma_start3A_62, %dma_start3A_63] : memref<2x10240x8xf32, #tpu.memory_space<hbm>> -> memref<1x10240x8xf32, #tpu.memory_space<hbm>>
      %dma_start3A_65 = tpu.memref_squeeze %dma_start3A_64 : memref<1x10240x8xf32, #tpu.memory_space<hbm>> -> memref<10240x8xf32, #tpu.memory_space<hbm>>
      %dma_start3A_66 = arith.constant 0 : i32
      %dma_start3A_67 = tpu.memref_slice %dma_start3A_65[%add3A_51, %dma_start3A_66] : memref<10240x8xf32, #tpu.memory_space<hbm>> -> memref<128x8xf32, #tpu.memory_space<hbm>>
      tpu.enqueue_dma source(%arg7 : memref<128x8xf32, #tpu.memory_space<vmem>>) target(%dma_start3A_67 : memref<128x8xf32, #tpu.memory_space<hbm>>) target_semaphore(%run_scoped3A_56 : memref<!tpu.dma_semaphore, #tpu.memory_space<semaphore_mem>>)
      %dma_wait3A = arith.constant 0 : i32
      %dma_wait3A_68 = arith.constant 0 : i32
      %dma_wait3A_69 = tpu.memref_slice %arg5[%arg0, %dma_wait3A, %dma_wait3A_68] : memref<2x10240x8xf32, #tpu.memory_space<hbm>> -> memref<1x10240x8xf32, #tpu.memory_space<hbm>>
      %dma_wait3A_70 = tpu.memref_squeeze %dma_wait3A_69 : memref<1x10240x8xf32, #tpu.memory_space<hbm>> -> memref<10240x8xf32, #tpu.memory_space<hbm>>
      %dma_wait3A_71 = arith.constant 0 : i32
      %dma_wait3A_72 = tpu.memref_slice %dma_wait3A_70[%add3A_51, %dma_wait3A_71] : memref<10240x8xf32, #tpu.memory_space<hbm>> -> memref<128x8xf32, #tpu.memory_space<hbm>>
      %dma_wait3A_73 = arith.constant 0 : i32
      %dma_wait3A_74 = arith.constant 0 : i32
      %dma_wait3A_75 = tpu.memref_slice %arg5[%arg0, %dma_wait3A_73, %dma_wait3A_74] : memref<2x10240x8xf32, #tpu.memory_space<hbm>> -> memref<1x10240x8xf32, #tpu.memory_space<hbm>>
      %dma_wait3A_76 = tpu.memref_squeeze %dma_wait3A_75 : memref<1x10240x8xf32, #tpu.memory_space<hbm>> -> memref<10240x8xf32, #tpu.memory_space<hbm>>
      %dma_wait3A_77 = arith.constant 0 : i32
      %dma_wait3A_78 = tpu.memref_slice %dma_wait3A_76[%add3A_51, %dma_wait3A_77] : memref<10240x8xf32, #tpu.memory_space<hbm>> -> memref<128x8xf32, #tpu.memory_space<hbm>>
      tpu.wait_dma2 semaphore(%run_scoped3A_56 : memref<!tpu.dma_semaphore, #tpu.memory_space<semaphore_mem>>) src(%arg7 : memref<128x8xf32, #tpu.memory_space<vmem>>) dst(%dma_wait3A_78 : memref<128x8xf32, #tpu.memory_space<hbm>>)
      tpu.yield
    }) : () -> ()
    %mul3A_52 = arith.constant 640 : i32
    %mul3A_53 = arith.muli %arg1, %mul3A_52 : i32
    %add3A_54 = arith.constant 512 : i32
    %add3A_55 = arith.addi %mul3A_53, %add3A_54 : i32
    "tpu.region"() ({
      %run_scoped3A_56 = tpu.sem_alloc : memref<!tpu.dma_semaphore, #tpu.memory_space<semaphore_mem>>
      %dma_start3A = arith.constant 0 : i32
      %dma_start3A_57 = tpu.memref_slice %arg9[%add3A_55, %dma_start3A] : memref<10240x8xf32, #tpu.memory_space<vmem_shared>> -> memref<128x8xf32, #tpu.memory_space<vmem_shared>>
      %dma_start3A_58 = arith.constant 0 : i32
      %dma_start3A_59 = tpu.memref_slice %arg9[%add3A_55, %dma_start3A_58] : memref<10240x8xf32, #tpu.memory_space<vmem_shared>> -> memref<128x8xf32, #tpu.memory_space<vmem_shared>>
      tpu.enqueue_dma source(%dma_start3A_59 : memref<128x8xf32, #tpu.memory_space<vmem_shared>>) target(%arg7 : memref<128x8xf32, #tpu.memory_space<vmem>>) target_semaphore(%run_scoped3A_56 : memref<!tpu.dma_semaphore, #tpu.memory_space<semaphore_mem>>)
      %dma_wait3A = arith.constant 0 : i32
      %dma_wait3A_60 = tpu.memref_slice %arg9[%add3A_55, %dma_wait3A] : memref<10240x8xf32, #tpu.memory_space<vmem_shared>> -> memref<128x8xf32, #tpu.memory_space<vmem_shared>>
      %dma_wait3A_61 = arith.constant 0 : i32
      %dma_wait3A_62 = tpu.memref_slice %arg9[%add3A_55, %dma_wait3A_61] : memref<10240x8xf32, #tpu.memory_space<vmem_shared>> -> memref<128x8xf32, #tpu.memory_space<vmem_shared>>
      tpu.wait_dma2 semaphore(%run_scoped3A_56 : memref<!tpu.dma_semaphore, #tpu.memory_space<semaphore_mem>>) src(%dma_wait3A_62 : memref<128x8xf32, #tpu.memory_space<vmem_shared>>) dst(%arg7 : memref<128x8xf32, #tpu.memory_space<vmem>>)
      tpu.yield
    }) : () -> ()
    "tpu.region"() ({
      %run_scoped3A_56 = tpu.sem_alloc : memref<!tpu.dma_semaphore, #tpu.memory_space<semaphore_mem>>
      %dma_start3A = arith.constant 0 : i32
      %dma_start3A_57 = arith.constant 0 : i32
      %dma_start3A_58 = tpu.memref_slice %arg5[%arg0, %dma_start3A, %dma_start3A_57] : memref<2x10240x8xf32, #tpu.memory_space<hbm>> -> memref<1x10240x8xf32, #tpu.memory_space<hbm>>
      %dma_start3A_59 = tpu.memref_squeeze %dma_start3A_58 : memref<1x10240x8xf32, #tpu.memory_space<hbm>> -> memref<10240x8xf32, #tpu.memory_space<hbm>>
      %dma_start3A_60 = arith.constant 0 : i32
      %dma_start3A_61 = tpu.memref_slice %dma_start3A_59[%add3A_55, %dma_start3A_60] : memref<10240x8xf32, #tpu.memory_space<hbm>> -> memref<128x8xf32, #tpu.memory_space<hbm>>
      %dma_start3A_62 = arith.constant 0 : i32
      %dma_start3A_63 = arith.constant 0 : i32
      %dma_start3A_64 = tpu.memref_slice %arg5[%arg0, %dma_start3A_62, %dma_start3A_63] : memref<2x10240x8xf32, #tpu.memory_space<hbm>> -> memref<1x10240x8xf32, #tpu.memory_space<hbm>>
      %dma_start3A_65 = tpu.memref_squeeze %dma_start3A_64 : memref<1x10240x8xf32, #tpu.memory_space<hbm>> -> memref<10240x8xf32, #tpu.memory_space<hbm>>
      %dma_start3A_66 = arith.constant 0 : i32
      %dma_start3A_67 = tpu.memref_slice %dma_start3A_65[%add3A_55, %dma_start3A_66] : memref<10240x8xf32, #tpu.memory_space<hbm>> -> memref<128x8xf32, #tpu.memory_space<hbm>>
      tpu.enqueue_dma source(%arg7 : memref<128x8xf32, #tpu.memory_space<vmem>>) target(%dma_start3A_67 : memref<128x8xf32, #tpu.memory_space<hbm>>) target_semaphore(%run_scoped3A_56 : memref<!tpu.dma_semaphore, #tpu.memory_space<semaphore_mem>>)
      %dma_wait3A = arith.constant 0 : i32
      %dma_wait3A_68 = arith.constant 0 : i32
      %dma_wait3A_69 = tpu.memref_slice %arg5[%arg0, %dma_wait3A, %dma_wait3A_68] : memref<2x10240x8xf32, #tpu.memory_space<hbm>> -> memref<1x10240x8xf32, #tpu.memory_space<hbm>>
      %dma_wait3A_70 = tpu.memref_squeeze %dma_wait3A_69 : memref<1x10240x8xf32, #tpu.memory_space<hbm>> -> memref<10240x8xf32, #tpu.memory_space<hbm>>
      %dma_wait3A_71 = arith.constant 0 : i32
      %dma_wait3A_72 = tpu.memref_slice %dma_wait3A_70[%add3A_55, %dma_wait3A_71] : memref<10240x8xf32, #tpu.memory_space<hbm>> -> memref<128x8xf32, #tpu.memory_space<hbm>>
      %dma_wait3A_73 = arith.constant 0 : i32
      %dma_wait3A_74 = arith.constant 0 : i32
      %dma_wait3A_75 = tpu.memref_slice %arg5[%arg0, %dma_wait3A_73, %dma_wait3A_74] : memref<2x10240x8xf32, #tpu.memory_space<hbm>> -> memref<1x10240x8xf32, #tpu.memory_space<hbm>>
      %dma_wait3A_76 = tpu.memref_squeeze %dma_wait3A_75 : memref<1x10240x8xf32, #tpu.memory_space<hbm>> -> memref<10240x8xf32, #tpu.memory_space<hbm>>
      %dma_wait3A_77 = arith.constant 0 : i32
      %dma_wait3A_78 = tpu.memref_slice %dma_wait3A_76[%add3A_55, %dma_wait3A_77] : memref<10240x8xf32, #tpu.memory_space<hbm>> -> memref<128x8xf32, #tpu.memory_space<hbm>>
      tpu.wait_dma2 semaphore(%run_scoped3A_56 : memref<!tpu.dma_semaphore, #tpu.memory_space<semaphore_mem>>) src(%arg7 : memref<128x8xf32, #tpu.memory_space<vmem>>) dst(%dma_wait3A_78 : memref<128x8xf32, #tpu.memory_space<hbm>>)
      tpu.yield
    }) : () -> ()
    return
  }
}

#map = affine_map<(d0, d1) -> (0, 0)>
#map1 = affine_map<(d0, d1) -> (0, 0, 0, 0, 0)>
#map2 = affine_map<(d0, d1) -> (0, 0, 0)>
module attributes {stable_mosaic.version = 14 : i64} {
  func.func @prop(%arg0: i32, %arg1: i32, %arg2: memref<10240x128xf32, #tpu.memory_space<hbm>>, %arg3: memref<2x32x2x40x128xi32, #tpu.memory_space<hbm>>, %arg4: memref<128x128xf32, #tpu.memory_space<hbm>>, %arg5: memref<2x10240x128xf32, #tpu.memory_space<hbm>>, %arg6: memref<40x128xi32, #tpu.memory_space<vmem>>, %arg7: memref<40x128xi32, #tpu.memory_space<vmem>>, %arg8: memref<128x128xf32, #tpu.memory_space<vmem>>, %arg9: memref<128x128xf32, #tpu.memory_space<vmem>>, %arg10: memref<10240x128xf32, #tpu.memory_space<vmem_shared>>, %arg11: memref<!tpu.dma_semaphore, #tpu.memory_space<semaphore_mem>>, %arg12: memref<!tpu.dma_semaphore, #tpu.memory_space<semaphore_mem>>) attributes {dimension_semantics = [#tpu.dimension_semantics<core_parallel>, #tpu.dimension_semantics<subcore_parallel>], iteration_bounds = array<i64: 2, 16>, scalar_prefetch = 0 : i64, scratch_operands = 7 : i64, tpu.core_type = #tpu.core_type<sc_vector_subcore>, window_params = [{transform_indices = #map}, {transform_indices = #map1}, {transform_indices = #map}, {transform_indices = #map2}]} {
    %mul3A = arith.constant 16 : i32
    %mul3A_0 = arith.muli %arg0, %mul3A : i32
    %add3A = arith.addi %mul3A_0, %arg1 : i32
    "tpu.region"() ({
      %run_scoped3A_118 = tpu.sem_alloc : memref<!tpu.dma_semaphore, #tpu.memory_space<semaphore_mem>>
      tpu.enqueue_dma source(%arg4 : memref<128x128xf32, #tpu.memory_space<hbm>>) target(%arg8 : memref<128x128xf32, #tpu.memory_space<vmem>>) target_semaphore(%run_scoped3A_118 : memref<!tpu.dma_semaphore, #tpu.memory_space<semaphore_mem>>)
      tpu.wait_dma2 semaphore(%run_scoped3A_118 : memref<!tpu.dma_semaphore, #tpu.memory_space<semaphore_mem>>) src(%arg4 : memref<128x128xf32, #tpu.memory_space<hbm>>) dst(%arg8 : memref<128x128xf32, #tpu.memory_space<vmem>>)
      tpu.yield
    }) : () -> ()
    %mul3A_1 = arith.constant 640 : i32
    %mul3A_2 = arith.muli %arg1, %mul3A_1 : i32
    %add3A_3 = arith.constant 0 : i32
    %add3A_4 = arith.addi %mul3A_2, %add3A_3 : i32
    "tpu.region"() ({
      %run_scoped3A_118 = tpu.sem_alloc : memref<!tpu.dma_semaphore, #tpu.memory_space<semaphore_mem>>
      %dma_start3A_119 = arith.constant 0 : i32
      %dma_start3A_120 = tpu.memref_slice %arg10[%add3A_4, %dma_start3A_119] : memref<10240x128xf32, #tpu.memory_space<vmem_shared>> -> memref<128x128xf32, #tpu.memory_space<vmem_shared>>
      %dma_start3A_121 = arith.constant 0 : i32
      %dma_start3A_122 = tpu.memref_slice %arg10[%add3A_4, %dma_start3A_121] : memref<10240x128xf32, #tpu.memory_space<vmem_shared>> -> memref<128x128xf32, #tpu.memory_space<vmem_shared>>
      tpu.enqueue_dma source(%arg8 : memref<128x128xf32, #tpu.memory_space<vmem>>) target(%dma_start3A_122 : memref<128x128xf32, #tpu.memory_space<vmem_shared>>) target_semaphore(%run_scoped3A_118 : memref<!tpu.dma_semaphore, #tpu.memory_space<semaphore_mem>>)
      %dma_wait3A_123 = arith.constant 0 : i32
      %dma_wait3A_124 = tpu.memref_slice %arg10[%add3A_4, %dma_wait3A_123] : memref<10240x128xf32, #tpu.memory_space<vmem_shared>> -> memref<128x128xf32, #tpu.memory_space<vmem_shared>>
      %dma_wait3A_125 = arith.constant 0 : i32
      %dma_wait3A_126 = tpu.memref_slice %arg10[%add3A_4, %dma_wait3A_125] : memref<10240x128xf32, #tpu.memory_space<vmem_shared>> -> memref<128x128xf32, #tpu.memory_space<vmem_shared>>
      tpu.wait_dma2 semaphore(%run_scoped3A_118 : memref<!tpu.dma_semaphore, #tpu.memory_space<semaphore_mem>>) src(%arg8 : memref<128x128xf32, #tpu.memory_space<vmem>>) dst(%dma_wait3A_126 : memref<128x128xf32, #tpu.memory_space<vmem_shared>>)
      tpu.yield
    }) : () -> ()
    %mul3A_5 = arith.constant 640 : i32
    %mul3A_6 = arith.muli %arg1, %mul3A_5 : i32
    %add3A_7 = arith.constant 128 : i32
    %add3A_8 = arith.addi %mul3A_6, %add3A_7 : i32
    "tpu.region"() ({
      %run_scoped3A_118 = tpu.sem_alloc : memref<!tpu.dma_semaphore, #tpu.memory_space<semaphore_mem>>
      %dma_start3A_119 = arith.constant 0 : i32
      %dma_start3A_120 = tpu.memref_slice %arg10[%add3A_8, %dma_start3A_119] : memref<10240x128xf32, #tpu.memory_space<vmem_shared>> -> memref<128x128xf32, #tpu.memory_space<vmem_shared>>
      %dma_start3A_121 = arith.constant 0 : i32
      %dma_start3A_122 = tpu.memref_slice %arg10[%add3A_8, %dma_start3A_121] : memref<10240x128xf32, #tpu.memory_space<vmem_shared>> -> memref<128x128xf32, #tpu.memory_space<vmem_shared>>
      tpu.enqueue_dma source(%arg8 : memref<128x128xf32, #tpu.memory_space<vmem>>) target(%dma_start3A_122 : memref<128x128xf32, #tpu.memory_space<vmem_shared>>) target_semaphore(%run_scoped3A_118 : memref<!tpu.dma_semaphore, #tpu.memory_space<semaphore_mem>>)
      %dma_wait3A_123 = arith.constant 0 : i32
      %dma_wait3A_124 = tpu.memref_slice %arg10[%add3A_8, %dma_wait3A_123] : memref<10240x128xf32, #tpu.memory_space<vmem_shared>> -> memref<128x128xf32, #tpu.memory_space<vmem_shared>>
      %dma_wait3A_125 = arith.constant 0 : i32
      %dma_wait3A_126 = tpu.memref_slice %arg10[%add3A_8, %dma_wait3A_125] : memref<10240x128xf32, #tpu.memory_space<vmem_shared>> -> memref<128x128xf32, #tpu.memory_space<vmem_shared>>
      tpu.wait_dma2 semaphore(%run_scoped3A_118 : memref<!tpu.dma_semaphore, #tpu.memory_space<semaphore_mem>>) src(%arg8 : memref<128x128xf32, #tpu.memory_space<vmem>>) dst(%dma_wait3A_126 : memref<128x128xf32, #tpu.memory_space<vmem_shared>>)
      tpu.yield
    }) : () -> ()
    %mul3A_9 = arith.constant 640 : i32
    %mul3A_10 = arith.muli %arg1, %mul3A_9 : i32
    %add3A_11 = arith.constant 256 : i32
    %add3A_12 = arith.addi %mul3A_10, %add3A_11 : i32
    "tpu.region"() ({
      %run_scoped3A_118 = tpu.sem_alloc : memref<!tpu.dma_semaphore, #tpu.memory_space<semaphore_mem>>
      %dma_start3A_119 = arith.constant 0 : i32
      %dma_start3A_120 = tpu.memref_slice %arg10[%add3A_12, %dma_start3A_119] : memref<10240x128xf32, #tpu.memory_space<vmem_shared>> -> memref<128x128xf32, #tpu.memory_space<vmem_shared>>
      %dma_start3A_121 = arith.constant 0 : i32
      %dma_start3A_122 = tpu.memref_slice %arg10[%add3A_12, %dma_start3A_121] : memref<10240x128xf32, #tpu.memory_space<vmem_shared>> -> memref<128x128xf32, #tpu.memory_space<vmem_shared>>
      tpu.enqueue_dma source(%arg8 : memref<128x128xf32, #tpu.memory_space<vmem>>) target(%dma_start3A_122 : memref<128x128xf32, #tpu.memory_space<vmem_shared>>) target_semaphore(%run_scoped3A_118 : memref<!tpu.dma_semaphore, #tpu.memory_space<semaphore_mem>>)
      %dma_wait3A_123 = arith.constant 0 : i32
      %dma_wait3A_124 = tpu.memref_slice %arg10[%add3A_12, %dma_wait3A_123] : memref<10240x128xf32, #tpu.memory_space<vmem_shared>> -> memref<128x128xf32, #tpu.memory_space<vmem_shared>>
      %dma_wait3A_125 = arith.constant 0 : i32
      %dma_wait3A_126 = tpu.memref_slice %arg10[%add3A_12, %dma_wait3A_125] : memref<10240x128xf32, #tpu.memory_space<vmem_shared>> -> memref<128x128xf32, #tpu.memory_space<vmem_shared>>
      tpu.wait_dma2 semaphore(%run_scoped3A_118 : memref<!tpu.dma_semaphore, #tpu.memory_space<semaphore_mem>>) src(%arg8 : memref<128x128xf32, #tpu.memory_space<vmem>>) dst(%dma_wait3A_126 : memref<128x128xf32, #tpu.memory_space<vmem_shared>>)
      tpu.yield
    }) : () -> ()
    %mul3A_13 = arith.constant 640 : i32
    %mul3A_14 = arith.muli %arg1, %mul3A_13 : i32
    %add3A_15 = arith.constant 384 : i32
    %add3A_16 = arith.addi %mul3A_14, %add3A_15 : i32
    "tpu.region"() ({
      %run_scoped3A_118 = tpu.sem_alloc : memref<!tpu.dma_semaphore, #tpu.memory_space<semaphore_mem>>
      %dma_start3A_119 = arith.constant 0 : i32
      %dma_start3A_120 = tpu.memref_slice %arg10[%add3A_16, %dma_start3A_119] : memref<10240x128xf32, #tpu.memory_space<vmem_shared>> -> memref<128x128xf32, #tpu.memory_space<vmem_shared>>
      %dma_start3A_121 = arith.constant 0 : i32
      %dma_start3A_122 = tpu.memref_slice %arg10[%add3A_16, %dma_start3A_121] : memref<10240x128xf32, #tpu.memory_space<vmem_shared>> -> memref<128x128xf32, #tpu.memory_space<vmem_shared>>
      tpu.enqueue_dma source(%arg8 : memref<128x128xf32, #tpu.memory_space<vmem>>) target(%dma_start3A_122 : memref<128x128xf32, #tpu.memory_space<vmem_shared>>) target_semaphore(%run_scoped3A_118 : memref<!tpu.dma_semaphore, #tpu.memory_space<semaphore_mem>>)
      %dma_wait3A_123 = arith.constant 0 : i32
      %dma_wait3A_124 = tpu.memref_slice %arg10[%add3A_16, %dma_wait3A_123] : memref<10240x128xf32, #tpu.memory_space<vmem_shared>> -> memref<128x128xf32, #tpu.memory_space<vmem_shared>>
      %dma_wait3A_125 = arith.constant 0 : i32
      %dma_wait3A_126 = tpu.memref_slice %arg10[%add3A_16, %dma_wait3A_125] : memref<10240x128xf32, #tpu.memory_space<vmem_shared>> -> memref<128x128xf32, #tpu.memory_space<vmem_shared>>
      tpu.wait_dma2 semaphore(%run_scoped3A_118 : memref<!tpu.dma_semaphore, #tpu.memory_space<semaphore_mem>>) src(%arg8 : memref<128x128xf32, #tpu.memory_space<vmem>>) dst(%dma_wait3A_126 : memref<128x128xf32, #tpu.memory_space<vmem_shared>>)
      tpu.yield
    }) : () -> ()
    %mul3A_17 = arith.constant 640 : i32
    %mul3A_18 = arith.muli %arg1, %mul3A_17 : i32
    %add3A_19 = arith.constant 512 : i32
    %add3A_20 = arith.addi %mul3A_18, %add3A_19 : i32
    "tpu.region"() ({
      %run_scoped3A_118 = tpu.sem_alloc : memref<!tpu.dma_semaphore, #tpu.memory_space<semaphore_mem>>
      %dma_start3A_119 = arith.constant 0 : i32
      %dma_start3A_120 = tpu.memref_slice %arg10[%add3A_20, %dma_start3A_119] : memref<10240x128xf32, #tpu.memory_space<vmem_shared>> -> memref<128x128xf32, #tpu.memory_space<vmem_shared>>
      %dma_start3A_121 = arith.constant 0 : i32
      %dma_start3A_122 = tpu.memref_slice %arg10[%add3A_20, %dma_start3A_121] : memref<10240x128xf32, #tpu.memory_space<vmem_shared>> -> memref<128x128xf32, #tpu.memory_space<vmem_shared>>
      tpu.enqueue_dma source(%arg8 : memref<128x128xf32, #tpu.memory_space<vmem>>) target(%dma_start3A_122 : memref<128x128xf32, #tpu.memory_space<vmem_shared>>) target_semaphore(%run_scoped3A_118 : memref<!tpu.dma_semaphore, #tpu.memory_space<semaphore_mem>>)
      %dma_wait3A_123 = arith.constant 0 : i32
      %dma_wait3A_124 = tpu.memref_slice %arg10[%add3A_20, %dma_wait3A_123] : memref<10240x128xf32, #tpu.memory_space<vmem_shared>> -> memref<128x128xf32, #tpu.memory_space<vmem_shared>>
      %dma_wait3A_125 = arith.constant 0 : i32
      %dma_wait3A_126 = tpu.memref_slice %arg10[%add3A_20, %dma_wait3A_125] : memref<10240x128xf32, #tpu.memory_space<vmem_shared>> -> memref<128x128xf32, #tpu.memory_space<vmem_shared>>
      tpu.wait_dma2 semaphore(%run_scoped3A_118 : memref<!tpu.dma_semaphore, #tpu.memory_space<semaphore_mem>>) src(%arg8 : memref<128x128xf32, #tpu.memory_space<vmem>>) dst(%dma_wait3A_126 : memref<128x128xf32, #tpu.memory_space<vmem_shared>>)
      tpu.yield
    }) : () -> ()
    %barrier3A = arith.constant 0 : index
    tpu.barrier barrier_id(%barrier3A)
    %run_scoped3A = arith.constant 0 : i32
    %run_scoped3A_21 = arith.constant 0 : i32
    "tpu.region"() ({
      %run_scoped3A_118 = tpu.sem_alloc : memref<!tpu.dma_semaphore, #tpu.memory_space<semaphore_mem>>
      %dma_start3A_119 = arith.constant 0 : i32
      %dma_start3A_120 = arith.constant 0 : i32
      %dma_start3A_121 = arith.constant 0 : i32
      %dma_start3A_122 = arith.constant 0 : i32
      %dma_start3A_123 = tpu.memref_slice %arg3[%run_scoped3A, %dma_start3A_119, %dma_start3A_120, %dma_start3A_121, %dma_start3A_122] : memref<2x32x2x40x128xi32, #tpu.memory_space<hbm>> -> memref<1x32x2x40x128xi32, #tpu.memory_space<hbm>>
      %dma_start3A_124 = tpu.memref_squeeze %dma_start3A_123 : memref<1x32x2x40x128xi32, #tpu.memory_space<hbm>> -> memref<32x2x40x128xi32, #tpu.memory_space<hbm>>
      %dma_start3A_125 = arith.constant 0 : i32
      %dma_start3A_126 = arith.constant 0 : i32
      %dma_start3A_127 = arith.constant 0 : i32
      %dma_start3A_128 = tpu.memref_slice %dma_start3A_124[%add3A, %dma_start3A_125, %dma_start3A_126, %dma_start3A_127] : memref<32x2x40x128xi32, #tpu.memory_space<hbm>> -> memref<1x2x40x128xi32, #tpu.memory_space<hbm>>
      %dma_start3A_129 = tpu.memref_squeeze %dma_start3A_128 : memref<1x2x40x128xi32, #tpu.memory_space<hbm>> -> memref<2x40x128xi32, #tpu.memory_space<hbm>>
      %dma_start3A_130 = arith.constant 0 : i32
      %dma_start3A_131 = arith.constant 0 : i32
      %dma_start3A_132 = tpu.memref_slice %dma_start3A_129[%run_scoped3A_21, %dma_start3A_130, %dma_start3A_131] : memref<2x40x128xi32, #tpu.memory_space<hbm>> -> memref<1x40x128xi32, #tpu.memory_space<hbm>>
      %dma_start3A_133 = tpu.memref_squeeze %dma_start3A_132 : memref<1x40x128xi32, #tpu.memory_space<hbm>> -> memref<40x128xi32, #tpu.memory_space<hbm>>
      %dma_start3A_134 = arith.constant 0 : i32
      %dma_start3A_135 = arith.constant 0 : i32
      %dma_start3A_136 = arith.constant 0 : i32
      %dma_start3A_137 = arith.constant 0 : i32
      %dma_start3A_138 = tpu.memref_slice %arg3[%run_scoped3A, %dma_start3A_134, %dma_start3A_135, %dma_start3A_136, %dma_start3A_137] : memref<2x32x2x40x128xi32, #tpu.memory_space<hbm>> -> memref<1x32x2x40x128xi32, #tpu.memory_space<hbm>>
      %dma_start3A_139 = tpu.memref_squeeze %dma_start3A_138 : memref<1x32x2x40x128xi32, #tpu.memory_space<hbm>> -> memref<32x2x40x128xi32, #tpu.memory_space<hbm>>
      %dma_start3A_140 = arith.constant 0 : i32
      %dma_start3A_141 = arith.constant 0 : i32
      %dma_start3A_142 = arith.constant 0 : i32
      %dma_start3A_143 = tpu.memref_slice %dma_start3A_139[%add3A, %dma_start3A_140, %dma_start3A_141, %dma_start3A_142] : memref<32x2x40x128xi32, #tpu.memory_space<hbm>> -> memref<1x2x40x128xi32, #tpu.memory_space<hbm>>
      %dma_start3A_144 = tpu.memref_squeeze %dma_start3A_143 : memref<1x2x40x128xi32, #tpu.memory_space<hbm>> -> memref<2x40x128xi32, #tpu.memory_space<hbm>>
      %dma_start3A_145 = arith.constant 0 : i32
      %dma_start3A_146 = arith.constant 0 : i32
      %dma_start3A_147 = tpu.memref_slice %dma_start3A_144[%run_scoped3A_21, %dma_start3A_145, %dma_start3A_146] : memref<2x40x128xi32, #tpu.memory_space<hbm>> -> memref<1x40x128xi32, #tpu.memory_space<hbm>>
      %dma_start3A_148 = tpu.memref_squeeze %dma_start3A_147 : memref<1x40x128xi32, #tpu.memory_space<hbm>> -> memref<40x128xi32, #tpu.memory_space<hbm>>
      tpu.enqueue_dma source(%dma_start3A_148 : memref<40x128xi32, #tpu.memory_space<hbm>>) target(%arg6 : memref<40x128xi32, #tpu.memory_space<vmem>>) target_semaphore(%run_scoped3A_118 : memref<!tpu.dma_semaphore, #tpu.memory_space<semaphore_mem>>)
      %dma_wait3A_149 = arith.constant 0 : i32
      %dma_wait3A_150 = arith.constant 0 : i32
      %dma_wait3A_151 = arith.constant 0 : i32
      %dma_wait3A_152 = arith.constant 0 : i32
      %dma_wait3A_153 = tpu.memref_slice %arg3[%run_scoped3A, %dma_wait3A_149, %dma_wait3A_150, %dma_wait3A_151, %dma_wait3A_152] : memref<2x32x2x40x128xi32, #tpu.memory_space<hbm>> -> memref<1x32x2x40x128xi32, #tpu.memory_space<hbm>>
      %dma_wait3A_154 = tpu.memref_squeeze %dma_wait3A_153 : memref<1x32x2x40x128xi32, #tpu.memory_space<hbm>> -> memref<32x2x40x128xi32, #tpu.memory_space<hbm>>
      %dma_wait3A_155 = arith.constant 0 : i32
      %dma_wait3A_156 = arith.constant 0 : i32
      %dma_wait3A_157 = arith.constant 0 : i32
      %dma_wait3A_158 = tpu.memref_slice %dma_wait3A_154[%add3A, %dma_wait3A_155, %dma_wait3A_156, %dma_wait3A_157] : memref<32x2x40x128xi32, #tpu.memory_space<hbm>> -> memref<1x2x40x128xi32, #tpu.memory_space<hbm>>
      %dma_wait3A_159 = tpu.memref_squeeze %dma_wait3A_158 : memref<1x2x40x128xi32, #tpu.memory_space<hbm>> -> memref<2x40x128xi32, #tpu.memory_space<hbm>>
      %dma_wait3A_160 = arith.constant 0 : i32
      %dma_wait3A_161 = arith.constant 0 : i32
      %dma_wait3A_162 = tpu.memref_slice %dma_wait3A_159[%run_scoped3A_21, %dma_wait3A_160, %dma_wait3A_161] : memref<2x40x128xi32, #tpu.memory_space<hbm>> -> memref<1x40x128xi32, #tpu.memory_space<hbm>>
      %dma_wait3A_163 = tpu.memref_squeeze %dma_wait3A_162 : memref<1x40x128xi32, #tpu.memory_space<hbm>> -> memref<40x128xi32, #tpu.memory_space<hbm>>
      %dma_wait3A_164 = arith.constant 0 : i32
      %dma_wait3A_165 = arith.constant 0 : i32
      %dma_wait3A_166 = arith.constant 0 : i32
      %dma_wait3A_167 = arith.constant 0 : i32
      %dma_wait3A_168 = tpu.memref_slice %arg3[%run_scoped3A, %dma_wait3A_164, %dma_wait3A_165, %dma_wait3A_166, %dma_wait3A_167] : memref<2x32x2x40x128xi32, #tpu.memory_space<hbm>> -> memref<1x32x2x40x128xi32, #tpu.memory_space<hbm>>
      %dma_wait3A_169 = tpu.memref_squeeze %dma_wait3A_168 : memref<1x32x2x40x128xi32, #tpu.memory_space<hbm>> -> memref<32x2x40x128xi32, #tpu.memory_space<hbm>>
      %dma_wait3A_170 = arith.constant 0 : i32
      %dma_wait3A_171 = arith.constant 0 : i32
      %dma_wait3A_172 = arith.constant 0 : i32
      %dma_wait3A_173 = tpu.memref_slice %dma_wait3A_169[%add3A, %dma_wait3A_170, %dma_wait3A_171, %dma_wait3A_172] : memref<32x2x40x128xi32, #tpu.memory_space<hbm>> -> memref<1x2x40x128xi32, #tpu.memory_space<hbm>>
      %dma_wait3A_174 = tpu.memref_squeeze %dma_wait3A_173 : memref<1x2x40x128xi32, #tpu.memory_space<hbm>> -> memref<2x40x128xi32, #tpu.memory_space<hbm>>
      %dma_wait3A_175 = arith.constant 0 : i32
      %dma_wait3A_176 = arith.constant 0 : i32
      %dma_wait3A_177 = tpu.memref_slice %dma_wait3A_174[%run_scoped3A_21, %dma_wait3A_175, %dma_wait3A_176] : memref<2x40x128xi32, #tpu.memory_space<hbm>> -> memref<1x40x128xi32, #tpu.memory_space<hbm>>
      %dma_wait3A_178 = tpu.memref_squeeze %dma_wait3A_177 : memref<1x40x128xi32, #tpu.memory_space<hbm>> -> memref<40x128xi32, #tpu.memory_space<hbm>>
      tpu.wait_dma2 semaphore(%run_scoped3A_118 : memref<!tpu.dma_semaphore, #tpu.memory_space<semaphore_mem>>) src(%dma_wait3A_178 : memref<40x128xi32, #tpu.memory_space<hbm>>) dst(%arg6 : memref<40x128xi32, #tpu.memory_space<vmem>>)
      tpu.yield
    }) : () -> ()
    %run_scoped3A_22 = arith.constant 1 : i32
    %run_scoped3A_23 = arith.constant 0 : i32
    "tpu.region"() ({
      %run_scoped3A_118 = tpu.sem_alloc : memref<!tpu.dma_semaphore, #tpu.memory_space<semaphore_mem>>
      %dma_start3A_119 = arith.constant 0 : i32
      %dma_start3A_120 = arith.constant 0 : i32
      %dma_start3A_121 = arith.constant 0 : i32
      %dma_start3A_122 = arith.constant 0 : i32
      %dma_start3A_123 = tpu.memref_slice %arg3[%run_scoped3A_22, %dma_start3A_119, %dma_start3A_120, %dma_start3A_121, %dma_start3A_122] : memref<2x32x2x40x128xi32, #tpu.memory_space<hbm>> -> memref<1x32x2x40x128xi32, #tpu.memory_space<hbm>>
      %dma_start3A_124 = tpu.memref_squeeze %dma_start3A_123 : memref<1x32x2x40x128xi32, #tpu.memory_space<hbm>> -> memref<32x2x40x128xi32, #tpu.memory_space<hbm>>
      %dma_start3A_125 = arith.constant 0 : i32
      %dma_start3A_126 = arith.constant 0 : i32
      %dma_start3A_127 = arith.constant 0 : i32
      %dma_start3A_128 = tpu.memref_slice %dma_start3A_124[%add3A, %dma_start3A_125, %dma_start3A_126, %dma_start3A_127] : memref<32x2x40x128xi32, #tpu.memory_space<hbm>> -> memref<1x2x40x128xi32, #tpu.memory_space<hbm>>
      %dma_start3A_129 = tpu.memref_squeeze %dma_start3A_128 : memref<1x2x40x128xi32, #tpu.memory_space<hbm>> -> memref<2x40x128xi32, #tpu.memory_space<hbm>>
      %dma_start3A_130 = arith.constant 0 : i32
      %dma_start3A_131 = arith.constant 0 : i32
      %dma_start3A_132 = tpu.memref_slice %dma_start3A_129[%run_scoped3A_23, %dma_start3A_130, %dma_start3A_131] : memref<2x40x128xi32, #tpu.memory_space<hbm>> -> memref<1x40x128xi32, #tpu.memory_space<hbm>>
      %dma_start3A_133 = tpu.memref_squeeze %dma_start3A_132 : memref<1x40x128xi32, #tpu.memory_space<hbm>> -> memref<40x128xi32, #tpu.memory_space<hbm>>
      %dma_start3A_134 = arith.constant 0 : i32
      %dma_start3A_135 = arith.constant 0 : i32
      %dma_start3A_136 = arith.constant 0 : i32
      %dma_start3A_137 = arith.constant 0 : i32
      %dma_start3A_138 = tpu.memref_slice %arg3[%run_scoped3A_22, %dma_start3A_134, %dma_start3A_135, %dma_start3A_136, %dma_start3A_137] : memref<2x32x2x40x128xi32, #tpu.memory_space<hbm>> -> memref<1x32x2x40x128xi32, #tpu.memory_space<hbm>>
      %dma_start3A_139 = tpu.memref_squeeze %dma_start3A_138 : memref<1x32x2x40x128xi32, #tpu.memory_space<hbm>> -> memref<32x2x40x128xi32, #tpu.memory_space<hbm>>
      %dma_start3A_140 = arith.constant 0 : i32
      %dma_start3A_141 = arith.constant 0 : i32
      %dma_start3A_142 = arith.constant 0 : i32
      %dma_start3A_143 = tpu.memref_slice %dma_start3A_139[%add3A, %dma_start3A_140, %dma_start3A_141, %dma_start3A_142] : memref<32x2x40x128xi32, #tpu.memory_space<hbm>> -> memref<1x2x40x128xi32, #tpu.memory_space<hbm>>
      %dma_start3A_144 = tpu.memref_squeeze %dma_start3A_143 : memref<1x2x40x128xi32, #tpu.memory_space<hbm>> -> memref<2x40x128xi32, #tpu.memory_space<hbm>>
      %dma_start3A_145 = arith.constant 0 : i32
      %dma_start3A_146 = arith.constant 0 : i32
      %dma_start3A_147 = tpu.memref_slice %dma_start3A_144[%run_scoped3A_23, %dma_start3A_145, %dma_start3A_146] : memref<2x40x128xi32, #tpu.memory_space<hbm>> -> memref<1x40x128xi32, #tpu.memory_space<hbm>>
      %dma_start3A_148 = tpu.memref_squeeze %dma_start3A_147 : memref<1x40x128xi32, #tpu.memory_space<hbm>> -> memref<40x128xi32, #tpu.memory_space<hbm>>
      tpu.enqueue_dma source(%dma_start3A_148 : memref<40x128xi32, #tpu.memory_space<hbm>>) target(%arg7 : memref<40x128xi32, #tpu.memory_space<vmem>>) target_semaphore(%run_scoped3A_118 : memref<!tpu.dma_semaphore, #tpu.memory_space<semaphore_mem>>)
      %dma_wait3A_149 = arith.constant 0 : i32
      %dma_wait3A_150 = arith.constant 0 : i32
      %dma_wait3A_151 = arith.constant 0 : i32
      %dma_wait3A_152 = arith.constant 0 : i32
      %dma_wait3A_153 = tpu.memref_slice %arg3[%run_scoped3A_22, %dma_wait3A_149, %dma_wait3A_150, %dma_wait3A_151, %dma_wait3A_152] : memref<2x32x2x40x128xi32, #tpu.memory_space<hbm>> -> memref<1x32x2x40x128xi32, #tpu.memory_space<hbm>>
      %dma_wait3A_154 = tpu.memref_squeeze %dma_wait3A_153 : memref<1x32x2x40x128xi32, #tpu.memory_space<hbm>> -> memref<32x2x40x128xi32, #tpu.memory_space<hbm>>
      %dma_wait3A_155 = arith.constant 0 : i32
      %dma_wait3A_156 = arith.constant 0 : i32
      %dma_wait3A_157 = arith.constant 0 : i32
      %dma_wait3A_158 = tpu.memref_slice %dma_wait3A_154[%add3A, %dma_wait3A_155, %dma_wait3A_156, %dma_wait3A_157] : memref<32x2x40x128xi32, #tpu.memory_space<hbm>> -> memref<1x2x40x128xi32, #tpu.memory_space<hbm>>
      %dma_wait3A_159 = tpu.memref_squeeze %dma_wait3A_158 : memref<1x2x40x128xi32, #tpu.memory_space<hbm>> -> memref<2x40x128xi32, #tpu.memory_space<hbm>>
      %dma_wait3A_160 = arith.constant 0 : i32
      %dma_wait3A_161 = arith.constant 0 : i32
      %dma_wait3A_162 = tpu.memref_slice %dma_wait3A_159[%run_scoped3A_23, %dma_wait3A_160, %dma_wait3A_161] : memref<2x40x128xi32, #tpu.memory_space<hbm>> -> memref<1x40x128xi32, #tpu.memory_space<hbm>>
      %dma_wait3A_163 = tpu.memref_squeeze %dma_wait3A_162 : memref<1x40x128xi32, #tpu.memory_space<hbm>> -> memref<40x128xi32, #tpu.memory_space<hbm>>
      %dma_wait3A_164 = arith.constant 0 : i32
      %dma_wait3A_165 = arith.constant 0 : i32
      %dma_wait3A_166 = arith.constant 0 : i32
      %dma_wait3A_167 = arith.constant 0 : i32
      %dma_wait3A_168 = tpu.memref_slice %arg3[%run_scoped3A_22, %dma_wait3A_164, %dma_wait3A_165, %dma_wait3A_166, %dma_wait3A_167] : memref<2x32x2x40x128xi32, #tpu.memory_space<hbm>> -> memref<1x32x2x40x128xi32, #tpu.memory_space<hbm>>
      %dma_wait3A_169 = tpu.memref_squeeze %dma_wait3A_168 : memref<1x32x2x40x128xi32, #tpu.memory_space<hbm>> -> memref<32x2x40x128xi32, #tpu.memory_space<hbm>>
      %dma_wait3A_170 = arith.constant 0 : i32
      %dma_wait3A_171 = arith.constant 0 : i32
      %dma_wait3A_172 = arith.constant 0 : i32
      %dma_wait3A_173 = tpu.memref_slice %dma_wait3A_169[%add3A, %dma_wait3A_170, %dma_wait3A_171, %dma_wait3A_172] : memref<32x2x40x128xi32, #tpu.memory_space<hbm>> -> memref<1x2x40x128xi32, #tpu.memory_space<hbm>>
      %dma_wait3A_174 = tpu.memref_squeeze %dma_wait3A_173 : memref<1x2x40x128xi32, #tpu.memory_space<hbm>> -> memref<2x40x128xi32, #tpu.memory_space<hbm>>
      %dma_wait3A_175 = arith.constant 0 : i32
      %dma_wait3A_176 = arith.constant 0 : i32
      %dma_wait3A_177 = tpu.memref_slice %dma_wait3A_174[%run_scoped3A_23, %dma_wait3A_175, %dma_wait3A_176] : memref<2x40x128xi32, #tpu.memory_space<hbm>> -> memref<1x40x128xi32, #tpu.memory_space<hbm>>
      %dma_wait3A_178 = tpu.memref_squeeze %dma_wait3A_177 : memref<1x40x128xi32, #tpu.memory_space<hbm>> -> memref<40x128xi32, #tpu.memory_space<hbm>>
      tpu.wait_dma2 semaphore(%run_scoped3A_118 : memref<!tpu.dma_semaphore, #tpu.memory_space<semaphore_mem>>) src(%dma_wait3A_178 : memref<40x128xi32, #tpu.memory_space<hbm>>) dst(%arg7 : memref<40x128xi32, #tpu.memory_space<vmem>>)
      tpu.yield
    }) : () -> ()
    %dma_start3A = arith.constant 0 : i32
    %dma_start3A_24 = arith.constant 0 : i32
    %dma_start3A_25 = tpu.memref_slice %arg6[%dma_start3A, %dma_start3A_24] : memref<40x128xi32, #tpu.memory_space<vmem>> -> memref<1x128xi32, #tpu.memory_space<vmem>>
    %dma_start3A_26 = tpu.memref_squeeze %dma_start3A_25 : memref<1x128xi32, #tpu.memory_space<vmem>> -> memref<128xi32, #tpu.memory_space<vmem>>
    %dma_start3A_27 = arith.constant 0 : i32
    %dma_start3A_28 = arith.constant 0 : i32
    %dma_start3A_29 = tpu.memref_slice %arg2[%dma_start3A_27, %dma_start3A_28] : memref<10240x128xf32, #tpu.memory_space<hbm>> -> memref<10240x128xf32, #tpu.memory_space<hbm>>
    tpu.enqueue_indirect_dma source(%dma_start3A_29 : memref<10240x128xf32, #tpu.memory_space<hbm>>) target(%arg8 : memref<128x128xf32, #tpu.memory_space<vmem>>) offsets(%dma_start3A_26 : memref<128xi32, #tpu.memory_space<vmem>>) semaphore(%arg11 : memref<!tpu.dma_semaphore, #tpu.memory_space<semaphore_mem>>)
    %scan3A = arith.constant 0 : i32
    %scan3A_30 = arith.constant 0 : i32
    %scan3A_31 = arith.constant 19 : i32
    %scan3A_32 = arith.addi %scan3A_30, %scan3A_31 : i32
    %scan3A_33 = arith.constant 1 : i32
    scf.for %scan3A_118 = %scan3A_30 to %scan3A_32 step %scan3A_33  : i32 {
      %mul3A_119 = arith.constant 2 : i32
      %mul3A_120 = arith.muli %mul3A_119, %scan3A_118 : i32
      %add3A_121 = arith.constant 1 : i32
      %add3A_122 = arith.addi %mul3A_120, %add3A_121 : i32
      %dma_start3A_123 = arith.constant 0 : i32
      %dma_start3A_124 = tpu.memref_slice %arg6[%add3A_122, %dma_start3A_123] : memref<40x128xi32, #tpu.memory_space<vmem>> -> memref<1x128xi32, #tpu.memory_space<vmem>>
      %dma_start3A_125 = tpu.memref_squeeze %dma_start3A_124 : memref<1x128xi32, #tpu.memory_space<vmem>> -> memref<128xi32, #tpu.memory_space<vmem>>
      %dma_start3A_126 = arith.constant 0 : i32
      %dma_start3A_127 = arith.constant 0 : i32
      %dma_start3A_128 = tpu.memref_slice %arg2[%dma_start3A_126, %dma_start3A_127] : memref<10240x128xf32, #tpu.memory_space<hbm>> -> memref<10240x128xf32, #tpu.memory_space<hbm>>
      tpu.enqueue_indirect_dma source(%dma_start3A_128 : memref<10240x128xf32, #tpu.memory_space<hbm>>) target(%arg9 : memref<128x128xf32, #tpu.memory_space<vmem>>) offsets(%dma_start3A_125 : memref<128xi32, #tpu.memory_space<vmem>>) semaphore(%arg12 : memref<!tpu.dma_semaphore, #tpu.memory_space<semaphore_mem>>)
      %dma_wait3A_129 = arith.constant 0 : i32
      %dma_wait3A_130 = tpu.memref_slice %arg6[%mul3A_120, %dma_wait3A_129] : memref<40x128xi32, #tpu.memory_space<vmem>> -> memref<1x128xi32, #tpu.memory_space<vmem>>
      %dma_wait3A_131 = tpu.memref_squeeze %dma_wait3A_130 : memref<1x128xi32, #tpu.memory_space<vmem>> -> memref<128xi32, #tpu.memory_space<vmem>>
      %dma_wait3A_132 = arith.constant 0 : i32
      %dma_wait3A_133 = arith.constant 0 : i32
      %dma_wait3A_134 = tpu.memref_slice %arg2[%dma_wait3A_132, %dma_wait3A_133] : memref<10240x128xf32, #tpu.memory_space<hbm>> -> memref<10240x128xf32, #tpu.memory_space<hbm>>
      tpu.wait_indirect_dma semaphore(%arg11 : memref<!tpu.dma_semaphore, #tpu.memory_space<semaphore_mem>>) src(%dma_wait3A_134 : memref<10240x128xf32, #tpu.memory_space<hbm>>) dst(%arg8 : memref<128x128xf32, #tpu.memory_space<vmem>>)
      "tpu.region"() ({
        %run_scoped3A_153 = tpu.sem_alloc : memref<!tpu.dma_semaphore, #tpu.memory_space<semaphore_mem>>
        %dma_start3A_154 = arith.constant 0 : i32
        %dma_start3A_155 = tpu.memref_slice %arg7[%mul3A_120, %dma_start3A_154] : memref<40x128xi32, #tpu.memory_space<vmem>> -> memref<1x128xi32, #tpu.memory_space<vmem>>
        %dma_start3A_156 = tpu.memref_squeeze %dma_start3A_155 : memref<1x128xi32, #tpu.memory_space<vmem>> -> memref<128xi32, #tpu.memory_space<vmem>>
        %dma_start3A_157 = arith.constant 0 : i32
        %dma_start3A_158 = arith.constant 0 : i32
        %dma_start3A_159 = tpu.memref_slice %arg10[%dma_start3A_157, %dma_start3A_158] : memref<10240x128xf32, #tpu.memory_space<vmem_shared>> -> memref<10240x128xf32, #tpu.memory_space<vmem_shared>>
        tpu.enqueue_indirect_dma source(%arg8 : memref<128x128xf32, #tpu.memory_space<vmem>>) target(%dma_start3A_159 : memref<10240x128xf32, #tpu.memory_space<vmem_shared>>) offsets(%dma_start3A_156 : memref<128xi32, #tpu.memory_space<vmem>>) semaphore(%run_scoped3A_153 : memref<!tpu.dma_semaphore, #tpu.memory_space<semaphore_mem>>) {add = true}
        %dma_wait3A_160 = arith.constant 0 : i32
        %dma_wait3A_161 = tpu.memref_slice %arg7[%mul3A_120, %dma_wait3A_160] : memref<40x128xi32, #tpu.memory_space<vmem>> -> memref<1x128xi32, #tpu.memory_space<vmem>>
        %dma_wait3A_162 = tpu.memref_squeeze %dma_wait3A_161 : memref<1x128xi32, #tpu.memory_space<vmem>> -> memref<128xi32, #tpu.memory_space<vmem>>
        %dma_wait3A_163 = arith.constant 0 : i32
        %dma_wait3A_164 = arith.constant 0 : i32
        %dma_wait3A_165 = tpu.memref_slice %arg10[%dma_wait3A_163, %dma_wait3A_164] : memref<10240x128xf32, #tpu.memory_space<vmem_shared>> -> memref<10240x128xf32, #tpu.memory_space<vmem_shared>>
        tpu.wait_indirect_dma semaphore(%run_scoped3A_153 : memref<!tpu.dma_semaphore, #tpu.memory_space<semaphore_mem>>) src(%arg8 : memref<128x128xf32, #tpu.memory_space<vmem>>) dst(%dma_wait3A_165 : memref<10240x128xf32, #tpu.memory_space<vmem_shared>>)
        tpu.yield
      }) : () -> ()
      %add3A_135 = arith.constant 2 : i32
      %add3A_136 = arith.addi %mul3A_120, %add3A_135 : i32
      %dma_start3A_137 = arith.constant 0 : i32
      %dma_start3A_138 = tpu.memref_slice %arg6[%add3A_136, %dma_start3A_137] : memref<40x128xi32, #tpu.memory_space<vmem>> -> memref<1x128xi32, #tpu.memory_space<vmem>>
      %dma_start3A_139 = tpu.memref_squeeze %dma_start3A_138 : memref<1x128xi32, #tpu.memory_space<vmem>> -> memref<128xi32, #tpu.memory_space<vmem>>
      %dma_start3A_140 = arith.constant 0 : i32
      %dma_start3A_141 = arith.constant 0 : i32
      %dma_start3A_142 = tpu.memref_slice %arg2[%dma_start3A_140, %dma_start3A_141] : memref<10240x128xf32, #tpu.memory_space<hbm>> -> memref<10240x128xf32, #tpu.memory_space<hbm>>
      tpu.enqueue_indirect_dma source(%dma_start3A_142 : memref<10240x128xf32, #tpu.memory_space<hbm>>) target(%arg8 : memref<128x128xf32, #tpu.memory_space<vmem>>) offsets(%dma_start3A_139 : memref<128xi32, #tpu.memory_space<vmem>>) semaphore(%arg11 : memref<!tpu.dma_semaphore, #tpu.memory_space<semaphore_mem>>)
      %add3A_143 = arith.constant 1 : i32
      %add3A_144 = arith.addi %mul3A_120, %add3A_143 : i32
      %dma_wait3A_145 = arith.constant 0 : i32
      %dma_wait3A_146 = tpu.memref_slice %arg6[%add3A_144, %dma_wait3A_145] : memref<40x128xi32, #tpu.memory_space<vmem>> -> memref<1x128xi32, #tpu.memory_space<vmem>>
      %dma_wait3A_147 = tpu.memref_squeeze %dma_wait3A_146 : memref<1x128xi32, #tpu.memory_space<vmem>> -> memref<128xi32, #tpu.memory_space<vmem>>
      %dma_wait3A_148 = arith.constant 0 : i32
      %dma_wait3A_149 = arith.constant 0 : i32
      %dma_wait3A_150 = tpu.memref_slice %arg2[%dma_wait3A_148, %dma_wait3A_149] : memref<10240x128xf32, #tpu.memory_space<hbm>> -> memref<10240x128xf32, #tpu.memory_space<hbm>>
      tpu.wait_indirect_dma semaphore(%arg12 : memref<!tpu.dma_semaphore, #tpu.memory_space<semaphore_mem>>) src(%dma_wait3A_150 : memref<10240x128xf32, #tpu.memory_space<hbm>>) dst(%arg9 : memref<128x128xf32, #tpu.memory_space<vmem>>)
      %add3A_151 = arith.constant 1 : i32
      %add3A_152 = arith.addi %mul3A_120, %add3A_151 : i32
      "tpu.region"() ({
        %run_scoped3A_153 = tpu.sem_alloc : memref<!tpu.dma_semaphore, #tpu.memory_space<semaphore_mem>>
        %dma_start3A_154 = arith.constant 0 : i32
        %dma_start3A_155 = tpu.memref_slice %arg7[%add3A_152, %dma_start3A_154] : memref<40x128xi32, #tpu.memory_space<vmem>> -> memref<1x128xi32, #tpu.memory_space<vmem>>
        %dma_start3A_156 = tpu.memref_squeeze %dma_start3A_155 : memref<1x128xi32, #tpu.memory_space<vmem>> -> memref<128xi32, #tpu.memory_space<vmem>>
        %dma_start3A_157 = arith.constant 0 : i32
        %dma_start3A_158 = arith.constant 0 : i32
        %dma_start3A_159 = tpu.memref_slice %arg10[%dma_start3A_157, %dma_start3A_158] : memref<10240x128xf32, #tpu.memory_space<vmem_shared>> -> memref<10240x128xf32, #tpu.memory_space<vmem_shared>>
        tpu.enqueue_indirect_dma source(%arg9 : memref<128x128xf32, #tpu.memory_space<vmem>>) target(%dma_start3A_159 : memref<10240x128xf32, #tpu.memory_space<vmem_shared>>) offsets(%dma_start3A_156 : memref<128xi32, #tpu.memory_space<vmem>>) semaphore(%run_scoped3A_153 : memref<!tpu.dma_semaphore, #tpu.memory_space<semaphore_mem>>) {add = true}
        %dma_wait3A_160 = arith.constant 0 : i32
        %dma_wait3A_161 = tpu.memref_slice %arg7[%add3A_152, %dma_wait3A_160] : memref<40x128xi32, #tpu.memory_space<vmem>> -> memref<1x128xi32, #tpu.memory_space<vmem>>
        %dma_wait3A_162 = tpu.memref_squeeze %dma_wait3A_161 : memref<1x128xi32, #tpu.memory_space<vmem>> -> memref<128xi32, #tpu.memory_space<vmem>>
        %dma_wait3A_163 = arith.constant 0 : i32
        %dma_wait3A_164 = arith.constant 0 : i32
        %dma_wait3A_165 = tpu.memref_slice %arg10[%dma_wait3A_163, %dma_wait3A_164] : memref<10240x128xf32, #tpu.memory_space<vmem_shared>> -> memref<10240x128xf32, #tpu.memory_space<vmem_shared>>
        tpu.wait_indirect_dma semaphore(%run_scoped3A_153 : memref<!tpu.dma_semaphore, #tpu.memory_space<semaphore_mem>>) src(%arg9 : memref<128x128xf32, #tpu.memory_space<vmem>>) dst(%dma_wait3A_165 : memref<10240x128xf32, #tpu.memory_space<vmem_shared>>)
        tpu.yield
      }) : () -> ()
    }
    %scan3A_34 = arith.constant 19 : i32
    %dma_start3A_35 = arith.constant 39 : i32
    %dma_start3A_36 = arith.constant 0 : i32
    %dma_start3A_37 = tpu.memref_slice %arg6[%dma_start3A_35, %dma_start3A_36] : memref<40x128xi32, #tpu.memory_space<vmem>> -> memref<1x128xi32, #tpu.memory_space<vmem>>
    %dma_start3A_38 = tpu.memref_squeeze %dma_start3A_37 : memref<1x128xi32, #tpu.memory_space<vmem>> -> memref<128xi32, #tpu.memory_space<vmem>>
    %dma_start3A_39 = arith.constant 0 : i32
    %dma_start3A_40 = arith.constant 0 : i32
    %dma_start3A_41 = tpu.memref_slice %arg2[%dma_start3A_39, %dma_start3A_40] : memref<10240x128xf32, #tpu.memory_space<hbm>> -> memref<10240x128xf32, #tpu.memory_space<hbm>>
    tpu.enqueue_indirect_dma source(%dma_start3A_41 : memref<10240x128xf32, #tpu.memory_space<hbm>>) target(%arg9 : memref<128x128xf32, #tpu.memory_space<vmem>>) offsets(%dma_start3A_38 : memref<128xi32, #tpu.memory_space<vmem>>) semaphore(%arg12 : memref<!tpu.dma_semaphore, #tpu.memory_space<semaphore_mem>>)
    %dma_wait3A = arith.constant 38 : i32
    %dma_wait3A_42 = arith.constant 0 : i32
    %dma_wait3A_43 = tpu.memref_slice %arg6[%dma_wait3A, %dma_wait3A_42] : memref<40x128xi32, #tpu.memory_space<vmem>> -> memref<1x128xi32, #tpu.memory_space<vmem>>
    %dma_wait3A_44 = tpu.memref_squeeze %dma_wait3A_43 : memref<1x128xi32, #tpu.memory_space<vmem>> -> memref<128xi32, #tpu.memory_space<vmem>>
    %dma_wait3A_45 = arith.constant 0 : i32
    %dma_wait3A_46 = arith.constant 0 : i32
    %dma_wait3A_47 = tpu.memref_slice %arg2[%dma_wait3A_45, %dma_wait3A_46] : memref<10240x128xf32, #tpu.memory_space<hbm>> -> memref<10240x128xf32, #tpu.memory_space<hbm>>
    tpu.wait_indirect_dma semaphore(%arg11 : memref<!tpu.dma_semaphore, #tpu.memory_space<semaphore_mem>>) src(%dma_wait3A_47 : memref<10240x128xf32, #tpu.memory_space<hbm>>) dst(%arg8 : memref<128x128xf32, #tpu.memory_space<vmem>>)
    %run_scoped3A_48 = arith.constant 38 : i32
    "tpu.region"() ({
      %run_scoped3A_118 = tpu.sem_alloc : memref<!tpu.dma_semaphore, #tpu.memory_space<semaphore_mem>>
      %dma_start3A_119 = arith.constant 0 : i32
      %dma_start3A_120 = tpu.memref_slice %arg7[%run_scoped3A_48, %dma_start3A_119] : memref<40x128xi32, #tpu.memory_space<vmem>> -> memref<1x128xi32, #tpu.memory_space<vmem>>
      %dma_start3A_121 = tpu.memref_squeeze %dma_start3A_120 : memref<1x128xi32, #tpu.memory_space<vmem>> -> memref<128xi32, #tpu.memory_space<vmem>>
      %dma_start3A_122 = arith.constant 0 : i32
      %dma_start3A_123 = arith.constant 0 : i32
      %dma_start3A_124 = tpu.memref_slice %arg10[%dma_start3A_122, %dma_start3A_123] : memref<10240x128xf32, #tpu.memory_space<vmem_shared>> -> memref<10240x128xf32, #tpu.memory_space<vmem_shared>>
      tpu.enqueue_indirect_dma source(%arg8 : memref<128x128xf32, #tpu.memory_space<vmem>>) target(%dma_start3A_124 : memref<10240x128xf32, #tpu.memory_space<vmem_shared>>) offsets(%dma_start3A_121 : memref<128xi32, #tpu.memory_space<vmem>>) semaphore(%run_scoped3A_118 : memref<!tpu.dma_semaphore, #tpu.memory_space<semaphore_mem>>) {add = true}
      %dma_wait3A_125 = arith.constant 0 : i32
      %dma_wait3A_126 = tpu.memref_slice %arg7[%run_scoped3A_48, %dma_wait3A_125] : memref<40x128xi32, #tpu.memory_space<vmem>> -> memref<1x128xi32, #tpu.memory_space<vmem>>
      %dma_wait3A_127 = tpu.memref_squeeze %dma_wait3A_126 : memref<1x128xi32, #tpu.memory_space<vmem>> -> memref<128xi32, #tpu.memory_space<vmem>>
      %dma_wait3A_128 = arith.constant 0 : i32
      %dma_wait3A_129 = arith.constant 0 : i32
      %dma_wait3A_130 = tpu.memref_slice %arg10[%dma_wait3A_128, %dma_wait3A_129] : memref<10240x128xf32, #tpu.memory_space<vmem_shared>> -> memref<10240x128xf32, #tpu.memory_space<vmem_shared>>
      tpu.wait_indirect_dma semaphore(%run_scoped3A_118 : memref<!tpu.dma_semaphore, #tpu.memory_space<semaphore_mem>>) src(%arg8 : memref<128x128xf32, #tpu.memory_space<vmem>>) dst(%dma_wait3A_130 : memref<10240x128xf32, #tpu.memory_space<vmem_shared>>)
      tpu.yield
    }) : () -> ()
    %dma_wait3A_49 = arith.constant 39 : i32
    %dma_wait3A_50 = arith.constant 0 : i32
    %dma_wait3A_51 = tpu.memref_slice %arg6[%dma_wait3A_49, %dma_wait3A_50] : memref<40x128xi32, #tpu.memory_space<vmem>> -> memref<1x128xi32, #tpu.memory_space<vmem>>
    %dma_wait3A_52 = tpu.memref_squeeze %dma_wait3A_51 : memref<1x128xi32, #tpu.memory_space<vmem>> -> memref<128xi32, #tpu.memory_space<vmem>>
    %dma_wait3A_53 = arith.constant 0 : i32
    %dma_wait3A_54 = arith.constant 0 : i32
    %dma_wait3A_55 = tpu.memref_slice %arg2[%dma_wait3A_53, %dma_wait3A_54] : memref<10240x128xf32, #tpu.memory_space<hbm>> -> memref<10240x128xf32, #tpu.memory_space<hbm>>
    tpu.wait_indirect_dma semaphore(%arg12 : memref<!tpu.dma_semaphore, #tpu.memory_space<semaphore_mem>>) src(%dma_wait3A_55 : memref<10240x128xf32, #tpu.memory_space<hbm>>) dst(%arg9 : memref<128x128xf32, #tpu.memory_space<vmem>>)
    %run_scoped3A_56 = arith.constant 39 : i32
    "tpu.region"() ({
      %run_scoped3A_118 = tpu.sem_alloc : memref<!tpu.dma_semaphore, #tpu.memory_space<semaphore_mem>>
      %dma_start3A_119 = arith.constant 0 : i32
      %dma_start3A_120 = tpu.memref_slice %arg7[%run_scoped3A_56, %dma_start3A_119] : memref<40x128xi32, #tpu.memory_space<vmem>> -> memref<1x128xi32, #tpu.memory_space<vmem>>
      %dma_start3A_121 = tpu.memref_squeeze %dma_start3A_120 : memref<1x128xi32, #tpu.memory_space<vmem>> -> memref<128xi32, #tpu.memory_space<vmem>>
      %dma_start3A_122 = arith.constant 0 : i32
      %dma_start3A_123 = arith.constant 0 : i32
      %dma_start3A_124 = tpu.memref_slice %arg10[%dma_start3A_122, %dma_start3A_123] : memref<10240x128xf32, #tpu.memory_space<vmem_shared>> -> memref<10240x128xf32, #tpu.memory_space<vmem_shared>>
      tpu.enqueue_indirect_dma source(%arg9 : memref<128x128xf32, #tpu.memory_space<vmem>>) target(%dma_start3A_124 : memref<10240x128xf32, #tpu.memory_space<vmem_shared>>) offsets(%dma_start3A_121 : memref<128xi32, #tpu.memory_space<vmem>>) semaphore(%run_scoped3A_118 : memref<!tpu.dma_semaphore, #tpu.memory_space<semaphore_mem>>) {add = true}
      %dma_wait3A_125 = arith.constant 0 : i32
      %dma_wait3A_126 = tpu.memref_slice %arg7[%run_scoped3A_56, %dma_wait3A_125] : memref<40x128xi32, #tpu.memory_space<vmem>> -> memref<1x128xi32, #tpu.memory_space<vmem>>
      %dma_wait3A_127 = tpu.memref_squeeze %dma_wait3A_126 : memref<1x128xi32, #tpu.memory_space<vmem>> -> memref<128xi32, #tpu.memory_space<vmem>>
      %dma_wait3A_128 = arith.constant 0 : i32
      %dma_wait3A_129 = arith.constant 0 : i32
      %dma_wait3A_130 = tpu.memref_slice %arg10[%dma_wait3A_128, %dma_wait3A_129] : memref<10240x128xf32, #tpu.memory_space<vmem_shared>> -> memref<10240x128xf32, #tpu.memory_space<vmem_shared>>
      tpu.wait_indirect_dma semaphore(%run_scoped3A_118 : memref<!tpu.dma_semaphore, #tpu.memory_space<semaphore_mem>>) src(%arg9 : memref<128x128xf32, #tpu.memory_space<vmem>>) dst(%dma_wait3A_130 : memref<10240x128xf32, #tpu.memory_space<vmem_shared>>)
      tpu.yield
    }) : () -> ()
    %run_scoped3A_57 = arith.constant 0 : i32
    %run_scoped3A_58 = arith.constant 1 : i32
    "tpu.region"() ({
      %run_scoped3A_118 = tpu.sem_alloc : memref<!tpu.dma_semaphore, #tpu.memory_space<semaphore_mem>>
      %dma_start3A_119 = arith.constant 0 : i32
      %dma_start3A_120 = arith.constant 0 : i32
      %dma_start3A_121 = arith.constant 0 : i32
      %dma_start3A_122 = arith.constant 0 : i32
      %dma_start3A_123 = tpu.memref_slice %arg3[%run_scoped3A_57, %dma_start3A_119, %dma_start3A_120, %dma_start3A_121, %dma_start3A_122] : memref<2x32x2x40x128xi32, #tpu.memory_space<hbm>> -> memref<1x32x2x40x128xi32, #tpu.memory_space<hbm>>
      %dma_start3A_124 = tpu.memref_squeeze %dma_start3A_123 : memref<1x32x2x40x128xi32, #tpu.memory_space<hbm>> -> memref<32x2x40x128xi32, #tpu.memory_space<hbm>>
      %dma_start3A_125 = arith.constant 0 : i32
      %dma_start3A_126 = arith.constant 0 : i32
      %dma_start3A_127 = arith.constant 0 : i32
      %dma_start3A_128 = tpu.memref_slice %dma_start3A_124[%add3A, %dma_start3A_125, %dma_start3A_126, %dma_start3A_127] : memref<32x2x40x128xi32, #tpu.memory_space<hbm>> -> memref<1x2x40x128xi32, #tpu.memory_space<hbm>>
      %dma_start3A_129 = tpu.memref_squeeze %dma_start3A_128 : memref<1x2x40x128xi32, #tpu.memory_space<hbm>> -> memref<2x40x128xi32, #tpu.memory_space<hbm>>
      %dma_start3A_130 = arith.constant 0 : i32
      %dma_start3A_131 = arith.constant 0 : i32
      %dma_start3A_132 = tpu.memref_slice %dma_start3A_129[%run_scoped3A_58, %dma_start3A_130, %dma_start3A_131] : memref<2x40x128xi32, #tpu.memory_space<hbm>> -> memref<1x40x128xi32, #tpu.memory_space<hbm>>
      %dma_start3A_133 = tpu.memref_squeeze %dma_start3A_132 : memref<1x40x128xi32, #tpu.memory_space<hbm>> -> memref<40x128xi32, #tpu.memory_space<hbm>>
      %dma_start3A_134 = arith.constant 0 : i32
      %dma_start3A_135 = arith.constant 0 : i32
      %dma_start3A_136 = arith.constant 0 : i32
      %dma_start3A_137 = arith.constant 0 : i32
      %dma_start3A_138 = tpu.memref_slice %arg3[%run_scoped3A_57, %dma_start3A_134, %dma_start3A_135, %dma_start3A_136, %dma_start3A_137] : memref<2x32x2x40x128xi32, #tpu.memory_space<hbm>> -> memref<1x32x2x40x128xi32, #tpu.memory_space<hbm>>
      %dma_start3A_139 = tpu.memref_squeeze %dma_start3A_138 : memref<1x32x2x40x128xi32, #tpu.memory_space<hbm>> -> memref<32x2x40x128xi32, #tpu.memory_space<hbm>>
      %dma_start3A_140 = arith.constant 0 : i32
      %dma_start3A_141 = arith.constant 0 : i32
      %dma_start3A_142 = arith.constant 0 : i32
      %dma_start3A_143 = tpu.memref_slice %dma_start3A_139[%add3A, %dma_start3A_140, %dma_start3A_141, %dma_start3A_142] : memref<32x2x40x128xi32, #tpu.memory_space<hbm>> -> memref<1x2x40x128xi32, #tpu.memory_space<hbm>>
      %dma_start3A_144 = tpu.memref_squeeze %dma_start3A_143 : memref<1x2x40x128xi32, #tpu.memory_space<hbm>> -> memref<2x40x128xi32, #tpu.memory_space<hbm>>
      %dma_start3A_145 = arith.constant 0 : i32
      %dma_start3A_146 = arith.constant 0 : i32
      %dma_start3A_147 = tpu.memref_slice %dma_start3A_144[%run_scoped3A_58, %dma_start3A_145, %dma_start3A_146] : memref<2x40x128xi32, #tpu.memory_space<hbm>> -> memref<1x40x128xi32, #tpu.memory_space<hbm>>
      %dma_start3A_148 = tpu.memref_squeeze %dma_start3A_147 : memref<1x40x128xi32, #tpu.memory_space<hbm>> -> memref<40x128xi32, #tpu.memory_space<hbm>>
      tpu.enqueue_dma source(%dma_start3A_148 : memref<40x128xi32, #tpu.memory_space<hbm>>) target(%arg6 : memref<40x128xi32, #tpu.memory_space<vmem>>) target_semaphore(%run_scoped3A_118 : memref<!tpu.dma_semaphore, #tpu.memory_space<semaphore_mem>>)
      %dma_wait3A_149 = arith.constant 0 : i32
      %dma_wait3A_150 = arith.constant 0 : i32
      %dma_wait3A_151 = arith.constant 0 : i32
      %dma_wait3A_152 = arith.constant 0 : i32
      %dma_wait3A_153 = tpu.memref_slice %arg3[%run_scoped3A_57, %dma_wait3A_149, %dma_wait3A_150, %dma_wait3A_151, %dma_wait3A_152] : memref<2x32x2x40x128xi32, #tpu.memory_space<hbm>> -> memref<1x32x2x40x128xi32, #tpu.memory_space<hbm>>
      %dma_wait3A_154 = tpu.memref_squeeze %dma_wait3A_153 : memref<1x32x2x40x128xi32, #tpu.memory_space<hbm>> -> memref<32x2x40x128xi32, #tpu.memory_space<hbm>>
      %dma_wait3A_155 = arith.constant 0 : i32
      %dma_wait3A_156 = arith.constant 0 : i32
      %dma_wait3A_157 = arith.constant 0 : i32
      %dma_wait3A_158 = tpu.memref_slice %dma_wait3A_154[%add3A, %dma_wait3A_155, %dma_wait3A_156, %dma_wait3A_157] : memref<32x2x40x128xi32, #tpu.memory_space<hbm>> -> memref<1x2x40x128xi32, #tpu.memory_space<hbm>>
      %dma_wait3A_159 = tpu.memref_squeeze %dma_wait3A_158 : memref<1x2x40x128xi32, #tpu.memory_space<hbm>> -> memref<2x40x128xi32, #tpu.memory_space<hbm>>
      %dma_wait3A_160 = arith.constant 0 : i32
      %dma_wait3A_161 = arith.constant 0 : i32
      %dma_wait3A_162 = tpu.memref_slice %dma_wait3A_159[%run_scoped3A_58, %dma_wait3A_160, %dma_wait3A_161] : memref<2x40x128xi32, #tpu.memory_space<hbm>> -> memref<1x40x128xi32, #tpu.memory_space<hbm>>
      %dma_wait3A_163 = tpu.memref_squeeze %dma_wait3A_162 : memref<1x40x128xi32, #tpu.memory_space<hbm>> -> memref<40x128xi32, #tpu.memory_space<hbm>>
      %dma_wait3A_164 = arith.constant 0 : i32
      %dma_wait3A_165 = arith.constant 0 : i32
      %dma_wait3A_166 = arith.constant 0 : i32
      %dma_wait3A_167 = arith.constant 0 : i32
      %dma_wait3A_168 = tpu.memref_slice %arg3[%run_scoped3A_57, %dma_wait3A_164, %dma_wait3A_165, %dma_wait3A_166, %dma_wait3A_167] : memref<2x32x2x40x128xi32, #tpu.memory_space<hbm>> -> memref<1x32x2x40x128xi32, #tpu.memory_space<hbm>>
      %dma_wait3A_169 = tpu.memref_squeeze %dma_wait3A_168 : memref<1x32x2x40x128xi32, #tpu.memory_space<hbm>> -> memref<32x2x40x128xi32, #tpu.memory_space<hbm>>
      %dma_wait3A_170 = arith.constant 0 : i32
      %dma_wait3A_171 = arith.constant 0 : i32
      %dma_wait3A_172 = arith.constant 0 : i32
      %dma_wait3A_173 = tpu.memref_slice %dma_wait3A_169[%add3A, %dma_wait3A_170, %dma_wait3A_171, %dma_wait3A_172] : memref<32x2x40x128xi32, #tpu.memory_space<hbm>> -> memref<1x2x40x128xi32, #tpu.memory_space<hbm>>
      %dma_wait3A_174 = tpu.memref_squeeze %dma_wait3A_173 : memref<1x2x40x128xi32, #tpu.memory_space<hbm>> -> memref<2x40x128xi32, #tpu.memory_space<hbm>>
      %dma_wait3A_175 = arith.constant 0 : i32
      %dma_wait3A_176 = arith.constant 0 : i32
      %dma_wait3A_177 = tpu.memref_slice %dma_wait3A_174[%run_scoped3A_58, %dma_wait3A_175, %dma_wait3A_176] : memref<2x40x128xi32, #tpu.memory_space<hbm>> -> memref<1x40x128xi32, #tpu.memory_space<hbm>>
      %dma_wait3A_178 = tpu.memref_squeeze %dma_wait3A_177 : memref<1x40x128xi32, #tpu.memory_space<hbm>> -> memref<40x128xi32, #tpu.memory_space<hbm>>
      tpu.wait_dma2 semaphore(%run_scoped3A_118 : memref<!tpu.dma_semaphore, #tpu.memory_space<semaphore_mem>>) src(%dma_wait3A_178 : memref<40x128xi32, #tpu.memory_space<hbm>>) dst(%arg6 : memref<40x128xi32, #tpu.memory_space<vmem>>)
      tpu.yield
    }) : () -> ()
    %run_scoped3A_59 = arith.constant 1 : i32
    %run_scoped3A_60 = arith.constant 1 : i32
    "tpu.region"() ({
      %run_scoped3A_118 = tpu.sem_alloc : memref<!tpu.dma_semaphore, #tpu.memory_space<semaphore_mem>>
      %dma_start3A_119 = arith.constant 0 : i32
      %dma_start3A_120 = arith.constant 0 : i32
      %dma_start3A_121 = arith.constant 0 : i32
      %dma_start3A_122 = arith.constant 0 : i32
      %dma_start3A_123 = tpu.memref_slice %arg3[%run_scoped3A_59, %dma_start3A_119, %dma_start3A_120, %dma_start3A_121, %dma_start3A_122] : memref<2x32x2x40x128xi32, #tpu.memory_space<hbm>> -> memref<1x32x2x40x128xi32, #tpu.memory_space<hbm>>
      %dma_start3A_124 = tpu.memref_squeeze %dma_start3A_123 : memref<1x32x2x40x128xi32, #tpu.memory_space<hbm>> -> memref<32x2x40x128xi32, #tpu.memory_space<hbm>>
      %dma_start3A_125 = arith.constant 0 : i32
      %dma_start3A_126 = arith.constant 0 : i32
      %dma_start3A_127 = arith.constant 0 : i32
      %dma_start3A_128 = tpu.memref_slice %dma_start3A_124[%add3A, %dma_start3A_125, %dma_start3A_126, %dma_start3A_127] : memref<32x2x40x128xi32, #tpu.memory_space<hbm>> -> memref<1x2x40x128xi32, #tpu.memory_space<hbm>>
      %dma_start3A_129 = tpu.memref_squeeze %dma_start3A_128 : memref<1x2x40x128xi32, #tpu.memory_space<hbm>> -> memref<2x40x128xi32, #tpu.memory_space<hbm>>
      %dma_start3A_130 = arith.constant 0 : i32
      %dma_start3A_131 = arith.constant 0 : i32
      %dma_start3A_132 = tpu.memref_slice %dma_start3A_129[%run_scoped3A_60, %dma_start3A_130, %dma_start3A_131] : memref<2x40x128xi32, #tpu.memory_space<hbm>> -> memref<1x40x128xi32, #tpu.memory_space<hbm>>
      %dma_start3A_133 = tpu.memref_squeeze %dma_start3A_132 : memref<1x40x128xi32, #tpu.memory_space<hbm>> -> memref<40x128xi32, #tpu.memory_space<hbm>>
      %dma_start3A_134 = arith.constant 0 : i32
      %dma_start3A_135 = arith.constant 0 : i32
      %dma_start3A_136 = arith.constant 0 : i32
      %dma_start3A_137 = arith.constant 0 : i32
      %dma_start3A_138 = tpu.memref_slice %arg3[%run_scoped3A_59, %dma_start3A_134, %dma_start3A_135, %dma_start3A_136, %dma_start3A_137] : memref<2x32x2x40x128xi32, #tpu.memory_space<hbm>> -> memref<1x32x2x40x128xi32, #tpu.memory_space<hbm>>
      %dma_start3A_139 = tpu.memref_squeeze %dma_start3A_138 : memref<1x32x2x40x128xi32, #tpu.memory_space<hbm>> -> memref<32x2x40x128xi32, #tpu.memory_space<hbm>>
      %dma_start3A_140 = arith.constant 0 : i32
      %dma_start3A_141 = arith.constant 0 : i32
      %dma_start3A_142 = arith.constant 0 : i32
      %dma_start3A_143 = tpu.memref_slice %dma_start3A_139[%add3A, %dma_start3A_140, %dma_start3A_141, %dma_start3A_142] : memref<32x2x40x128xi32, #tpu.memory_space<hbm>> -> memref<1x2x40x128xi32, #tpu.memory_space<hbm>>
      %dma_start3A_144 = tpu.memref_squeeze %dma_start3A_143 : memref<1x2x40x128xi32, #tpu.memory_space<hbm>> -> memref<2x40x128xi32, #tpu.memory_space<hbm>>
      %dma_start3A_145 = arith.constant 0 : i32
      %dma_start3A_146 = arith.constant 0 : i32
      %dma_start3A_147 = tpu.memref_slice %dma_start3A_144[%run_scoped3A_60, %dma_start3A_145, %dma_start3A_146] : memref<2x40x128xi32, #tpu.memory_space<hbm>> -> memref<1x40x128xi32, #tpu.memory_space<hbm>>
      %dma_start3A_148 = tpu.memref_squeeze %dma_start3A_147 : memref<1x40x128xi32, #tpu.memory_space<hbm>> -> memref<40x128xi32, #tpu.memory_space<hbm>>
      tpu.enqueue_dma source(%dma_start3A_148 : memref<40x128xi32, #tpu.memory_space<hbm>>) target(%arg7 : memref<40x128xi32, #tpu.memory_space<vmem>>) target_semaphore(%run_scoped3A_118 : memref<!tpu.dma_semaphore, #tpu.memory_space<semaphore_mem>>)
      %dma_wait3A_149 = arith.constant 0 : i32
      %dma_wait3A_150 = arith.constant 0 : i32
      %dma_wait3A_151 = arith.constant 0 : i32
      %dma_wait3A_152 = arith.constant 0 : i32
      %dma_wait3A_153 = tpu.memref_slice %arg3[%run_scoped3A_59, %dma_wait3A_149, %dma_wait3A_150, %dma_wait3A_151, %dma_wait3A_152] : memref<2x32x2x40x128xi32, #tpu.memory_space<hbm>> -> memref<1x32x2x40x128xi32, #tpu.memory_space<hbm>>
      %dma_wait3A_154 = tpu.memref_squeeze %dma_wait3A_153 : memref<1x32x2x40x128xi32, #tpu.memory_space<hbm>> -> memref<32x2x40x128xi32, #tpu.memory_space<hbm>>
      %dma_wait3A_155 = arith.constant 0 : i32
      %dma_wait3A_156 = arith.constant 0 : i32
      %dma_wait3A_157 = arith.constant 0 : i32
      %dma_wait3A_158 = tpu.memref_slice %dma_wait3A_154[%add3A, %dma_wait3A_155, %dma_wait3A_156, %dma_wait3A_157] : memref<32x2x40x128xi32, #tpu.memory_space<hbm>> -> memref<1x2x40x128xi32, #tpu.memory_space<hbm>>
      %dma_wait3A_159 = tpu.memref_squeeze %dma_wait3A_158 : memref<1x2x40x128xi32, #tpu.memory_space<hbm>> -> memref<2x40x128xi32, #tpu.memory_space<hbm>>
      %dma_wait3A_160 = arith.constant 0 : i32
      %dma_wait3A_161 = arith.constant 0 : i32
      %dma_wait3A_162 = tpu.memref_slice %dma_wait3A_159[%run_scoped3A_60, %dma_wait3A_160, %dma_wait3A_161] : memref<2x40x128xi32, #tpu.memory_space<hbm>> -> memref<1x40x128xi32, #tpu.memory_space<hbm>>
      %dma_wait3A_163 = tpu.memref_squeeze %dma_wait3A_162 : memref<1x40x128xi32, #tpu.memory_space<hbm>> -> memref<40x128xi32, #tpu.memory_space<hbm>>
      %dma_wait3A_164 = arith.constant 0 : i32
      %dma_wait3A_165 = arith.constant 0 : i32
      %dma_wait3A_166 = arith.constant 0 : i32
      %dma_wait3A_167 = arith.constant 0 : i32
      %dma_wait3A_168 = tpu.memref_slice %arg3[%run_scoped3A_59, %dma_wait3A_164, %dma_wait3A_165, %dma_wait3A_166, %dma_wait3A_167] : memref<2x32x2x40x128xi32, #tpu.memory_space<hbm>> -> memref<1x32x2x40x128xi32, #tpu.memory_space<hbm>>
      %dma_wait3A_169 = tpu.memref_squeeze %dma_wait3A_168 : memref<1x32x2x40x128xi32, #tpu.memory_space<hbm>> -> memref<32x2x40x128xi32, #tpu.memory_space<hbm>>
      %dma_wait3A_170 = arith.constant 0 : i32
      %dma_wait3A_171 = arith.constant 0 : i32
      %dma_wait3A_172 = arith.constant 0 : i32
      %dma_wait3A_173 = tpu.memref_slice %dma_wait3A_169[%add3A, %dma_wait3A_170, %dma_wait3A_171, %dma_wait3A_172] : memref<32x2x40x128xi32, #tpu.memory_space<hbm>> -> memref<1x2x40x128xi32, #tpu.memory_space<hbm>>
      %dma_wait3A_174 = tpu.memref_squeeze %dma_wait3A_173 : memref<1x2x40x128xi32, #tpu.memory_space<hbm>> -> memref<2x40x128xi32, #tpu.memory_space<hbm>>
      %dma_wait3A_175 = arith.constant 0 : i32
      %dma_wait3A_176 = arith.constant 0 : i32
      %dma_wait3A_177 = tpu.memref_slice %dma_wait3A_174[%run_scoped3A_60, %dma_wait3A_175, %dma_wait3A_176] : memref<2x40x128xi32, #tpu.memory_space<hbm>> -> memref<1x40x128xi32, #tpu.memory_space<hbm>>
      %dma_wait3A_178 = tpu.memref_squeeze %dma_wait3A_177 : memref<1x40x128xi32, #tpu.memory_space<hbm>> -> memref<40x128xi32, #tpu.memory_space<hbm>>
      tpu.wait_dma2 semaphore(%run_scoped3A_118 : memref<!tpu.dma_semaphore, #tpu.memory_space<semaphore_mem>>) src(%dma_wait3A_178 : memref<40x128xi32, #tpu.memory_space<hbm>>) dst(%arg7 : memref<40x128xi32, #tpu.memory_space<vmem>>)
      tpu.yield
    }) : () -> ()
    %dma_start3A_61 = arith.constant 0 : i32
    %dma_start3A_62 = arith.constant 0 : i32
    %dma_start3A_63 = tpu.memref_slice %arg6[%dma_start3A_61, %dma_start3A_62] : memref<40x128xi32, #tpu.memory_space<vmem>> -> memref<1x128xi32, #tpu.memory_space<vmem>>
    %dma_start3A_64 = tpu.memref_squeeze %dma_start3A_63 : memref<1x128xi32, #tpu.memory_space<vmem>> -> memref<128xi32, #tpu.memory_space<vmem>>
    %dma_start3A_65 = arith.constant 0 : i32
    %dma_start3A_66 = arith.constant 0 : i32
    %dma_start3A_67 = tpu.memref_slice %arg2[%dma_start3A_65, %dma_start3A_66] : memref<10240x128xf32, #tpu.memory_space<hbm>> -> memref<10240x128xf32, #tpu.memory_space<hbm>>
    tpu.enqueue_indirect_dma source(%dma_start3A_67 : memref<10240x128xf32, #tpu.memory_space<hbm>>) target(%arg8 : memref<128x128xf32, #tpu.memory_space<vmem>>) offsets(%dma_start3A_64 : memref<128xi32, #tpu.memory_space<vmem>>) semaphore(%arg11 : memref<!tpu.dma_semaphore, #tpu.memory_space<semaphore_mem>>)
    %scan3A_68 = arith.constant 0 : i32
    %scan3A_69 = arith.constant 0 : i32
    %scan3A_70 = arith.constant 19 : i32
    %scan3A_71 = arith.addi %scan3A_69, %scan3A_70 : i32
    %scan3A_72 = arith.constant 1 : i32
    scf.for %scan3A_118 = %scan3A_69 to %scan3A_71 step %scan3A_72  : i32 {
      %mul3A_119 = arith.constant 2 : i32
      %mul3A_120 = arith.muli %mul3A_119, %scan3A_118 : i32
      %add3A_121 = arith.constant 1 : i32
      %add3A_122 = arith.addi %mul3A_120, %add3A_121 : i32
      %dma_start3A_123 = arith.constant 0 : i32
      %dma_start3A_124 = tpu.memref_slice %arg6[%add3A_122, %dma_start3A_123] : memref<40x128xi32, #tpu.memory_space<vmem>> -> memref<1x128xi32, #tpu.memory_space<vmem>>
      %dma_start3A_125 = tpu.memref_squeeze %dma_start3A_124 : memref<1x128xi32, #tpu.memory_space<vmem>> -> memref<128xi32, #tpu.memory_space<vmem>>
      %dma_start3A_126 = arith.constant 0 : i32
      %dma_start3A_127 = arith.constant 0 : i32
      %dma_start3A_128 = tpu.memref_slice %arg2[%dma_start3A_126, %dma_start3A_127] : memref<10240x128xf32, #tpu.memory_space<hbm>> -> memref<10240x128xf32, #tpu.memory_space<hbm>>
      tpu.enqueue_indirect_dma source(%dma_start3A_128 : memref<10240x128xf32, #tpu.memory_space<hbm>>) target(%arg9 : memref<128x128xf32, #tpu.memory_space<vmem>>) offsets(%dma_start3A_125 : memref<128xi32, #tpu.memory_space<vmem>>) semaphore(%arg12 : memref<!tpu.dma_semaphore, #tpu.memory_space<semaphore_mem>>)
      %dma_wait3A_129 = arith.constant 0 : i32
      %dma_wait3A_130 = tpu.memref_slice %arg6[%mul3A_120, %dma_wait3A_129] : memref<40x128xi32, #tpu.memory_space<vmem>> -> memref<1x128xi32, #tpu.memory_space<vmem>>
      %dma_wait3A_131 = tpu.memref_squeeze %dma_wait3A_130 : memref<1x128xi32, #tpu.memory_space<vmem>> -> memref<128xi32, #tpu.memory_space<vmem>>
      %dma_wait3A_132 = arith.constant 0 : i32
      %dma_wait3A_133 = arith.constant 0 : i32
      %dma_wait3A_134 = tpu.memref_slice %arg2[%dma_wait3A_132, %dma_wait3A_133] : memref<10240x128xf32, #tpu.memory_space<hbm>> -> memref<10240x128xf32, #tpu.memory_space<hbm>>
      tpu.wait_indirect_dma semaphore(%arg11 : memref<!tpu.dma_semaphore, #tpu.memory_space<semaphore_mem>>) src(%dma_wait3A_134 : memref<10240x128xf32, #tpu.memory_space<hbm>>) dst(%arg8 : memref<128x128xf32, #tpu.memory_space<vmem>>)
      "tpu.region"() ({
        %run_scoped3A_153 = tpu.sem_alloc : memref<!tpu.dma_semaphore, #tpu.memory_space<semaphore_mem>>
        %dma_start3A_154 = arith.constant 0 : i32
        %dma_start3A_155 = tpu.memref_slice %arg7[%mul3A_120, %dma_start3A_154] : memref<40x128xi32, #tpu.memory_space<vmem>> -> memref<1x128xi32, #tpu.memory_space<vmem>>
        %dma_start3A_156 = tpu.memref_squeeze %dma_start3A_155 : memref<1x128xi32, #tpu.memory_space<vmem>> -> memref<128xi32, #tpu.memory_space<vmem>>
        %dma_start3A_157 = arith.constant 0 : i32
        %dma_start3A_158 = arith.constant 0 : i32
        %dma_start3A_159 = tpu.memref_slice %arg10[%dma_start3A_157, %dma_start3A_158] : memref<10240x128xf32, #tpu.memory_space<vmem_shared>> -> memref<10240x128xf32, #tpu.memory_space<vmem_shared>>
        tpu.enqueue_indirect_dma source(%arg8 : memref<128x128xf32, #tpu.memory_space<vmem>>) target(%dma_start3A_159 : memref<10240x128xf32, #tpu.memory_space<vmem_shared>>) offsets(%dma_start3A_156 : memref<128xi32, #tpu.memory_space<vmem>>) semaphore(%run_scoped3A_153 : memref<!tpu.dma_semaphore, #tpu.memory_space<semaphore_mem>>) {add = true}
        %dma_wait3A_160 = arith.constant 0 : i32
        %dma_wait3A_161 = tpu.memref_slice %arg7[%mul3A_120, %dma_wait3A_160] : memref<40x128xi32, #tpu.memory_space<vmem>> -> memref<1x128xi32, #tpu.memory_space<vmem>>
        %dma_wait3A_162 = tpu.memref_squeeze %dma_wait3A_161 : memref<1x128xi32, #tpu.memory_space<vmem>> -> memref<128xi32, #tpu.memory_space<vmem>>
        %dma_wait3A_163 = arith.constant 0 : i32
        %dma_wait3A_164 = arith.constant 0 : i32
        %dma_wait3A_165 = tpu.memref_slice %arg10[%dma_wait3A_163, %dma_wait3A_164] : memref<10240x128xf32, #tpu.memory_space<vmem_shared>> -> memref<10240x128xf32, #tpu.memory_space<vmem_shared>>
        tpu.wait_indirect_dma semaphore(%run_scoped3A_153 : memref<!tpu.dma_semaphore, #tpu.memory_space<semaphore_mem>>) src(%arg8 : memref<128x128xf32, #tpu.memory_space<vmem>>) dst(%dma_wait3A_165 : memref<10240x128xf32, #tpu.memory_space<vmem_shared>>)
        tpu.yield
      }) : () -> ()
      %add3A_135 = arith.constant 2 : i32
      %add3A_136 = arith.addi %mul3A_120, %add3A_135 : i32
      %dma_start3A_137 = arith.constant 0 : i32
      %dma_start3A_138 = tpu.memref_slice %arg6[%add3A_136, %dma_start3A_137] : memref<40x128xi32, #tpu.memory_space<vmem>> -> memref<1x128xi32, #tpu.memory_space<vmem>>
      %dma_start3A_139 = tpu.memref_squeeze %dma_start3A_138 : memref<1x128xi32, #tpu.memory_space<vmem>> -> memref<128xi32, #tpu.memory_space<vmem>>
      %dma_start3A_140 = arith.constant 0 : i32
      %dma_start3A_141 = arith.constant 0 : i32
      %dma_start3A_142 = tpu.memref_slice %arg2[%dma_start3A_140, %dma_start3A_141] : memref<10240x128xf32, #tpu.memory_space<hbm>> -> memref<10240x128xf32, #tpu.memory_space<hbm>>
      tpu.enqueue_indirect_dma source(%dma_start3A_142 : memref<10240x128xf32, #tpu.memory_space<hbm>>) target(%arg8 : memref<128x128xf32, #tpu.memory_space<vmem>>) offsets(%dma_start3A_139 : memref<128xi32, #tpu.memory_space<vmem>>) semaphore(%arg11 : memref<!tpu.dma_semaphore, #tpu.memory_space<semaphore_mem>>)
      %add3A_143 = arith.constant 1 : i32
      %add3A_144 = arith.addi %mul3A_120, %add3A_143 : i32
      %dma_wait3A_145 = arith.constant 0 : i32
      %dma_wait3A_146 = tpu.memref_slice %arg6[%add3A_144, %dma_wait3A_145] : memref<40x128xi32, #tpu.memory_space<vmem>> -> memref<1x128xi32, #tpu.memory_space<vmem>>
      %dma_wait3A_147 = tpu.memref_squeeze %dma_wait3A_146 : memref<1x128xi32, #tpu.memory_space<vmem>> -> memref<128xi32, #tpu.memory_space<vmem>>
      %dma_wait3A_148 = arith.constant 0 : i32
      %dma_wait3A_149 = arith.constant 0 : i32
      %dma_wait3A_150 = tpu.memref_slice %arg2[%dma_wait3A_148, %dma_wait3A_149] : memref<10240x128xf32, #tpu.memory_space<hbm>> -> memref<10240x128xf32, #tpu.memory_space<hbm>>
      tpu.wait_indirect_dma semaphore(%arg12 : memref<!tpu.dma_semaphore, #tpu.memory_space<semaphore_mem>>) src(%dma_wait3A_150 : memref<10240x128xf32, #tpu.memory_space<hbm>>) dst(%arg9 : memref<128x128xf32, #tpu.memory_space<vmem>>)
      %add3A_151 = arith.constant 1 : i32
      %add3A_152 = arith.addi %mul3A_120, %add3A_151 : i32
      "tpu.region"() ({
        %run_scoped3A_153 = tpu.sem_alloc : memref<!tpu.dma_semaphore, #tpu.memory_space<semaphore_mem>>
        %dma_start3A_154 = arith.constant 0 : i32
        %dma_start3A_155 = tpu.memref_slice %arg7[%add3A_152, %dma_start3A_154] : memref<40x128xi32, #tpu.memory_space<vmem>> -> memref<1x128xi32, #tpu.memory_space<vmem>>
        %dma_start3A_156 = tpu.memref_squeeze %dma_start3A_155 : memref<1x128xi32, #tpu.memory_space<vmem>> -> memref<128xi32, #tpu.memory_space<vmem>>
        %dma_start3A_157 = arith.constant 0 : i32
        %dma_start3A_158 = arith.constant 0 : i32
        %dma_start3A_159 = tpu.memref_slice %arg10[%dma_start3A_157, %dma_start3A_158] : memref<10240x128xf32, #tpu.memory_space<vmem_shared>> -> memref<10240x128xf32, #tpu.memory_space<vmem_shared>>
        tpu.enqueue_indirect_dma source(%arg9 : memref<128x128xf32, #tpu.memory_space<vmem>>) target(%dma_start3A_159 : memref<10240x128xf32, #tpu.memory_space<vmem_shared>>) offsets(%dma_start3A_156 : memref<128xi32, #tpu.memory_space<vmem>>) semaphore(%run_scoped3A_153 : memref<!tpu.dma_semaphore, #tpu.memory_space<semaphore_mem>>) {add = true}
        %dma_wait3A_160 = arith.constant 0 : i32
        %dma_wait3A_161 = tpu.memref_slice %arg7[%add3A_152, %dma_wait3A_160] : memref<40x128xi32, #tpu.memory_space<vmem>> -> memref<1x128xi32, #tpu.memory_space<vmem>>
        %dma_wait3A_162 = tpu.memref_squeeze %dma_wait3A_161 : memref<1x128xi32, #tpu.memory_space<vmem>> -> memref<128xi32, #tpu.memory_space<vmem>>
        %dma_wait3A_163 = arith.constant 0 : i32
        %dma_wait3A_164 = arith.constant 0 : i32
        %dma_wait3A_165 = tpu.memref_slice %arg10[%dma_wait3A_163, %dma_wait3A_164] : memref<10240x128xf32, #tpu.memory_space<vmem_shared>> -> memref<10240x128xf32, #tpu.memory_space<vmem_shared>>
        tpu.wait_indirect_dma semaphore(%run_scoped3A_153 : memref<!tpu.dma_semaphore, #tpu.memory_space<semaphore_mem>>) src(%arg9 : memref<128x128xf32, #tpu.memory_space<vmem>>) dst(%dma_wait3A_165 : memref<10240x128xf32, #tpu.memory_space<vmem_shared>>)
        tpu.yield
      }) : () -> ()
    }
    %scan3A_73 = arith.constant 19 : i32
    %dma_start3A_74 = arith.constant 39 : i32
    %dma_start3A_75 = arith.constant 0 : i32
    %dma_start3A_76 = tpu.memref_slice %arg6[%dma_start3A_74, %dma_start3A_75] : memref<40x128xi32, #tpu.memory_space<vmem>> -> memref<1x128xi32, #tpu.memory_space<vmem>>
    %dma_start3A_77 = tpu.memref_squeeze %dma_start3A_76 : memref<1x128xi32, #tpu.memory_space<vmem>> -> memref<128xi32, #tpu.memory_space<vmem>>
    %dma_start3A_78 = arith.constant 0 : i32
    %dma_start3A_79 = arith.constant 0 : i32
    %dma_start3A_80 = tpu.memref_slice %arg2[%dma_start3A_78, %dma_start3A_79] : memref<10240x128xf32, #tpu.memory_space<hbm>> -> memref<10240x128xf32, #tpu.memory_space<hbm>>
    tpu.enqueue_indirect_dma source(%dma_start3A_80 : memref<10240x128xf32, #tpu.memory_space<hbm>>) target(%arg9 : memref<128x128xf32, #tpu.memory_space<vmem>>) offsets(%dma_start3A_77 : memref<128xi32, #tpu.memory_space<vmem>>) semaphore(%arg12 : memref<!tpu.dma_semaphore, #tpu.memory_space<semaphore_mem>>)
    %dma_wait3A_81 = arith.constant 38 : i32
    %dma_wait3A_82 = arith.constant 0 : i32
    %dma_wait3A_83 = tpu.memref_slice %arg6[%dma_wait3A_81, %dma_wait3A_82] : memref<40x128xi32, #tpu.memory_space<vmem>> -> memref<1x128xi32, #tpu.memory_space<vmem>>
    %dma_wait3A_84 = tpu.memref_squeeze %dma_wait3A_83 : memref<1x128xi32, #tpu.memory_space<vmem>> -> memref<128xi32, #tpu.memory_space<vmem>>
    %dma_wait3A_85 = arith.constant 0 : i32
    %dma_wait3A_86 = arith.constant 0 : i32
    %dma_wait3A_87 = tpu.memref_slice %arg2[%dma_wait3A_85, %dma_wait3A_86] : memref<10240x128xf32, #tpu.memory_space<hbm>> -> memref<10240x128xf32, #tpu.memory_space<hbm>>
    tpu.wait_indirect_dma semaphore(%arg11 : memref<!tpu.dma_semaphore, #tpu.memory_space<semaphore_mem>>) src(%dma_wait3A_87 : memref<10240x128xf32, #tpu.memory_space<hbm>>) dst(%arg8 : memref<128x128xf32, #tpu.memory_space<vmem>>)
    %run_scoped3A_88 = arith.constant 38 : i32
    "tpu.region"() ({
      %run_scoped3A_118 = tpu.sem_alloc : memref<!tpu.dma_semaphore, #tpu.memory_space<semaphore_mem>>
      %dma_start3A_119 = arith.constant 0 : i32
      %dma_start3A_120 = tpu.memref_slice %arg7[%run_scoped3A_88, %dma_start3A_119] : memref<40x128xi32, #tpu.memory_space<vmem>> -> memref<1x128xi32, #tpu.memory_space<vmem>>
      %dma_start3A_121 = tpu.memref_squeeze %dma_start3A_120 : memref<1x128xi32, #tpu.memory_space<vmem>> -> memref<128xi32, #tpu.memory_space<vmem>>
      %dma_start3A_122 = arith.constant 0 : i32
      %dma_start3A_123 = arith.constant 0 : i32
      %dma_start3A_124 = tpu.memref_slice %arg10[%dma_start3A_122, %dma_start3A_123] : memref<10240x128xf32, #tpu.memory_space<vmem_shared>> -> memref<10240x128xf32, #tpu.memory_space<vmem_shared>>
      tpu.enqueue_indirect_dma source(%arg8 : memref<128x128xf32, #tpu.memory_space<vmem>>) target(%dma_start3A_124 : memref<10240x128xf32, #tpu.memory_space<vmem_shared>>) offsets(%dma_start3A_121 : memref<128xi32, #tpu.memory_space<vmem>>) semaphore(%run_scoped3A_118 : memref<!tpu.dma_semaphore, #tpu.memory_space<semaphore_mem>>) {add = true}
      %dma_wait3A_125 = arith.constant 0 : i32
      %dma_wait3A_126 = tpu.memref_slice %arg7[%run_scoped3A_88, %dma_wait3A_125] : memref<40x128xi32, #tpu.memory_space<vmem>> -> memref<1x128xi32, #tpu.memory_space<vmem>>
      %dma_wait3A_127 = tpu.memref_squeeze %dma_wait3A_126 : memref<1x128xi32, #tpu.memory_space<vmem>> -> memref<128xi32, #tpu.memory_space<vmem>>
      %dma_wait3A_128 = arith.constant 0 : i32
      %dma_wait3A_129 = arith.constant 0 : i32
      %dma_wait3A_130 = tpu.memref_slice %arg10[%dma_wait3A_128, %dma_wait3A_129] : memref<10240x128xf32, #tpu.memory_space<vmem_shared>> -> memref<10240x128xf32, #tpu.memory_space<vmem_shared>>
      tpu.wait_indirect_dma semaphore(%run_scoped3A_118 : memref<!tpu.dma_semaphore, #tpu.memory_space<semaphore_mem>>) src(%arg8 : memref<128x128xf32, #tpu.memory_space<vmem>>) dst(%dma_wait3A_130 : memref<10240x128xf32, #tpu.memory_space<vmem_shared>>)
      tpu.yield
    }) : () -> ()
    %dma_wait3A_89 = arith.constant 39 : i32
    %dma_wait3A_90 = arith.constant 0 : i32
    %dma_wait3A_91 = tpu.memref_slice %arg6[%dma_wait3A_89, %dma_wait3A_90] : memref<40x128xi32, #tpu.memory_space<vmem>> -> memref<1x128xi32, #tpu.memory_space<vmem>>
    %dma_wait3A_92 = tpu.memref_squeeze %dma_wait3A_91 : memref<1x128xi32, #tpu.memory_space<vmem>> -> memref<128xi32, #tpu.memory_space<vmem>>
    %dma_wait3A_93 = arith.constant 0 : i32
    %dma_wait3A_94 = arith.constant 0 : i32
    %dma_wait3A_95 = tpu.memref_slice %arg2[%dma_wait3A_93, %dma_wait3A_94] : memref<10240x128xf32, #tpu.memory_space<hbm>> -> memref<10240x128xf32, #tpu.memory_space<hbm>>
    tpu.wait_indirect_dma semaphore(%arg12 : memref<!tpu.dma_semaphore, #tpu.memory_space<semaphore_mem>>) src(%dma_wait3A_95 : memref<10240x128xf32, #tpu.memory_space<hbm>>) dst(%arg9 : memref<128x128xf32, #tpu.memory_space<vmem>>)
    %run_scoped3A_96 = arith.constant 39 : i32
    "tpu.region"() ({
      %run_scoped3A_118 = tpu.sem_alloc : memref<!tpu.dma_semaphore, #tpu.memory_space<semaphore_mem>>
      %dma_start3A_119 = arith.constant 0 : i32
      %dma_start3A_120 = tpu.memref_slice %arg7[%run_scoped3A_96, %dma_start3A_119] : memref<40x128xi32, #tpu.memory_space<vmem>> -> memref<1x128xi32, #tpu.memory_space<vmem>>
      %dma_start3A_121 = tpu.memref_squeeze %dma_start3A_120 : memref<1x128xi32, #tpu.memory_space<vmem>> -> memref<128xi32, #tpu.memory_space<vmem>>
      %dma_start3A_122 = arith.constant 0 : i32
      %dma_start3A_123 = arith.constant 0 : i32
      %dma_start3A_124 = tpu.memref_slice %arg10[%dma_start3A_122, %dma_start3A_123] : memref<10240x128xf32, #tpu.memory_space<vmem_shared>> -> memref<10240x128xf32, #tpu.memory_space<vmem_shared>>
      tpu.enqueue_indirect_dma source(%arg9 : memref<128x128xf32, #tpu.memory_space<vmem>>) target(%dma_start3A_124 : memref<10240x128xf32, #tpu.memory_space<vmem_shared>>) offsets(%dma_start3A_121 : memref<128xi32, #tpu.memory_space<vmem>>) semaphore(%run_scoped3A_118 : memref<!tpu.dma_semaphore, #tpu.memory_space<semaphore_mem>>) {add = true}
      %dma_wait3A_125 = arith.constant 0 : i32
      %dma_wait3A_126 = tpu.memref_slice %arg7[%run_scoped3A_96, %dma_wait3A_125] : memref<40x128xi32, #tpu.memory_space<vmem>> -> memref<1x128xi32, #tpu.memory_space<vmem>>
      %dma_wait3A_127 = tpu.memref_squeeze %dma_wait3A_126 : memref<1x128xi32, #tpu.memory_space<vmem>> -> memref<128xi32, #tpu.memory_space<vmem>>
      %dma_wait3A_128 = arith.constant 0 : i32
      %dma_wait3A_129 = arith.constant 0 : i32
      %dma_wait3A_130 = tpu.memref_slice %arg10[%dma_wait3A_128, %dma_wait3A_129] : memref<10240x128xf32, #tpu.memory_space<vmem_shared>> -> memref<10240x128xf32, #tpu.memory_space<vmem_shared>>
      tpu.wait_indirect_dma semaphore(%run_scoped3A_118 : memref<!tpu.dma_semaphore, #tpu.memory_space<semaphore_mem>>) src(%arg9 : memref<128x128xf32, #tpu.memory_space<vmem>>) dst(%dma_wait3A_130 : memref<10240x128xf32, #tpu.memory_space<vmem_shared>>)
      tpu.yield
    }) : () -> ()
    %barrier3A_97 = arith.constant 0 : index
    tpu.barrier barrier_id(%barrier3A_97)
    %mul3A_98 = arith.constant 640 : i32
    %mul3A_99 = arith.muli %arg1, %mul3A_98 : i32
    %add3A_100 = arith.constant 0 : i32
    %add3A_101 = arith.addi %mul3A_99, %add3A_100 : i32
    "tpu.region"() ({
      %run_scoped3A_118 = tpu.sem_alloc : memref<!tpu.dma_semaphore, #tpu.memory_space<semaphore_mem>>
      %dma_start3A_119 = arith.constant 0 : i32
      %dma_start3A_120 = tpu.memref_slice %arg10[%add3A_101, %dma_start3A_119] : memref<10240x128xf32, #tpu.memory_space<vmem_shared>> -> memref<128x128xf32, #tpu.memory_space<vmem_shared>>
      %dma_start3A_121 = arith.constant 0 : i32
      %dma_start3A_122 = tpu.memref_slice %arg10[%add3A_101, %dma_start3A_121] : memref<10240x128xf32, #tpu.memory_space<vmem_shared>> -> memref<128x128xf32, #tpu.memory_space<vmem_shared>>
      tpu.enqueue_dma source(%dma_start3A_122 : memref<128x128xf32, #tpu.memory_space<vmem_shared>>) target(%arg8 : memref<128x128xf32, #tpu.memory_space<vmem>>) target_semaphore(%run_scoped3A_118 : memref<!tpu.dma_semaphore, #tpu.memory_space<semaphore_mem>>)
      %dma_wait3A_123 = arith.constant 0 : i32
      %dma_wait3A_124 = tpu.memref_slice %arg10[%add3A_101, %dma_wait3A_123] : memref<10240x128xf32, #tpu.memory_space<vmem_shared>> -> memref<128x128xf32, #tpu.memory_space<vmem_shared>>
      %dma_wait3A_125 = arith.constant 0 : i32
      %dma_wait3A_126 = tpu.memref_slice %arg10[%add3A_101, %dma_wait3A_125] : memref<10240x128xf32, #tpu.memory_space<vmem_shared>> -> memref<128x128xf32, #tpu.memory_space<vmem_shared>>
      tpu.wait_dma2 semaphore(%run_scoped3A_118 : memref<!tpu.dma_semaphore, #tpu.memory_space<semaphore_mem>>) src(%dma_wait3A_126 : memref<128x128xf32, #tpu.memory_space<vmem_shared>>) dst(%arg8 : memref<128x128xf32, #tpu.memory_space<vmem>>)
      tpu.yield
    }) : () -> ()
    "tpu.region"() ({
      %run_scoped3A_118 = tpu.sem_alloc : memref<!tpu.dma_semaphore, #tpu.memory_space<semaphore_mem>>
      %dma_start3A_119 = arith.constant 0 : i32
      %dma_start3A_120 = arith.constant 0 : i32
      %dma_start3A_121 = tpu.memref_slice %arg5[%arg0, %dma_start3A_119, %dma_start3A_120] : memref<2x10240x128xf32, #tpu.memory_space<hbm>> -> memref<1x10240x128xf32, #tpu.memory_space<hbm>>
      %dma_start3A_122 = tpu.memref_squeeze %dma_start3A_121 : memref<1x10240x128xf32, #tpu.memory_space<hbm>> -> memref<10240x128xf32, #tpu.memory_space<hbm>>
      %dma_start3A_123 = arith.constant 0 : i32
      %dma_start3A_124 = tpu.memref_slice %dma_start3A_122[%add3A_101, %dma_start3A_123] : memref<10240x128xf32, #tpu.memory_space<hbm>> -> memref<128x128xf32, #tpu.memory_space<hbm>>
      %dma_start3A_125 = arith.constant 0 : i32
      %dma_start3A_126 = arith.constant 0 : i32
      %dma_start3A_127 = tpu.memref_slice %arg5[%arg0, %dma_start3A_125, %dma_start3A_126] : memref<2x10240x128xf32, #tpu.memory_space<hbm>> -> memref<1x10240x128xf32, #tpu.memory_space<hbm>>
      %dma_start3A_128 = tpu.memref_squeeze %dma_start3A_127 : memref<1x10240x128xf32, #tpu.memory_space<hbm>> -> memref<10240x128xf32, #tpu.memory_space<hbm>>
      %dma_start3A_129 = arith.constant 0 : i32
      %dma_start3A_130 = tpu.memref_slice %dma_start3A_128[%add3A_101, %dma_start3A_129] : memref<10240x128xf32, #tpu.memory_space<hbm>> -> memref<128x128xf32, #tpu.memory_space<hbm>>
      tpu.enqueue_dma source(%arg8 : memref<128x128xf32, #tpu.memory_space<vmem>>) target(%dma_start3A_130 : memref<128x128xf32, #tpu.memory_space<hbm>>) target_semaphore(%run_scoped3A_118 : memref<!tpu.dma_semaphore, #tpu.memory_space<semaphore_mem>>)
      %dma_wait3A_131 = arith.constant 0 : i32
      %dma_wait3A_132 = arith.constant 0 : i32
      %dma_wait3A_133 = tpu.memref_slice %arg5[%arg0, %dma_wait3A_131, %dma_wait3A_132] : memref<2x10240x128xf32, #tpu.memory_space<hbm>> -> memref<1x10240x128xf32, #tpu.memory_space<hbm>>
      %dma_wait3A_134 = tpu.memref_squeeze %dma_wait3A_133 : memref<1x10240x128xf32, #tpu.memory_space<hbm>> -> memref<10240x128xf32, #tpu.memory_space<hbm>>
      %dma_wait3A_135 = arith.constant 0 : i32
      %dma_wait3A_136 = tpu.memref_slice %dma_wait3A_134[%add3A_101, %dma_wait3A_135] : memref<10240x128xf32, #tpu.memory_space<hbm>> -> memref<128x128xf32, #tpu.memory_space<hbm>>
      %dma_wait3A_137 = arith.constant 0 : i32
      %dma_wait3A_138 = arith.constant 0 : i32
      %dma_wait3A_139 = tpu.memref_slice %arg5[%arg0, %dma_wait3A_137, %dma_wait3A_138] : memref<2x10240x128xf32, #tpu.memory_space<hbm>> -> memref<1x10240x128xf32, #tpu.memory_space<hbm>>
      %dma_wait3A_140 = tpu.memref_squeeze %dma_wait3A_139 : memref<1x10240x128xf32, #tpu.memory_space<hbm>> -> memref<10240x128xf32, #tpu.memory_space<hbm>>
      %dma_wait3A_141 = arith.constant 0 : i32
      %dma_wait3A_142 = tpu.memref_slice %dma_wait3A_140[%add3A_101, %dma_wait3A_141] : memref<10240x128xf32, #tpu.memory_space<hbm>> -> memref<128x128xf32, #tpu.memory_space<hbm>>
      tpu.wait_dma2 semaphore(%run_scoped3A_118 : memref<!tpu.dma_semaphore, #tpu.memory_space<semaphore_mem>>) src(%arg8 : memref<128x128xf32, #tpu.memory_space<vmem>>) dst(%dma_wait3A_142 : memref<128x128xf32, #tpu.memory_space<hbm>>)
      tpu.yield
    }) : () -> ()
    %mul3A_102 = arith.constant 640 : i32
    %mul3A_103 = arith.muli %arg1, %mul3A_102 : i32
    %add3A_104 = arith.constant 128 : i32
    %add3A_105 = arith.addi %mul3A_103, %add3A_104 : i32
    "tpu.region"() ({
      %run_scoped3A_118 = tpu.sem_alloc : memref<!tpu.dma_semaphore, #tpu.memory_space<semaphore_mem>>
      %dma_start3A_119 = arith.constant 0 : i32
      %dma_start3A_120 = tpu.memref_slice %arg10[%add3A_105, %dma_start3A_119] : memref<10240x128xf32, #tpu.memory_space<vmem_shared>> -> memref<128x128xf32, #tpu.memory_space<vmem_shared>>
      %dma_start3A_121 = arith.constant 0 : i32
      %dma_start3A_122 = tpu.memref_slice %arg10[%add3A_105, %dma_start3A_121] : memref<10240x128xf32, #tpu.memory_space<vmem_shared>> -> memref<128x128xf32, #tpu.memory_space<vmem_shared>>
      tpu.enqueue_dma source(%dma_start3A_122 : memref<128x128xf32, #tpu.memory_space<vmem_shared>>) target(%arg8 : memref<128x128xf32, #tpu.memory_space<vmem>>) target_semaphore(%run_scoped3A_118 : memref<!tpu.dma_semaphore, #tpu.memory_space<semaphore_mem>>)
      %dma_wait3A_123 = arith.constant 0 : i32
      %dma_wait3A_124 = tpu.memref_slice %arg10[%add3A_105, %dma_wait3A_123] : memref<10240x128xf32, #tpu.memory_space<vmem_shared>> -> memref<128x128xf32, #tpu.memory_space<vmem_shared>>
      %dma_wait3A_125 = arith.constant 0 : i32
      %dma_wait3A_126 = tpu.memref_slice %arg10[%add3A_105, %dma_wait3A_125] : memref<10240x128xf32, #tpu.memory_space<vmem_shared>> -> memref<128x128xf32, #tpu.memory_space<vmem_shared>>
      tpu.wait_dma2 semaphore(%run_scoped3A_118 : memref<!tpu.dma_semaphore, #tpu.memory_space<semaphore_mem>>) src(%dma_wait3A_126 : memref<128x128xf32, #tpu.memory_space<vmem_shared>>) dst(%arg8 : memref<128x128xf32, #tpu.memory_space<vmem>>)
      tpu.yield
    }) : () -> ()
    "tpu.region"() ({
      %run_scoped3A_118 = tpu.sem_alloc : memref<!tpu.dma_semaphore, #tpu.memory_space<semaphore_mem>>
      %dma_start3A_119 = arith.constant 0 : i32
      %dma_start3A_120 = arith.constant 0 : i32
      %dma_start3A_121 = tpu.memref_slice %arg5[%arg0, %dma_start3A_119, %dma_start3A_120] : memref<2x10240x128xf32, #tpu.memory_space<hbm>> -> memref<1x10240x128xf32, #tpu.memory_space<hbm>>
      %dma_start3A_122 = tpu.memref_squeeze %dma_start3A_121 : memref<1x10240x128xf32, #tpu.memory_space<hbm>> -> memref<10240x128xf32, #tpu.memory_space<hbm>>
      %dma_start3A_123 = arith.constant 0 : i32
      %dma_start3A_124 = tpu.memref_slice %dma_start3A_122[%add3A_105, %dma_start3A_123] : memref<10240x128xf32, #tpu.memory_space<hbm>> -> memref<128x128xf32, #tpu.memory_space<hbm>>
      %dma_start3A_125 = arith.constant 0 : i32
      %dma_start3A_126 = arith.constant 0 : i32
      %dma_start3A_127 = tpu.memref_slice %arg5[%arg0, %dma_start3A_125, %dma_start3A_126] : memref<2x10240x128xf32, #tpu.memory_space<hbm>> -> memref<1x10240x128xf32, #tpu.memory_space<hbm>>
      %dma_start3A_128 = tpu.memref_squeeze %dma_start3A_127 : memref<1x10240x128xf32, #tpu.memory_space<hbm>> -> memref<10240x128xf32, #tpu.memory_space<hbm>>
      %dma_start3A_129 = arith.constant 0 : i32
      %dma_start3A_130 = tpu.memref_slice %dma_start3A_128[%add3A_105, %dma_start3A_129] : memref<10240x128xf32, #tpu.memory_space<hbm>> -> memref<128x128xf32, #tpu.memory_space<hbm>>
      tpu.enqueue_dma source(%arg8 : memref<128x128xf32, #tpu.memory_space<vmem>>) target(%dma_start3A_130 : memref<128x128xf32, #tpu.memory_space<hbm>>) target_semaphore(%run_scoped3A_118 : memref<!tpu.dma_semaphore, #tpu.memory_space<semaphore_mem>>)
      %dma_wait3A_131 = arith.constant 0 : i32
      %dma_wait3A_132 = arith.constant 0 : i32
      %dma_wait3A_133 = tpu.memref_slice %arg5[%arg0, %dma_wait3A_131, %dma_wait3A_132] : memref<2x10240x128xf32, #tpu.memory_space<hbm>> -> memref<1x10240x128xf32, #tpu.memory_space<hbm>>
      %dma_wait3A_134 = tpu.memref_squeeze %dma_wait3A_133 : memref<1x10240x128xf32, #tpu.memory_space<hbm>> -> memref<10240x128xf32, #tpu.memory_space<hbm>>
      %dma_wait3A_135 = arith.constant 0 : i32
      %dma_wait3A_136 = tpu.memref_slice %dma_wait3A_134[%add3A_105, %dma_wait3A_135] : memref<10240x128xf32, #tpu.memory_space<hbm>> -> memref<128x128xf32, #tpu.memory_space<hbm>>
      %dma_wait3A_137 = arith.constant 0 : i32
      %dma_wait3A_138 = arith.constant 0 : i32
      %dma_wait3A_139 = tpu.memref_slice %arg5[%arg0, %dma_wait3A_137, %dma_wait3A_138] : memref<2x10240x128xf32, #tpu.memory_space<hbm>> -> memref<1x10240x128xf32, #tpu.memory_space<hbm>>
      %dma_wait3A_140 = tpu.memref_squeeze %dma_wait3A_139 : memref<1x10240x128xf32, #tpu.memory_space<hbm>> -> memref<10240x128xf32, #tpu.memory_space<hbm>>
      %dma_wait3A_141 = arith.constant 0 : i32
      %dma_wait3A_142 = tpu.memref_slice %dma_wait3A_140[%add3A_105, %dma_wait3A_141] : memref<10240x128xf32, #tpu.memory_space<hbm>> -> memref<128x128xf32, #tpu.memory_space<hbm>>
      tpu.wait_dma2 semaphore(%run_scoped3A_118 : memref<!tpu.dma_semaphore, #tpu.memory_space<semaphore_mem>>) src(%arg8 : memref<128x128xf32, #tpu.memory_space<vmem>>) dst(%dma_wait3A_142 : memref<128x128xf32, #tpu.memory_space<hbm>>)
      tpu.yield
    }) : () -> ()
    %mul3A_106 = arith.constant 640 : i32
    %mul3A_107 = arith.muli %arg1, %mul3A_106 : i32
    %add3A_108 = arith.constant 256 : i32
    %add3A_109 = arith.addi %mul3A_107, %add3A_108 : i32
    "tpu.region"() ({
      %run_scoped3A_118 = tpu.sem_alloc : memref<!tpu.dma_semaphore, #tpu.memory_space<semaphore_mem>>
      %dma_start3A_119 = arith.constant 0 : i32
      %dma_start3A_120 = tpu.memref_slice %arg10[%add3A_109, %dma_start3A_119] : memref<10240x128xf32, #tpu.memory_space<vmem_shared>> -> memref<128x128xf32, #tpu.memory_space<vmem_shared>>
      %dma_start3A_121 = arith.constant 0 : i32
      %dma_start3A_122 = tpu.memref_slice %arg10[%add3A_109, %dma_start3A_121] : memref<10240x128xf32, #tpu.memory_space<vmem_shared>> -> memref<128x128xf32, #tpu.memory_space<vmem_shared>>
      tpu.enqueue_dma source(%dma_start3A_122 : memref<128x128xf32, #tpu.memory_space<vmem_shared>>) target(%arg8 : memref<128x128xf32, #tpu.memory_space<vmem>>) target_semaphore(%run_scoped3A_118 : memref<!tpu.dma_semaphore, #tpu.memory_space<semaphore_mem>>)
      %dma_wait3A_123 = arith.constant 0 : i32
      %dma_wait3A_124 = tpu.memref_slice %arg10[%add3A_109, %dma_wait3A_123] : memref<10240x128xf32, #tpu.memory_space<vmem_shared>> -> memref<128x128xf32, #tpu.memory_space<vmem_shared>>
      %dma_wait3A_125 = arith.constant 0 : i32
      %dma_wait3A_126 = tpu.memref_slice %arg10[%add3A_109, %dma_wait3A_125] : memref<10240x128xf32, #tpu.memory_space<vmem_shared>> -> memref<128x128xf32, #tpu.memory_space<vmem_shared>>
      tpu.wait_dma2 semaphore(%run_scoped3A_118 : memref<!tpu.dma_semaphore, #tpu.memory_space<semaphore_mem>>) src(%dma_wait3A_126 : memref<128x128xf32, #tpu.memory_space<vmem_shared>>) dst(%arg8 : memref<128x128xf32, #tpu.memory_space<vmem>>)
      tpu.yield
    }) : () -> ()
    "tpu.region"() ({
      %run_scoped3A_118 = tpu.sem_alloc : memref<!tpu.dma_semaphore, #tpu.memory_space<semaphore_mem>>
      %dma_start3A_119 = arith.constant 0 : i32
      %dma_start3A_120 = arith.constant 0 : i32
      %dma_start3A_121 = tpu.memref_slice %arg5[%arg0, %dma_start3A_119, %dma_start3A_120] : memref<2x10240x128xf32, #tpu.memory_space<hbm>> -> memref<1x10240x128xf32, #tpu.memory_space<hbm>>
      %dma_start3A_122 = tpu.memref_squeeze %dma_start3A_121 : memref<1x10240x128xf32, #tpu.memory_space<hbm>> -> memref<10240x128xf32, #tpu.memory_space<hbm>>
      %dma_start3A_123 = arith.constant 0 : i32
      %dma_start3A_124 = tpu.memref_slice %dma_start3A_122[%add3A_109, %dma_start3A_123] : memref<10240x128xf32, #tpu.memory_space<hbm>> -> memref<128x128xf32, #tpu.memory_space<hbm>>
      %dma_start3A_125 = arith.constant 0 : i32
      %dma_start3A_126 = arith.constant 0 : i32
      %dma_start3A_127 = tpu.memref_slice %arg5[%arg0, %dma_start3A_125, %dma_start3A_126] : memref<2x10240x128xf32, #tpu.memory_space<hbm>> -> memref<1x10240x128xf32, #tpu.memory_space<hbm>>
      %dma_start3A_128 = tpu.memref_squeeze %dma_start3A_127 : memref<1x10240x128xf32, #tpu.memory_space<hbm>> -> memref<10240x128xf32, #tpu.memory_space<hbm>>
      %dma_start3A_129 = arith.constant 0 : i32
      %dma_start3A_130 = tpu.memref_slice %dma_start3A_128[%add3A_109, %dma_start3A_129] : memref<10240x128xf32, #tpu.memory_space<hbm>> -> memref<128x128xf32, #tpu.memory_space<hbm>>
      tpu.enqueue_dma source(%arg8 : memref<128x128xf32, #tpu.memory_space<vmem>>) target(%dma_start3A_130 : memref<128x128xf32, #tpu.memory_space<hbm>>) target_semaphore(%run_scoped3A_118 : memref<!tpu.dma_semaphore, #tpu.memory_space<semaphore_mem>>)
      %dma_wait3A_131 = arith.constant 0 : i32
      %dma_wait3A_132 = arith.constant 0 : i32
      %dma_wait3A_133 = tpu.memref_slice %arg5[%arg0, %dma_wait3A_131, %dma_wait3A_132] : memref<2x10240x128xf32, #tpu.memory_space<hbm>> -> memref<1x10240x128xf32, #tpu.memory_space<hbm>>
      %dma_wait3A_134 = tpu.memref_squeeze %dma_wait3A_133 : memref<1x10240x128xf32, #tpu.memory_space<hbm>> -> memref<10240x128xf32, #tpu.memory_space<hbm>>
      %dma_wait3A_135 = arith.constant 0 : i32
      %dma_wait3A_136 = tpu.memref_slice %dma_wait3A_134[%add3A_109, %dma_wait3A_135] : memref<10240x128xf32, #tpu.memory_space<hbm>> -> memref<128x128xf32, #tpu.memory_space<hbm>>
      %dma_wait3A_137 = arith.constant 0 : i32
      %dma_wait3A_138 = arith.constant 0 : i32
      %dma_wait3A_139 = tpu.memref_slice %arg5[%arg0, %dma_wait3A_137, %dma_wait3A_138] : memref<2x10240x128xf32, #tpu.memory_space<hbm>> -> memref<1x10240x128xf32, #tpu.memory_space<hbm>>
      %dma_wait3A_140 = tpu.memref_squeeze %dma_wait3A_139 : memref<1x10240x128xf32, #tpu.memory_space<hbm>> -> memref<10240x128xf32, #tpu.memory_space<hbm>>
      %dma_wait3A_141 = arith.constant 0 : i32
      %dma_wait3A_142 = tpu.memref_slice %dma_wait3A_140[%add3A_109, %dma_wait3A_141] : memref<10240x128xf32, #tpu.memory_space<hbm>> -> memref<128x128xf32, #tpu.memory_space<hbm>>
      tpu.wait_dma2 semaphore(%run_scoped3A_118 : memref<!tpu.dma_semaphore, #tpu.memory_space<semaphore_mem>>) src(%arg8 : memref<128x128xf32, #tpu.memory_space<vmem>>) dst(%dma_wait3A_142 : memref<128x128xf32, #tpu.memory_space<hbm>>)
      tpu.yield
    }) : () -> ()
    %mul3A_110 = arith.constant 640 : i32
    %mul3A_111 = arith.muli %arg1, %mul3A_110 : i32
    %add3A_112 = arith.constant 384 : i32
    %add3A_113 = arith.addi %mul3A_111, %add3A_112 : i32
    "tpu.region"() ({
      %run_scoped3A_118 = tpu.sem_alloc : memref<!tpu.dma_semaphore, #tpu.memory_space<semaphore_mem>>
      %dma_start3A_119 = arith.constant 0 : i32
      %dma_start3A_120 = tpu.memref_slice %arg10[%add3A_113, %dma_start3A_119] : memref<10240x128xf32, #tpu.memory_space<vmem_shared>> -> memref<128x128xf32, #tpu.memory_space<vmem_shared>>
      %dma_start3A_121 = arith.constant 0 : i32
      %dma_start3A_122 = tpu.memref_slice %arg10[%add3A_113, %dma_start3A_121] : memref<10240x128xf32, #tpu.memory_space<vmem_shared>> -> memref<128x128xf32, #tpu.memory_space<vmem_shared>>
      tpu.enqueue_dma source(%dma_start3A_122 : memref<128x128xf32, #tpu.memory_space<vmem_shared>>) target(%arg8 : memref<128x128xf32, #tpu.memory_space<vmem>>) target_semaphore(%run_scoped3A_118 : memref<!tpu.dma_semaphore, #tpu.memory_space<semaphore_mem>>)
      %dma_wait3A_123 = arith.constant 0 : i32
      %dma_wait3A_124 = tpu.memref_slice %arg10[%add3A_113, %dma_wait3A_123] : memref<10240x128xf32, #tpu.memory_space<vmem_shared>> -> memref<128x128xf32, #tpu.memory_space<vmem_shared>>
      %dma_wait3A_125 = arith.constant 0 : i32
      %dma_wait3A_126 = tpu.memref_slice %arg10[%add3A_113, %dma_wait3A_125] : memref<10240x128xf32, #tpu.memory_space<vmem_shared>> -> memref<128x128xf32, #tpu.memory_space<vmem_shared>>
      tpu.wait_dma2 semaphore(%run_scoped3A_118 : memref<!tpu.dma_semaphore, #tpu.memory_space<semaphore_mem>>) src(%dma_wait3A_126 : memref<128x128xf32, #tpu.memory_space<vmem_shared>>) dst(%arg8 : memref<128x128xf32, #tpu.memory_space<vmem>>)
      tpu.yield
    }) : () -> ()
    "tpu.region"() ({
      %run_scoped3A_118 = tpu.sem_alloc : memref<!tpu.dma_semaphore, #tpu.memory_space<semaphore_mem>>
      %dma_start3A_119 = arith.constant 0 : i32
      %dma_start3A_120 = arith.constant 0 : i32
      %dma_start3A_121 = tpu.memref_slice %arg5[%arg0, %dma_start3A_119, %dma_start3A_120] : memref<2x10240x128xf32, #tpu.memory_space<hbm>> -> memref<1x10240x128xf32, #tpu.memory_space<hbm>>
      %dma_start3A_122 = tpu.memref_squeeze %dma_start3A_121 : memref<1x10240x128xf32, #tpu.memory_space<hbm>> -> memref<10240x128xf32, #tpu.memory_space<hbm>>
      %dma_start3A_123 = arith.constant 0 : i32
      %dma_start3A_124 = tpu.memref_slice %dma_start3A_122[%add3A_113, %dma_start3A_123] : memref<10240x128xf32, #tpu.memory_space<hbm>> -> memref<128x128xf32, #tpu.memory_space<hbm>>
      %dma_start3A_125 = arith.constant 0 : i32
      %dma_start3A_126 = arith.constant 0 : i32
      %dma_start3A_127 = tpu.memref_slice %arg5[%arg0, %dma_start3A_125, %dma_start3A_126] : memref<2x10240x128xf32, #tpu.memory_space<hbm>> -> memref<1x10240x128xf32, #tpu.memory_space<hbm>>
      %dma_start3A_128 = tpu.memref_squeeze %dma_start3A_127 : memref<1x10240x128xf32, #tpu.memory_space<hbm>> -> memref<10240x128xf32, #tpu.memory_space<hbm>>
      %dma_start3A_129 = arith.constant 0 : i32
      %dma_start3A_130 = tpu.memref_slice %dma_start3A_128[%add3A_113, %dma_start3A_129] : memref<10240x128xf32, #tpu.memory_space<hbm>> -> memref<128x128xf32, #tpu.memory_space<hbm>>
      tpu.enqueue_dma source(%arg8 : memref<128x128xf32, #tpu.memory_space<vmem>>) target(%dma_start3A_130 : memref<128x128xf32, #tpu.memory_space<hbm>>) target_semaphore(%run_scoped3A_118 : memref<!tpu.dma_semaphore, #tpu.memory_space<semaphore_mem>>)
      %dma_wait3A_131 = arith.constant 0 : i32
      %dma_wait3A_132 = arith.constant 0 : i32
      %dma_wait3A_133 = tpu.memref_slice %arg5[%arg0, %dma_wait3A_131, %dma_wait3A_132] : memref<2x10240x128xf32, #tpu.memory_space<hbm>> -> memref<1x10240x128xf32, #tpu.memory_space<hbm>>
      %dma_wait3A_134 = tpu.memref_squeeze %dma_wait3A_133 : memref<1x10240x128xf32, #tpu.memory_space<hbm>> -> memref<10240x128xf32, #tpu.memory_space<hbm>>
      %dma_wait3A_135 = arith.constant 0 : i32
      %dma_wait3A_136 = tpu.memref_slice %dma_wait3A_134[%add3A_113, %dma_wait3A_135] : memref<10240x128xf32, #tpu.memory_space<hbm>> -> memref<128x128xf32, #tpu.memory_space<hbm>>
      %dma_wait3A_137 = arith.constant 0 : i32
      %dma_wait3A_138 = arith.constant 0 : i32
      %dma_wait3A_139 = tpu.memref_slice %arg5[%arg0, %dma_wait3A_137, %dma_wait3A_138] : memref<2x10240x128xf32, #tpu.memory_space<hbm>> -> memref<1x10240x128xf32, #tpu.memory_space<hbm>>
      %dma_wait3A_140 = tpu.memref_squeeze %dma_wait3A_139 : memref<1x10240x128xf32, #tpu.memory_space<hbm>> -> memref<10240x128xf32, #tpu.memory_space<hbm>>
      %dma_wait3A_141 = arith.constant 0 : i32
      %dma_wait3A_142 = tpu.memref_slice %dma_wait3A_140[%add3A_113, %dma_wait3A_141] : memref<10240x128xf32, #tpu.memory_space<hbm>> -> memref<128x128xf32, #tpu.memory_space<hbm>>
      tpu.wait_dma2 semaphore(%run_scoped3A_118 : memref<!tpu.dma_semaphore, #tpu.memory_space<semaphore_mem>>) src(%arg8 : memref<128x128xf32, #tpu.memory_space<vmem>>) dst(%dma_wait3A_142 : memref<128x128xf32, #tpu.memory_space<hbm>>)
      tpu.yield
    }) : () -> ()
    %mul3A_114 = arith.constant 640 : i32
    %mul3A_115 = arith.muli %arg1, %mul3A_114 : i32
    %add3A_116 = arith.constant 512 : i32
    %add3A_117 = arith.addi %mul3A_115, %add3A_116 : i32
    "tpu.region"() ({
      %run_scoped3A_118 = tpu.sem_alloc : memref<!tpu.dma_semaphore, #tpu.memory_space<semaphore_mem>>
      %dma_start3A_119 = arith.constant 0 : i32
      %dma_start3A_120 = tpu.memref_slice %arg10[%add3A_117, %dma_start3A_119] : memref<10240x128xf32, #tpu.memory_space<vmem_shared>> -> memref<128x128xf32, #tpu.memory_space<vmem_shared>>
      %dma_start3A_121 = arith.constant 0 : i32
      %dma_start3A_122 = tpu.memref_slice %arg10[%add3A_117, %dma_start3A_121] : memref<10240x128xf32, #tpu.memory_space<vmem_shared>> -> memref<128x128xf32, #tpu.memory_space<vmem_shared>>
      tpu.enqueue_dma source(%dma_start3A_122 : memref<128x128xf32, #tpu.memory_space<vmem_shared>>) target(%arg8 : memref<128x128xf32, #tpu.memory_space<vmem>>) target_semaphore(%run_scoped3A_118 : memref<!tpu.dma_semaphore, #tpu.memory_space<semaphore_mem>>)
      %dma_wait3A_123 = arith.constant 0 : i32
      %dma_wait3A_124 = tpu.memref_slice %arg10[%add3A_117, %dma_wait3A_123] : memref<10240x128xf32, #tpu.memory_space<vmem_shared>> -> memref<128x128xf32, #tpu.memory_space<vmem_shared>>
      %dma_wait3A_125 = arith.constant 0 : i32
      %dma_wait3A_126 = tpu.memref_slice %arg10[%add3A_117, %dma_wait3A_125] : memref<10240x128xf32, #tpu.memory_space<vmem_shared>> -> memref<128x128xf32, #tpu.memory_space<vmem_shared>>
      tpu.wait_dma2 semaphore(%run_scoped3A_118 : memref<!tpu.dma_semaphore, #tpu.memory_space<semaphore_mem>>) src(%dma_wait3A_126 : memref<128x128xf32, #tpu.memory_space<vmem_shared>>) dst(%arg8 : memref<128x128xf32, #tpu.memory_space<vmem>>)
      tpu.yield
    }) : () -> ()
    "tpu.region"() ({
      %run_scoped3A_118 = tpu.sem_alloc : memref<!tpu.dma_semaphore, #tpu.memory_space<semaphore_mem>>
      %dma_start3A_119 = arith.constant 0 : i32
      %dma_start3A_120 = arith.constant 0 : i32
      %dma_start3A_121 = tpu.memref_slice %arg5[%arg0, %dma_start3A_119, %dma_start3A_120] : memref<2x10240x128xf32, #tpu.memory_space<hbm>> -> memref<1x10240x128xf32, #tpu.memory_space<hbm>>
      %dma_start3A_122 = tpu.memref_squeeze %dma_start3A_121 : memref<1x10240x128xf32, #tpu.memory_space<hbm>> -> memref<10240x128xf32, #tpu.memory_space<hbm>>
      %dma_start3A_123 = arith.constant 0 : i32
      %dma_start3A_124 = tpu.memref_slice %dma_start3A_122[%add3A_117, %dma_start3A_123] : memref<10240x128xf32, #tpu.memory_space<hbm>> -> memref<128x128xf32, #tpu.memory_space<hbm>>
      %dma_start3A_125 = arith.constant 0 : i32
      %dma_start3A_126 = arith.constant 0 : i32
      %dma_start3A_127 = tpu.memref_slice %arg5[%arg0, %dma_start3A_125, %dma_start3A_126] : memref<2x10240x128xf32, #tpu.memory_space<hbm>> -> memref<1x10240x128xf32, #tpu.memory_space<hbm>>
      %dma_start3A_128 = tpu.memref_squeeze %dma_start3A_127 : memref<1x10240x128xf32, #tpu.memory_space<hbm>> -> memref<10240x128xf32, #tpu.memory_space<hbm>>
      %dma_start3A_129 = arith.constant 0 : i32
      %dma_start3A_130 = tpu.memref_slice %dma_start3A_128[%add3A_117, %dma_start3A_129] : memref<10240x128xf32, #tpu.memory_space<hbm>> -> memref<128x128xf32, #tpu.memory_space<hbm>>
      tpu.enqueue_dma source(%arg8 : memref<128x128xf32, #tpu.memory_space<vmem>>) target(%dma_start3A_130 : memref<128x128xf32, #tpu.memory_space<hbm>>) target_semaphore(%run_scoped3A_118 : memref<!tpu.dma_semaphore, #tpu.memory_space<semaphore_mem>>)
      %dma_wait3A_131 = arith.constant 0 : i32
      %dma_wait3A_132 = arith.constant 0 : i32
      %dma_wait3A_133 = tpu.memref_slice %arg5[%arg0, %dma_wait3A_131, %dma_wait3A_132] : memref<2x10240x128xf32, #tpu.memory_space<hbm>> -> memref<1x10240x128xf32, #tpu.memory_space<hbm>>
      %dma_wait3A_134 = tpu.memref_squeeze %dma_wait3A_133 : memref<1x10240x128xf32, #tpu.memory_space<hbm>> -> memref<10240x128xf32, #tpu.memory_space<hbm>>
      %dma_wait3A_135 = arith.constant 0 : i32
      %dma_wait3A_136 = tpu.memref_slice %dma_wait3A_134[%add3A_117, %dma_wait3A_135] : memref<10240x128xf32, #tpu.memory_space<hbm>> -> memref<128x128xf32, #tpu.memory_space<hbm>>
      %dma_wait3A_137 = arith.constant 0 : i32
      %dma_wait3A_138 = arith.constant 0 : i32
      %dma_wait3A_139 = tpu.memref_slice %arg5[%arg0, %dma_wait3A_137, %dma_wait3A_138] : memref<2x10240x128xf32, #tpu.memory_space<hbm>> -> memref<1x10240x128xf32, #tpu.memory_space<hbm>>
      %dma_wait3A_140 = tpu.memref_squeeze %dma_wait3A_139 : memref<1x10240x128xf32, #tpu.memory_space<hbm>> -> memref<10240x128xf32, #tpu.memory_space<hbm>>
      %dma_wait3A_141 = arith.constant 0 : i32
      %dma_wait3A_142 = tpu.memref_slice %dma_wait3A_140[%add3A_117, %dma_wait3A_141] : memref<10240x128xf32, #tpu.memory_space<hbm>> -> memref<128x128xf32, #tpu.memory_space<hbm>>
      tpu.wait_dma2 semaphore(%run_scoped3A_118 : memref<!tpu.dma_semaphore, #tpu.memory_space<semaphore_mem>>) src(%arg8 : memref<128x128xf32, #tpu.memory_space<vmem>>) dst(%dma_wait3A_142 : memref<128x128xf32, #tpu.memory_space<hbm>>)
      tpu.yield
    }) : () -> ()
    return
  }
}

module attributes {stable_mosaic.version = 14 : i64} {
  func.func @_tc1_body(%arg0: i32, %arg1: memref<1024x128xf32, #tpu.memory_space<vmem>>, %arg2: memref<2x1024x8xf32, #tpu.memory_space<vmem>>, %arg3: memref<128x128xf32, #tpu.memory_space<vmem>>, %arg4: memref<1024x128xf32, #tpu.memory_space<vmem>>) attributes {dimension_semantics = [#tpu.dimension_semantics<arbitrary>], iteration_bounds = array<i64: 10>, scalar_prefetch = 0 : i64, scratch_operands = 0 : i64, tpu.core_type = #tpu.core_type<tc>, window_params = [{transform_indices = @transform_0, window_bounds = array<i64: 1024, 128>}, {transform_indices = @transform_1, window_bounds = array<i64: 2, 1024, 8>}, {pipeline_mode = #tpu.pipeline_mode<synchronous>, transform_indices = @transform_2, window_bounds = array<i64: 128, 128>}, {transform_indices = @transform_3, window_bounds = array<i64: 1024, 128>}]} {
    %get3A = arith.constant 0 : index
    %get3A_0 = arith.constant 0 : index
    %get3A_1 = arith.constant 0 : index
    %get3A_2 = vector.load %arg2[%get3A, %get3A_0, %get3A_1] : memref<2x1024x8xf32, #tpu.memory_space<vmem>>, vector<2x1024x8xf32>
    %slice3A = vector.extract_strided_slice %get3A_2 {offsets = [0, 0, 0], sizes = [1, 1024, 1], strides = [1, 1, 1]} : vector<2x1024x8xf32> to vector<1x1024x1xf32>
    %squeeze3A = vector.shape_cast %slice3A : vector<1x1024x1xf32> to vector<1024x1xf32>
    %slice3A_3 = vector.extract_strided_slice %get3A_2 {offsets = [1, 0, 0], sizes = [1, 1024, 1], strides = [1, 1, 1]} : vector<2x1024x8xf32> to vector<1x1024x1xf32>
    %squeeze3A_4 = vector.shape_cast %slice3A_3 : vector<1x1024x1xf32> to vector<1024x1xf32>
    %add3A = arith.addf %squeeze3A, %squeeze3A_4 : vector<1024x1xf32>
    %add3A_5 = arith.constant 1.000000e+00 : f32
    %add3A_6 = vector.broadcast %add3A_5 : f32 to vector<1024x1xf32>
    %add3A_7 = arith.addf %add3A, %add3A_6 : vector<1024x1xf32>
    %rsqrt3A = math.rsqrt %add3A_7 : vector<1024x1xf32>
    %get3A_8 = arith.constant 0 : index
    %get3A_9 = arith.constant 0 : index
    %get3A_10 = vector.load %arg1[%get3A_8, %get3A_9] : memref<1024x128xf32, #tpu.memory_space<vmem>>, vector<1024x128xf32>
    %get3A_11 = arith.constant 0 : index
    %get3A_12 = arith.constant 0 : index
    %get3A_13 = vector.load %arg3[%get3A_11, %get3A_12] : memref<128x128xf32, #tpu.memory_space<vmem>>, vector<128x128xf32>
    %dot_general3A = arith.constant dense<0.000000e+00> : vector<1024x128xf32>
    %dot_general3A_14 = tpu.matmul %get3A_10, %get3A_13, %dot_general3A {dimension_numbers = #tpu.dot_dimension_numbers<[1], [0], [0], [1], [0, 0, 1, 1], [], []>, transpose_lhs_hint = false} : vector<1024x128xf32>, vector<128x128xf32>, vector<1024x128xf32> -> vector<1024x128xf32>
    %mul3A = vector.broadcast %rsqrt3A : vector<1024x1xf32> to vector<1024x128xf32>
    %mul3A_15 = arith.mulf %dot_general3A_14, %mul3A : vector<1024x128xf32>
    %swap3A = arith.constant 0 : index
    %swap3A_16 = arith.constant 0 : index
    %swap3A_17 = vector.load %arg4[%swap3A, %swap3A_16] : memref<1024x128xf32, #tpu.memory_space<vmem>>, vector<1024x128xf32>
    tpu.vector_store %arg4[%swap3A, %swap3A_16], %mul3A_15 {strides = array<i32>} : memref<1024x128xf32, #tpu.memory_space<vmem>>, vector<1024x128xf32>,
    return
  }
  func.func @transform_0(%arg0: i32) -> (i32, i32) {
    %c0_i32 = arith.constant 0 : i32
    %c0_i32_0 = arith.constant 0 : i32
    return %arg0, %c0_i32 : i32, i32
  }
  func.func @transform_1(%arg0: i32) -> (i32, i32, i32) {
    %c0_i32 = arith.constant 0 : i32
    %c0_i32_0 = arith.constant 0 : i32
    %c0_i32_1 = arith.constant 0 : i32
    return %c0_i32, %arg0, %c0_i32_0 : i32, i32, i32
  }
  func.func @transform_2(%arg0: i32) -> (i32, i32) {
    %c0_i32 = arith.constant 0 : i32
    %c0_i32_0 = arith.constant 0 : i32
    %c0_i32_1 = arith.constant 0 : i32
    return %c0_i32, %c0_i32_0 : i32, i32
  }
  func.func @transform_3(%arg0: i32) -> (i32, i32) {
    %c0_i32 = arith.constant 0 : i32
    %c0_i32_0 = arith.constant 0 : i32
    return %arg0, %c0_i32 : i32, i32
  }
}

module attributes {stable_mosaic.version = 14 : i64} {
  func.func @_tc2_body(%arg0: i32, %arg1: memref<2x1024x128xf32, #tpu.memory_space<vmem>>, %arg2: memref<1024x128xf32, #tpu.memory_space<vmem>>, %arg3: memref<2x1024x8xf32, #tpu.memory_space<vmem>>, %arg4: memref<1x128xf32, #tpu.memory_space<vmem>>, %arg5: memref<128x64xf32, #tpu.memory_space<vmem>>, %arg6: memref<1024x64xf32, #tpu.memory_space<vmem>>) attributes {dimension_semantics = [#tpu.dimension_semantics<arbitrary>], iteration_bounds = array<i64: 10>, scalar_prefetch = 0 : i64, scratch_operands = 0 : i64, tpu.core_type = #tpu.core_type<tc>, window_params = [{transform_indices = @transform_0, window_bounds = array<i64: 2, 1024, 128>}, {transform_indices = @transform_1, window_bounds = array<i64: 1024, 128>}, {transform_indices = @transform_2, window_bounds = array<i64: 2, 1024, 8>}, {pipeline_mode = #tpu.pipeline_mode<synchronous>, transform_indices = @transform_3, window_bounds = array<i64: 1, 128>}, {pipeline_mode = #tpu.pipeline_mode<synchronous>, transform_indices = @transform_4, window_bounds = array<i64: 128, 64>}, {transform_indices = @transform_5, window_bounds = array<i64: 1024, 64>}]} {
    %get3A = arith.constant 0 : index
    %get3A_0 = arith.constant 0 : index
    %get3A_1 = arith.constant 0 : index
    %get3A_2 = vector.load %arg3[%get3A, %get3A_0, %get3A_1] : memref<2x1024x8xf32, #tpu.memory_space<vmem>>, vector<2x1024x8xf32>
    %slice3A = vector.extract_strided_slice %get3A_2 {offsets = [0, 0, 0], sizes = [1, 1024, 1], strides = [1, 1, 1]} : vector<2x1024x8xf32> to vector<1x1024x1xf32>
    %squeeze3A = vector.shape_cast %slice3A : vector<1x1024x1xf32> to vector<1024x1xf32>
    %slice3A_3 = vector.extract_strided_slice %get3A_2 {offsets = [1, 0, 0], sizes = [1, 1024, 1], strides = [1, 1, 1]} : vector<2x1024x8xf32> to vector<1x1024x1xf32>
    %squeeze3A_4 = vector.shape_cast %slice3A_3 : vector<1x1024x1xf32> to vector<1024x1xf32>
    %add3A = arith.addf %squeeze3A, %squeeze3A_4 : vector<1024x1xf32>
    %add3A_5 = arith.constant 1.000000e+00 : f32
    %add3A_6 = vector.broadcast %add3A_5 : f32 to vector<1024x1xf32>
    %add3A_7 = arith.addf %add3A, %add3A_6 : vector<1024x1xf32>
    %rsqrt3A = math.rsqrt %add3A_7 : vector<1024x1xf32>
    %get3A_8 = arith.constant 0 : index
    %get3A_9 = arith.constant 0 : index
    %get3A_10 = arith.constant 0 : index
    %get3A_11 = vector.load %arg1[%get3A_8, %get3A_9, %get3A_10] : memref<2x1024x128xf32, #tpu.memory_space<vmem>>, vector<1x1024x128xf32>
    %get3A_12 = vector.shape_cast %get3A_11 : vector<1x1024x128xf32> to vector<1024x128xf32>
    %get3A_13 = arith.constant 1 : index
    %get3A_14 = arith.constant 0 : index
    %get3A_15 = arith.constant 0 : index
    %get3A_16 = vector.load %arg1[%get3A_13, %get3A_14, %get3A_15] : memref<2x1024x128xf32, #tpu.memory_space<vmem>>, vector<1x1024x128xf32>
    %get3A_17 = vector.shape_cast %get3A_16 : vector<1x1024x128xf32> to vector<1024x128xf32>
    %add3A_18 = arith.addf %get3A_12, %get3A_17 : vector<1024x128xf32>
    %get3A_19 = arith.constant 0 : index
    %get3A_20 = arith.constant 0 : index
    %get3A_21 = vector.load %arg2[%get3A_19, %get3A_20] : memref<1024x128xf32, #tpu.memory_space<vmem>>, vector<1024x128xf32>
    %add3A_22 = arith.addf %add3A_18, %get3A_21 : vector<1024x128xf32>
    %mul3A = vector.broadcast %rsqrt3A : vector<1024x1xf32> to vector<1024x128xf32>
    %mul3A_23 = arith.mulf %add3A_22, %mul3A : vector<1024x128xf32>
    %get3A_24 = arith.constant 0 : index
    %get3A_25 = arith.constant 0 : index
    %get3A_26 = vector.load %arg4[%get3A_24, %get3A_25] : memref<1x128xf32, #tpu.memory_space<vmem>>, vector<1x128xf32>
    %add3A_27 = vector.broadcast %get3A_26 : vector<1x128xf32> to vector<1024x128xf32>
    %add3A_28 = arith.addf %mul3A_23, %add3A_27 : vector<1024x128xf32>
    %max3A = arith.constant 0.000000e+00 : f32
    %max3A_29 = vector.broadcast %max3A : f32 to vector<1024x128xf32>
    %max3A_30 = arith.maximumf %add3A_28, %max3A_29 : vector<1024x128xf32>
    %get3A_31 = arith.constant 0 : index
    %get3A_32 = arith.constant 0 : index
    %get3A_33 = vector.load %arg5[%get3A_31, %get3A_32] : memref<128x64xf32, #tpu.memory_space<vmem>>, vector<128x64xf32>
    %dot_general3A = arith.constant dense<0.000000e+00> : vector<1024x64xf32>
    %dot_general3A_34 = tpu.matmul %max3A_30, %get3A_33, %dot_general3A {dimension_numbers = #tpu.dot_dimension_numbers<[1], [0], [0], [1], [0, 0, 1, 1], [], []>, transpose_lhs_hint = false} : vector<1024x128xf32>, vector<128x64xf32>, vector<1024x64xf32> -> vector<1024x64xf32>
    %mul3A_35 = vector.broadcast %rsqrt3A : vector<1024x1xf32> to vector<1024x64xf32>
    %mul3A_36 = arith.mulf %dot_general3A_34, %mul3A_35 : vector<1024x64xf32>
    %swap3A = arith.constant 0 : index
    %swap3A_37 = arith.constant 0 : index
    %swap3A_38 = vector.load %arg6[%swap3A, %swap3A_37] : memref<1024x64xf32, #tpu.memory_space<vmem>>, vector<1024x64xf32>
    tpu.vector_store %arg6[%swap3A, %swap3A_37], %mul3A_36 {strides = array<i32>} : memref<1024x64xf32, #tpu.memory_space<vmem>>, vector<1024x64xf32>,
    return
  }
  func.func @transform_0(%arg0: i32) -> (i32, i32, i32) {
    %c0_i32 = arith.constant 0 : i32
    %c0_i32_0 = arith.constant 0 : i32
    %c0_i32_1 = arith.constant 0 : i32
    return %c0_i32, %arg0, %c0_i32_0 : i32, i32, i32
  }
  func.func @transform_1(%arg0: i32) -> (i32, i32) {
    %c0_i32 = arith.constant 0 : i32
    %c0_i32_0 = arith.constant 0 : i32
    return %arg0, %c0_i32 : i32, i32
  }
  func.func @transform_2(%arg0: i32) -> (i32, i32, i32) {
    %c0_i32 = arith.constant 0 : i32
    %c0_i32_0 = arith.constant 0 : i32
    %c0_i32_1 = arith.constant 0 : i32
    return %c0_i32, %arg0, %c0_i32_0 : i32, i32, i32
  }
  func.func @transform_3(%arg0: i32) -> (i32, i32) {
    %c0_i32 = arith.constant 0 : i32
    %c0_i32_0 = arith.constant 0 : i32
    %c0_i32_1 = arith.constant 0 : i32
    return %c0_i32, %c0_i32_0 : i32, i32
  }
  func.func @transform_4(%arg0: i32) -> (i32, i32) {
    %c0_i32 = arith.constant 0 : i32
    %c0_i32_0 = arith.constant 0 : i32
    %c0_i32_1 = arith.constant 0 : i32
    return %c0_i32, %c0_i32_0 : i32, i32
  }
  func.func @transform_5(%arg0: i32) -> (i32, i32) {
    %c0_i32 = arith.constant 0 : i32
    %c0_i32_0 = arith.constant 0 : i32
    return %arg0, %c0_i32 : i32, i32
  }
}

module attributes {stable_mosaic.version = 14 : i64} {
  func.func @_tc3_body(%arg0: i32, %arg1: memref<2x1024x64xf32, #tpu.memory_space<vmem>>, %arg2: memref<1024x64xf32, #tpu.memory_space<vmem>>, %arg3: memref<2x1024x8xf32, #tpu.memory_space<vmem>>, %arg4: memref<1x64xf32, #tpu.memory_space<vmem>>, %arg5: memref<1024x64xf32, #tpu.memory_space<vmem>>) attributes {dimension_semantics = [#tpu.dimension_semantics<arbitrary>], iteration_bounds = array<i64: 10>, scalar_prefetch = 0 : i64, scratch_operands = 0 : i64, tpu.core_type = #tpu.core_type<tc>, window_params = [{transform_indices = @transform_0, window_bounds = array<i64: 2, 1024, 64>}, {transform_indices = @transform_1, window_bounds = array<i64: 1024, 64>}, {transform_indices = @transform_2, window_bounds = array<i64: 2, 1024, 8>}, {pipeline_mode = #tpu.pipeline_mode<synchronous>, transform_indices = @transform_3, window_bounds = array<i64: 1, 64>}, {transform_indices = @transform_4, window_bounds = array<i64: 1024, 64>}]} {
    %get3A = arith.constant 0 : index
    %get3A_0 = arith.constant 0 : index
    %get3A_1 = arith.constant 0 : index
    %get3A_2 = vector.load %arg3[%get3A, %get3A_0, %get3A_1] : memref<2x1024x8xf32, #tpu.memory_space<vmem>>, vector<2x1024x8xf32>
    %slice3A = vector.extract_strided_slice %get3A_2 {offsets = [0, 0, 0], sizes = [1, 1024, 1], strides = [1, 1, 1]} : vector<2x1024x8xf32> to vector<1x1024x1xf32>
    %squeeze3A = vector.shape_cast %slice3A : vector<1x1024x1xf32> to vector<1024x1xf32>
    %slice3A_3 = vector.extract_strided_slice %get3A_2 {offsets = [1, 0, 0], sizes = [1, 1024, 1], strides = [1, 1, 1]} : vector<2x1024x8xf32> to vector<1x1024x1xf32>
    %squeeze3A_4 = vector.shape_cast %slice3A_3 : vector<1x1024x1xf32> to vector<1024x1xf32>
    %add3A = arith.addf %squeeze3A, %squeeze3A_4 : vector<1024x1xf32>
    %add3A_5 = arith.constant 1.000000e+00 : f32
    %add3A_6 = vector.broadcast %add3A_5 : f32 to vector<1024x1xf32>
    %add3A_7 = arith.addf %add3A, %add3A_6 : vector<1024x1xf32>
    %rsqrt3A = math.rsqrt %add3A_7 : vector<1024x1xf32>
    %get3A_8 = arith.constant 0 : index
    %get3A_9 = arith.constant 0 : index
    %get3A_10 = arith.constant 0 : index
    %get3A_11 = vector.load %arg1[%get3A_8, %get3A_9, %get3A_10] : memref<2x1024x64xf32, #tpu.memory_space<vmem>>, vector<1x1024x64xf32>
    %get3A_12 = vector.shape_cast %get3A_11 : vector<1x1024x64xf32> to vector<1024x64xf32>
    %get3A_13 = arith.constant 1 : index
    %get3A_14 = arith.constant 0 : index
    %get3A_15 = arith.constant 0 : index
    %get3A_16 = vector.load %arg1[%get3A_13, %get3A_14, %get3A_15] : memref<2x1024x64xf32, #tpu.memory_space<vmem>>, vector<1x1024x64xf32>
    %get3A_17 = vector.shape_cast %get3A_16 : vector<1x1024x64xf32> to vector<1024x64xf32>
    %add3A_18 = arith.addf %get3A_12, %get3A_17 : vector<1024x64xf32>
    %get3A_19 = arith.constant 0 : index
    %get3A_20 = arith.constant 0 : index
    %get3A_21 = vector.load %arg2[%get3A_19, %get3A_20] : memref<1024x64xf32, #tpu.memory_space<vmem>>, vector<1024x64xf32>
    %add3A_22 = arith.addf %add3A_18, %get3A_21 : vector<1024x64xf32>
    %mul3A = vector.broadcast %rsqrt3A : vector<1024x1xf32> to vector<1024x64xf32>
    %mul3A_23 = arith.mulf %add3A_22, %mul3A : vector<1024x64xf32>
    %get3A_24 = arith.constant 0 : index
    %get3A_25 = arith.constant 0 : index
    %get3A_26 = vector.load %arg4[%get3A_24, %get3A_25] : memref<1x64xf32, #tpu.memory_space<vmem>>, vector<1x64xf32>
    %add3A_27 = vector.broadcast %get3A_26 : vector<1x64xf32> to vector<1024x64xf32>
    %add3A_28 = arith.addf %mul3A_23, %add3A_27 : vector<1024x64xf32>
    %reduce_max3A = arith.constant dense<0xFF800000> : vector<1024xf32>
    %reduce_max3A_29 = vector.multi_reduction <maximumf>, %add3A_28, %reduce_max3A [1] : vector<1024x64xf32> to vector<1024xf32>
    %broadcast_in_dim3A = vector.shape_cast %reduce_max3A_29 : vector<1024xf32> to vector<1024x1xf32>
    %sub3A = vector.broadcast %broadcast_in_dim3A : vector<1024x1xf32> to vector<1024x64xf32>
    %sub3A_30 = arith.subf %add3A_28, %sub3A : vector<1024x64xf32>
    %exp3A = math.exp %sub3A_30 : vector<1024x64xf32>
    %reduce_sum3A = arith.constant dense<0.000000e+00> : vector<1024xf32>
    %reduce_sum3A_31 = vector.multi_reduction <add>, %exp3A, %reduce_sum3A [1] : vector<1024x64xf32> to vector<1024xf32>
    %broadcast_in_dim3A_32 = vector.shape_cast %reduce_sum3A_31 : vector<1024xf32> to vector<1024x1xf32>
    %log3A = math.log %broadcast_in_dim3A_32 : vector<1024x1xf32>
    %sub3A_33 = vector.broadcast %log3A : vector<1024x1xf32> to vector<1024x64xf32>
    %sub3A_34 = arith.subf %sub3A_30, %sub3A_33 : vector<1024x64xf32>
    %swap3A = arith.constant 0 : index
    %swap3A_35 = arith.constant 0 : index
    %swap3A_36 = vector.load %arg5[%swap3A, %swap3A_35] : memref<1024x64xf32, #tpu.memory_space<vmem>>, vector<1024x64xf32>
    tpu.vector_store %arg5[%swap3A, %swap3A_35], %sub3A_34 {strides = array<i32>} : memref<1024x64xf32, #tpu.memory_space<vmem>>, vector<1024x64xf32>,
    return
  }
  func.func @transform_0(%arg0: i32) -> (i32, i32, i32) {
    %c0_i32 = arith.constant 0 : i32
    %c0_i32_0 = arith.constant 0 : i32
    %c0_i32_1 = arith.constant 0 : i32
    return %c0_i32, %arg0, %c0_i32_0 : i32, i32, i32
  }
  func.func @transform_1(%arg0: i32) -> (i32, i32) {
    %c0_i32 = arith.constant 0 : i32
    %c0_i32_0 = arith.constant 0 : i32
    return %arg0, %c0_i32 : i32, i32
  }
  func.func @transform_2(%arg0: i32) -> (i32, i32, i32) {
    %c0_i32 = arith.constant 0 : i32
    %c0_i32_0 = arith.constant 0 : i32
    %c0_i32_1 = arith.constant 0 : i32
    return %c0_i32, %arg0, %c0_i32_0 : i32, i32, i32
  }
  func.func @transform_3(%arg0: i32) -> (i32, i32) {
    %c0_i32 = arith.constant 0 : i32
    %c0_i32_0 = arith.constant 0 : i32
    %c0_i32_1 = arith.constant 0 : i32
    return %c0_i32, %c0_i32_0 : i32, i32
  }
  func.func @transform_4(%arg0: i32) -> (i32, i32) {
    %c0_i32 = arith.constant 0 : i32
    %c0_i32_0 = arith.constant 0 : i32
    return %arg0, %c0_i32 : i32, i32
  }
}

</mosaic_0001>

<sc_bundles>
// kernel: kernel.11.cloned.1.call-start
scs
__scs_entry_jumppad:
0x0: {  	(pc) =	sbr.rel $0x88, $3  }
0x1: {  	(tag) =	ssettag $0x0;
	lr =	simm.s32 $0x1  }
0x2: {  	[smem:$0x3F9B] =	sst lr;
	_ =	strace $0xD0000000  }
0x3: {  	_ = 	snop  }
0x4: {  	_ = 	snop  }
0x5: {  	_ = 	snop  }
0x6: {  	_ = 	snop  }
0x7: {  	_ = 	snop  }
__scs_overlays_trampoline_lowered:
0x8: {  	[smem:$0x3FAA] =	sst s0  }
0x9: {  	[smem:$0x3FAB] =	sst s1  }
0xa: {  	[smem:$0x3FAC] =	sst s2  }
0xb: {  	[smem:$0x3FAD] =	sst s3  }
0xc: {  	[smem:$0x3FAE] =	sst s4  }
0xd: {  	[smem:$0x3FAF] =	sst s5  }
0xe: {  	[smem:$0x3FB0] =	sst s6  }
0xf: {  	[smem:$0x3FB1] =	sst s7  }
0x10: {  	[smem:$0x3FB2] =	sst s8  }
0x11: {  	[smem:$0x3FB3] =	sst s9;
	s0 =	simm.s32 @!p0 $0x0  }
0x12: {  	s1 =	sld [smem:$0x3F99];
	s0 =	simm.s32 @p0 $0x1  }
0x13: {  	[smem:$0x3FB4] =	sst s0;
	s0 =	simm.s32 @!p1 $0x0  }
0x14: {  	s2 =	sld [smem:$0x3F98];
	s0 =	simm.s32 @p1 $0x1  }
0x15: {  	[smem:$0x3FB5] =	sst s0;
	s0 =	simm.s32 @!p2 $0x0  }
0x16: {  	s3 =	sld [smem:$0x3FDB];
	s0 =	simm.s32 @p2 $0x1  }
0x17: {  	s4 =	simm.s32 $0x1BF5;
	[smem:$0x3FB7] =	sst s0  }
0x18: {  	s0 =	sld [smem:$0x3F9A];
	_ =	swait.ge [sflag:s4], $0x0  }
0x19: {  	s7 =	sld [smem:$0x3F9B]  }
0x1a: {  	s8 =	sadd.s32 $0xFFFFE003, lr  }
0x1b: {  	s9 =	sadd.s32 $0xFFFFFEF7, lr;
	s5 =	simm.s32 $0xFFFFFFFF;
	p2 =	slt.u32 s8, $0xFFFFF086  }
0x1c: {  	p1 =	slt.u32 s9, $0xF7A;
	s5 =	simm.s32 @!p2 $0x0  }
0x1d: {  	s5 =	simm.s32 @p1 $0x1;
	p0 =	seq.s32 s7, s2  }
0x1e: {  	s7 =	smul.u32 @!p0 $0xF7A, s2;
	p2 =	seq.s32 @!p0 s5, $0x0  }
0x1f: {  	s9 =	smul.u32 $0xF7A, s1;
	s8 =	simm.s32 @!p0 $0x1BF5;
	p2 =	por !p2, p0  }
0x20: {  	[sflag:s8] =	ssyncset.s32 @!p0 $0xFFFFF086;
	s6 =	sadd.s32 @!p0 s3, s7;
	s7 =	simm.s32 @!p0 $0x108  }
0x21: {  	s3 =	sadd.s32 s3, s9;
	s6 =	sadd.s32 @!p0 $0x88, s6;
	s7 =	simm.s32 @p2 $0x1082  }
0x22: {  	[simem:s7], [sflag:s8] =	dma.local @!p0 [hbm:s6], $0xF7A  }
0x23: {  	s9 =	sor.u32 $0xD0000000, s2;
	s6 =	simm.s32 $0x108;
	_ =	swait.ge @!p0 [sflag:s8], $0x0  }
0x24: {  	s3 =	sadd.s32 $0x88, s3;
	s6 =	simm.s32 @!p1 $0x1082;
	[sflag:s4] =	ssyncset.s32 $0xFFFFF086  }
0x25: {  	[simem:s6], [sflag:s4] =	dma.local [hbm:s3], $0xF7A  }
0x26: {  	[smem:$0x3F9B] =	sst s1;
	(tag) =	ssettag s2;
	_ =	strace s9  }
0x27: {  	s1 =	sld [smem:$0x3FAB]  }
0x28: {  	s2 =	sld [smem:$0x3FAC]  }
0x29: {  	s4 =	sld [smem:$0x3FAE]  }
0x2a: {  	p0 =	seq.s32 s5, $0x0;
	s5 =	sld [smem:$0x3FAF]  }
0x2b: {  	s6 =	sld [smem:$0x3FB0]  }
0x2c: {  	s7 =	sld [smem:$0x3FB1]  }
0x2d: {  	s3 =	simm.s32 $0x108;
	s8 =	sld [smem:$0x3FB2]  }
0x2e: {  	s3 =	simm.s32 @!p0 $0x1082;
	s9 =	sld [smem:$0x3FB3]  }
0x2f: {  	lr =	sadd.s32 s0, s3;
	s0 =	sld [smem:$0x3FAA]  }
0x30: {  	s3 =	sld [smem:$0x3FAD]  }
0x31: {  	[smem:$0x3FB6] =	sst s10  }
0x32: {  	s10 =	sld [smem:$0x3FB4];
	_ =	sdelay $0x3  }
0x33: {  	p0 =	seq.s32 s10, $0x1;
	s10 =	sld [smem:$0x3FB6];
	_ =	sdelay $0x3  }
0x34: {  	[smem:$0x3FB6] =	sst s10  }
0x35: {  	s10 =	sld [smem:$0x3FB5];
	_ =	sdelay $0x3  }
0x36: {  	p1 =	seq.s32 s10, $0x1;
	s10 =	sld [smem:$0x3FB6];
	_ =	sdelay $0x3  }
0x37: {  	[smem:$0x3FB6] =	sst s10  }
0x38: {  	s10 =	sld [smem:$0x3FB7]  }
0x39: {  	_ = 	snop;
	(pc) =	sbr.ind lr, $3  }
0x3a: {  	_ = 	snop  }
0x3b: {  	_ = 	snop  }
0x3c: {  	p2 =	seq.s32 s10, $0x1;
	s10 =	sld [smem:$0x3FB6]  }
0x3d: {  	_ =	shalt  }
0x3e: {  	_ =	shalt  }
0x3f: {  	_ =	shalt  }
0x40: {  	_ =	shalt  }
0x41: {  	_ =	shalt  }
0x42: {  	_ =	shalt  }
0x43: {  	_ =	shalt  }
0x44: {  	_ =	shalt  }
0x45: {  	_ =	shalt  }
0x46: {  	_ =	shalt  }
0x47: {  	_ =	shalt  }
0x48: {  	_ =	shalt  }
0x49: {  	_ =	shalt  }
0x4a: {  	_ =	shalt  }
0x4b: {  	_ =	shalt  }
0x4c: {  	_ =	shalt  }
0x4d: {  	_ =	shalt  }
0x4e: {  	_ =	shalt  }
0x4f: {  	_ =	shalt  }
0x50: {  	_ =	shalt  }
0x51: {  	_ =	shalt  }
0x52: {  	_ =	shalt  }
0x53: {  	_ =	shalt  }
0x54: {  	_ =	shalt  }
0x55: {  	_ =	shalt  }
0x56: {  	_ =	shalt  }
0x57: {  	_ =	shalt  }
0x58: {  	_ =	shalt  }
0x59: {  	_ =	shalt  }
0x5a: {  	_ =	shalt  }
0x5b: {  	_ =	shalt  }
0x5c: {  	_ =	shalt  }
0x5d: {  	_ =	shalt  }
0x5e: {  	_ =	shalt  }
0x5f: {  	_ =	shalt  }
0x60: {  	_ =	shalt  }
0x61: {  	_ =	shalt  }
0x62: {  	_ =	shalt  }
0x63: {  	_ =	shalt  }
0x64: {  	_ =	shalt  }
0x65: {  	_ =	shalt  }
0x66: {  	_ =	shalt  }
0x67: {  	_ =	shalt  }
0x68: {  	_ =	shalt  }
0x69: {  	_ =	shalt  }
0x6a: {  	_ =	shalt  }
0x6b: {  	_ =	shalt  }
0x6c: {  	_ =	shalt  }
0x6d: {  	_ =	shalt  }
0x6e: {  	_ =	shalt  }
0x6f: {  	_ =	shalt  }
0x70: {  	_ =	shalt  }
0x71: {  	_ =	shalt  }
0x72: {  	_ =	shalt  }
0x73: {  	_ =	shalt  }
0x74: {  	_ =	shalt  }
0x75: {  	_ =	shalt  }
0x76: {  	_ =	shalt  }
0x77: {  	_ =	shalt  }
0x78: {  	_ =	shalt  }
0x79: {  	_ =	shalt  }
0x7a: {  	_ =	shalt  }
0x7b: {  	_ =	shalt  }
0x7c: {  	_ =	shalt  }
0x7d: {  	_ =	shalt  }
0x7e: {  	_ =	shalt  }
0x7f: {  	_ =	shalt  }
0x80: {  	_ =	shalt  }
0x81: {  	_ =	shalt  }
0x82: {  	_ =	shalt  }
0x83: {  	_ =	shalt  }
0x84: {  	_ =	shalt  }
0x85: {  	_ =	shalt  }
0x86: {  	_ =	shalt  }
0x87: {  	_ =	shalt  }
.Lfunc_end0:
.L_simem_size_0:
called_computation.1_lowered:
.L_overlay_start_0:
0x88: {  	s2 =	sld [smem:$0x3FD9]  }
0x89: {  	s3 =	sld [smem:$0x3FFE];
	_ =	sdelay $0x1  }
0x8a: {  	s1 =	srdreg.scid  }
0x8b: {  	s0 =	sand.u32 $0x1, s1  }
0x8c: {  	s17 =	sshll.u32 s0, $0xA;
	s2 =	sadd.s32 s3, s2  }
0x8d: {  	s2 =	sadd.s32 s2, s17  }
0x8e: {  	[smem:$0x3FC2] =	sst s2  }
0x8f: {  	_ = 	snop  }
0x90: {  	s2 =	sld [smem:$0x3FD0];
	(tm) =	ssettm $0x1  }
0x91: {  	s18 =	sld [smem:$0x3FFB];
	_ =	sdelay $0x3  }
0x92: {  	_ =	strace s18  }
0x93: {  	s3 =	sld [smem:$0x3FFC];
	_ =	sdelay $0x3  }
0x94: {  	_ =	strace s3  }
0x95: {  	s3 =	sld [smem:$0x3FFD];
	_ =	sdelay $0x3  }
0x96: {  	_ =	strace s3  }
0x97: {  	_ =	strace $0x8FFFFFFF  }
0x98: {  	s19 =	sld [smem:$0x3FDB];
	_ =	sdelay $0x1  }
0x99: {  	s4 =	simm.s32 $_scs_section_size  }
0x9a: {  	s5 =	simm.s32 $_size__tile_overlayer_lowered;
	s6 =	simm.s32 $_tile_overlayer_lowered  }
0x9b: {  	s22 =	simm.s32 $0x1BFF;
	s21 =	sshll.u32 s6, $0x1;
	s3 =	sadd.s32 s4, s19  }
0x9c: {  	s7 =	simm.s32 $0x0;
	s20 =	sshll.u32 s5, $0x1;
	s5 =	sadd.s32 s21, s3  }
0x9d: {  	[timem:s7], [sflag:s22] =	dma.local [hbm:s5], s20  }
0x9e: {  	_ =	swait.ge [sflag:s22], s20  }
0x9f: {  	s4 =	ssub.s32 $0x0, s20;
	[sflag:s22] =	ssyncset.done $0x0  }
0xa0: {  	[sflag:s22] =	ssyncadd.s32 s4;
	_ =	sdelay $0x1  }
0xa1: {  	s23 =	simm.s32 $0x1B8B  }
0xa2: {  	_ =	swait.ge [sflag:s23], $0x1  }
0xa3: {  	[sflag:s23] =	ssyncset.done $0x0  }
0xa4: {  	s25 =	simm.s32 $0x1B8E;
	s24 =	sld [smem:$0x3FFE];
	[sflag:s23] =	ssyncadd.s32 $0xFFFFFFFF  }
0xa5: {  	s26 =	simm.s32 $execute0_lowered;
	[smem:$0x3FD2] =	sst s25  }
0xa6: {  	s5 =	sshll.u32 s26, $0x1;
	_ =	strace $0x80000049;
	[dreg:$0x1] =	wrdreg $0xFFFFFFFF  }
0xa7: {  	s28 =	simm.s32 $_size_execute0_lowered;
	s3 =	sadd.s32 s3, s5;
	[dreg:$0x0] =	wrdreg $0x0  }
0xa8: {  	s5 =	sshll.u32 s28, $0x1;
	[dreg:$0x2] =	wrdreg s3  }
0xa9: {  	[dreg:$0x3] =	wrdreg s5  }
0xaa: {  	[dreg:$0x4] =	wrdreg $0xC0  }
0xab: {  	_ =	task [dreg:s7], $0x5FFFF  }
0xac: {  	[dreg:$0x1] =	wrdreg $0xFFFFFFFF  }
0xad: {  	[dreg:$0x0] =	wrdreg $0x60  }
0xae: {  	[dreg:$0x2] =	wrdreg s24  }
0xaf: {  	[dreg:$0x3] =	wrdreg s2  }
0xb0: {  	[dreg:$0x4] =	wrdreg $0xA8000  }
0xb1: {  	[dreg:$0x5] =	wrdreg $0x9  }
0xb2: {  	_ =	task.clear_ibuf [dreg:s7], $0x6FFFF;
	_ =	strace $0x90000049  }
0xb3: {  	s29 =	simm.s32 $0x9;
	_ =	strace $0x8000004B  }
0xb4: {  	_ =	swait.ge [sflag:s29], $0x1  }
0xb5: {  	[sflag:s29] =	ssyncadd.s32 $0xFFFFFFFF  }
0xb6: {  	_ =	strace $0x9000004B  }
0xb7: {  	_ =	sfence  }
0xb8: {  	s30 =	sld [smem:$0x0];
	_ =	sdelay $0x2  }
0xb9: {  	s31 =	sshll.u32 s1, $0xD;
	s1 =	sshrl.u32 s1, $0x2  }
0xba: {  	s3 =	sand.u32 $0x4000, s31;
	s1 =	sadd.s32 s1, s30  }
0xbb: {  	s0 =	sor.u32 s3, s0;
	s1 =	sshll.u32 s1, $0x11  }
0xbc: {  	s0 =	sor.u32 s1, s0  }
0xbd: {  	s0 =	sadd.s32 $0x8F2B, s0  }
0xbe: {  	[sflag:s0] =	ssyncadd.remote.s32 $0x1  }
0xbf: {  	_ =	sfence.sel $0xFFFF  }
0xc0: {  	[dreg:$0x0] =	wrdreg $0xFFFFFFFF;
	(pc) =	sbr.abs _section_cstart, $3  }
0xc1: {  	[dreg:$0x1] =	wrdreg $0xFFFFFFFF  }
0xc2: {  	_ =	task.clear_ibuf [dreg:s7], $0x2FFFF;
	_ =	strace $0x9FFFFFFF  }
0xc3: {  	(tm) =	ssettm $0x7FFFFFFF  }
tec
execute0_lowered:
.L_overlay_start_1:
0x0: {  	(tag) =	ssettag $0x1  }
0x1: {  	s0 =	rddreg [dreg:$0x0];
	s1 =	srdreg.scid  }
0x2: {  	s3 =	rddreg [dreg:$0x2];
	s26 =	stileid.u32;
	s4 =	simm.s32 $0x0  }
0x3: {  	s28 =	simm.s32 $0x2700;
	s29 =	simm.s32 $0x2780;
	s30 =	simm.s32 $0x0  }
0x4: {  	s6 =	sand.u32 $0x1, s1;
	[smem:$0x7FF] =	sst s4;
	s12 =	smul.u32 $0x14000, s26  }
0x5: {  	s5 =	sshll.u32 s6, $0x4;
	s7 =	smul.u32 $0x28000, s6;
	s6 =	ssub.s32 $0x2, s6  }
0x6: {  	_ =	strace $0x8000004A;
	s5 =	sor.u32 s26, s5;
	s31 =	sshrl.u32 s6, $0x1  }
0x7: {  	s16 =	sadd.s32 $0x4000, s12;
	s17 =	sadd.s32 $0x8000, s12;
	s18 =	sadd.s32 $0xC000, s12  }
0x8: {  	s19 =	sadd.s32 $0x10000, s12;
	s20 =	sshrl.u32 s12, $0x3;
	s26 =	simm.s32 $0x1380  }
0x9: {  	s15 =	smul.u32 $0x500, s5;
	s5 =	sadd.s32 $0x66C00, s0;
	s13 =	sadd.s32 s7, s0  }
0xa: {  	s14 =	ssub.s32 s6, s31;
	s6 =	sadd.s32 s12, s3;
	s7 =	sadd.s32 s16, s3  }
0xb: {  	s8 =	sadd.s32 s17, s3;
	s9 =	sadd.s32 s18, s3;
	s10 =	sadd.s32 s19, s3  }
0xc: {  	s21 =	sshrl.u32 s16, $0x3;
	s22 =	sshrl.u32 s17, $0x3;
	s23 =	sshrl.u32 s18, $0x3  }
0xd: {  	s25 =	sshrl.u32 s19, $0x3;
	s17 =	simm.s32 $0x80;
	s18 =	simm.s32 $0x6800  }
0xe: {  	s19 =	simm.s32 $0x1;
	s24 =	sadd.s32 $0x8EC00, s13;
	s12 =	smax.u32 s14, $0x1  }
0xf: {  	s13 =	simm.s32 $0x2800;
	s14 =	simm.s32 $0x3;
	s11 =	sadd.s32 s15, s0  }
0x10: {  	s0 =	sadd.s32 $0xCC00, s0;
	s20 =	sadd.s32 s20, s24;
	s21 =	sadd.s32 s21, s24  }
0x11: {  	s22 =	sadd.s32 s22, s24;
	s23 =	sadd.s32 s23, s24;
	s24 =	sadd.s32 s25, s24  }
0x12: {  	s25 =	simm.s32 $0x2;
	s11 =	sadd.s32 $0x2C00, s11;
	s15 =	sadd.s32 s15, s0  }
.LBB2_1:
0x13: {  	s0 =	rddreg [dreg:$0x1]  }
0x14: {  	[tilespmem:s13], [sflag:$0x3] =	stream.linear.gather [hbm4b:s0+s4], $0x4000, $0x38;
	[tilespmem:$0x1E800] =	vst v63  }
0x15: {  	_ =	swait.ge [sflag:s14], $0x4000  }
0x16: {  	[sflag:s14] =	ssyncset.done $0x0  }
0x17: {  	[sflag:s14] =	ssyncadd.s32 $0xFFFFC000  }
0x18: {  	[spmem:s6] =	stream.linear.scatter [tilespmem:s13], [sflag:$0x3], $0x4000, $0x38;
	[tilespmem:$0x1E800] =	vst v63  }
0x19: {  	_ =	swait.ge [sflag:s14], $0x4000  }
0x1a: {  	[sflag:s14] =	ssyncset.done $0x0  }
0x1b: {  	[sflag:s14] =	ssyncadd.s32 $0xFFFFC000  }
0x1c: {  	[spmem:s7] =	stream.linear.scatter [tilespmem:s13], [sflag:$0x3], $0x4000, $0x38;
	[tilespmem:$0x1E800] =	vst v63  }
0x1d: {  	_ =	swait.ge [sflag:s14], $0x4000  }
0x1e: {  	[sflag:s14] =	ssyncset.done $0x0  }
0x1f: {  	[sflag:s14] =	ssyncadd.s32 $0xFFFFC000  }
0x20: {  	[spmem:s8] =	stream.linear.scatter [tilespmem:s13], [sflag:$0x3], $0x4000, $0x38;
	[tilespmem:$0x1E800] =	vst v63  }
0x21: {  	_ =	swait.ge [sflag:s14], $0x4000  }
0x22: {  	[sflag:s14] =	ssyncset.done $0x0  }
0x23: {  	[sflag:s14] =	ssyncadd.s32 $0xFFFFC000  }
0x24: {  	[spmem:s9] =	stream.linear.scatter [tilespmem:s13], [sflag:$0x3], $0x4000, $0x38;
	[tilespmem:$0x1E800] =	vst v63  }
0x25: {  	_ =	swait.ge [sflag:s14], $0x4000  }
0x26: {  	[sflag:s14] =	ssyncset.done $0x0  }
0x27: {  	[sflag:s14] =	ssyncadd.s32 $0xFFFFC000  }
0x28: {  	[spmem:s10] =	stream.linear.scatter [tilespmem:s13], [sflag:$0x3], $0x4000, $0x38;
	[tilespmem:$0x1E800] =	vst v63  }
0x29: {  	_ =	swait.ge [sflag:s14], $0x4000  }
0x2a: {  	[sflag:s14] =	ssyncset.done $0x0  }
0x2b: {  	[sflag:s14] =	ssyncadd.s32 $0xFFFFC000  }
0x2c: {  	[bflag:$0x0] =	sbarrier.arrive $0xFFFF  }
0x2d: {  	[tilespmem:s4], [sflag:$0x3] =	stream.linear.gather [hbm4b:s11+s4], $0x1400, $0x38;
	[tilespmem:$0x1E800] =	vst v63  }
0x2e: {  	_ =	swait.ge [sflag:s14], $0x1400  }
0x2f: {  	[sflag:s14] =	ssyncset.done $0x0  }
0x30: {  	s2 =	simm.s32 $0x1400;
	[sflag:s14] =	ssyncadd.s32 $0xFFFFEC00  }
0x31: {  	[tilespmem:s2], [sflag:$0x3] =	stream.linear.gather [hbm4b:s15+s4], $0x1400, $0x38;
	[tilespmem:$0x1E800] =	vst v63  }
0x32: {  	_ =	swait.ge [sflag:s14], $0x1400  }
0x33: {  	[sflag:s14] =	ssyncset.done $0x0  }
0x34: {  	[sflag:s14] =	ssyncadd.s32 $0xFFFFEC00  }
0x35: {  	[tilespmem:s13], [sflag:$0x1] =	stream.indirect.gather [hbm4b:s5+s17], $0x80, s4, s17, $0xb8;
	[tilespmem:$0x1E800] =	vst v63  }
0x36: {  	s16 =	simm.s32 $0x80  }
0x37: {  	[tilespmem:s18], [sflag:$0x2] =	stream.indirect.gather [hbm4b:s5+s17], $0x80, s16, s17, $0xb8;
	[tilespmem:$0x1E800] =	vst v63  }
0x38: {  	_ =	swait.ge [sflag:s19], $0x4000  }
0x39: {  	[sflag:s19] =	ssyncset.done $0x0  }
0x3a: {  	s1 =	simm.s32 $0x1400;
	[sflag:s19] =	ssyncadd.s32 $0xFFFFC000  }
0x3b: {  	[spmem:s3] =	stream.indirect.scatter.add.f32 [tilespmem:s13], [sflag:$0x3], $0x80, s1, s17, $0xb8;
	[tilespmem:$0x1E800] =	vst v63  }
0x3c: {  	_ =	swait.ge [sflag:s14], $0x4000  }
0x3d: {  	[sflag:s14] =	ssyncset.done $0x0  }
0x3e: {  	s2 =	simm.s32 $0x100;
	[sflag:s14] =	ssyncadd.s32 $0xFFFFC000  }
0x3f: {  	[tilespmem:s13], [sflag:$0x1] =	stream.indirect.gather [hbm4b:s5+s17], $0x80, s2, s17, $0xb8;
	[tilespmem:$0x1E800] =	vst v63  }
0x40: {  	_ =	swait.ge [sflag:s25], $0x4000  }
0x41: {  	[sflag:s25] =	ssyncset.done $0x0  }
0x42: {  	s16 =	simm.s32 $0x1480;
	[sflag:s25] =	ssyncadd.s32 $0xFFFFC000  }
0x43: {  	[spmem:s3] =	stream.indirect.scatter.add.f32 [tilespmem:s18], [sflag:$0x3], $0x80, s16, s17, $0xb8;
	[tilespmem:$0x1E800] =	vst v63  }
0x44: {  	_ =	swait.ge [sflag:s14], $0x4000  }
0x45: {  	s31 =	simm.s32 $0x100;
	s0 =	simm.s32 $0x800;
	[sflag:s14] =	ssyncset.done $0x0  }
.LBB2_2:
0x46: {  	s1 =	sadd.s32 $0x80, s31  }
0x47: {  	[sflag:s14] =	ssyncadd.s32 $0xFFFFC000;
	s2 =	smov.u32 s0;
	s16 =	sadd.s32 $0x400, s0  }
0x48: {  	[tilespmem:s18], [sflag:$0x2] =	stream.indirect.gather [hbm4b:s5+s17], $0x80, s1, s17, $0xb8;
	[tilespmem:$0x1E800] =	vst v63  }
0x49: {  	p0 =	sne.s32 s0, $0x4800;
	_ =	swait.ge [sflag:s19], $0x4000  }
0x4a: {  	[sflag:s19] =	ssyncset.done $0x0  }
0x4b: {  	s0 =	sadd.s32 $0x1400, s31;
	[sflag:s19] =	ssyncadd.s32 $0xFFFFC000  }
0x4c: {  	[spmem:s3] =	stream.indirect.scatter.add.f32 [tilespmem:s13], [sflag:$0x3], $0x80, s0, s17, $0xb8;
	[tilespmem:$0x1E800] =	vst v63  }
0x4d: {  	_ =	swait.ge [sflag:s14], $0x4000  }
0x4e: {  	[sflag:s14] =	ssyncset.done $0x0  }
0x4f: {  	s0 =	sadd.s32 $0x100, s31;
	[sflag:s14] =	ssyncadd.s32 $0xFFFFC000  }
0x50: {  	[tilespmem:s13], [sflag:$0x1] =	stream.indirect.gather [hbm4b:s5+s17], $0x80, s0, s17, $0xb8;
	[tilespmem:$0x1E800] =	vst v63  }
0x51: {  	_ =	swait.ge [sflag:s25], $0x4000  }
.Ltmp0:
0x52: {  	[sflag:s25] =	ssyncset.done $0x0;
	(pc) =	sbr.rel @p0 .LBB2_2-.Ltmp0, $4  }
0x53: {  	s0 =	sadd.s32 $0x1480, s31;
	[sflag:s25] =	ssyncadd.s32 $0xFFFFC000  }
0x54: {  	[spmem:s3] =	stream.indirect.scatter.add.f32 [tilespmem:s18], [sflag:$0x3], $0x80, s0, s17, $0xb8;
	[tilespmem:$0x1E800] =	vst v63  }
0x55: {  	_ =	swait.ge [sflag:s14], $0x4000  }
0x56: {  	s31 =	sshra.s32 s2, $0x2;
	s0 =	smov.u32 s16;
	[sflag:s14] =	ssyncset.done $0x0  }
0x57: {  	s0 =	sadd.s32 $0x80, s31;
	[sflag:s14] =	ssyncadd.s32 $0xFFFFC000  }
0x58: {  	[tilespmem:s18], [sflag:$0x2] =	stream.indirect.gather [hbm4b:s5+s17], $0x80, s0, s17, $0xb8;
	[tilespmem:$0x1E800] =	vst v63  }
0x59: {  	_ =	swait.ge [sflag:s19], $0x4000  }
0x5a: {  	[sflag:s19] =	ssyncset.done $0x0  }
0x5b: {  	s2 =	sadd.s32 $0x1400, s31;
	[sflag:s19] =	ssyncadd.s32 $0xFFFFC000  }
0x5c: {  	[spmem:s3] =	stream.indirect.scatter.add.f32 [tilespmem:s13], [sflag:$0x3], $0x80, s2, s17, $0xb8;
	[tilespmem:$0x1E800] =	vst v63  }
0x5d: {  	_ =	swait.ge [sflag:s14], $0x4000  }
0x5e: {  	[sflag:s14] =	ssyncset.done $0x0  }
0x5f: {  	s16 =	sadd.s32 $0x100, s31;
	[sflag:s14] =	ssyncadd.s32 $0xFFFFC000  }
0x60: {  	[tilespmem:s13], [sflag:$0x1] =	stream.indirect.gather [hbm4b:s5+s17], $0x80, s16, s17, $0xb8;
	[tilespmem:$0x1E800] =	vst v63  }
0x61: {  	_ =	swait.ge [sflag:s25], $0x4000  }
0x62: {  	[sflag:s25] =	ssyncset.done $0x0  }
0x63: {  	s1 =	sadd.s32 $0x1480, s31;
	[sflag:s25] =	ssyncadd.s32 $0xFFFFC000  }
0x64: {  	[spmem:s3] =	stream.indirect.scatter.add.f32 [tilespmem:s18], [sflag:$0x3], $0x80, s1, s17, $0xb8;
	[tilespmem:$0x1E800] =	vst v63  }
0x65: {  	_ =	swait.ge [sflag:s14], $0x4000  }
0x66: {  	[sflag:s14] =	ssyncset.done $0x0  }
0x67: {  	[sflag:s14] =	ssyncadd.s32 $0xFFFFC000  }
0x68: {  	[tilespmem:s18], [sflag:$0x2] =	stream.indirect.gather [hbm4b:s5+s17], $0x80, s26, s17, $0xb8;
	[tilespmem:$0x1E800] =	vst v63  }
0x69: {  	_ =	swait.ge [sflag:s19], $0x4000  }
0x6a: {  	[sflag:s19] =	ssyncset.done $0x0  }
0x6b: {  	[sflag:s19] =	ssyncadd.s32 $0xFFFFC000  }
0x6c: {  	[spmem:s3] =	stream.indirect.scatter.add.f32 [tilespmem:s13], [sflag:$0x3], $0x80, s28, s17, $0xb8;
	[tilespmem:$0x1E800] =	vst v63  }
0x6d: {  	_ =	swait.ge [sflag:s14], $0x4000  }
0x6e: {  	[sflag:s14] =	ssyncset.done $0x0  }
0x6f: {  	[sflag:s14] =	ssyncadd.s32 $0xFFFFC000  }
0x70: {  	_ =	swait.ge [sflag:s25], $0x4000  }
0x71: {  	[sflag:s25] =	ssyncset.done $0x0  }
0x72: {  	[sflag:s25] =	ssyncadd.s32 $0xFFFFC000  }
0x73: {  	[spmem:s3] =	stream.indirect.scatter.add.f32 [tilespmem:s18], [sflag:$0x3], $0x80, s29, s17, $0xb8;
	[tilespmem:$0x1E800] =	vst v63  }
0x74: {  	_ =	swait.ge [sflag:s14], $0x4000  }
0x75: {  	[sflag:s14] =	ssyncset.done $0x0  }
0x76: {  	s2 =	sadd.s32 $0x280, s11;
	s1 =	simm.s32 $0x0;
	[sflag:s14] =	ssyncadd.s32 $0xFFFFC000  }
0x77: {  	[tilespmem:s1], [sflag:$0x3] =	stream.linear.gather [hbm4b:s2+s1], $0x1400, $0x38;
	[tilespmem:$0x1E800] =	vst v63  }
0x78: {  	_ =	swait.ge [sflag:s14], $0x1400  }
0x79: {  	[sflag:s14] =	ssyncset.done $0x0  }
0x7a: {  	s16 =	sadd.s32 $0x280, s15;
	s2 =	simm.s32 $0x1400;
	[sflag:s14] =	ssyncadd.s32 $0xFFFFEC00  }
0x7b: {  	[tilespmem:s2], [sflag:$0x3] =	stream.linear.gather [hbm4b:s16+s1], $0x1400, $0x38;
	[tilespmem:$0x1E800] =	vst v63  }
0x7c: {  	_ =	swait.ge [sflag:s14], $0x1400  }
0x7d: {  	[sflag:s14] =	ssyncset.done $0x0  }
0x7e: {  	[sflag:s14] =	ssyncadd.s32 $0xFFFFEC00  }
0x7f: {  	[tilespmem:s13], [sflag:$0x1] =	stream.indirect.gather [hbm4b:s5+s17], $0x80, s1, s17, $0xb8;
	[tilespmem:$0x1E800] =	vst v63  }
0x80: {  	s16 =	simm.s32 $0x80  }
0x81: {  	[tilespmem:s18], [sflag:$0x2] =	stream.indirect.gather [hbm4b:s5+s17], $0x80, s16, s17, $0xb8;
	[tilespmem:$0x1E800] =	vst v63  }
0x82: {  	_ =	swait.ge [sflag:s19], $0x4000  }
0x83: {  	[sflag:s19] =	ssyncset.done $0x0  }
0x84: {  	s1 =	simm.s32 $0x1400;
	[sflag:s19] =	ssyncadd.s32 $0xFFFFC000  }
0x85: {  	[spmem:s3] =	stream.indirect.scatter.add.f32 [tilespmem:s13], [sflag:$0x3], $0x80, s1, s17, $0xb8;
	[tilespmem:$0x1E800] =	vst v63  }
0x86: {  	_ =	swait.ge [sflag:s14], $0x4000  }
0x87: {  	[sflag:s14] =	ssyncset.done $0x0  }
0x88: {  	s2 =	simm.s32 $0x100;
	[sflag:s14] =	ssyncadd.s32 $0xFFFFC000  }
0x89: {  	[tilespmem:s13], [sflag:$0x1] =	stream.indirect.gather [hbm4b:s5+s17], $0x80, s2, s17, $0xb8;
	[tilespmem:$0x1E800] =	vst v63  }
0x8a: {  	_ =	swait.ge [sflag:s25], $0x4000  }
0x8b: {  	[sflag:s25] =	ssyncset.done $0x0  }
0x8c: {  	s16 =	simm.s32 $0x1480;
	[sflag:s25] =	ssyncadd.s32 $0xFFFFC000  }
0x8d: {  	[spmem:s3] =	stream.indirect.scatter.add.f32 [tilespmem:s18], [sflag:$0x3], $0x80, s16, s17, $0xb8;
	[tilespmem:$0x1E800] =	vst v63  }
0x8e: {  	_ =	swait.ge [sflag:s14], $0x4000  }
0x8f: {  	s31 =	simm.s32 $0x100;
	s0 =	simm.s32 $0x800;
	[sflag:s14] =	ssyncset.done $0x0  }
.LBB2_4:
0x90: {  	s1 =	sadd.s32 $0x80, s31  }
0x91: {  	[sflag:s14] =	ssyncadd.s32 $0xFFFFC000;
	s2 =	smov.u32 s0;
	s16 =	sadd.s32 $0x400, s0  }
0x92: {  	[tilespmem:s18], [sflag:$0x2] =	stream.indirect.gather [hbm4b:s5+s17], $0x80, s1, s17, $0xb8;
	[tilespmem:$0x1E800] =	vst v63  }
0x93: {  	p0 =	sne.s32 s0, $0x4800;
	_ =	swait.ge [sflag:s19], $0x4000  }
0x94: {  	[sflag:s19] =	ssyncset.done $0x0  }
0x95: {  	s0 =	sadd.s32 $0x1400, s31;
	[sflag:s19] =	ssyncadd.s32 $0xFFFFC000  }
0x96: {  	[spmem:s3] =	stream.indirect.scatter.add.f32 [tilespmem:s13], [sflag:$0x3], $0x80, s0, s17, $0xb8;
	[tilespmem:$0x1E800] =	vst v63  }
0x97: {  	_ =	swait.ge [sflag:s14], $0x4000  }
0x98: {  	[sflag:s14] =	ssyncset.done $0x0  }
0x99: {  	s0 =	sadd.s32 $0x100, s31;
	[sflag:s14] =	ssyncadd.s32 $0xFFFFC000  }
0x9a: {  	[tilespmem:s13], [sflag:$0x1] =	stream.indirect.gather [hbm4b:s5+s17], $0x80, s0, s17, $0xb8;
	[tilespmem:$0x1E800] =	vst v63  }
0x9b: {  	_ =	swait.ge [sflag:s25], $0x4000  }
.Ltmp1:
0x9c: {  	[sflag:s25] =	ssyncset.done $0x0;
	(pc) =	sbr.rel @p0 .LBB2_4-.Ltmp1, $4  }
0x9d: {  	s0 =	sadd.s32 $0x1480, s31;
	[sflag:s25] =	ssyncadd.s32 $0xFFFFC000  }
0x9e: {  	[spmem:s3] =	stream.indirect.scatter.add.f32 [tilespmem:s18], [sflag:$0x3], $0x80, s0, s17, $0xb8;
	[tilespmem:$0x1E800] =	vst v63  }
0x9f: {  	_ =	swait.ge [sflag:s14], $0x4000  }
0xa0: {  	s31 =	sshra.s32 s2, $0x2;
	s0 =	smov.u32 s16;
	[sflag:s14] =	ssyncset.done $0x0  }
0xa1: {  	s0 =	sadd.s32 $0x80, s31;
	[sflag:s14] =	ssyncadd.s32 $0xFFFFC000  }
0xa2: {  	[tilespmem:s18], [sflag:$0x2] =	stream.indirect.gather [hbm4b:s5+s17], $0x80, s0, s17, $0xb8;
	[tilespmem:$0x1E800] =	vst v63  }
0xa3: {  	_ =	swait.ge [sflag:s19], $0x4000  }
0xa4: {  	[sflag:s19] =	ssyncset.done $0x0  }
0xa5: {  	s2 =	sadd.s32 $0x1400, s31;
	[sflag:s19] =	ssyncadd.s32 $0xFFFFC000  }
0xa6: {  	[spmem:s3] =	stream.indirect.scatter.add.f32 [tilespmem:s13], [sflag:$0x3], $0x80, s2, s17, $0xb8;
	[tilespmem:$0x1E800] =	vst v63  }
0xa7: {  	_ =	swait.ge [sflag:s14], $0x4000  }
0xa8: {  	[sflag:s14] =	ssyncset.done $0x0  }
0xa9: {  	s16 =	sadd.s32 $0x100, s31;
	[sflag:s14] =	ssyncadd.s32 $0xFFFFC000  }
0xaa: {  	[tilespmem:s13], [sflag:$0x1] =	stream.indirect.gather [hbm4b:s5+s17], $0x80, s16, s17, $0xb8;
	[tilespmem:$0x1E800] =	vst v63  }
0xab: {  	_ =	swait.ge [sflag:s25], $0x4000  }
0xac: {  	[sflag:s25] =	ssyncset.done $0x0  }
0xad: {  	s31 =	sadd.s32 $0x1480, s31;
	[sflag:s25] =	ssyncadd.s32 $0xFFFFC000  }
0xae: {  	[spmem:s3] =	stream.indirect.scatter.add.f32 [tilespmem:s18], [sflag:$0x3], $0x80, s31, s17, $0xb8;
	[tilespmem:$0x1E800] =	vst v63  }
0xaf: {  	_ =	swait.ge [sflag:s14], $0x4000  }
0xb0: {  	[sflag:s14] =	ssyncset.done $0x0  }
0xb1: {  	[sflag:s14] =	ssyncadd.s32 $0xFFFFC000  }
0xb2: {  	[tilespmem:s18], [sflag:$0x2] =	stream.indirect.gather [hbm4b:s5+s17], $0x80, s26, s17, $0xb8;
	[tilespmem:$0x1E800] =	vst v63  }
0xb3: {  	_ =	swait.ge [sflag:s19], $0x4000  }
0xb4: {  	[sflag:s19] =	ssyncset.done $0x0  }
0xb5: {  	[sflag:s19] =	ssyncadd.s32 $0xFFFFC000  }
0xb6: {  	[spmem:s3] =	stream.indirect.scatter.add.f32 [tilespmem:s13], [sflag:$0x3], $0x80, s28, s17, $0xb8;
	[tilespmem:$0x1E800] =	vst v63  }
0xb7: {  	_ =	swait.ge [sflag:s14], $0x4000  }
0xb8: {  	[sflag:s14] =	ssyncset.done $0x0  }
0xb9: {  	[sflag:s14] =	ssyncadd.s32 $0xFFFFC000  }
0xba: {  	_ =	swait.ge [sflag:s25], $0x4000  }
0xbb: {  	[sflag:s25] =	ssyncset.done $0x0  }
0xbc: {  	[sflag:s25] =	ssyncadd.s32 $0xFFFFC000  }
0xbd: {  	[spmem:s3] =	stream.indirect.scatter.add.f32 [tilespmem:s18], [sflag:$0x3], $0x80, s29, s17, $0xb8;
	[tilespmem:$0x1E800] =	vst v63  }
0xbe: {  	_ =	swait.ge [sflag:s14], $0x4000  }
0xbf: {  	[sflag:s14] =	ssyncset.done $0x0  }
0xc0: {  	[sflag:s14] =	ssyncadd.s32 $0xFFFFC000  }
0xc1: {  	[bflag:$0x0] =	sbarrier.arrive $0xFFFF  }
0xc2: {  	[tilespmem:s13], [sflag:$0x3] =	stream.linear.gather [spmem:s6], $0x4000, $0x38;
	[tilespmem:$0x1E800] =	vst v63  }
0xc3: {  	_ =	swait.ge [sflag:s14], $0x4000  }
0xc4: {  	[sflag:s14] =	ssyncset.done $0x0  }
0xc5: {  	[sflag:s14] =	ssyncadd.s32 $0xFFFFC000  }
0xc6: {  	[hbm4b:s20+s4] =	stream.linear.scatter [tilespmem:s13], [sflag:$0x3], $0x4000, $0x38;
	[tilespmem:$0x1E800] =	vst v63  }
0xc7: {  	_ =	swait.ge [sflag:s14], $0x4000  }
0xc8: {  	[sflag:s14] =	ssyncset.done $0x0  }
0xc9: {  	[sflag:s14] =	ssyncadd.s32 $0xFFFFC000  }
0xca: {  	[tilespmem:s13], [sflag:$0x3] =	stream.linear.gather [spmem:s7], $0x4000, $0x38;
	[tilespmem:$0x1E800] =	vst v63  }
0xcb: {  	_ =	swait.ge [sflag:s14], $0x4000  }
0xcc: {  	[sflag:s14] =	ssyncset.done $0x0  }
0xcd: {  	[sflag:s14] =	ssyncadd.s32 $0xFFFFC000  }
0xce: {  	[hbm4b:s21+s4] =	stream.linear.scatter [tilespmem:s13], [sflag:$0x3], $0x4000, $0x38;
	[tilespmem:$0x1E800] =	vst v63  }
0xcf: {  	_ =	swait.ge [sflag:s14], $0x4000  }
0xd0: {  	[sflag:s14] =	ssyncset.done $0x0  }
0xd1: {  	[sflag:s14] =	ssyncadd.s32 $0xFFFFC000  }
0xd2: {  	[tilespmem:s13], [sflag:$0x3] =	stream.linear.gather [spmem:s8], $0x4000, $0x38;
	[tilespmem:$0x1E800] =	vst v63  }
0xd3: {  	_ =	swait.ge [sflag:s14], $0x4000  }
0xd4: {  	[sflag:s14] =	ssyncset.done $0x0  }
0xd5: {  	[sflag:s14] =	ssyncadd.s32 $0xFFFFC000  }
0xd6: {  	[hbm4b:s22+s4] =	stream.linear.scatter [tilespmem:s13], [sflag:$0x3], $0x4000, $0x38;
	[tilespmem:$0x1E800] =	vst v63  }
0xd7: {  	_ =	swait.ge [sflag:s14], $0x4000  }
0xd8: {  	[sflag:s14] =	ssyncset.done $0x0  }
0xd9: {  	[sflag:s14] =	ssyncadd.s32 $0xFFFFC000  }
0xda: {  	[tilespmem:s13], [sflag:$0x3] =	stream.linear.gather [spmem:s9], $0x4000, $0x38;
	[tilespmem:$0x1E800] =	vst v63  }
0xdb: {  	_ =	swait.ge [sflag:s14], $0x4000  }
0xdc: {  	[sflag:s14] =	ssyncset.done $0x0  }
0xdd: {  	[sflag:s14] =	ssyncadd.s32 $0xFFFFC000  }
0xde: {  	[hbm4b:s23+s4] =	stream.linear.scatter [tilespmem:s13], [sflag:$0x3], $0x4000, $0x38;
	[tilespmem:$0x1E800] =	vst v63  }
0xdf: {  	_ =	swait.ge [sflag:s14], $0x4000  }
0xe0: {  	[sflag:s14] =	ssyncset.done $0x0  }
0xe1: {  	[sflag:s14] =	ssyncadd.s32 $0xFFFFC000  }
0xe2: {  	[tilespmem:s13], [sflag:$0x3] =	stream.linear.gather [spmem:s10], $0x4000, $0x38;
	[tilespmem:$0x1E800] =	vst v63  }
0xe3: {  	s30 =	sadd.s32 $0x1, s30;
	_ =	swait.ge [sflag:s14], $0x4000  }
0xe4: {  	p0 =	sne.s32 s30, s12;
	[sflag:s14] =	ssyncset.done $0x0  }
.Ltmp2:
0xe5: {  	[sflag:s14] =	ssyncadd.s32 $0xFFFFC000;
	(pc) =	sbr.rel @p0 .LBB2_1-.Ltmp2, $4  }
0xe6: {  	[hbm4b:s24+s4] =	stream.linear.scatter [tilespmem:s13], [sflag:$0x3], $0x4000, $0x38;
	[tilespmem:$0x1E800] =	vst v63  }
0xe7: {  	_ =	swait.ge [sflag:s14], $0x4000  }
0xe8: {  	[sflag:s14] =	ssyncset.done $0x0  }
0xe9: {  	[sflag:s14] =	ssyncadd.s32 $0xFFFFC000  }
0xea: {  	_ =	sfence.sel $0x180000  }
0xeb: {  	[bflag:$0x0] =	sbarrier.arrive $0xFFFF  }
0xec: {  	_ =	strace $0x9000004A  }
0xed: {  	s0 =	stileid.u32;
	[bflag:$0x2] =	sbarrier.arrive $0xFFFF  }
0xee: {  	p0 =	sne.s32 s0, $0x0;
	s0 =	rddreg [dreg:$0x3]  }
0xef: {  	s0 =	sadd.s32 @!p0 $0x100000, s0  }
0xf0: {  	[sflag:s0] =	ssyncadd.tile.s32 @!p0 $0x1;
	_ =	shalt  }
.Lfunc_end2:
_tile_overlayer_lowered:
.L_overlay_start_2:
0xf1: {  	(tag) =	ssettag $0x2  }
0xf2: {  	s0 =	rddreg [dreg:$0x0];
	s2 =	stileid.u32  }
0xf3: {  	s1 =	rddreg [dreg:$0x1];
	p0 =	sne.s32 s2, $0x0  }
0xf4: {  	s3 =	rddreg [dreg:$0x2];
	[bflag:$0x3] =	sbarrier.arrive $0xFFFF;
	s2 =	simm.s32 @!p0 $0x1C03  }
0xf5: {  	[timem:s3], [sflag:s2] =	dma.local @!p0 [hbm:s0], s1  }
0xf6: {  	s0 =	simm.s32 @!p0 $0x3  }
0xf7: {  	_ =	swait.ge @!p0 [sflag:s0], s1  }
0xf8: {  	s1 =	ssub.s32 @!p0 $0x0, s1;
	[sflag:s0] =	ssyncset.done @!p0 $0x0  }
0xf9: {  	[sflag:s0] =	ssyncadd.s32 @!p0 s1  }
0xfa: {  	[bflag:$0x3] =	sbarrier.arrive $0xFFFF  }
0xfb: {  	_ =	shalt  }

// kernel: kernel.14.cloned.1.call-start
scs
__scs_entry_jumppad:
0x0: {  	(pc) =	sbr.rel $0x88, $3  }
0x1: {  	(tag) =	ssettag $0x0;
	lr =	simm.s32 $0x1  }
0x2: {  	[smem:$0x3F9B] =	sst lr;
	_ =	strace $0xD0000000  }
0x3: {  	_ = 	snop  }
0x4: {  	_ = 	snop  }
0x5: {  	_ = 	snop  }
0x6: {  	_ = 	snop  }
0x7: {  	_ = 	snop  }
__scs_overlays_trampoline_lowered:
0x8: {  	[smem:$0x3FAA] =	sst s0  }
0x9: {  	[smem:$0x3FAB] =	sst s1  }
0xa: {  	[smem:$0x3FAC] =	sst s2  }
0xb: {  	[smem:$0x3FAD] =	sst s3  }
0xc: {  	[smem:$0x3FAE] =	sst s4  }
0xd: {  	[smem:$0x3FAF] =	sst s5  }
0xe: {  	[smem:$0x3FB0] =	sst s6  }
0xf: {  	[smem:$0x3FB1] =	sst s7  }
0x10: {  	[smem:$0x3FB2] =	sst s8  }
0x11: {  	[smem:$0x3FB3] =	sst s9;
	s0 =	simm.s32 @!p0 $0x0  }
0x12: {  	s1 =	sld [smem:$0x3F99];
	s0 =	simm.s32 @p0 $0x1  }
0x13: {  	[smem:$0x3FB4] =	sst s0;
	s0 =	simm.s32 @!p1 $0x0  }
0x14: {  	s2 =	sld [smem:$0x3F98];
	s0 =	simm.s32 @p1 $0x1  }
0x15: {  	[smem:$0x3FB5] =	sst s0;
	s0 =	simm.s32 @!p2 $0x0  }
0x16: {  	s3 =	sld [smem:$0x3FDB];
	s0 =	simm.s32 @p2 $0x1  }
0x17: {  	s4 =	simm.s32 $0x1BF5;
	[smem:$0x3FB7] =	sst s0  }
0x18: {  	s0 =	sld [smem:$0x3F9A];
	_ =	swait.ge [sflag:s4], $0x0  }
0x19: {  	s7 =	sld [smem:$0x3F9B]  }
0x1a: {  	s8 =	sadd.s32 $0xFFFFE003, lr  }
0x1b: {  	s9 =	sadd.s32 $0xFFFFFEF7, lr;
	s5 =	simm.s32 $0xFFFFFFFF;
	p2 =	slt.u32 s8, $0xFFFFF086  }
0x1c: {  	p1 =	slt.u32 s9, $0xF7A;
	s5 =	simm.s32 @!p2 $0x0  }
0x1d: {  	s5 =	simm.s32 @p1 $0x1;
	p0 =	seq.s32 s7, s2  }
0x1e: {  	s7 =	smul.u32 @!p0 $0xF7A, s2;
	p2 =	seq.s32 @!p0 s5, $0x0  }
0x1f: {  	s9 =	smul.u32 $0xF7A, s1;
	s8 =	simm.s32 @!p0 $0x1BF5;
	p2 =	por !p2, p0  }
0x20: {  	[sflag:s8] =	ssyncset.s32 @!p0 $0xFFFFF086;
	s6 =	sadd.s32 @!p0 s3, s7;
	s7 =	simm.s32 @!p0 $0x108  }
0x21: {  	s3 =	sadd.s32 s3, s9;
	s6 =	sadd.s32 @!p0 $0x88, s6;
	s7 =	simm.s32 @p2 $0x1082  }
0x22: {  	[simem:s7], [sflag:s8] =	dma.local @!p0 [hbm:s6], $0xF7A  }
0x23: {  	s9 =	sor.u32 $0xD0000000, s2;
	s6 =	simm.s32 $0x108;
	_ =	swait.ge @!p0 [sflag:s8], $0x0  }
0x24: {  	s3 =	sadd.s32 $0x88, s3;
	s6 =	simm.s32 @!p1 $0x1082;
	[sflag:s4] =	ssyncset.s32 $0xFFFFF086  }
0x25: {  	[simem:s6], [sflag:s4] =	dma.local [hbm:s3], $0xF7A  }
0x26: {  	[smem:$0x3F9B] =	sst s1;
	(tag) =	ssettag s2;
	_ =	strace s9  }
0x27: {  	s1 =	sld [smem:$0x3FAB]  }
0x28: {  	s2 =	sld [smem:$0x3FAC]  }
0x29: {  	s4 =	sld [smem:$0x3FAE]  }
0x2a: {  	p0 =	seq.s32 s5, $0x0;
	s5 =	sld [smem:$0x3FAF]  }
0x2b: {  	s6 =	sld [smem:$0x3FB0]  }
0x2c: {  	s7 =	sld [smem:$0x3FB1]  }
0x2d: {  	s3 =	simm.s32 $0x108;
	s8 =	sld [smem:$0x3FB2]  }
0x2e: {  	s3 =	simm.s32 @!p0 $0x1082;
	s9 =	sld [smem:$0x3FB3]  }
0x2f: {  	lr =	sadd.s32 s0, s3;
	s0 =	sld [smem:$0x3FAA]  }
0x30: {  	s3 =	sld [smem:$0x3FAD]  }
0x31: {  	[smem:$0x3FB6] =	sst s10  }
0x32: {  	s10 =	sld [smem:$0x3FB4];
	_ =	sdelay $0x3  }
0x33: {  	p0 =	seq.s32 s10, $0x1;
	s10 =	sld [smem:$0x3FB6];
	_ =	sdelay $0x3  }
0x34: {  	[smem:$0x3FB6] =	sst s10  }
0x35: {  	s10 =	sld [smem:$0x3FB5];
	_ =	sdelay $0x3  }
0x36: {  	p1 =	seq.s32 s10, $0x1;
	s10 =	sld [smem:$0x3FB6];
	_ =	sdelay $0x3  }
0x37: {  	[smem:$0x3FB6] =	sst s10  }
0x38: {  	s10 =	sld [smem:$0x3FB7]  }
0x39: {  	_ = 	snop;
	(pc) =	sbr.ind lr, $3  }
0x3a: {  	_ = 	snop  }
0x3b: {  	_ = 	snop  }
0x3c: {  	p2 =	seq.s32 s10, $0x1;
	s10 =	sld [smem:$0x3FB6]  }
0x3d: {  	_ =	shalt  }
0x3e: {  	_ =	shalt  }
0x3f: {  	_ =	shalt  }
0x40: {  	_ =	shalt  }
0x41: {  	_ =	shalt  }
0x42: {  	_ =	shalt  }
0x43: {  	_ =	shalt  }
0x44: {  	_ =	shalt  }
0x45: {  	_ =	shalt  }
0x46: {  	_ =	shalt  }
0x47: {  	_ =	shalt  }
0x48: {  	_ =	shalt  }
0x49: {  	_ =	shalt  }
0x4a: {  	_ =	shalt  }
0x4b: {  	_ =	shalt  }
0x4c: {  	_ =	shalt  }
0x4d: {  	_ =	shalt  }
0x4e: {  	_ =	shalt  }
0x4f: {  	_ =	shalt  }
0x50: {  	_ =	shalt  }
0x51: {  	_ =	shalt  }
0x52: {  	_ =	shalt  }
0x53: {  	_ =	shalt  }
0x54: {  	_ =	shalt  }
0x55: {  	_ =	shalt  }
0x56: {  	_ =	shalt  }
0x57: {  	_ =	shalt  }
0x58: {  	_ =	shalt  }
0x59: {  	_ =	shalt  }
0x5a: {  	_ =	shalt  }
0x5b: {  	_ =	shalt  }
0x5c: {  	_ =	shalt  }
0x5d: {  	_ =	shalt  }
0x5e: {  	_ =	shalt  }
0x5f: {  	_ =	shalt  }
0x60: {  	_ =	shalt  }
0x61: {  	_ =	shalt  }
0x62: {  	_ =	shalt  }
0x63: {  	_ =	shalt  }
0x64: {  	_ =	shalt  }
0x65: {  	_ =	shalt  }
0x66: {  	_ =	shalt  }
0x67: {  	_ =	shalt  }
0x68: {  	_ =	shalt  }
0x69: {  	_ =	shalt  }
0x6a: {  	_ =	shalt  }
0x6b: {  	_ =	shalt  }
0x6c: {  	_ =	shalt  }
0x6d: {  	_ =	shalt  }
0x6e: {  	_ =	shalt  }
0x6f: {  	_ =	shalt  }
0x70: {  	_ =	shalt  }
0x71: {  	_ =	shalt  }
0x72: {  	_ =	shalt  }
0x73: {  	_ =	shalt  }
0x74: {  	_ =	shalt  }
0x75: {  	_ =	shalt  }
0x76: {  	_ =	shalt  }
0x77: {  	_ =	shalt  }
0x78: {  	_ =	shalt  }
0x79: {  	_ =	shalt  }
0x7a: {  	_ =	shalt  }
0x7b: {  	_ =	shalt  }
0x7c: {  	_ =	shalt  }
0x7d: {  	_ =	shalt  }
0x7e: {  	_ =	shalt  }
0x7f: {  	_ =	shalt  }
0x80: {  	_ =	shalt  }
0x81: {  	_ =	shalt  }
0x82: {  	_ =	shalt  }
0x83: {  	_ =	shalt  }
0x84: {  	_ =	shalt  }
0x85: {  	_ =	shalt  }
0x86: {  	_ =	shalt  }
0x87: {  	_ =	shalt  }
.Lfunc_end0:
.L_simem_size_0:
called_computation.2_lowered:
.L_overlay_start_0:
0x88: {  	s2 =	sld [smem:$0x3FD9]  }
0x89: {  	s3 =	sld [smem:$0x3FFE];
	_ =	sdelay $0x1  }
0x8a: {  	s1 =	srdreg.scid  }
0x8b: {  	s0 =	sand.u32 $0x1, s1  }
0x8c: {  	s17 =	sshll.u32 s0, $0xA;
	s2 =	sadd.s32 s3, s2  }
0x8d: {  	s2 =	sadd.s32 s2, s17  }
0x8e: {  	[smem:$0x3FC2] =	sst s2  }
0x8f: {  	_ = 	snop  }
0x90: {  	s2 =	sld [smem:$0x3FD0];
	(tm) =	ssettm $0x1  }
0x91: {  	s18 =	sld [smem:$0x3FFB];
	_ =	sdelay $0x3  }
0x92: {  	_ =	strace s18  }
0x93: {  	s3 =	sld [smem:$0x3FFC];
	_ =	sdelay $0x3  }
0x94: {  	_ =	strace s3  }
0x95: {  	s3 =	sld [smem:$0x3FFD];
	_ =	sdelay $0x3  }
0x96: {  	_ =	strace s3  }
0x97: {  	_ =	strace $0x8FFFFFFF  }
0x98: {  	s19 =	sld [smem:$0x3FDB];
	_ =	sdelay $0x1  }
0x99: {  	s4 =	simm.s32 $_scs_section_size  }
0x9a: {  	s5 =	simm.s32 $_size__tile_overlayer_lowered;
	s6 =	simm.s32 $_tile_overlayer_lowered  }
0x9b: {  	s22 =	simm.s32 $0x1BFF;
	s21 =	sshll.u32 s6, $0x1;
	s3 =	sadd.s32 s4, s19  }
0x9c: {  	s7 =	simm.s32 $0x0;
	s20 =	sshll.u32 s5, $0x1;
	s5 =	sadd.s32 s21, s3  }
0x9d: {  	[timem:s7], [sflag:s22] =	dma.local [hbm:s5], s20  }
0x9e: {  	_ =	swait.ge [sflag:s22], s20  }
0x9f: {  	s4 =	ssub.s32 $0x0, s20;
	[sflag:s22] =	ssyncset.done $0x0  }
0xa0: {  	[sflag:s22] =	ssyncadd.s32 s4;
	_ =	sdelay $0x1  }
0xa1: {  	s23 =	simm.s32 $0x1B8B  }
0xa2: {  	_ =	swait.ge [sflag:s23], $0x1  }
0xa3: {  	[sflag:s23] =	ssyncset.done $0x0  }
0xa4: {  	s25 =	simm.s32 $0x1B8E;
	s24 =	sld [smem:$0x3FFE];
	[sflag:s23] =	ssyncadd.s32 $0xFFFFFFFF  }
0xa5: {  	s26 =	simm.s32 $execute0_lowered;
	[smem:$0x3FD2] =	sst s25  }
0xa6: {  	s5 =	sshll.u32 s26, $0x1;
	_ =	strace $0x8000004C;
	[dreg:$0x1] =	wrdreg $0xFFFFFFFF  }
0xa7: {  	s28 =	simm.s32 $_size_execute0_lowered;
	s3 =	sadd.s32 s3, s5;
	[dreg:$0x0] =	wrdreg $0x0  }
0xa8: {  	s5 =	sshll.u32 s28, $0x1;
	[dreg:$0x2] =	wrdreg s3  }
0xa9: {  	[dreg:$0x3] =	wrdreg s5  }
0xaa: {  	[dreg:$0x4] =	wrdreg $0xC0  }
0xab: {  	_ =	task [dreg:s7], $0x5FFFF  }
0xac: {  	[dreg:$0x1] =	wrdreg $0xFFFFFFFF  }
0xad: {  	[dreg:$0x0] =	wrdreg $0x60  }
0xae: {  	[dreg:$0x2] =	wrdreg s24  }
0xaf: {  	[dreg:$0x3] =	wrdreg s2  }
0xb0: {  	[dreg:$0x4] =	wrdreg $0x68000  }
0xb1: {  	[dreg:$0x5] =	wrdreg $0x9  }
0xb2: {  	_ =	task.clear_ibuf [dreg:s7], $0x6FFFF;
	_ =	strace $0x9000004C  }
0xb3: {  	s29 =	simm.s32 $0x9;
	_ =	strace $0x8000004E  }
0xb4: {  	_ =	swait.ge [sflag:s29], $0x1  }
0xb5: {  	[sflag:s29] =	ssyncadd.s32 $0xFFFFFFFF  }
0xb6: {  	_ =	strace $0x9000004E  }
0xb7: {  	_ =	sfence  }
0xb8: {  	s30 =	sld [smem:$0x0];
	_ =	sdelay $0x2  }
0xb9: {  	s31 =	sshll.u32 s1, $0xD;
	s1 =	sshrl.u32 s1, $0x2  }
0xba: {  	s3 =	sand.u32 $0x4000, s31;
	s1 =	sadd.s32 s1, s30  }
0xbb: {  	s0 =	sor.u32 s3, s0;
	s1 =	sshll.u32 s1, $0x11  }
0xbc: {  	s0 =	sor.u32 s1, s0  }
0xbd: {  	s0 =	sadd.s32 $0x8F2B, s0  }
0xbe: {  	[sflag:s0] =	ssyncadd.remote.s32 $0x1  }
0xbf: {  	_ =	sfence.sel $0xFFFF  }
0xc0: {  	[dreg:$0x0] =	wrdreg $0xFFFFFFFF;
	(pc) =	sbr.abs _section_cstart, $3  }
0xc1: {  	[dreg:$0x1] =	wrdreg $0xFFFFFFFF  }
0xc2: {  	_ =	task.clear_ibuf [dreg:s7], $0x2FFFF;
	_ =	strace $0x9FFFFFFF  }
0xc3: {  	(tm) =	ssettm $0x7FFFFFFF  }
tec
execute0_lowered:
.L_overlay_start_1:
0x0: {  	(tag) =	ssettag $0x1  }
0x1: {  	s0 =	rddreg [dreg:$0x0];
	s1 =	srdreg.scid  }
0x2: {  	s3 =	rddreg [dreg:$0x2];
	s26 =	stileid.u32;
	s4 =	simm.s32 $0x0  }
0x3: {  	s28 =	simm.s32 $0x2700;
	s29 =	simm.s32 $0x2780;
	s30 =	simm.s32 $0x0  }
0x4: {  	s6 =	sand.u32 $0x1, s1;
	[smem:$0x7FF] =	sst s4;
	s12 =	smul.u32 $0xA000, s26  }
0x5: {  	s5 =	sshll.u32 s6, $0x4;
	s7 =	smul.u32 $0x14000, s6;
	s6 =	ssub.s32 $0x2, s6  }
0x6: {  	_ =	strace $0x8000004D;
	s5 =	sor.u32 s26, s5;
	s31 =	sshrl.u32 s6, $0x1  }
0x7: {  	s16 =	sadd.s32 $0x2000, s12;
	s17 =	sadd.s32 $0x4000, s12;
	s18 =	sadd.s32 $0x6000, s12  }
0x8: {  	s19 =	sadd.s32 $0x8000, s12;
	s20 =	sshrl.u32 s12, $0x3;
	s26 =	simm.s32 $0x1380  }
0x9: {  	s15 =	smul.u32 $0x500, s5;
	s5 =	sadd.s32 $0x66C00, s0;
	s13 =	sadd.s32 s7, s0  }
0xa: {  	s14 =	ssub.s32 s6, s31;
	s6 =	sadd.s32 s12, s3;
	s7 =	sadd.s32 s16, s3  }
0xb: {  	s8 =	sadd.s32 s17, s3;
	s9 =	sadd.s32 s18, s3;
	s10 =	sadd.s32 s19, s3  }
0xc: {  	s21 =	sshrl.u32 s16, $0x3;
	s22 =	sshrl.u32 s17, $0x3;
	s23 =	sshrl.u32 s18, $0x3  }
0xd: {  	s25 =	sshrl.u32 s19, $0x3;
	s17 =	simm.s32 $0x80;
	s18 =	simm.s32 $0x4800  }
0xe: {  	s19 =	simm.s32 $0x1;
	s24 =	sadd.s32 $0x7AC00, s13;
	s12 =	smax.u32 s14, $0x1  }
0xf: {  	s13 =	simm.s32 $0x2800;
	s14 =	simm.s32 $0x3;
	s11 =	sadd.s32 s15, s0  }
0x10: {  	s0 =	sadd.s32 $0xCC00, s0;
	s20 =	sadd.s32 s20, s24;
	s21 =	sadd.s32 s21, s24  }
0x11: {  	s22 =	sadd.s32 s22, s24;
	s23 =	sadd.s32 s23, s24;
	s24 =	sadd.s32 s25, s24  }
0x12: {  	s25 =	simm.s32 $0x2;
	s11 =	sadd.s32 $0x2C00, s11;
	s15 =	sadd.s32 s15, s0  }
.LBB2_1:
0x13: {  	s0 =	rddreg [dreg:$0x1]  }
0x14: {  	[tilespmem:s13], [sflag:$0x3] =	stream.linear.gather [hbm4b:s0+s4], $0x2000, $0x38;
	[tilespmem:$0x10800] =	vst v63  }
0x15: {  	_ =	swait.ge [sflag:s14], $0x2000  }
0x16: {  	[sflag:s14] =	ssyncset.done $0x0  }
0x17: {  	[sflag:s14] =	ssyncadd.s32 $0xFFFFE000  }
0x18: {  	[spmem:s6] =	stream.linear.scatter [tilespmem:s13], [sflag:$0x3], $0x2000, $0x38;
	[tilespmem:$0x10800] =	vst v63  }
0x19: {  	_ =	swait.ge [sflag:s14], $0x2000  }
0x1a: {  	[sflag:s14] =	ssyncset.done $0x0  }
0x1b: {  	[sflag:s14] =	ssyncadd.s32 $0xFFFFE000  }
0x1c: {  	[spmem:s7] =	stream.linear.scatter [tilespmem:s13], [sflag:$0x3], $0x2000, $0x38;
	[tilespmem:$0x10800] =	vst v63  }
0x1d: {  	_ =	swait.ge [sflag:s14], $0x2000  }
0x1e: {  	[sflag:s14] =	ssyncset.done $0x0  }
0x1f: {  	[sflag:s14] =	ssyncadd.s32 $0xFFFFE000  }
0x20: {  	[spmem:s8] =	stream.linear.scatter [tilespmem:s13], [sflag:$0x3], $0x2000, $0x38;
	[tilespmem:$0x10800] =	vst v63  }
0x21: {  	_ =	swait.ge [sflag:s14], $0x2000  }
0x22: {  	[sflag:s14] =	ssyncset.done $0x0  }
0x23: {  	[sflag:s14] =	ssyncadd.s32 $0xFFFFE000  }
0x24: {  	[spmem:s9] =	stream.linear.scatter [tilespmem:s13], [sflag:$0x3], $0x2000, $0x38;
	[tilespmem:$0x10800] =	vst v63  }
0x25: {  	_ =	swait.ge [sflag:s14], $0x2000  }
0x26: {  	[sflag:s14] =	ssyncset.done $0x0  }
0x27: {  	[sflag:s14] =	ssyncadd.s32 $0xFFFFE000  }
0x28: {  	[spmem:s10] =	stream.linear.scatter [tilespmem:s13], [sflag:$0x3], $0x2000, $0x38;
	[tilespmem:$0x10800] =	vst v63  }
0x29: {  	_ =	swait.ge [sflag:s14], $0x2000  }
0x2a: {  	[sflag:s14] =	ssyncset.done $0x0  }
0x2b: {  	[sflag:s14] =	ssyncadd.s32 $0xFFFFE000  }
0x2c: {  	[bflag:$0x0] =	sbarrier.arrive $0xFFFF  }
0x2d: {  	[tilespmem:s4], [sflag:$0x3] =	stream.linear.gather [hbm4b:s11+s4], $0x1400, $0x38;
	[tilespmem:$0x10800] =	vst v63  }
0x2e: {  	_ =	swait.ge [sflag:s14], $0x1400  }
0x2f: {  	[sflag:s14] =	ssyncset.done $0x0  }
0x30: {  	s2 =	simm.s32 $0x1400;
	[sflag:s14] =	ssyncadd.s32 $0xFFFFEC00  }
0x31: {  	[tilespmem:s2], [sflag:$0x3] =	stream.linear.gather [hbm4b:s15+s4], $0x1400, $0x38;
	[tilespmem:$0x10800] =	vst v63  }
0x32: {  	_ =	swait.ge [sflag:s14], $0x1400  }
0x33: {  	[sflag:s14] =	ssyncset.done $0x0  }
0x34: {  	[sflag:s14] =	ssyncadd.s32 $0xFFFFEC00  }
0x35: {  	[tilespmem:s13], [sflag:$0x1] =	stream.indirect.gather [hbm4b:s5+s17], $0x40, s4, s17, $0xb8;
	[tilespmem:$0x10800] =	vst v63  }
0x36: {  	s16 =	simm.s32 $0x80  }
0x37: {  	[tilespmem:s18], [sflag:$0x2] =	stream.indirect.gather [hbm4b:s5+s17], $0x40, s16, s17, $0xb8;
	[tilespmem:$0x10800] =	vst v63  }
0x38: {  	_ =	swait.ge [sflag:s19], $0x2000  }
0x39: {  	[sflag:s19] =	ssyncset.done $0x0  }
0x3a: {  	s1 =	simm.s32 $0x1400;
	[sflag:s19] =	ssyncadd.s32 $0xFFFFE000  }
0x3b: {  	[spmem:s3] =	stream.indirect.scatter.add.f32 [tilespmem:s13], [sflag:$0x3], $0x40, s1, s17, $0xb8;
	[tilespmem:$0x10800] =	vst v63  }
0x3c: {  	_ =	swait.ge [sflag:s14], $0x2000  }
0x3d: {  	[sflag:s14] =	ssyncset.done $0x0  }
0x3e: {  	s2 =	simm.s32 $0x100;
	[sflag:s14] =	ssyncadd.s32 $0xFFFFE000  }
0x3f: {  	[tilespmem:s13], [sflag:$0x1] =	stream.indirect.gather [hbm4b:s5+s17], $0x40, s2, s17, $0xb8;
	[tilespmem:$0x10800] =	vst v63  }
0x40: {  	_ =	swait.ge [sflag:s25], $0x2000  }
0x41: {  	[sflag:s25] =	ssyncset.done $0x0  }
0x42: {  	s16 =	simm.s32 $0x1480;
	[sflag:s25] =	ssyncadd.s32 $0xFFFFE000  }
0x43: {  	[spmem:s3] =	stream.indirect.scatter.add.f32 [tilespmem:s18], [sflag:$0x3], $0x40, s16, s17, $0xb8;
	[tilespmem:$0x10800] =	vst v63  }
0x44: {  	_ =	swait.ge [sflag:s14], $0x2000  }
0x45: {  	s31 =	simm.s32 $0x100;
	s0 =	simm.s32 $0x800;
	[sflag:s14] =	ssyncset.done $0x0  }
.LBB2_2:
0x46: {  	s1 =	sadd.s32 $0x80, s31  }
0x47: {  	[sflag:s14] =	ssyncadd.s32 $0xFFFFE000;
	s2 =	smov.u32 s0;
	s16 =	sadd.s32 $0x400, s0  }
0x48: {  	[tilespmem:s18], [sflag:$0x2] =	stream.indirect.gather [hbm4b:s5+s17], $0x40, s1, s17, $0xb8;
	[tilespmem:$0x10800] =	vst v63  }
0x49: {  	p0 =	sne.s32 s0, $0x4800;
	_ =	swait.ge [sflag:s19], $0x2000  }
0x4a: {  	[sflag:s19] =	ssyncset.done $0x0  }
0x4b: {  	s0 =	sadd.s32 $0x1400, s31;
	[sflag:s19] =	ssyncadd.s32 $0xFFFFE000  }
0x4c: {  	[spmem:s3] =	stream.indirect.scatter.add.f32 [tilespmem:s13], [sflag:$0x3], $0x40, s0, s17, $0xb8;
	[tilespmem:$0x10800] =	vst v63  }
0x4d: {  	_ =	swait.ge [sflag:s14], $0x2000  }
0x4e: {  	[sflag:s14] =	ssyncset.done $0x0  }
0x4f: {  	s0 =	sadd.s32 $0x100, s31;
	[sflag:s14] =	ssyncadd.s32 $0xFFFFE000  }
0x50: {  	[tilespmem:s13], [sflag:$0x1] =	stream.indirect.gather [hbm4b:s5+s17], $0x40, s0, s17, $0xb8;
	[tilespmem:$0x10800] =	vst v63  }
0x51: {  	_ =	swait.ge [sflag:s25], $0x2000  }
.Ltmp0:
0x52: {  	[sflag:s25] =	ssyncset.done $0x0;
	(pc) =	sbr.rel @p0 .LBB2_2-.Ltmp0, $4  }
0x53: {  	s0 =	sadd.s32 $0x1480, s31;
	[sflag:s25] =	ssyncadd.s32 $0xFFFFE000  }
0x54: {  	[spmem:s3] =	stream.indirect.scatter.add.f32 [tilespmem:s18], [sflag:$0x3], $0x40, s0, s17, $0xb8;
	[tilespmem:$0x10800] =	vst v63  }
0x55: {  	_ =	swait.ge [sflag:s14], $0x2000  }
0x56: {  	s31 =	sshra.s32 s2, $0x2;
	s0 =	smov.u32 s16;
	[sflag:s14] =	ssyncset.done $0x0  }
0x57: {  	s0 =	sadd.s32 $0x80, s31;
	[sflag:s14] =	ssyncadd.s32 $0xFFFFE000  }
0x58: {  	[tilespmem:s18], [sflag:$0x2] =	stream.indirect.gather [hbm4b:s5+s17], $0x40, s0, s17, $0xb8;
	[tilespmem:$0x10800] =	vst v63  }
0x59: {  	_ =	swait.ge [sflag:s19], $0x2000  }
0x5a: {  	[sflag:s19] =	ssyncset.done $0x0  }
0x5b: {  	s2 =	sadd.s32 $0x1400, s31;
	[sflag:s19] =	ssyncadd.s32 $0xFFFFE000  }
0x5c: {  	[spmem:s3] =	stream.indirect.scatter.add.f32 [tilespmem:s13], [sflag:$0x3], $0x40, s2, s17, $0xb8;
	[tilespmem:$0x10800] =	vst v63  }
0x5d: {  	_ =	swait.ge [sflag:s14], $0x2000  }
0x5e: {  	[sflag:s14] =	ssyncset.done $0x0  }
0x5f: {  	s16 =	sadd.s32 $0x100, s31;
	[sflag:s14] =	ssyncadd.s32 $0xFFFFE000  }
0x60: {  	[tilespmem:s13], [sflag:$0x1] =	stream.indirect.gather [hbm4b:s5+s17], $0x40, s16, s17, $0xb8;
	[tilespmem:$0x10800] =	vst v63  }
0x61: {  	_ =	swait.ge [sflag:s25], $0x2000  }
0x62: {  	[sflag:s25] =	ssyncset.done $0x0  }
0x63: {  	s1 =	sadd.s32 $0x1480, s31;
	[sflag:s25] =	ssyncadd.s32 $0xFFFFE000  }
0x64: {  	[spmem:s3] =	stream.indirect.scatter.add.f32 [tilespmem:s18], [sflag:$0x3], $0x40, s1, s17, $0xb8;
	[tilespmem:$0x10800] =	vst v63  }
0x65: {  	_ =	swait.ge [sflag:s14], $0x2000  }
0x66: {  	[sflag:s14] =	ssyncset.done $0x0  }
0x67: {  	[sflag:s14] =	ssyncadd.s32 $0xFFFFE000  }
0x68: {  	[tilespmem:s18], [sflag:$0x2] =	stream.indirect.gather [hbm4b:s5+s17], $0x40, s26, s17, $0xb8;
	[tilespmem:$0x10800] =	vst v63  }
0x69: {  	_ =	swait.ge [sflag:s19], $0x2000  }
0x6a: {  	[sflag:s19] =	ssyncset.done $0x0  }
0x6b: {  	[sflag:s19] =	ssyncadd.s32 $0xFFFFE000  }
0x6c: {  	[spmem:s3] =	stream.indirect.scatter.add.f32 [tilespmem:s13], [sflag:$0x3], $0x40, s28, s17, $0xb8;
	[tilespmem:$0x10800] =	vst v63  }
0x6d: {  	_ =	swait.ge [sflag:s14], $0x2000  }
0x6e: {  	[sflag:s14] =	ssyncset.done $0x0  }
0x6f: {  	[sflag:s14] =	ssyncadd.s32 $0xFFFFE000  }
0x70: {  	_ =	swait.ge [sflag:s25], $0x2000  }
0x71: {  	[sflag:s25] =	ssyncset.done $0x0  }
0x72: {  	[sflag:s25] =	ssyncadd.s32 $0xFFFFE000  }
0x73: {  	[spmem:s3] =	stream.indirect.scatter.add.f32 [tilespmem:s18], [sflag:$0x3], $0x40, s29, s17, $0xb8;
	[tilespmem:$0x10800] =	vst v63  }
0x74: {  	_ =	swait.ge [sflag:s14], $0x2000  }
0x75: {  	[sflag:s14] =	ssyncset.done $0x0  }
0x76: {  	s2 =	sadd.s32 $0x280, s11;
	s1 =	simm.s32 $0x0;
	[sflag:s14] =	ssyncadd.s32 $0xFFFFE000  }
0x77: {  	[tilespmem:s1], [sflag:$0x3] =	stream.linear.gather [hbm4b:s2+s1], $0x1400, $0x38;
	[tilespmem:$0x10800] =	vst v63  }
0x78: {  	_ =	swait.ge [sflag:s14], $0x1400  }
0x79: {  	[sflag:s14] =	ssyncset.done $0x0  }
0x7a: {  	s16 =	sadd.s32 $0x280, s15;
	s2 =	simm.s32 $0x1400;
	[sflag:s14] =	ssyncadd.s32 $0xFFFFEC00  }
0x7b: {  	[tilespmem:s2], [sflag:$0x3] =	stream.linear.gather [hbm4b:s16+s1], $0x1400, $0x38;
	[tilespmem:$0x10800] =	vst v63  }
0x7c: {  	_ =	swait.ge [sflag:s14], $0x1400  }
0x7d: {  	[sflag:s14] =	ssyncset.done $0x0  }
0x7e: {  	[sflag:s14] =	ssyncadd.s32 $0xFFFFEC00  }
0x7f: {  	[tilespmem:s13], [sflag:$0x1] =	stream.indirect.gather [hbm4b:s5+s17], $0x40, s1, s17, $0xb8;
	[tilespmem:$0x10800] =	vst v63  }
0x80: {  	s16 =	simm.s32 $0x80  }
0x81: {  	[tilespmem:s18], [sflag:$0x2] =	stream.indirect.gather [hbm4b:s5+s17], $0x40, s16, s17, $0xb8;
	[tilespmem:$0x10800] =	vst v63  }
0x82: {  	_ =	swait.ge [sflag:s19], $0x2000  }
0x83: {  	[sflag:s19] =	ssyncset.done $0x0  }
0x84: {  	s1 =	simm.s32 $0x1400;
	[sflag:s19] =	ssyncadd.s32 $0xFFFFE000  }
0x85: {  	[spmem:s3] =	stream.indirect.scatter.add.f32 [tilespmem:s13], [sflag:$0x3], $0x40, s1, s17, $0xb8;
	[tilespmem:$0x10800] =	vst v63  }
0x86: {  	_ =	swait.ge [sflag:s14], $0x2000  }
0x87: {  	[sflag:s14] =	ssyncset.done $0x0  }
0x88: {  	s2 =	simm.s32 $0x100;
	[sflag:s14] =	ssyncadd.s32 $0xFFFFE000  }
0x89: {  	[tilespmem:s13], [sflag:$0x1] =	stream.indirect.gather [hbm4b:s5+s17], $0x40, s2, s17, $0xb8;
	[tilespmem:$0x10800] =	vst v63  }
0x8a: {  	_ =	swait.ge [sflag:s25], $0x2000  }
0x8b: {  	[sflag:s25] =	ssyncset.done $0x0  }
0x8c: {  	s16 =	simm.s32 $0x1480;
	[sflag:s25] =	ssyncadd.s32 $0xFFFFE000  }
0x8d: {  	[spmem:s3] =	stream.indirect.scatter.add.f32 [tilespmem:s18], [sflag:$0x3], $0x40, s16, s17, $0xb8;
	[tilespmem:$0x10800] =	vst v63  }
0x8e: {  	_ =	swait.ge [sflag:s14], $0x2000  }
0x8f: {  	s31 =	simm.s32 $0x100;
	s0 =	simm.s32 $0x800;
	[sflag:s14] =	ssyncset.done $0x0  }
.LBB2_4:
0x90: {  	s1 =	sadd.s32 $0x80, s31  }
0x91: {  	[sflag:s14] =	ssyncadd.s32 $0xFFFFE000;
	s2 =	smov.u32 s0;
	s16 =	sadd.s32 $0x400, s0  }
0x92: {  	[tilespmem:s18], [sflag:$0x2] =	stream.indirect.gather [hbm4b:s5+s17], $0x40, s1, s17, $0xb8;
	[tilespmem:$0x10800] =	vst v63  }
0x93: {  	p0 =	sne.s32 s0, $0x4800;
	_ =	swait.ge [sflag:s19], $0x2000  }
0x94: {  	[sflag:s19] =	ssyncset.done $0x0  }
0x95: {  	s0 =	sadd.s32 $0x1400, s31;
	[sflag:s19] =	ssyncadd.s32 $0xFFFFE000  }
0x96: {  	[spmem:s3] =	stream.indirect.scatter.add.f32 [tilespmem:s13], [sflag:$0x3], $0x40, s0, s17, $0xb8;
	[tilespmem:$0x10800] =	vst v63  }
0x97: {  	_ =	swait.ge [sflag:s14], $0x2000  }
0x98: {  	[sflag:s14] =	ssyncset.done $0x0  }
0x99: {  	s0 =	sadd.s32 $0x100, s31;
	[sflag:s14] =	ssyncadd.s32 $0xFFFFE000  }
0x9a: {  	[tilespmem:s13], [sflag:$0x1] =	stream.indirect.gather [hbm4b:s5+s17], $0x40, s0, s17, $0xb8;
	[tilespmem:$0x10800] =	vst v63  }
0x9b: {  	_ =	swait.ge [sflag:s25], $0x2000  }
.Ltmp1:
0x9c: {  	[sflag:s25] =	ssyncset.done $0x0;
	(pc) =	sbr.rel @p0 .LBB2_4-.Ltmp1, $4  }
0x9d: {  	s0 =	sadd.s32 $0x1480, s31;
	[sflag:s25] =	ssyncadd.s32 $0xFFFFE000  }
0x9e: {  	[spmem:s3] =	stream.indirect.scatter.add.f32 [tilespmem:s18], [sflag:$0x3], $0x40, s0, s17, $0xb8;
	[tilespmem:$0x10800] =	vst v63  }
0x9f: {  	_ =	swait.ge [sflag:s14], $0x2000  }
0xa0: {  	s31 =	sshra.s32 s2, $0x2;
	s0 =	smov.u32 s16;
	[sflag:s14] =	ssyncset.done $0x0  }
0xa1: {  	s0 =	sadd.s32 $0x80, s31;
	[sflag:s14] =	ssyncadd.s32 $0xFFFFE000  }
0xa2: {  	[tilespmem:s18], [sflag:$0x2] =	stream.indirect.gather [hbm4b:s5+s17], $0x40, s0, s17, $0xb8;
	[tilespmem:$0x10800] =	vst v63  }
0xa3: {  	_ =	swait.ge [sflag:s19], $0x2000  }
0xa4: {  	[sflag:s19] =	ssyncset.done $0x0  }
0xa5: {  	s2 =	sadd.s32 $0x1400, s31;
	[sflag:s19] =	ssyncadd.s32 $0xFFFFE000  }
0xa6: {  	[spmem:s3] =	stream.indirect.scatter.add.f32 [tilespmem:s13], [sflag:$0x3], $0x40, s2, s17, $0xb8;
	[tilespmem:$0x10800] =	vst v63  }
0xa7: {  	_ =	swait.ge [sflag:s14], $0x2000  }
0xa8: {  	[sflag:s14] =	ssyncset.done $0x0  }
0xa9: {  	s16 =	sadd.s32 $0x100, s31;
	[sflag:s14] =	ssyncadd.s32 $0xFFFFE000  }
0xaa: {  	[tilespmem:s13], [sflag:$0x1] =	stream.indirect.gather [hbm4b:s5+s17], $0x40, s16, s17, $0xb8;
	[tilespmem:$0x10800] =	vst v63  }
0xab: {  	_ =	swait.ge [sflag:s25], $0x2000  }
0xac: {  	[sflag:s25] =	ssyncset.done $0x0  }
0xad: {  	s31 =	sadd.s32 $0x1480, s31;
	[sflag:s25] =	ssyncadd.s32 $0xFFFFE000  }
0xae: {  	[spmem:s3] =	stream.indirect.scatter.add.f32 [tilespmem:s18], [sflag:$0x3], $0x40, s31, s17, $0xb8;
	[tilespmem:$0x10800] =	vst v63  }
0xaf: {  	_ =	swait.ge [sflag:s14], $0x2000  }
0xb0: {  	[sflag:s14] =	ssyncset.done $0x0  }
0xb1: {  	[sflag:s14] =	ssyncadd.s32 $0xFFFFE000  }
0xb2: {  	[tilespmem:s18], [sflag:$0x2] =	stream.indirect.gather [hbm4b:s5+s17], $0x40, s26, s17, $0xb8;
	[tilespmem:$0x10800] =	vst v63  }
0xb3: {  	_ =	swait.ge [sflag:s19], $0x2000  }
0xb4: {  	[sflag:s19] =	ssyncset.done $0x0  }
0xb5: {  	[sflag:s19] =	ssyncadd.s32 $0xFFFFE000  }
0xb6: {  	[spmem:s3] =	stream.indirect.scatter.add.f32 [tilespmem:s13], [sflag:$0x3], $0x40, s28, s17, $0xb8;
	[tilespmem:$0x10800] =	vst v63  }
0xb7: {  	_ =	swait.ge [sflag:s14], $0x2000  }
0xb8: {  	[sflag:s14] =	ssyncset.done $0x0  }
0xb9: {  	[sflag:s14] =	ssyncadd.s32 $0xFFFFE000  }
0xba: {  	_ =	swait.ge [sflag:s25], $0x2000  }
0xbb: {  	[sflag:s25] =	ssyncset.done $0x0  }
0xbc: {  	[sflag:s25] =	ssyncadd.s32 $0xFFFFE000  }
0xbd: {  	[spmem:s3] =	stream.indirect.scatter.add.f32 [tilespmem:s18], [sflag:$0x3], $0x40, s29, s17, $0xb8;
	[tilespmem:$0x10800] =	vst v63  }
0xbe: {  	_ =	swait.ge [sflag:s14], $0x2000  }
0xbf: {  	[sflag:s14] =	ssyncset.done $0x0  }
0xc0: {  	[sflag:s14] =	ssyncadd.s32 $0xFFFFE000  }
0xc1: {  	[bflag:$0x0] =	sbarrier.arrive $0xFFFF  }
0xc2: {  	[tilespmem:s13], [sflag:$0x3] =	stream.linear.gather [spmem:s6], $0x2000, $0x38;
	[tilespmem:$0x10800] =	vst v63  }
0xc3: {  	_ =	swait.ge [sflag:s14], $0x2000  }
0xc4: {  	[sflag:s14] =	ssyncset.done $0x0  }
0xc5: {  	[sflag:s14] =	ssyncadd.s32 $0xFFFFE000  }
0xc6: {  	[hbm4b:s20+s4] =	stream.linear.scatter [tilespmem:s13], [sflag:$0x3], $0x2000, $0x38;
	[tilespmem:$0x10800] =	vst v63  }
0xc7: {  	_ =	swait.ge [sflag:s14], $0x2000  }
0xc8: {  	[sflag:s14] =	ssyncset.done $0x0  }
0xc9: {  	[sflag:s14] =	ssyncadd.s32 $0xFFFFE000  }
0xca: {  	[tilespmem:s13], [sflag:$0x3] =	stream.linear.gather [spmem:s7], $0x2000, $0x38;
	[tilespmem:$0x10800] =	vst v63  }
0xcb: {  	_ =	swait.ge [sflag:s14], $0x2000  }
0xcc: {  	[sflag:s14] =	ssyncset.done $0x0  }
0xcd: {  	[sflag:s14] =	ssyncadd.s32 $0xFFFFE000  }
0xce: {  	[hbm4b:s21+s4] =	stream.linear.scatter [tilespmem:s13], [sflag:$0x3], $0x2000, $0x38;
	[tilespmem:$0x10800] =	vst v63  }
0xcf: {  	_ =	swait.ge [sflag:s14], $0x2000  }
0xd0: {  	[sflag:s14] =	ssyncset.done $0x0  }
0xd1: {  	[sflag:s14] =	ssyncadd.s32 $0xFFFFE000  }
0xd2: {  	[tilespmem:s13], [sflag:$0x3] =	stream.linear.gather [spmem:s8], $0x2000, $0x38;
	[tilespmem:$0x10800] =	vst v63  }
0xd3: {  	_ =	swait.ge [sflag:s14], $0x2000  }
0xd4: {  	[sflag:s14] =	ssyncset.done $0x0  }
0xd5: {  	[sflag:s14] =	ssyncadd.s32 $0xFFFFE000  }
0xd6: {  	[hbm4b:s22+s4] =	stream.linear.scatter [tilespmem:s13], [sflag:$0x3], $0x2000, $0x38;
	[tilespmem:$0x10800] =	vst v63  }
0xd7: {  	_ =	swait.ge [sflag:s14], $0x2000  }
0xd8: {  	[sflag:s14] =	ssyncset.done $0x0  }
0xd9: {  	[sflag:s14] =	ssyncadd.s32 $0xFFFFE000  }
0xda: {  	[tilespmem:s13], [sflag:$0x3] =	stream.linear.gather [spmem:s9], $0x2000, $0x38;
	[tilespmem:$0x10800] =	vst v63  }
0xdb: {  	_ =	swait.ge [sflag:s14], $0x2000  }
0xdc: {  	[sflag:s14] =	ssyncset.done $0x0  }
0xdd: {  	[sflag:s14] =	ssyncadd.s32 $0xFFFFE000  }
0xde: {  	[hbm4b:s23+s4] =	stream.linear.scatter [tilespmem:s13], [sflag:$0x3], $0x2000, $0x38;
	[tilespmem:$0x10800] =	vst v63  }
0xdf: {  	_ =	swait.ge [sflag:s14], $0x2000  }
0xe0: {  	[sflag:s14] =	ssyncset.done $0x0  }
0xe1: {  	[sflag:s14] =	ssyncadd.s32 $0xFFFFE000  }
0xe2: {  	[tilespmem:s13], [sflag:$0x3] =	stream.linear.gather [spmem:s10], $0x2000, $0x38;
	[tilespmem:$0x10800] =	vst v63  }
0xe3: {  	s30 =	sadd.s32 $0x1, s30;
	_ =	swait.ge [sflag:s14], $0x2000  }
0xe4: {  	p0 =	sne.s32 s30, s12;
	[sflag:s14] =	ssyncset.done $0x0  }
.Ltmp2:
0xe5: {  	[sflag:s14] =	ssyncadd.s32 $0xFFFFE000;
	(pc) =	sbr.rel @p0 .LBB2_1-.Ltmp2, $4  }
0xe6: {  	[hbm4b:s24+s4] =	stream.linear.scatter [tilespmem:s13], [sflag:$0x3], $0x2000, $0x38;
	[tilespmem:$0x10800] =	vst v63  }
0xe7: {  	_ =	swait.ge [sflag:s14], $0x2000  }
0xe8: {  	[sflag:s14] =	ssyncset.done $0x0  }
0xe9: {  	[sflag:s14] =	ssyncadd.s32 $0xFFFFE000  }
0xea: {  	_ =	sfence.sel $0x180000  }
0xeb: {  	[bflag:$0x0] =	sbarrier.arrive $0xFFFF  }
0xec: {  	_ =	strace $0x9000004D  }
0xed: {  	s0 =	stileid.u32;
	[bflag:$0x2] =	sbarrier.arrive $0xFFFF  }
0xee: {  	p0 =	sne.s32 s0, $0x0;
	s0 =	rddreg [dreg:$0x3]  }
0xef: {  	s0 =	sadd.s32 @!p0 $0x100000, s0  }
0xf0: {  	[sflag:s0] =	ssyncadd.tile.s32 @!p0 $0x1;
	_ =	shalt  }
.Lfunc_end2:
_tile_overlayer_lowered:
.L_overlay_start_2:
0xf1: {  	(tag) =	ssettag $0x2  }
0xf2: {  	s0 =	rddreg [dreg:$0x0];
	s2 =	stileid.u32  }
0xf3: {  	s1 =	rddreg [dreg:$0x1];
	p0 =	sne.s32 s2, $0x0  }
0xf4: {  	s3 =	rddreg [dreg:$0x2];
	[bflag:$0x3] =	sbarrier.arrive $0xFFFF;
	s2 =	simm.s32 @!p0 $0x1C03  }
0xf5: {  	[timem:s3], [sflag:s2] =	dma.local @!p0 [hbm:s0], s1  }
0xf6: {  	s0 =	simm.s32 @!p0 $0x3  }
0xf7: {  	_ =	swait.ge @!p0 [sflag:s0], s1  }
0xf8: {  	s1 =	ssub.s32 @!p0 $0x0, s1;
	[sflag:s0] =	ssyncset.done @!p0 $0x0  }
0xf9: {  	[sflag:s0] =	ssyncadd.s32 @!p0 s1  }
0xfa: {  	[bflag:$0x3] =	sbarrier.arrive $0xFFFF  }
0xfb: {  	_ =	shalt  }

// kernel: kernel.8.cloned.1.call-start
scs
__scs_entry_jumppad:
0x0: {  	(pc) =	sbr.rel $0x88, $3  }
0x1: {  	(tag) =	ssettag $0x0;
	lr =	simm.s32 $0x1  }
0x2: {  	[smem:$0x3F9B] =	sst lr;
	_ =	strace $0xD0000000  }
0x3: {  	_ = 	snop  }
0x4: {  	_ = 	snop  }
0x5: {  	_ = 	snop  }
0x6: {  	_ = 	snop  }
0x7: {  	_ = 	snop  }
__scs_overlays_trampoline_lowered:
0x8: {  	[smem:$0x3FAA] =	sst s0  }
0x9: {  	[smem:$0x3FAB] =	sst s1  }
0xa: {  	[smem:$0x3FAC] =	sst s2  }
0xb: {  	[smem:$0x3FAD] =	sst s3  }
0xc: {  	[smem:$0x3FAE] =	sst s4  }
0xd: {  	[smem:$0x3FAF] =	sst s5  }
0xe: {  	[smem:$0x3FB0] =	sst s6  }
0xf: {  	[smem:$0x3FB1] =	sst s7  }
0x10: {  	[smem:$0x3FB2] =	sst s8  }
0x11: {  	[smem:$0x3FB3] =	sst s9;
	s0 =	simm.s32 @!p0 $0x0  }
0x12: {  	s1 =	sld [smem:$0x3F99];
	s0 =	simm.s32 @p0 $0x1  }
0x13: {  	[smem:$0x3FB4] =	sst s0;
	s0 =	simm.s32 @!p1 $0x0  }
0x14: {  	s2 =	sld [smem:$0x3F98];
	s0 =	simm.s32 @p1 $0x1  }
0x15: {  	[smem:$0x3FB5] =	sst s0;
	s0 =	simm.s32 @!p2 $0x0  }
0x16: {  	s3 =	sld [smem:$0x3FDB];
	s0 =	simm.s32 @p2 $0x1  }
0x17: {  	s4 =	simm.s32 $0x1BF5;
	[smem:$0x3FB7] =	sst s0  }
0x18: {  	s0 =	sld [smem:$0x3F9A];
	_ =	swait.ge [sflag:s4], $0x0  }
0x19: {  	s7 =	sld [smem:$0x3F9B]  }
0x1a: {  	s8 =	sadd.s32 $0xFFFFE003, lr  }
0x1b: {  	s9 =	sadd.s32 $0xFFFFFEF7, lr;
	s5 =	simm.s32 $0xFFFFFFFF;
	p2 =	slt.u32 s8, $0xFFFFF086  }
0x1c: {  	p1 =	slt.u32 s9, $0xF7A;
	s5 =	simm.s32 @!p2 $0x0  }
0x1d: {  	s5 =	simm.s32 @p1 $0x1;
	p0 =	seq.s32 s7, s2  }
0x1e: {  	s7 =	smul.u32 @!p0 $0xF7A, s2;
	p2 =	seq.s32 @!p0 s5, $0x0  }
0x1f: {  	s9 =	smul.u32 $0xF7A, s1;
	s8 =	simm.s32 @!p0 $0x1BF5;
	p2 =	por !p2, p0  }
0x20: {  	[sflag:s8] =	ssyncset.s32 @!p0 $0xFFFFF086;
	s6 =	sadd.s32 @!p0 s3, s7;
	s7 =	simm.s32 @!p0 $0x108  }
0x21: {  	s3 =	sadd.s32 s3, s9;
	s6 =	sadd.s32 @!p0 $0x88, s6;
	s7 =	simm.s32 @p2 $0x1082  }
0x22: {  	[simem:s7], [sflag:s8] =	dma.local @!p0 [hbm:s6], $0xF7A  }
0x23: {  	s9 =	sor.u32 $0xD0000000, s2;
	s6 =	simm.s32 $0x108;
	_ =	swait.ge @!p0 [sflag:s8], $0x0  }
0x24: {  	s3 =	sadd.s32 $0x88, s3;
	s6 =	simm.s32 @!p1 $0x1082;
	[sflag:s4] =	ssyncset.s32 $0xFFFFF086  }
0x25: {  	[simem:s6], [sflag:s4] =	dma.local [hbm:s3], $0xF7A  }
0x26: {  	[smem:$0x3F9B] =	sst s1;
	(tag) =	ssettag s2;
	_ =	strace s9  }
0x27: {  	s1 =	sld [smem:$0x3FAB]  }
0x28: {  	s2 =	sld [smem:$0x3FAC]  }
0x29: {  	s4 =	sld [smem:$0x3FAE]  }
0x2a: {  	p0 =	seq.s32 s5, $0x0;
	s5 =	sld [smem:$0x3FAF]  }
0x2b: {  	s6 =	sld [smem:$0x3FB0]  }
0x2c: {  	s7 =	sld [smem:$0x3FB1]  }
0x2d: {  	s3 =	simm.s32 $0x108;
	s8 =	sld [smem:$0x3FB2]  }
0x2e: {  	s3 =	simm.s32 @!p0 $0x1082;
	s9 =	sld [smem:$0x3FB3]  }
0x2f: {  	lr =	sadd.s32 s0, s3;
	s0 =	sld [smem:$0x3FAA]  }
0x30: {  	s3 =	sld [smem:$0x3FAD]  }
0x31: {  	[smem:$0x3FB6] =	sst s10  }
0x32: {  	s10 =	sld [smem:$0x3FB4];
	_ =	sdelay $0x3  }
0x33: {  	p0 =	seq.s32 s10, $0x1;
	s10 =	sld [smem:$0x3FB6];
	_ =	sdelay $0x3  }
0x34: {  	[smem:$0x3FB6] =	sst s10  }
0x35: {  	s10 =	sld [smem:$0x3FB5];
	_ =	sdelay $0x3  }
0x36: {  	p1 =	seq.s32 s10, $0x1;
	s10 =	sld [smem:$0x3FB6];
	_ =	sdelay $0x3  }
0x37: {  	[smem:$0x3FB6] =	sst s10  }
0x38: {  	s10 =	sld [smem:$0x3FB7]  }
0x39: {  	_ = 	snop;
	(pc) =	sbr.ind lr, $3  }
0x3a: {  	_ = 	snop  }
0x3b: {  	_ = 	snop  }
0x3c: {  	p2 =	seq.s32 s10, $0x1;
	s10 =	sld [smem:$0x3FB6]  }
0x3d: {  	_ =	shalt  }
0x3e: {  	_ =	shalt  }
0x3f: {  	_ =	shalt  }
0x40: {  	_ =	shalt  }
0x41: {  	_ =	shalt  }
0x42: {  	_ =	shalt  }
0x43: {  	_ =	shalt  }
0x44: {  	_ =	shalt  }
0x45: {  	_ =	shalt  }
0x46: {  	_ =	shalt  }
0x47: {  	_ =	shalt  }
0x48: {  	_ =	shalt  }
0x49: {  	_ =	shalt  }
0x4a: {  	_ =	shalt  }
0x4b: {  	_ =	shalt  }
0x4c: {  	_ =	shalt  }
0x4d: {  	_ =	shalt  }
0x4e: {  	_ =	shalt  }
0x4f: {  	_ =	shalt  }
0x50: {  	_ =	shalt  }
0x51: {  	_ =	shalt  }
0x52: {  	_ =	shalt  }
0x53: {  	_ =	shalt  }
0x54: {  	_ =	shalt  }
0x55: {  	_ =	shalt  }
0x56: {  	_ =	shalt  }
0x57: {  	_ =	shalt  }
0x58: {  	_ =	shalt  }
0x59: {  	_ =	shalt  }
0x5a: {  	_ =	shalt  }
0x5b: {  	_ =	shalt  }
0x5c: {  	_ =	shalt  }
0x5d: {  	_ =	shalt  }
0x5e: {  	_ =	shalt  }
0x5f: {  	_ =	shalt  }
0x60: {  	_ =	shalt  }
0x61: {  	_ =	shalt  }
0x62: {  	_ =	shalt  }
0x63: {  	_ =	shalt  }
0x64: {  	_ =	shalt  }
0x65: {  	_ =	shalt  }
0x66: {  	_ =	shalt  }
0x67: {  	_ =	shalt  }
0x68: {  	_ =	shalt  }
0x69: {  	_ =	shalt  }
0x6a: {  	_ =	shalt  }
0x6b: {  	_ =	shalt  }
0x6c: {  	_ =	shalt  }
0x6d: {  	_ =	shalt  }
0x6e: {  	_ =	shalt  }
0x6f: {  	_ =	shalt  }
0x70: {  	_ =	shalt  }
0x71: {  	_ =	shalt  }
0x72: {  	_ =	shalt  }
0x73: {  	_ =	shalt  }
0x74: {  	_ =	shalt  }
0x75: {  	_ =	shalt  }
0x76: {  	_ =	shalt  }
0x77: {  	_ =	shalt  }
0x78: {  	_ =	shalt  }
0x79: {  	_ =	shalt  }
0x7a: {  	_ =	shalt  }
0x7b: {  	_ =	shalt  }
0x7c: {  	_ =	shalt  }
0x7d: {  	_ =	shalt  }
0x7e: {  	_ =	shalt  }
0x7f: {  	_ =	shalt  }
0x80: {  	_ =	shalt  }
0x81: {  	_ =	shalt  }
0x82: {  	_ =	shalt  }
0x83: {  	_ =	shalt  }
0x84: {  	_ =	shalt  }
0x85: {  	_ =	shalt  }
0x86: {  	_ =	shalt  }
0x87: {  	_ =	shalt  }
.Lfunc_end0:
.L_simem_size_0:
called_computation_lowered:
.L_overlay_start_0:
0x88: {  	s2 =	sld [smem:$0x3FD9]  }
0x89: {  	s3 =	sld [smem:$0x3FFE];
	_ =	sdelay $0x1  }
0x8a: {  	s1 =	srdreg.scid  }
0x8b: {  	s0 =	sand.u32 $0x1, s1  }
0x8c: {  	s17 =	sshll.u32 s0, $0xA;
	s2 =	sadd.s32 s3, s2  }
0x8d: {  	s2 =	sadd.s32 s2, s17  }
0x8e: {  	[smem:$0x3FC2] =	sst s2  }
0x8f: {  	_ = 	snop  }
0x90: {  	s2 =	sld [smem:$0x3FD0];
	(tm) =	ssettm $0x1  }
0x91: {  	s18 =	sld [smem:$0x3FFB];
	_ =	sdelay $0x3  }
0x92: {  	_ =	strace s18  }
0x93: {  	s3 =	sld [smem:$0x3FFC];
	_ =	sdelay $0x3  }
0x94: {  	_ =	strace s3  }
0x95: {  	s3 =	sld [smem:$0x3FFD];
	_ =	sdelay $0x3  }
0x96: {  	_ =	strace s3  }
0x97: {  	_ =	strace $0x8FFFFFFF  }
0x98: {  	s19 =	sld [smem:$0x3FDB];
	_ =	sdelay $0x1  }
0x99: {  	s4 =	simm.s32 $_scs_section_size  }
0x9a: {  	s5 =	simm.s32 $_size__tile_overlayer_lowered;
	s6 =	simm.s32 $_tile_overlayer_lowered  }
0x9b: {  	s22 =	simm.s32 $0x1BFF;
	s21 =	sshll.u32 s6, $0x1;
	s3 =	sadd.s32 s4, s19  }
0x9c: {  	s7 =	simm.s32 $0x0;
	s20 =	sshll.u32 s5, $0x1;
	s5 =	sadd.s32 s21, s3  }
0x9d: {  	[timem:s7], [sflag:s22] =	dma.local [hbm:s5], s20  }
0x9e: {  	_ =	swait.ge [sflag:s22], s20  }
0x9f: {  	s4 =	ssub.s32 $0x0, s20;
	[sflag:s22] =	ssyncset.done $0x0  }
0xa0: {  	[sflag:s22] =	ssyncadd.s32 s4;
	_ =	sdelay $0x1  }
0xa1: {  	s23 =	simm.s32 $0x1B8B  }
0xa2: {  	_ =	swait.ge [sflag:s23], $0x1  }
0xa3: {  	[sflag:s23] =	ssyncset.done $0x0  }
0xa4: {  	s25 =	simm.s32 $0x1B8E;
	s24 =	sld [smem:$0x3FFE];
	[sflag:s23] =	ssyncadd.s32 $0xFFFFFFFF  }
0xa5: {  	s26 =	simm.s32 $execute0_lowered;
	[smem:$0x3FD2] =	sst s25  }
0xa6: {  	s5 =	sshll.u32 s26, $0x1;
	_ =	strace $0x80000046;
	[dreg:$0x1] =	wrdreg $0xFFFFFFFF  }
0xa7: {  	s28 =	simm.s32 $_size_execute0_lowered;
	s3 =	sadd.s32 s3, s5;
	[dreg:$0x0] =	wrdreg $0x0  }
0xa8: {  	s5 =	sshll.u32 s28, $0x1;
	[dreg:$0x2] =	wrdreg s3  }
0xa9: {  	[dreg:$0x3] =	wrdreg s5  }
0xaa: {  	[dreg:$0x4] =	wrdreg $0xC0  }
0xab: {  	_ =	task [dreg:s7], $0x5FFFF  }
0xac: {  	[dreg:$0x1] =	wrdreg $0xFFFFFFFF  }
0xad: {  	[dreg:$0x0] =	wrdreg $0x60  }
0xae: {  	[dreg:$0x2] =	wrdreg s24  }
0xaf: {  	[dreg:$0x3] =	wrdreg s2  }
0xb0: {  	[dreg:$0x4] =	wrdreg $0x1C000  }
0xb1: {  	[dreg:$0x5] =	wrdreg $0x9  }
0xb2: {  	_ =	task.clear_ibuf [dreg:s7], $0x6FFFF;
	_ =	strace $0x90000046  }
0xb3: {  	s29 =	simm.s32 $0x9;
	_ =	strace $0x80000048  }
0xb4: {  	_ =	swait.ge [sflag:s29], $0x1  }
0xb5: {  	[sflag:s29] =	ssyncadd.s32 $0xFFFFFFFF  }
0xb6: {  	_ =	strace $0x90000048  }
0xb7: {  	_ =	sfence  }
0xb8: {  	s30 =	sld [smem:$0x0];
	_ =	sdelay $0x2  }
0xb9: {  	s31 =	sshll.u32 s1, $0xD;
	s1 =	sshrl.u32 s1, $0x2  }
0xba: {  	s3 =	sand.u32 $0x4000, s31;
	s1 =	sadd.s32 s1, s30  }
0xbb: {  	s0 =	sor.u32 s3, s0;
	s1 =	sshll.u32 s1, $0x11  }
0xbc: {  	s0 =	sor.u32 s1, s0  }
0xbd: {  	s0 =	sadd.s32 $0x8F2B, s0  }
0xbe: {  	[sflag:s0] =	ssyncadd.remote.s32 $0x1  }
0xbf: {  	_ =	sfence.sel $0xFFFF  }
0xc0: {  	[dreg:$0x0] =	wrdreg $0xFFFFFFFF;
	(pc) =	sbr.abs _section_cstart, $3  }
0xc1: {  	[dreg:$0x1] =	wrdreg $0xFFFFFFFF  }
0xc2: {  	_ =	task.clear_ibuf [dreg:s7], $0x2FFFF;
	_ =	strace $0x9FFFFFFF  }
0xc3: {  	(tm) =	ssettm $0x7FFFFFFF  }
tec
execute0_lowered:
.L_overlay_start_1:
0x0: {  	(tag) =	ssettag $0x1  }
0x1: {  	s11 =	rddreg [dreg:$0x0]  }
0x2: {  	s12 =	rddreg [dreg:$0x1]  }
0x3: {  	s1 =	rddreg [dreg:$0x2]  }
0x4: {  	s0 =	rddreg [dreg:$0x3];
	s3 =	simm.s32 $0x0;
	s4 =	srdreg.scid  }
0x5: {  	s2 =	stileid.u32;
	[smem:$0x7FF] =	sst s3;
	s10 =	sand.u32 $0x1, s4  }
0x6: {  	s13 =	smul.u32 $0x1400, s2;
	s4 =	sadd.s32 $0x16E00, s11;
	s5 =	sadd.s32 $0x16C00, s11  }
0x7: {  	s21 =	sadd.s32 $0xCC00, s11;
	_ =	strace $0x80000047;
	s6 =	ssub.s32 $0x2, s10  }
0x8: {  	s18 =	sshll.u32 s10, $0x4;
	s20 =	smul.u32 $0x2800, s10;
	s7 =	sshrl.u32 s6, $0x1  }
0x9: {  	s15 =	sadd.s32 $0x400, s13;
	s16 =	sadd.s32 $0x800, s13;
	s17 =	sadd.s32 $0xC00, s13  }
0xa: {  	s19 =	sadd.s32 $0x1000, s13;
	s18 =	sor.u32 s2, s18;
	s31 =	sshrl.u32 s13, $0x3  }
0xb: {  	s14 =	ssub.s32 s6, s7;
	s6 =	sadd.s32 s13, s1;
	s7 =	sadd.s32 s15, s1  }
0xc: {  	s8 =	sadd.s32 s16, s1;
	s9 =	sadd.s32 s17, s1;
	s10 =	sadd.s32 s19, s1  }
0xd: {  	s18 =	smul.u32 $0x500, s18;
	s22 =	sadd.s32 s12, s20;
	s23 =	sshrl.u32 s15, $0x3  }
0xe: {  	s24 =	sshrl.u32 s16, $0x3;
	s25 =	sshrl.u32 s17, $0x3;
	s26 =	sshrl.u32 s19, $0x3  }
0xf: {  	s12 =	simm.s32 $0x1400;
	s13 =	simm.s32 $0x1;
	s16 =	simm.s32 $0x80  }
0x10: {  	s11 =	smax.u32 s14, $0x1;
	s14 =	simm.s32 $0x1800;
	s17 =	sadd.s32 s31, s22  }
0x11: {  	s19 =	sadd.s32 s24, s22;
	s20 =	sadd.s32 s25, s22;
	s15 =	sadd.s32 s18, s21  }
0x12: {  	s18 =	sadd.s32 s23, s22;
	s21 =	sadd.s32 s26, s22;
	s22 =	simm.s32 $0x0  }
.LBB2_1:
0x13: {  	[tilespmem:s12], [sflag:$0x1] =	stream.linear.gather [hbm4b:s4+s3], $0x400, $0x38;
	[tilespmem:$0x3000] =	vst v63  }
0x14: {  	_ =	swait.ge [sflag:s13], $0x400  }
0x15: {  	[sflag:s13] =	ssyncset.done $0x0  }
0x16: {  	[sflag:s13] =	ssyncadd.s32 $0xFFFFFC00  }
0x17: {  	[tilespmem:s14], [sflag:$0x1] =	stream.linear.gather [hbm4b:s5+s3], $0x400, $0x38;
	[tilespmem:$0x3000] =	vst v63  }
0x18: {  	_ =	swait.ge [sflag:s13], $0x400  }
0x19: {  	[sflag:s13] =	ssyncset.done $0x0  }
0x1a: {  	[sflag:s13] =	ssyncadd.s32 $0xFFFFFC00  }
0x1b: {  	[spmem:s6] =	stream.linear.scatter [tilespmem:s12], [sflag:$0x1], $0x400, $0x38;
	[tilespmem:$0x3000] =	vst v63  }
0x1c: {  	_ =	swait.ge [sflag:s13], $0x400  }
0x1d: {  	[sflag:s13] =	ssyncset.done $0x0  }
0x1e: {  	[sflag:s13] =	ssyncadd.s32 $0xFFFFFC00  }
0x1f: {  	[spmem:s7] =	stream.linear.scatter [tilespmem:s12], [sflag:$0x1], $0x400, $0x38;
	[tilespmem:$0x3000] =	vst v63  }
0x20: {  	_ =	swait.ge [sflag:s13], $0x400  }
0x21: {  	[sflag:s13] =	ssyncset.done $0x0  }
0x22: {  	[sflag:s13] =	ssyncadd.s32 $0xFFFFFC00  }
0x23: {  	[spmem:s8] =	stream.linear.scatter [tilespmem:s12], [sflag:$0x1], $0x400, $0x38;
	[tilespmem:$0x3000] =	vst v63  }
0x24: {  	_ =	swait.ge [sflag:s13], $0x400  }
0x25: {  	[sflag:s13] =	ssyncset.done $0x0  }
0x26: {  	[sflag:s13] =	ssyncadd.s32 $0xFFFFFC00  }
0x27: {  	[spmem:s9] =	stream.linear.scatter [tilespmem:s12], [sflag:$0x1], $0x400, $0x38;
	[tilespmem:$0x3000] =	vst v63  }
0x28: {  	_ =	swait.ge [sflag:s13], $0x400  }
0x29: {  	[sflag:s13] =	ssyncset.done $0x0  }
0x2a: {  	[sflag:s13] =	ssyncadd.s32 $0xFFFFFC00  }
0x2b: {  	[spmem:s10] =	stream.linear.scatter [tilespmem:s12], [sflag:$0x1], $0x400, $0x38;
	[tilespmem:$0x3000] =	vst v63  }
0x2c: {  	_ =	swait.ge [sflag:s13], $0x400  }
0x2d: {  	[sflag:s13] =	ssyncset.done $0x0  }
0x2e: {  	[sflag:s13] =	ssyncadd.s32 $0xFFFFFC00  }
0x2f: {  	[bflag:$0x0] =	sbarrier.arrive $0xFFFF  }
0x30: {  	[tilespmem:s3], [sflag:$0x1] =	stream.linear.gather [hbm4b:s15+s3], $0x1400, $0x38;
	[tilespmem:$0x3000] =	vst v63  }
0x31: {  	_ =	swait.ge [sflag:s13], $0x1400  }
0x32: {  	[sflag:s13] =	ssyncset.done $0x0  }
0x33: {  	s23 =	simm.s32 $0x0;
	[sflag:s13] =	ssyncadd.s32 $0xFFFFEC00  }
0x34: {  	[spmem:s1] =	stream.indirect.scatter.add.f32 [tilespmem:s14], [sflag:$0x1], $0x8, s23, s16, $0xb8;
	[tilespmem:$0x3000] =	vst v63  }
0x35: {  	_ =	swait.ge [sflag:s13], $0x400  }
0x36: {  	s23 =	simm.s32 $0x200;
	[sflag:s13] =	ssyncset.done $0x0  }
.LBB2_2:
0x37: {  	s24 =	sshra.s32 s23, $0x2;
	[sflag:s13] =	ssyncadd.s32 $0xFFFFFC00;
	p0 =	sne.s32 s23, $0x4E00  }
0x38: {  	[spmem:s1] =	stream.indirect.scatter.add.f32 [tilespmem:s14], [sflag:$0x1], $0x8, s24, s16, $0xb8;
	[tilespmem:$0x3000] =	vst v63  }
.Ltmp0:
0x39: {  	_ = 	snop;
	(pc) =	sbr.rel @p0 .LBB2_2-.Ltmp0, $4  }
0x3a: {  	_ = 	snop  }
0x3b: {  	s23 =	sadd.s32 $0x200, s23  }
0x3c: {  	_ =	swait.ge [sflag:s13], $0x400  }
0x3d: {  	[sflag:s13] =	ssyncset.done $0x0  }
0x3e: {  	[sflag:s13] =	ssyncadd.s32 $0xFFFFFC00;
	s23 =	sadd.s32 $0x280, s15;
	s24 =	simm.s32 $0x0  }
0x3f: {  	[tilespmem:s24], [sflag:$0x1] =	stream.linear.gather [hbm4b:s23+s24], $0x1400, $0x38;
	[tilespmem:$0x3000] =	vst v63  }
0x40: {  	_ =	swait.ge [sflag:s13], $0x1400  }
0x41: {  	[sflag:s13] =	ssyncset.done $0x0  }
0x42: {  	s31 =	simm.s32 $0x0;
	[sflag:s13] =	ssyncadd.s32 $0xFFFFEC00  }
0x43: {  	[spmem:s1] =	stream.indirect.scatter.add.f32 [tilespmem:s14], [sflag:$0x1], $0x8, s31, s16, $0xb8;
	[tilespmem:$0x3000] =	vst v63  }
0x44: {  	_ =	swait.ge [sflag:s13], $0x400  }
0x45: {  	s23 =	simm.s32 $0x200;
	[sflag:s13] =	ssyncset.done $0x0  }
.LBB2_4:
0x46: {  	s24 =	sshra.s32 s23, $0x2;
	[sflag:s13] =	ssyncadd.s32 $0xFFFFFC00;
	p0 =	sne.s32 s23, $0x4E00  }
0x47: {  	[spmem:s1] =	stream.indirect.scatter.add.f32 [tilespmem:s14], [sflag:$0x1], $0x8, s24, s16, $0xb8;
	[tilespmem:$0x3000] =	vst v63  }
.Ltmp1:
0x48: {  	_ = 	snop;
	(pc) =	sbr.rel @p0 .LBB2_4-.Ltmp1, $4  }
0x49: {  	_ = 	snop  }
0x4a: {  	s23 =	sadd.s32 $0x200, s23  }
0x4b: {  	_ =	swait.ge [sflag:s13], $0x400  }
0x4c: {  	[sflag:s13] =	ssyncset.done $0x0  }
0x4d: {  	[sflag:s13] =	ssyncadd.s32 $0xFFFFFC00  }
0x4e: {  	[bflag:$0x0] =	sbarrier.arrive $0xFFFF  }
0x4f: {  	[tilespmem:s12], [sflag:$0x1] =	stream.linear.gather [spmem:s6], $0x400, $0x38;
	[tilespmem:$0x3000] =	vst v63  }
0x50: {  	_ =	swait.ge [sflag:s13], $0x400  }
0x51: {  	[sflag:s13] =	ssyncset.done $0x0  }
0x52: {  	[sflag:s13] =	ssyncadd.s32 $0xFFFFFC00  }
0x53: {  	[hbm4b:s17+s3] =	stream.linear.scatter [tilespmem:s12], [sflag:$0x1], $0x400, $0x38;
	[tilespmem:$0x3000] =	vst v63  }
0x54: {  	_ =	swait.ge [sflag:s13], $0x400  }
0x55: {  	[sflag:s13] =	ssyncset.done $0x0  }
0x56: {  	[sflag:s13] =	ssyncadd.s32 $0xFFFFFC00  }
0x57: {  	[tilespmem:s12], [sflag:$0x1] =	stream.linear.gather [spmem:s7], $0x400, $0x38;
	[tilespmem:$0x3000] =	vst v63  }
0x58: {  	_ =	swait.ge [sflag:s13], $0x400  }
0x59: {  	[sflag:s13] =	ssyncset.done $0x0  }
0x5a: {  	[sflag:s13] =	ssyncadd.s32 $0xFFFFFC00  }
0x5b: {  	[hbm4b:s18+s3] =	stream.linear.scatter [tilespmem:s12], [sflag:$0x1], $0x400, $0x38;
	[tilespmem:$0x3000] =	vst v63  }
0x5c: {  	_ =	swait.ge [sflag:s13], $0x400  }
0x5d: {  	[sflag:s13] =	ssyncset.done $0x0  }
0x5e: {  	[sflag:s13] =	ssyncadd.s32 $0xFFFFFC00  }
0x5f: {  	[tilespmem:s12], [sflag:$0x1] =	stream.linear.gather [spmem:s8], $0x400, $0x38;
	[tilespmem:$0x3000] =	vst v63  }
0x60: {  	_ =	swait.ge [sflag:s13], $0x400  }
0x61: {  	[sflag:s13] =	ssyncset.done $0x0  }
0x62: {  	[sflag:s13] =	ssyncadd.s32 $0xFFFFFC00  }
0x63: {  	[hbm4b:s19+s3] =	stream.linear.scatter [tilespmem:s12], [sflag:$0x1], $0x400, $0x38;
	[tilespmem:$0x3000] =	vst v63  }
0x64: {  	_ =	swait.ge [sflag:s13], $0x400  }
0x65: {  	[sflag:s13] =	ssyncset.done $0x0  }
0x66: {  	[sflag:s13] =	ssyncadd.s32 $0xFFFFFC00  }
0x67: {  	[tilespmem:s12], [sflag:$0x1] =	stream.linear.gather [spmem:s9], $0x400, $0x38;
	[tilespmem:$0x3000] =	vst v63  }
0x68: {  	_ =	swait.ge [sflag:s13], $0x400  }
0x69: {  	[sflag:s13] =	ssyncset.done $0x0  }
0x6a: {  	[sflag:s13] =	ssyncadd.s32 $0xFFFFFC00  }
0x6b: {  	[hbm4b:s20+s3] =	stream.linear.scatter [tilespmem:s12], [sflag:$0x1], $0x400, $0x38;
	[tilespmem:$0x3000] =	vst v63  }
0x6c: {  	_ =	swait.ge [sflag:s13], $0x400  }
0x6d: {  	[sflag:s13] =	ssyncset.done $0x0  }
0x6e: {  	[sflag:s13] =	ssyncadd.s32 $0xFFFFFC00  }
0x6f: {  	[tilespmem:s12], [sflag:$0x1] =	stream.linear.gather [spmem:s10], $0x400, $0x38;
	[tilespmem:$0x3000] =	vst v63  }
0x70: {  	s22 =	sadd.s32 $0x1, s22;
	_ =	swait.ge [sflag:s13], $0x400  }
0x71: {  	p0 =	sne.s32 s22, s11;
	[sflag:s13] =	ssyncset.done $0x0  }
.Ltmp2:
0x72: {  	[sflag:s13] =	ssyncadd.s32 $0xFFFFFC00;
	(pc) =	sbr.rel @p0 .LBB2_1-.Ltmp2, $4  }
0x73: {  	[hbm4b:s21+s3] =	stream.linear.scatter [tilespmem:s12], [sflag:$0x1], $0x400, $0x38;
	[tilespmem:$0x3000] =	vst v63  }
0x74: {  	_ =	swait.ge [sflag:s13], $0x400  }
0x75: {  	[sflag:s13] =	ssyncset.done $0x0  }
0x76: {  	[sflag:s13] =	ssyncadd.s32 $0xFFFFFC00  }
0x77: {  	_ =	sfence.sel $0x180000  }
0x78: {  	[bflag:$0x0] =	sbarrier.arrive $0xFFFF  }
0x79: {  	p0 =	sne.s32 s2, $0x0;
	_ =	strace $0x90000047  }
0x7a: {  	s0 =	sadd.s32 @!p0 $0x100000, s0;
	[bflag:$0x2] =	sbarrier.arrive $0xFFFF  }
0x7b: {  	[sflag:s0] =	ssyncadd.tile.s32 @!p0 $0x1;
	_ =	shalt  }
.Lfunc_end2:
_tile_overlayer_lowered:
.L_overlay_start_2:
0x7c: {  	(tag) =	ssettag $0x2  }
0x7d: {  	s0 =	rddreg [dreg:$0x0];
	s2 =	stileid.u32  }
0x7e: {  	s1 =	rddreg [dreg:$0x1];
	p0 =	sne.s32 s2, $0x0  }
0x7f: {  	s3 =	rddreg [dreg:$0x2];
	[bflag:$0x3] =	sbarrier.arrive $0xFFFF;
	s2 =	simm.s32 @!p0 $0x1C01  }
0x80: {  	[timem:s3], [sflag:s2] =	dma.local @!p0 [hbm:s0], s1  }
0x81: {  	s0 =	simm.s32 @!p0 $0x1  }
0x82: {  	_ =	swait.ge @!p0 [sflag:s0], s1  }
0x83: {  	s1 =	ssub.s32 @!p0 $0x0, s1;
	[sflag:s0] =	ssyncset.done @!p0 $0x0  }
0x84: {  	[sflag:s0] =	ssyncadd.s32 @!p0 s1  }
0x85: {  	[bflag:$0x3] =	sbarrier.arrive $0xFFFF  }
0x86: {  	_ =	shalt  }

</sc_bundles>
